<compile_context>
chip_gen: v7x
topology: tpu7x:2x2x1
jax: 0.10.2.dev20260603
libtpu: 0.0.44.dev20260713+nightly
codegen_flags: <defaults>
</compile_context>

<pallas_src>
import functools

import jax
import jax.numpy as jnp
from jax import lax
from jax.experimental import pallas as pl
from jax.experimental.pallas import tpu as pltpu
from jax.experimental.pallas import tpu_sc as plsc

VOCAB = 1000000
EMB = 64
B = 16384
T = 200

NC = 2
NS = 16
NW = NC * NS
SEQ_PER_W = B // NW
IDS_CHUNK = 64
N_CHUNKS = SEQ_PER_W // IDS_CHUNK
G0 = 96
G1 = T - G0


def _seq_gather(table_hbm, ids_v, rows_v, sem, j):
    off = pl.multiple_of(j * T, 8)
    d0 = pltpu.async_copy(table_hbm.at[ids_v.at[pl.ds(off, G0)]],
                          rows_v.at[pl.ds(0, G0)], sem)
    d1 = pltpu.async_copy(table_hbm.at[ids_v.at[pl.ds(off + G0, G1)]],
                          rows_v.at[pl.ds(G0, G1)], sem)
    return d0, d1


def _seq_wait(table_hbm, ids_v, rows_v, sem, j):
    off = pl.multiple_of(j * T, 8)
    pltpu.make_async_copy(table_hbm.at[ids_v.at[pl.ds(off, G0)]],
                          rows_v.at[pl.ds(0, G0)], sem).wait()
    pltpu.make_async_copy(table_hbm.at[ids_v.at[pl.ds(off + G0, G1)]],
                          rows_v.at[pl.ds(G0, G1)], sem).wait()


NBUF = 8


@functools.partial(
    pl.kernel,
    out_type=jax.ShapeDtypeStruct((B, EMB), jnp.float32),
    mesh=plsc.VectorSubcoreMesh(core_axis_name="c", subcore_axis_name="s"),
    scratch_types=[
        pltpu.VMEM((IDS_CHUNK * T,), jnp.int32),
        [pltpu.VMEM((T, EMB // 2), jnp.int32) for _ in range(NBUF)],
        pltpu.VMEM((SEQ_PER_W, EMB), jnp.float32),
        [pltpu.SemaphoreType.DMA for _ in range(NBUF)],
    ],
    compiler_params=pltpu.CompilerParams(use_tc_tiling_on_sc=False),
)
def _pool(ids_hbm, table_hbm, out_hbm, ids_v, rows, out_v, sems):
    wid = lax.axis_index("s") * NC + lax.axis_index("c")
    ids_base = wid * (SEQ_PER_W * T)

    MASK_HI = jnp.int32(-65536)

    def accum(rows_p, s):
        def body(t, acc):
            new = list(acc)
            for g in range(2):
                v = rows_p[t, pl.ds(16 * g, 16)]
                new[g] = acc[g] + lax.bitcast_convert_type(
                    v << 16, jnp.float32)
                new[2 + g] = acc[2 + g] + lax.bitcast_convert_type(
                    v & MASK_HI, jnp.float32)
            return tuple(new)
        acc = lax.fori_loop(
            0, T, body,
            tuple(jnp.zeros((16,), jnp.float32) for _ in range(4)),
            unroll=10)
        for j in range(4):
            out_v[s, pl.ds(16 * j, 16)] = acc[j]

    def remap_chunk():
        def rbody(k, carry):
            v = ids_v[pl.ds(k * 16, 16)]
            q = v & jnp.int32(_TRB - 1)
            m = q & jnp.int32(_TRB // 4 - 1)
            ids_v[pl.ds(k * 16, 16)] = (v - q) + (m << 2) + (
                lax.shift_right_logical(q, 12))
            return carry
        lax.fori_loop(0, IDS_CHUNK * T // 16, rbody, 0, unroll=8)

    def chunk_body(c, carry):
        del carry
        pltpu.sync_copy(
            ids_hbm.at[pl.ds(pl.multiple_of(ids_base + c * (IDS_CHUNK * T), 8),
                             IDS_CHUNK * T)],
            ids_v)
        remap_chunk()
        seq_base = c * IDS_CHUNK

        for j in range(NBUF - 1):
            _seq_gather(table_hbm, ids_v, rows[j], sems[j], j)

        def step(i, carry):
            del carry
            for p in range(NBUF):
                j = i * NBUF + p
                _seq_wait(table_hbm, ids_v, rows[p], sems[p], j)

                @pl.when(j + NBUF - 1 < IDS_CHUNK)
                def _():
                    _seq_gather(table_hbm, ids_v, rows[(p + NBUF - 1) % NBUF],
                                sems[(p + NBUF - 1) % NBUF], j + NBUF - 1)
                accum(rows[p], seq_base + j)
            return 0

        lax.fori_loop(0, IDS_CHUNK // NBUF, step, 0)
        return 0

    lax.fori_loop(0, N_CHUNKS, chunk_body, 0)
    pltpu.sync_copy(out_v,
                    out_hbm.at[pl.ds(pl.multiple_of(wid * SEQ_PER_W, 8),
                                     SEQ_PER_W)])


_TRB = 16384
_NBLK = (VOCAB + _TRB - 1) // _TRB
VOCAB2 = _NBLK * _TRB


_QTR = _TRB // 4


def _prep_body(x_ref, o_ref):
    x = x_ref[...]
    lo = x[:32, :].astype(jnp.bfloat16).astype(jnp.float32)
    hi = x[32:, :].astype(jnp.bfloat16).astype(jnp.float32)
    wlo = lax.shift_right_logical(lax.bitcast_convert_type(lo, jnp.int32),
                                  16)
    whi = lax.bitcast_convert_type(hi, jnp.int32) & jnp.int32(-65536)
    w = (wlo | whi).T
    o_ref[...] = jnp.concatenate(
        [w[_QTR * a:_QTR * (a + 1)] for a in range(4)], axis=1)


def _prep(tT):
    return pl.pallas_call(
        _prep_body,
        grid=(_NBLK,),
        in_specs=[pl.BlockSpec((EMB, _TRB), lambda i: (0, i))],
        out_specs=pl.BlockSpec((_QTR, 128), lambda i: (i, 0)),
        out_shape=jax.ShapeDtypeStruct((VOCAB2 // 4, 128), jnp.int32),
    )(tT)




def _mlp_body(x_ref, w1_ref, b1_ref, w2_ref, b2_ref, o_ref):
    x = x_ref[...]
    h = lax.dot_general(x, w1_ref[...], (((1,), (1,)), ((), ())),
                        preferred_element_type=jnp.float32)
    h = jnp.maximum(h * (1.0 / T) + b1_ref[...], 0.0)
    o_ref[...] = lax.dot_general(h, w2_ref[...], (((1,), (1,)), ((), ())),
                                 preferred_element_type=jnp.float32) + b2_ref[...]


_BLK = 2048


def _mlp(sums, W1, b1, W2, b2):
    grid = B // _BLK
    return pl.pallas_call(
        _mlp_body,
        grid=(grid,),
        in_specs=[
            pl.BlockSpec((_BLK, EMB), lambda i: (i, 0)),
            pl.BlockSpec((EMB, EMB), lambda i: (0, 0)),
            pl.BlockSpec((1, EMB), lambda i: (0, 0)),
            pl.BlockSpec((EMB, EMB), lambda i: (0, 0)),
            pl.BlockSpec((1, EMB), lambda i: (0, 0)),
        ],
        out_specs=pl.BlockSpec((_BLK, EMB), lambda i: (i, 0)),
        out_shape=jax.ShapeDtypeStruct((B, EMB), jnp.float32),
    )(sums, W1, b1, W2, b2)


def kernel(token_ids, table, W1, b1, W2, b2):
    t2 = _prep(table.T)
    sums = _pool(token_ids.reshape(-1), t2.reshape(VOCAB2, EMB // 2))
    return _mlp(sums, W1, b1.reshape(1, EMB), W2, b2.reshape(1, EMB))

# --- scband reference (transcript-rebuilt; emitter-appended) ---
"""Pipeline reference for scband-simple-text-encoder-14920716386792 (READ-ONLY COPY).

The authoritative reference and input builder live on the scoring server;
editing this copy changes nothing except your own understanding.
"""

import jax, jax.numpy as jnp
import numpy as np

VOCAB = 1000000
EMB = 64
OUT = 64
B = 16384
T = 200

def setup_inputs(seed: int = 0) -> dict:
    key = jax.random.key(seed)
    k_ids, k_tab, k_w1, k_b1, k_w2, k_b2 = jax.random.split(key, 6)
    token_ids = jax.random.randint(k_ids, (B, T), 0, VOCAB, dtype=jnp.int64 if jax.config.jax_enable_x64 else jnp.int32).astype(jnp.int32)
    table = jax.random.normal(k_tab, (VOCAB, EMB), dtype=jnp.float32)
    # padding_idx=0 -> row 0 is zeros
    table = table.at[0].set(0.0)
    W1 = jax.random.normal(k_w1, (OUT, EMB), dtype=jnp.float32) * (1.0 / np.sqrt(EMB))
    b1 = jnp.zeros((OUT,), dtype=jnp.float32)
    W2 = jax.random.normal(k_w2, (OUT, OUT), dtype=jnp.float32) * (1.0 / np.sqrt(OUT))
    b2 = jnp.zeros((OUT,), dtype=jnp.float32)
    return {"token_ids": token_ids, "table": table, "W1": W1, "b1": b1, "W2": W2, "b2": b2}

def reference(token_ids, table, W1, b1, W2, b2):
    # Embedding lookup (gather); padding_idx=0 positions produce zeros
    emb = jnp.take(table, token_ids, axis=0)  # [B, T, EMB]
    emb = jnp.where(token_ids[..., None] == 0, 0.0, emb)
    # Mean over sequence dim
    pooled = emb.mean(axis=1)  # [B, EMB]
    # fc: Linear -> ReLU -> Linear (PyTorch: y = x @ W.T + b)
    h = pooled @ W1.T + b1
    h = jax.nn.relu(h)
    out = h @ W2.T + b2
    return out

if __name__ == "__main__":
    import jax
    _d = setup_inputs()
    print(jax.jit(kernel)(*tuple(_d.values())))

</pallas_src>

<mosaic_0001>
#map = affine_map<(d0, d1) -> (0)>
#map1 = affine_map<(d0, d1) -> (0, 0)>
module attributes {stable_mosaic.version = 14 : i64} {
  func.func @_pool(%arg0: i32, %arg1: i32, %arg2: memref<3276800xi32, #tpu.memory_space<hbm>>, %arg3: memref<1015808x32xi32, #tpu.memory_space<hbm>>, %arg4: memref<16384x64xf32, #tpu.memory_space<hbm>>, %arg5: memref<12800xi32, #tpu.memory_space<vmem>>, %arg6: memref<200x32xi32, #tpu.memory_space<vmem>>, %arg7: memref<200x32xi32, #tpu.memory_space<vmem>>, %arg8: memref<200x32xi32, #tpu.memory_space<vmem>>, %arg9: memref<200x32xi32, #tpu.memory_space<vmem>>, %arg10: memref<200x32xi32, #tpu.memory_space<vmem>>, %arg11: memref<200x32xi32, #tpu.memory_space<vmem>>, %arg12: memref<200x32xi32, #tpu.memory_space<vmem>>, %arg13: memref<200x32xi32, #tpu.memory_space<vmem>>, %arg14: memref<512x64xf32, #tpu.memory_space<vmem>>, %arg15: memref<!tpu.dma_semaphore, #tpu.memory_space<semaphore_mem>>, %arg16: memref<!tpu.dma_semaphore, #tpu.memory_space<semaphore_mem>>, %arg17: memref<!tpu.dma_semaphore, #tpu.memory_space<semaphore_mem>>, %arg18: memref<!tpu.dma_semaphore, #tpu.memory_space<semaphore_mem>>, %arg19: memref<!tpu.dma_semaphore, #tpu.memory_space<semaphore_mem>>, %arg20: memref<!tpu.dma_semaphore, #tpu.memory_space<semaphore_mem>>, %arg21: memref<!tpu.dma_semaphore, #tpu.memory_space<semaphore_mem>>, %arg22: memref<!tpu.dma_semaphore, #tpu.memory_space<semaphore_mem>>) attributes {dimension_semantics = [#tpu.dimension_semantics<core_parallel>, #tpu.dimension_semantics<subcore_parallel>], iteration_bounds = array<i64: 2, 16>, scalar_prefetch = 0 : i64, scratch_operands = 18 : i64, tpu.core_type = #tpu.core_type<sc_vector_subcore>, window_params = [{transform_indices = #map}, {transform_indices = #map1}, {transform_indices = #map1}]} {
    %mul3A = arith.constant 2 : i32
    %mul3A_0 = arith.muli %arg1, %mul3A : i32
    %add3A = arith.addi %mul3A_0, %arg0 : i32
    %mul3A_1 = arith.constant 102400 : i32
    %mul3A_2 = arith.muli %add3A, %mul3A_1 : i32
    %scan3A = arith.constant -65536 : i32
    %scan3A_3 = arith.constant 0 : i32
    %scan3A_4 = arith.constant 0 : i32
    %scan3A_5 = arith.constant 8 : i32
    %scan3A_6 = arith.addi %scan3A_4, %scan3A_5 : i32
    %scan3A_7 = arith.constant 1 : i32
    %scan3A_8 = scf.for %scan3A_12 = %scan3A_4 to %scan3A_6 step %scan3A_7 iter_args(%scan3A_13 = %scan3A_3) -> (i32)  : i32 {
      %mul3A_14 = arith.constant 12800 : i32
      %mul3A_15 = arith.muli %scan3A_12, %mul3A_14 : i32
      %add3A_16 = arith.addi %mul3A_2, %mul3A_15 : i32
      %multiple_of3A_17 = tpu.assume_multiple %add3A_16, 8 : i32
      "tpu.region"() ({
        %run_scoped3A = tpu.sem_alloc : memref<!tpu.dma_semaphore, #tpu.memory_space<semaphore_mem>>
        %dma_start3A_159 = tpu.memref_slice %arg2[%multiple_of3A_17] : memref<3276800xi32, #tpu.memory_space<hbm>> -> memref<12800xi32, #tpu.memory_space<hbm>>
        %dma_start3A_160 = tpu.memref_slice %arg2[%multiple_of3A_17] : memref<3276800xi32, #tpu.memory_space<hbm>> -> memref<12800xi32, #tpu.memory_space<hbm>>
        tpu.enqueue_dma source(%dma_start3A_160 : memref<12800xi32, #tpu.memory_space<hbm>>) target(%arg5 : memref<12800xi32, #tpu.memory_space<vmem>>) target_semaphore(%run_scoped3A : memref<!tpu.dma_semaphore, #tpu.memory_space<semaphore_mem>>)
        %dma_wait3A = tpu.memref_slice %arg2[%multiple_of3A_17] : memref<3276800xi32, #tpu.memory_space<hbm>> -> memref<12800xi32, #tpu.memory_space<hbm>>
        %dma_wait3A_161 = tpu.memref_slice %arg2[%multiple_of3A_17] : memref<3276800xi32, #tpu.memory_space<hbm>> -> memref<12800xi32, #tpu.memory_space<hbm>>
        tpu.wait_dma2 semaphore(%run_scoped3A : memref<!tpu.dma_semaphore, #tpu.memory_space<semaphore_mem>>) src(%dma_wait3A_161 : memref<12800xi32, #tpu.memory_space<hbm>>) dst(%arg5 : memref<12800xi32, #tpu.memory_space<vmem>>)
        tpu.yield
      }) : () -> ()
      %scan3A_18 = arith.constant 0 : i32
      %scan3A_19 = arith.constant 0 : i32
      %scan3A_20 = arith.constant 800 : i32
      %scan3A_21 = arith.addi %scan3A_19, %scan3A_20 : i32
      %scan3A_22 = arith.constant 8 : i32
      scf.for %scan3A_159 = %scan3A_19 to %scan3A_21 step %scan3A_22  : i32 {
        %mul3A_160 = arith.constant 16 : i32
        %mul3A_161 = arith.muli %scan3A_159, %mul3A_160 : i32
        %get3A = arith.index_cast %mul3A_161 : i32 to index
        %get3A_162 = tpu.vector_load %arg5[%get3A] {strides = array<i32>} : memref<12800xi32, #tpu.memory_space<vmem>>, vector<16xi32>,
        %get3A_163 = vector.shape_cast %get3A_162 : vector<16xi32> to vector<16xi32>
        %and3A = arith.constant 16383 : i32
        %and3A_164 = vector.broadcast %and3A : i32 to vector<16xi32>
        %and3A_165 = arith.andi %get3A_163, %and3A_164 : vector<16xi32>
        %and3A_166 = arith.constant 4095 : i32
        %and3A_167 = vector.broadcast %and3A_166 : i32 to vector<16xi32>
        %and3A_168 = arith.andi %and3A_165, %and3A_167 : vector<16xi32>
        %sub3A = arith.subi %get3A_163, %and3A_165 : vector<16xi32>
        %shift_left3A = arith.constant 2 : i32
        %shift_left3A_169 = vector.broadcast %shift_left3A : i32 to vector<16xi32>
        %shift_left3A_170 = arith.shli %and3A_168, %shift_left3A_169 : vector<16xi32>
        %add3A_171 = arith.addi %sub3A, %shift_left3A_170 : vector<16xi32>
        %shift_right_logical3A = arith.constant 12 : i32
        %shift_right_logical3A_172 = vector.broadcast %shift_right_logical3A : i32 to vector<16xi32>
        %shift_right_logical3A_173 = arith.shrui %and3A_165, %shift_right_logical3A_172 : vector<16xi32>
        %add3A_174 = arith.addi %add3A_171, %shift_right_logical3A_173 : vector<16xi32>
        %mul3A_175 = arith.constant 16 : i32
        %mul3A_176 = arith.muli %scan3A_159, %mul3A_175 : i32
        %swap3A = arith.index_cast %mul3A_176 : i32 to index
        %swap3A_177 = tpu.vector_load %arg5[%swap3A] {strides = array<i32>} : memref<12800xi32, #tpu.memory_space<vmem>>, vector<16xi32>,
        %swap3A_178 = vector.shape_cast %swap3A_177 : vector<16xi32> to vector<16xi32>
        %swap3A_179 = vector.shape_cast %add3A_174 : vector<16xi32> to vector<16xi32>
        tpu.vector_store %arg5[%swap3A], %swap3A_179 {strides = array<i32>} : memref<12800xi32, #tpu.memory_space<vmem>>, vector<16xi32>,
        %scan3A_180 = arith.constant 1 : i32
        %scan3A_181 = arith.addi %scan3A_159, %scan3A_180 : i32
        %mul3A_182 = arith.constant 16 : i32
        %mul3A_183 = arith.muli %scan3A_181, %mul3A_182 : i32
        %get3A_184 = arith.index_cast %mul3A_183 : i32 to index
        %get3A_185 = tpu.vector_load %arg5[%get3A_184] {strides = array<i32>} : memref<12800xi32, #tpu.memory_space<vmem>>, vector<16xi32>,
        %get3A_186 = vector.shape_cast %get3A_185 : vector<16xi32> to vector<16xi32>
        %and3A_187 = arith.constant 16383 : i32
        %and3A_188 = vector.broadcast %and3A_187 : i32 to vector<16xi32>
        %and3A_189 = arith.andi %get3A_186, %and3A_188 : vector<16xi32>
        %and3A_190 = arith.constant 4095 : i32
        %and3A_191 = vector.broadcast %and3A_190 : i32 to vector<16xi32>
        %and3A_192 = arith.andi %and3A_189, %and3A_191 : vector<16xi32>
        %sub3A_193 = arith.subi %get3A_186, %and3A_189 : vector<16xi32>
        %shift_left3A_194 = arith.constant 2 : i32
        %shift_left3A_195 = vector.broadcast %shift_left3A_194 : i32 to vector<16xi32>
        %shift_left3A_196 = arith.shli %and3A_192, %shift_left3A_195 : vector<16xi32>
        %add3A_197 = arith.addi %sub3A_193, %shift_left3A_196 : vector<16xi32>
        %shift_right_logical3A_198 = arith.constant 12 : i32
        %shift_right_logical3A_199 = vector.broadcast %shift_right_logical3A_198 : i32 to vector<16xi32>
        %shift_right_logical3A_200 = arith.shrui %and3A_189, %shift_right_logical3A_199 : vector<16xi32>
        %add3A_201 = arith.addi %add3A_197, %shift_right_logical3A_200 : vector<16xi32>
        %mul3A_202 = arith.constant 16 : i32
        %mul3A_203 = arith.muli %scan3A_181, %mul3A_202 : i32
        %swap3A_204 = arith.index_cast %mul3A_203 : i32 to index
        %swap3A_205 = tpu.vector_load %arg5[%swap3A_204] {strides = array<i32>} : memref<12800xi32, #tpu.memory_space<vmem>>, vector<16xi32>,
        %swap3A_206 = vector.shape_cast %swap3A_205 : vector<16xi32> to vector<16xi32>
        %swap3A_207 = vector.shape_cast %add3A_201 : vector<16xi32> to vector<16xi32>
        tpu.vector_store %arg5[%swap3A_204], %swap3A_207 {strides = array<i32>} : memref<12800xi32, #tpu.memory_space<vmem>>, vector<16xi32>,
        %scan3A_208 = arith.constant 2 : i32
        %scan3A_209 = arith.addi %scan3A_159, %scan3A_208 : i32
        %mul3A_210 = arith.constant 16 : i32
        %mul3A_211 = arith.muli %scan3A_209, %mul3A_210 : i32
        %get3A_212 = arith.index_cast %mul3A_211 : i32 to index
        %get3A_213 = tpu.vector_load %arg5[%get3A_212] {strides = array<i32>} : memref<12800xi32, #tpu.memory_space<vmem>>, vector<16xi32>,
        %get3A_214 = vector.shape_cast %get3A_213 : vector<16xi32> to vector<16xi32>
        %and3A_215 = arith.constant 16383 : i32
        %and3A_216 = vector.broadcast %and3A_215 : i32 to vector<16xi32>
        %and3A_217 = arith.andi %get3A_214, %and3A_216 : vector<16xi32>
        %and3A_218 = arith.constant 4095 : i32
        %and3A_219 = vector.broadcast %and3A_218 : i32 to vector<16xi32>
        %and3A_220 = arith.andi %and3A_217, %and3A_219 : vector<16xi32>
        %sub3A_221 = arith.subi %get3A_214, %and3A_217 : vector<16xi32>
        %shift_left3A_222 = arith.constant 2 : i32
        %shift_left3A_223 = vector.broadcast %shift_left3A_222 : i32 to vector<16xi32>
        %shift_left3A_224 = arith.shli %and3A_220, %shift_left3A_223 : vector<16xi32>
        %add3A_225 = arith.addi %sub3A_221, %shift_left3A_224 : vector<16xi32>
        %shift_right_logical3A_226 = arith.constant 12 : i32
        %shift_right_logical3A_227 = vector.broadcast %shift_right_logical3A_226 : i32 to vector<16xi32>
        %shift_right_logical3A_228 = arith.shrui %and3A_217, %shift_right_logical3A_227 : vector<16xi32>
        %add3A_229 = arith.addi %add3A_225, %shift_right_logical3A_228 : vector<16xi32>
        %mul3A_230 = arith.constant 16 : i32
        %mul3A_231 = arith.muli %scan3A_209, %mul3A_230 : i32
        %swap3A_232 = arith.index_cast %mul3A_231 : i32 to index
        %swap3A_233 = tpu.vector_load %arg5[%swap3A_232] {strides = array<i32>} : memref<12800xi32, #tpu.memory_space<vmem>>, vector<16xi32>,
        %swap3A_234 = vector.shape_cast %swap3A_233 : vector<16xi32> to vector<16xi32>
        %swap3A_235 = vector.shape_cast %add3A_229 : vector<16xi32> to vector<16xi32>
        tpu.vector_store %arg5[%swap3A_232], %swap3A_235 {strides = array<i32>} : memref<12800xi32, #tpu.memory_space<vmem>>, vector<16xi32>,
        %scan3A_236 = arith.constant 3 : i32
        %scan3A_237 = arith.addi %scan3A_159, %scan3A_236 : i32
        %mul3A_238 = arith.constant 16 : i32
        %mul3A_239 = arith.muli %scan3A_237, %mul3A_238 : i32
        %get3A_240 = arith.index_cast %mul3A_239 : i32 to index
        %get3A_241 = tpu.vector_load %arg5[%get3A_240] {strides = array<i32>} : memref<12800xi32, #tpu.memory_space<vmem>>, vector<16xi32>,
        %get3A_242 = vector.shape_cast %get3A_241 : vector<16xi32> to vector<16xi32>
        %and3A_243 = arith.constant 16383 : i32
        %and3A_244 = vector.broadcast %and3A_243 : i32 to vector<16xi32>
        %and3A_245 = arith.andi %get3A_242, %and3A_244 : vector<16xi32>
        %and3A_246 = arith.constant 4095 : i32
        %and3A_247 = vector.broadcast %and3A_246 : i32 to vector<16xi32>
        %and3A_248 = arith.andi %and3A_245, %and3A_247 : vector<16xi32>
        %sub3A_249 = arith.subi %get3A_242, %and3A_245 : vector<16xi32>
        %shift_left3A_250 = arith.constant 2 : i32
        %shift_left3A_251 = vector.broadcast %shift_left3A_250 : i32 to vector<16xi32>
        %shift_left3A_252 = arith.shli %and3A_248, %shift_left3A_251 : vector<16xi32>
        %add3A_253 = arith.addi %sub3A_249, %shift_left3A_252 : vector<16xi32>
        %shift_right_logical3A_254 = arith.constant 12 : i32
        %shift_right_logical3A_255 = vector.broadcast %shift_right_logical3A_254 : i32 to vector<16xi32>
        %shift_right_logical3A_256 = arith.shrui %and3A_245, %shift_right_logical3A_255 : vector<16xi32>
        %add3A_257 = arith.addi %add3A_253, %shift_right_logical3A_256 : vector<16xi32>
        %mul3A_258 = arith.constant 16 : i32
        %mul3A_259 = arith.muli %scan3A_237, %mul3A_258 : i32
        %swap3A_260 = arith.index_cast %mul3A_259 : i32 to index
        %swap3A_261 = tpu.vector_load %arg5[%swap3A_260] {strides = array<i32>} : memref<12800xi32, #tpu.memory_space<vmem>>, vector<16xi32>,
        %swap3A_262 = vector.shape_cast %swap3A_261 : vector<16xi32> to vector<16xi32>
        %swap3A_263 = vector.shape_cast %add3A_257 : vector<16xi32> to vector<16xi32>
        tpu.vector_store %arg5[%swap3A_260], %swap3A_263 {strides = array<i32>} : memref<12800xi32, #tpu.memory_space<vmem>>, vector<16xi32>,
        %scan3A_264 = arith.constant 4 : i32
        %scan3A_265 = arith.addi %scan3A_159, %scan3A_264 : i32
        %mul3A_266 = arith.constant 16 : i32
        %mul3A_267 = arith.muli %scan3A_265, %mul3A_266 : i32
        %get3A_268 = arith.index_cast %mul3A_267 : i32 to index
        %get3A_269 = tpu.vector_load %arg5[%get3A_268] {strides = array<i32>} : memref<12800xi32, #tpu.memory_space<vmem>>, vector<16xi32>,
        %get3A_270 = vector.shape_cast %get3A_269 : vector<16xi32> to vector<16xi32>
        %and3A_271 = arith.constant 16383 : i32
        %and3A_272 = vector.broadcast %and3A_271 : i32 to vector<16xi32>
        %and3A_273 = arith.andi %get3A_270, %and3A_272 : vector<16xi32>
        %and3A_274 = arith.constant 4095 : i32
        %and3A_275 = vector.broadcast %and3A_274 : i32 to vector<16xi32>
        %and3A_276 = arith.andi %and3A_273, %and3A_275 : vector<16xi32>
        %sub3A_277 = arith.subi %get3A_270, %and3A_273 : vector<16xi32>
        %shift_left3A_278 = arith.constant 2 : i32
        %shift_left3A_279 = vector.broadcast %shift_left3A_278 : i32 to vector<16xi32>
        %shift_left3A_280 = arith.shli %and3A_276, %shift_left3A_279 : vector<16xi32>
        %add3A_281 = arith.addi %sub3A_277, %shift_left3A_280 : vector<16xi32>
        %shift_right_logical3A_282 = arith.constant 12 : i32
        %shift_right_logical3A_283 = vector.broadcast %shift_right_logical3A_282 : i32 to vector<16xi32>
        %shift_right_logical3A_284 = arith.shrui %and3A_273, %shift_right_logical3A_283 : vector<16xi32>
        %add3A_285 = arith.addi %add3A_281, %shift_right_logical3A_284 : vector<16xi32>
        %mul3A_286 = arith.constant 16 : i32
        %mul3A_287 = arith.muli %scan3A_265, %mul3A_286 : i32
        %swap3A_288 = arith.index_cast %mul3A_287 : i32 to index
        %swap3A_289 = tpu.vector_load %arg5[%swap3A_288] {strides = array<i32>} : memref<12800xi32, #tpu.memory_space<vmem>>, vector<16xi32>,
        %swap3A_290 = vector.shape_cast %swap3A_289 : vector<16xi32> to vector<16xi32>
        %swap3A_291 = vector.shape_cast %add3A_285 : vector<16xi32> to vector<16xi32>
        tpu.vector_store %arg5[%swap3A_288], %swap3A_291 {strides = array<i32>} : memref<12800xi32, #tpu.memory_space<vmem>>, vector<16xi32>,
        %scan3A_292 = arith.constant 5 : i32
        %scan3A_293 = arith.addi %scan3A_159, %scan3A_292 : i32
        %mul3A_294 = arith.constant 16 : i32
        %mul3A_295 = arith.muli %scan3A_293, %mul3A_294 : i32
        %get3A_296 = arith.index_cast %mul3A_295 : i32 to index
        %get3A_297 = tpu.vector_load %arg5[%get3A_296] {strides = array<i32>} : memref<12800xi32, #tpu.memory_space<vmem>>, vector<16xi32>,
        %get3A_298 = vector.shape_cast %get3A_297 : vector<16xi32> to vector<16xi32>
        %and3A_299 = arith.constant 16383 : i32
        %and3A_300 = vector.broadcast %and3A_299 : i32 to vector<16xi32>
        %and3A_301 = arith.andi %get3A_298, %and3A_300 : vector<16xi32>
        %and3A_302 = arith.constant 4095 : i32
        %and3A_303 = vector.broadcast %and3A_302 : i32 to vector<16xi32>
        %and3A_304 = arith.andi %and3A_301, %and3A_303 : vector<16xi32>
        %sub3A_305 = arith.subi %get3A_298, %and3A_301 : vector<16xi32>
        %shift_left3A_306 = arith.constant 2 : i32
        %shift_left3A_307 = vector.broadcast %shift_left3A_306 : i32 to vector<16xi32>
        %shift_left3A_308 = arith.shli %and3A_304, %shift_left3A_307 : vector<16xi32>
        %add3A_309 = arith.addi %sub3A_305, %shift_left3A_308 : vector<16xi32>
        %shift_right_logical3A_310 = arith.constant 12 : i32
        %shift_right_logical3A_311 = vector.broadcast %shift_right_logical3A_310 : i32 to vector<16xi32>
        %shift_right_logical3A_312 = arith.shrui %and3A_301, %shift_right_logical3A_311 : vector<16xi32>
        %add3A_313 = arith.addi %add3A_309, %shift_right_logical3A_312 : vector<16xi32>
        %mul3A_314 = arith.constant 16 : i32
        %mul3A_315 = arith.muli %scan3A_293, %mul3A_314 : i32
        %swap3A_316 = arith.index_cast %mul3A_315 : i32 to index
        %swap3A_317 = tpu.vector_load %arg5[%swap3A_316] {strides = array<i32>} : memref<12800xi32, #tpu.memory_space<vmem>>, vector<16xi32>,
        %swap3A_318 = vector.shape_cast %swap3A_317 : vector<16xi32> to vector<16xi32>
        %swap3A_319 = vector.shape_cast %add3A_313 : vector<16xi32> to vector<16xi32>
        tpu.vector_store %arg5[%swap3A_316], %swap3A_319 {strides = array<i32>} : memref<12800xi32, #tpu.memory_space<vmem>>, vector<16xi32>,
        %scan3A_320 = arith.constant 6 : i32
        %scan3A_321 = arith.addi %scan3A_159, %scan3A_320 : i32
        %mul3A_322 = arith.constant 16 : i32
        %mul3A_323 = arith.muli %scan3A_321, %mul3A_322 : i32
        %get3A_324 = arith.index_cast %mul3A_323 : i32 to index
        %get3A_325 = tpu.vector_load %arg5[%get3A_324] {strides = array<i32>} : memref<12800xi32, #tpu.memory_space<vmem>>, vector<16xi32>,
        %get3A_326 = vector.shape_cast %get3A_325 : vector<16xi32> to vector<16xi32>
        %and3A_327 = arith.constant 16383 : i32
        %and3A_328 = vector.broadcast %and3A_327 : i32 to vector<16xi32>
        %and3A_329 = arith.andi %get3A_326, %and3A_328 : vector<16xi32>
        %and3A_330 = arith.constant 4095 : i32
        %and3A_331 = vector.broadcast %and3A_330 : i32 to vector<16xi32>
        %and3A_332 = arith.andi %and3A_329, %and3A_331 : vector<16xi32>
        %sub3A_333 = arith.subi %get3A_326, %and3A_329 : vector<16xi32>
        %shift_left3A_334 = arith.constant 2 : i32
        %shift_left3A_335 = vector.broadcast %shift_left3A_334 : i32 to vector<16xi32>
        %shift_left3A_336 = arith.shli %and3A_332, %shift_left3A_335 : vector<16xi32>
        %add3A_337 = arith.addi %sub3A_333, %shift_left3A_336 : vector<16xi32>
        %shift_right_logical3A_338 = arith.constant 12 : i32
        %shift_right_logical3A_339 = vector.broadcast %shift_right_logical3A_338 : i32 to vector<16xi32>
        %shift_right_logical3A_340 = arith.shrui %and3A_329, %shift_right_logical3A_339 : vector<16xi32>
        %add3A_341 = arith.addi %add3A_337, %shift_right_logical3A_340 : vector<16xi32>
        %mul3A_342 = arith.constant 16 : i32
        %mul3A_343 = arith.muli %scan3A_321, %mul3A_342 : i32
        %swap3A_344 = arith.index_cast %mul3A_343 : i32 to index
        %swap3A_345 = tpu.vector_load %arg5[%swap3A_344] {strides = array<i32>} : memref<12800xi32, #tpu.memory_space<vmem>>, vector<16xi32>,
        %swap3A_346 = vector.shape_cast %swap3A_345 : vector<16xi32> to vector<16xi32>
        %swap3A_347 = vector.shape_cast %add3A_341 : vector<16xi32> to vector<16xi32>
        tpu.vector_store %arg5[%swap3A_344], %swap3A_347 {strides = array<i32>} : memref<12800xi32, #tpu.memory_space<vmem>>, vector<16xi32>,
        %scan3A_348 = arith.constant 7 : i32
        %scan3A_349 = arith.addi %scan3A_159, %scan3A_348 : i32
        %mul3A_350 = arith.constant 16 : i32
        %mul3A_351 = arith.muli %scan3A_349, %mul3A_350 : i32
        %get3A_352 = arith.index_cast %mul3A_351 : i32 to index
        %get3A_353 = tpu.vector_load %arg5[%get3A_352] {strides = array<i32>} : memref<12800xi32, #tpu.memory_space<vmem>>, vector<16xi32>,
        %get3A_354 = vector.shape_cast %get3A_353 : vector<16xi32> to vector<16xi32>
        %and3A_355 = arith.constant 16383 : i32
        %and3A_356 = vector.broadcast %and3A_355 : i32 to vector<16xi32>
        %and3A_357 = arith.andi %get3A_354, %and3A_356 : vector<16xi32>
        %and3A_358 = arith.constant 4095 : i32
        %and3A_359 = vector.broadcast %and3A_358 : i32 to vector<16xi32>
        %and3A_360 = arith.andi %and3A_357, %and3A_359 : vector<16xi32>
        %sub3A_361 = arith.subi %get3A_354, %and3A_357 : vector<16xi32>
        %shift_left3A_362 = arith.constant 2 : i32
        %shift_left3A_363 = vector.broadcast %shift_left3A_362 : i32 to vector<16xi32>
        %shift_left3A_364 = arith.shli %and3A_360, %shift_left3A_363 : vector<16xi32>
        %add3A_365 = arith.addi %sub3A_361, %shift_left3A_364 : vector<16xi32>
        %shift_right_logical3A_366 = arith.constant 12 : i32
        %shift_right_logical3A_367 = vector.broadcast %shift_right_logical3A_366 : i32 to vector<16xi32>
        %shift_right_logical3A_368 = arith.shrui %and3A_357, %shift_right_logical3A_367 : vector<16xi32>
        %add3A_369 = arith.addi %add3A_365, %shift_right_logical3A_368 : vector<16xi32>
        %mul3A_370 = arith.constant 16 : i32
        %mul3A_371 = arith.muli %scan3A_349, %mul3A_370 : i32
        %swap3A_372 = arith.index_cast %mul3A_371 : i32 to index
        %swap3A_373 = tpu.vector_load %arg5[%swap3A_372] {strides = array<i32>} : memref<12800xi32, #tpu.memory_space<vmem>>, vector<16xi32>,
        %swap3A_374 = vector.shape_cast %swap3A_373 : vector<16xi32> to vector<16xi32>
        %swap3A_375 = vector.shape_cast %add3A_369 : vector<16xi32> to vector<16xi32>
        tpu.vector_store %arg5[%swap3A_372], %swap3A_375 {strides = array<i32>} : memref<12800xi32, #tpu.memory_space<vmem>>, vector<16xi32>,
      }
      %scan3A_23 = arith.constant 800 : i32
      %mul3A_24 = arith.constant 64 : i32
      %mul3A_25 = arith.muli %scan3A_12, %mul3A_24 : i32
      %multiple_of3A_26 = arith.constant 0 : i32
      %multiple_of3A_27 = tpu.assume_multiple %multiple_of3A_26, 8 : i32
      %dma_start3A = arith.constant 0 : i32
      %dma_start3A_28 = arith.constant 0 : i32
      %dma_start3A_29 = tpu.memref_slice %arg6[%dma_start3A, %dma_start3A_28] : memref<200x32xi32, #tpu.memory_space<vmem>> -> memref<96x32xi32, #tpu.memory_space<vmem>>
      %dma_start3A_30 = tpu.memref_slice %arg5[%multiple_of3A_27] : memref<12800xi32, #tpu.memory_space<vmem>> -> memref<96xi32, #tpu.memory_space<vmem>>
      %dma_start3A_31 = arith.constant 0 : i32
      %dma_start3A_32 = arith.constant 0 : i32
      %dma_start3A_33 = tpu.memref_slice %arg3[%dma_start3A_31, %dma_start3A_32] : memref<1015808x32xi32, #tpu.memory_space<hbm>> -> memref<1015808x32xi32, #tpu.memory_space<hbm>>
      tpu.enqueue_indirect_dma source(%dma_start3A_33 : memref<1015808x32xi32, #tpu.memory_space<hbm>>) target(%dma_start3A_29 : memref<96x32xi32, #tpu.memory_space<vmem>>) offsets(%dma_start3A_30 : memref<96xi32, #tpu.memory_space<vmem>>) semaphore(%arg15 : memref<!tpu.dma_semaphore, #tpu.memory_space<semaphore_mem>>)
      %add3A_34 = arith.constant 96 : i32
      %add3A_35 = arith.addi %multiple_of3A_27, %add3A_34 : i32
      %dma_start3A_36 = arith.constant 96 : i32
      %dma_start3A_37 = arith.constant 0 : i32
      %dma_start3A_38 = tpu.memref_slice %arg6[%dma_start3A_36, %dma_start3A_37] : memref<200x32xi32, #tpu.memory_space<vmem>> -> memref<104x32xi32, #tpu.memory_space<vmem>>
      %dma_start3A_39 = tpu.memref_slice %arg5[%add3A_35] : memref<12800xi32, #tpu.memory_space<vmem>> -> memref<104xi32, #tpu.memory_space<vmem>>
      %dma_start3A_40 = arith.constant 0 : i32
      %dma_start3A_41 = arith.constant 0 : i32
      %dma_start3A_42 = tpu.memref_slice %arg3[%dma_start3A_40, %dma_start3A_41] : memref<1015808x32xi32, #tpu.memory_space<hbm>> -> memref<1015808x32xi32, #tpu.memory_space<hbm>>
      tpu.enqueue_indirect_dma source(%dma_start3A_42 : memref<1015808x32xi32, #tpu.memory_space<hbm>>) target(%dma_start3A_38 : memref<104x32xi32, #tpu.memory_space<vmem>>) offsets(%dma_start3A_39 : memref<104xi32, #tpu.memory_space<vmem>>) semaphore(%arg15 : memref<!tpu.dma_semaphore, #tpu.memory_space<semaphore_mem>>)
      %multiple_of3A_43 = arith.constant 200 : i32
      %multiple_of3A_44 = tpu.assume_multiple %multiple_of3A_43, 8 : i32
      %dma_start3A_45 = arith.constant 0 : i32
      %dma_start3A_46 = arith.constant 0 : i32
      %dma_start3A_47 = tpu.memref_slice %arg7[%dma_start3A_45, %dma_start3A_46] : memref<200x32xi32, #tpu.memory_space<vmem>> -> memref<96x32xi32, #tpu.memory_space<vmem>>
      %dma_start3A_48 = tpu.memref_slice %arg5[%multiple_of3A_44] : memref<12800xi32, #tpu.memory_space<vmem>> -> memref<96xi32, #tpu.memory_space<vmem>>
      %dma_start3A_49 = arith.constant 0 : i32
      %dma_start3A_50 = arith.constant 0 : i32
      %dma_start3A_51 = tpu.memref_slice %arg3[%dma_start3A_49, %dma_start3A_50] : memref<1015808x32xi32, #tpu.memory_space<hbm>> -> memref<1015808x32xi32, #tpu.memory_space<hbm>>
      tpu.enqueue_indirect_dma source(%dma_start3A_51 : memref<1015808x32xi32, #tpu.memory_space<hbm>>) target(%dma_start3A_47 : memref<96x32xi32, #tpu.memory_space<vmem>>) offsets(%dma_start3A_48 : memref<96xi32, #tpu.memory_space<vmem>>) semaphore(%arg16 : memref<!tpu.dma_semaphore, #tpu.memory_space<semaphore_mem>>)
      %add3A_52 = arith.constant 96 : i32
      %add3A_53 = arith.addi %multiple_of3A_44, %add3A_52 : i32
      %dma_start3A_54 = arith.constant 96 : i32
      %dma_start3A_55 = arith.constant 0 : i32
      %dma_start3A_56 = tpu.memref_slice %arg7[%dma_start3A_54, %dma_start3A_55] : memref<200x32xi32, #tpu.memory_space<vmem>> -> memref<104x32xi32, #tpu.memory_space<vmem>>
      %dma_start3A_57 = tpu.memref_slice %arg5[%add3A_53] : memref<12800xi32, #tpu.memory_space<vmem>> -> memref<104xi32, #tpu.memory_space<vmem>>
      %dma_start3A_58 = arith.constant 0 : i32
      %dma_start3A_59 = arith.constant 0 : i32
      %dma_start3A_60 = tpu.memref_slice %arg3[%dma_start3A_58, %dma_start3A_59] : memref<1015808x32xi32, #tpu.memory_space<hbm>> -> memref<1015808x32xi32, #tpu.memory_space<hbm>>
      tpu.enqueue_indirect_dma source(%dma_start3A_60 : memref<1015808x32xi32, #tpu.memory_space<hbm>>) target(%dma_start3A_56 : memref<104x32xi32, #tpu.memory_space<vmem>>) offsets(%dma_start3A_57 : memref<104xi32, #tpu.memory_space<vmem>>) semaphore(%arg16 : memref<!tpu.dma_semaphore, #tpu.memory_space<semaphore_mem>>)
      %multiple_of3A_61 = arith.constant 400 : i32
      %multiple_of3A_62 = tpu.assume_multiple %multiple_of3A_61, 8 : i32
      %dma_start3A_63 = arith.constant 0 : i32
      %dma_start3A_64 = arith.constant 0 : i32
      %dma_start3A_65 = tpu.memref_slice %arg8[%dma_start3A_63, %dma_start3A_64] : memref<200x32xi32, #tpu.memory_space<vmem>> -> memref<96x32xi32, #tpu.memory_space<vmem>>
      %dma_start3A_66 = tpu.memref_slice %arg5[%multiple_of3A_62] : memref<12800xi32, #tpu.memory_space<vmem>> -> memref<96xi32, #tpu.memory_space<vmem>>
      %dma_start3A_67 = arith.constant 0 : i32
      %dma_start3A_68 = arith.constant 0 : i32
      %dma_start3A_69 = tpu.memref_slice %arg3[%dma_start3A_67, %dma_start3A_68] : memref<1015808x32xi32, #tpu.memory_space<hbm>> -> memref<1015808x32xi32, #tpu.memory_space<hbm>>
      tpu.enqueue_indirect_dma source(%dma_start3A_69 : memref<1015808x32xi32, #tpu.memory_space<hbm>>) target(%dma_start3A_65 : memref<96x32xi32, #tpu.memory_space<vmem>>) offsets(%dma_start3A_66 : memref<96xi32, #tpu.memory_space<vmem>>) semaphore(%arg17 : memref<!tpu.dma_semaphore, #tpu.memory_space<semaphore_mem>>)
      %add3A_70 = arith.constant 96 : i32
      %add3A_71 = arith.addi %multiple_of3A_62, %add3A_70 : i32
      %dma_start3A_72 = arith.constant 96 : i32
      %dma_start3A_73 = arith.constant 0 : i32
      %dma_start3A_74 = tpu.memref_slice %arg8[%dma_start3A_72, %dma_start3A_73] : memref<200x32xi32, #tpu.memory_space<vmem>> -> memref<104x32xi32, #tpu.memory_space<vmem>>
      %dma_start3A_75 = tpu.memref_slice %arg5[%add3A_71] : memref<12800xi32, #tpu.memory_space<vmem>> -> memref<104xi32, #tpu.memory_space<vmem>>
      %dma_start3A_76 = arith.constant 0 : i32
      %dma_start3A_77 = arith.constant 0 : i32
      %dma_start3A_78 = tpu.memref_slice %arg3[%dma_start3A_76, %dma_start3A_77] : memref<1015808x32xi32, #tpu.memory_space<hbm>> -> memref<1015808x32xi32, #tpu.memory_space<hbm>>
      tpu.enqueue_indirect_dma source(%dma_start3A_78 : memref<1015808x32xi32, #tpu.memory_space<hbm>>) target(%dma_start3A_74 : memref<104x32xi32, #tpu.memory_space<vmem>>) offsets(%dma_start3A_75 : memref<104xi32, #tpu.memory_space<vmem>>) semaphore(%arg17 : memref<!tpu.dma_semaphore, #tpu.memory_space<semaphore_mem>>)
      %multiple_of3A_79 = arith.constant 600 : i32
      %multiple_of3A_80 = tpu.assume_multiple %multiple_of3A_79, 8 : i32
      %dma_start3A_81 = arith.constant 0 : i32
      %dma_start3A_82 = arith.constant 0 : i32
      %dma_start3A_83 = tpu.memref_slice %arg9[%dma_start3A_81, %dma_start3A_82] : memref<200x32xi32, #tpu.memory_space<vmem>> -> memref<96x32xi32, #tpu.memory_space<vmem>>
      %dma_start3A_84 = tpu.memref_slice %arg5[%multiple_of3A_80] : memref<12800xi32, #tpu.memory_space<vmem>> -> memref<96xi32, #tpu.memory_space<vmem>>
      %dma_start3A_85 = arith.constant 0 : i32
      %dma_start3A_86 = arith.constant 0 : i32
      %dma_start3A_87 = tpu.memref_slice %arg3[%dma_start3A_85, %dma_start3A_86] : memref<1015808x32xi32, #tpu.memory_space<hbm>> -> memref<1015808x32xi32, #tpu.memory_space<hbm>>
      tpu.enqueue_indirect_dma source(%dma_start3A_87 : memref<1015808x32xi32, #tpu.memory_space<hbm>>) target(%dma_start3A_83 : memref<96x32xi32, #tpu.memory_space<vmem>>) offsets(%dma_start3A_84 : memref<96xi32, #tpu.memory_space<vmem>>) semaphore(%arg18 : memref<!tpu.dma_semaphore, #tpu.memory_space<semaphore_mem>>)
      %add3A_88 = arith.constant 96 : i32
      %add3A_89 = arith.addi %multiple_of3A_80, %add3A_88 : i32
      %dma_start3A_90 = arith.constant 96 : i32
      %dma_start3A_91 = arith.constant 0 : i32
      %dma_start3A_92 = tpu.memref_slice %arg9[%dma_start3A_90, %dma_start3A_91] : memref<200x32xi32, #tpu.memory_space<vmem>> -> memref<104x32xi32, #tpu.memory_space<vmem>>
      %dma_start3A_93 = tpu.memref_slice %arg5[%add3A_89] : memref<12800xi32, #tpu.memory_space<vmem>> -> memref<104xi32, #tpu.memory_space<vmem>>
      %dma_start3A_94 = arith.constant 0 : i32
      %dma_start3A_95 = arith.constant 0 : i32
      %dma_start3A_96 = tpu.memref_slice %arg3[%dma_start3A_94, %dma_start3A_95] : memref<1015808x32xi32, #tpu.memory_space<hbm>> -> memref<1015808x32xi32, #tpu.memory_space<hbm>>
      tpu.enqueue_indirect_dma source(%dma_start3A_96 : memref<1015808x32xi32, #tpu.memory_space<hbm>>) target(%dma_start3A_92 : memref<104x32xi32, #tpu.memory_space<vmem>>) offsets(%dma_start3A_93 : memref<104xi32, #tpu.memory_space<vmem>>) semaphore(%arg18 : memref<!tpu.dma_semaphore, #tpu.memory_space<semaphore_mem>>)
      %multiple_of3A_97 = arith.constant 800 : i32
      %multiple_of3A_98 = tpu.assume_multiple %multiple_of3A_97, 8 : i32
      %dma_start3A_99 = arith.constant 0 : i32
      %dma_start3A_100 = arith.constant 0 : i32
      %dma_start3A_101 = tpu.memref_slice %arg10[%dma_start3A_99, %dma_start3A_100] : memref<200x32xi32, #tpu.memory_space<vmem>> -> memref<96x32xi32, #tpu.memory_space<vmem>>
      %dma_start3A_102 = tpu.memref_slice %arg5[%multiple_of3A_98] : memref<12800xi32, #tpu.memory_space<vmem>> -> memref<96xi32, #tpu.memory_space<vmem>>
      %dma_start3A_103 = arith.constant 0 : i32
      %dma_start3A_104 = arith.constant 0 : i32
      %dma_start3A_105 = tpu.memref_slice %arg3[%dma_start3A_103, %dma_start3A_104] : memref<1015808x32xi32, #tpu.memory_space<hbm>> -> memref<1015808x32xi32, #tpu.memory_space<hbm>>
      tpu.enqueue_indirect_dma source(%dma_start3A_105 : memref<1015808x32xi32, #tpu.memory_space<hbm>>) target(%dma_start3A_101 : memref<96x32xi32, #tpu.memory_space<vmem>>) offsets(%dma_start3A_102 : memref<96xi32, #tpu.memory_space<vmem>>) semaphore(%arg19 : memref<!tpu.dma_semaphore, #tpu.memory_space<semaphore_mem>>)
      %add3A_106 = arith.constant 96 : i32
      %add3A_107 = arith.addi %multiple_of3A_98, %add3A_106 : i32
      %dma_start3A_108 = arith.constant 96 : i32
      %dma_start3A_109 = arith.constant 0 : i32
      %dma_start3A_110 = tpu.memref_slice %arg10[%dma_start3A_108, %dma_start3A_109] : memref<200x32xi32, #tpu.memory_space<vmem>> -> memref<104x32xi32, #tpu.memory_space<vmem>>
      %dma_start3A_111 = tpu.memref_slice %arg5[%add3A_107] : memref<12800xi32, #tpu.memory_space<vmem>> -> memref<104xi32, #tpu.memory_space<vmem>>
      %dma_start3A_112 = arith.constant 0 : i32
      %dma_start3A_113 = arith.constant 0 : i32
      %dma_start3A_114 = tpu.memref_slice %arg3[%dma_start3A_112, %dma_start3A_113] : memref<1015808x32xi32, #tpu.memory_space<hbm>> -> memref<1015808x32xi32, #tpu.memory_space<hbm>>
      tpu.enqueue_indirect_dma source(%dma_start3A_114 : memref<1015808x32xi32, #tpu.memory_space<hbm>>) target(%dma_start3A_110 : memref<104x32xi32, #tpu.memory_space<vmem>>) offsets(%dma_start3A_111 : memref<104xi32, #tpu.memory_space<vmem>>) semaphore(%arg19 : memref<!tpu.dma_semaphore, #tpu.memory_space<semaphore_mem>>)
      %multiple_of3A_115 = arith.constant 1000 : i32
      %multiple_of3A_116 = tpu.assume_multiple %multiple_of3A_115, 8 : i32
      %dma_start3A_117 = arith.constant 0 : i32
      %dma_start3A_118 = arith.constant 0 : i32
      %dma_start3A_119 = tpu.memref_slice %arg11[%dma_start3A_117, %dma_start3A_118] : memref<200x32xi32, #tpu.memory_space<vmem>> -> memref<96x32xi32, #tpu.memory_space<vmem>>
      %dma_start3A_120 = tpu.memref_slice %arg5[%multiple_of3A_116] : memref<12800xi32, #tpu.memory_space<vmem>> -> memref<96xi32, #tpu.memory_space<vmem>>
      %dma_start3A_121 = arith.constant 0 : i32
      %dma_start3A_122 = arith.constant 0 : i32
      %dma_start3A_123 = tpu.memref_slice %arg3[%dma_start3A_121, %dma_start3A_122] : memref<1015808x32xi32, #tpu.memory_space<hbm>> -> memref<1015808x32xi32, #tpu.memory_space<hbm>>
      tpu.enqueue_indirect_dma source(%dma_start3A_123 : memref<1015808x32xi32, #tpu.memory_space<hbm>>) target(%dma_start3A_119 : memref<96x32xi32, #tpu.memory_space<vmem>>) offsets(%dma_start3A_120 : memref<96xi32, #tpu.memory_space<vmem>>) semaphore(%arg20 : memref<!tpu.dma_semaphore, #tpu.memory_space<semaphore_mem>>)
      %add3A_124 = arith.constant 96 : i32
      %add3A_125 = arith.addi %multiple_of3A_116, %add3A_124 : i32
      %dma_start3A_126 = arith.constant 96 : i32
      %dma_start3A_127 = arith.constant 0 : i32
      %dma_start3A_128 = tpu.memref_slice %arg11[%dma_start3A_126, %dma_start3A_127] : memref<200x32xi32, #tpu.memory_space<vmem>> -> memref<104x32xi32, #tpu.memory_space<vmem>>
      %dma_start3A_129 = tpu.memref_slice %arg5[%add3A_125] : memref<12800xi32, #tpu.memory_space<vmem>> -> memref<104xi32, #tpu.memory_space<vmem>>
      %dma_start3A_130 = arith.constant 0 : i32
      %dma_start3A_131 = arith.constant 0 : i32
      %dma_start3A_132 = tpu.memref_slice %arg3[%dma_start3A_130, %dma_start3A_131] : memref<1015808x32xi32, #tpu.memory_space<hbm>> -> memref<1015808x32xi32, #tpu.memory_space<hbm>>
      tpu.enqueue_indirect_dma source(%dma_start3A_132 : memref<1015808x32xi32, #tpu.memory_space<hbm>>) target(%dma_start3A_128 : memref<104x32xi32, #tpu.memory_space<vmem>>) offsets(%dma_start3A_129 : memref<104xi32, #tpu.memory_space<vmem>>) semaphore(%arg20 : memref<!tpu.dma_semaphore, #tpu.memory_space<semaphore_mem>>)
      %multiple_of3A_133 = arith.constant 1200 : i32
      %multiple_of3A_134 = tpu.assume_multiple %multiple_of3A_133, 8 : i32
      %dma_start3A_135 = arith.constant 0 : i32
      %dma_start3A_136 = arith.constant 0 : i32
      %dma_start3A_137 = tpu.memref_slice %arg12[%dma_start3A_135, %dma_start3A_136] : memref<200x32xi32, #tpu.memory_space<vmem>> -> memref<96x32xi32, #tpu.memory_space<vmem>>
      %dma_start3A_138 = tpu.memref_slice %arg5[%multiple_of3A_134] : memref<12800xi32, #tpu.memory_space<vmem>> -> memref<96xi32, #tpu.memory_space<vmem>>
      %dma_start3A_139 = arith.constant 0 : i32
      %dma_start3A_140 = arith.constant 0 : i32
      %dma_start3A_141 = tpu.memref_slice %arg3[%dma_start3A_139, %dma_start3A_140] : memref<1015808x32xi32, #tpu.memory_space<hbm>> -> memref<1015808x32xi32, #tpu.memory_space<hbm>>
      tpu.enqueue_indirect_dma source(%dma_start3A_141 : memref<1015808x32xi32, #tpu.memory_space<hbm>>) target(%dma_start3A_137 : memref<96x32xi32, #tpu.memory_space<vmem>>) offsets(%dma_start3A_138 : memref<96xi32, #tpu.memory_space<vmem>>) semaphore(%arg21 : memref<!tpu.dma_semaphore, #tpu.memory_space<semaphore_mem>>)
      %add3A_142 = arith.constant 96 : i32
      %add3A_143 = arith.addi %multiple_of3A_134, %add3A_142 : i32
      %dma_start3A_144 = arith.constant 96 : i32
      %dma_start3A_145 = arith.constant 0 : i32
      %dma_start3A_146 = tpu.memref_slice %arg12[%dma_start3A_144, %dma_start3A_145] : memref<200x32xi32, #tpu.memory_space<vmem>> -> memref<104x32xi32, #tpu.memory_space<vmem>>
      %dma_start3A_147 = tpu.memref_slice %arg5[%add3A_143] : memref<12800xi32, #tpu.memory_space<vmem>> -> memref<104xi32, #tpu.memory_space<vmem>>
      %dma_start3A_148 = arith.constant 0 : i32
      %dma_start3A_149 = arith.constant 0 : i32
      %dma_start3A_150 = tpu.memref_slice %arg3[%dma_start3A_148, %dma_start3A_149] : memref<1015808x32xi32, #tpu.memory_space<hbm>> -> memref<1015808x32xi32, #tpu.memory_space<hbm>>
      tpu.enqueue_indirect_dma source(%dma_start3A_150 : memref<1015808x32xi32, #tpu.memory_space<hbm>>) target(%dma_start3A_146 : memref<104x32xi32, #tpu.memory_space<vmem>>) offsets(%dma_start3A_147 : memref<104xi32, #tpu.memory_space<vmem>>) semaphore(%arg21 : memref<!tpu.dma_semaphore, #tpu.memory_space<semaphore_mem>>)
      %scan3A_151 = arith.constant 0 : i32
      %scan3A_152 = arith.constant 0 : i32
      %scan3A_153 = arith.constant 8 : i32
      %scan3A_154 = arith.addi %scan3A_152, %scan3A_153 : i32
      %scan3A_155 = arith.constant 1 : i32
      %scan3A_156 = scf.for %scan3A_159 = %scan3A_152 to %scan3A_154 step %scan3A_155 iter_args(%scan3A_160 = %scan3A_151) -> (i32)  : i32 {
        %mul3A_161 = arith.constant 8 : i32
        %mul3A_162 = arith.muli %scan3A_159, %mul3A_161 : i32
        %add3A_163 = arith.constant 0 : i32
        %add3A_164 = arith.addi %mul3A_162, %add3A_163 : i32
        %mul3A_165 = arith.constant 200 : i32
        %mul3A_166 = arith.muli %add3A_164, %mul3A_165 : i32
        %multiple_of3A_167 = tpu.assume_multiple %mul3A_166, 8 : i32
        %dma_wait3A = arith.constant 0 : i32
        %dma_wait3A_168 = arith.constant 0 : i32
        %dma_wait3A_169 = tpu.memref_slice %arg6[%dma_wait3A, %dma_wait3A_168] : memref<200x32xi32, #tpu.memory_space<vmem>> -> memref<96x32xi32, #tpu.memory_space<vmem>>
        %dma_wait3A_170 = tpu.memref_slice %arg5[%multiple_of3A_167] : memref<12800xi32, #tpu.memory_space<vmem>> -> memref<96xi32, #tpu.memory_space<vmem>>
        %dma_wait3A_171 = arith.constant 0 : i32
        %dma_wait3A_172 = arith.constant 0 : i32
        %dma_wait3A_173 = tpu.memref_slice %arg3[%dma_wait3A_171, %dma_wait3A_172] : memref<1015808x32xi32, #tpu.memory_space<hbm>> -> memref<1015808x32xi32, #tpu.memory_space<hbm>>
        tpu.wait_indirect_dma semaphore(%arg15 : memref<!tpu.dma_semaphore, #tpu.memory_space<semaphore_mem>>) src(%dma_wait3A_173 : memref<1015808x32xi32, #tpu.memory_space<hbm>>) dst(%dma_wait3A_169 : memref<96x32xi32, #tpu.memory_space<vmem>>)
        %add3A_174 = arith.constant 96 : i32
        %add3A_175 = arith.addi %multiple_of3A_167, %add3A_174 : i32
        %dma_wait3A_176 = arith.constant 96 : i32
        %dma_wait3A_177 = arith.constant 0 : i32
        %dma_wait3A_178 = tpu.memref_slice %arg6[%dma_wait3A_176, %dma_wait3A_177] : memref<200x32xi32, #tpu.memory_space<vmem>> -> memref<104x32xi32, #tpu.memory_space<vmem>>
        %dma_wait3A_179 = tpu.memref_slice %arg5[%add3A_175] : memref<12800xi32, #tpu.memory_space<vmem>> -> memref<104xi32, #tpu.memory_space<vmem>>
        %dma_wait3A_180 = arith.constant 0 : i32
        %dma_wait3A_181 = arith.constant 0 : i32
        %dma_wait3A_182 = tpu.memref_slice %arg3[%dma_wait3A_180, %dma_wait3A_181] : memref<1015808x32xi32, #tpu.memory_space<hbm>> -> memref<1015808x32xi32, #tpu.memory_space<hbm>>
        tpu.wait_indirect_dma semaphore(%arg15 : memref<!tpu.dma_semaphore, #tpu.memory_space<semaphore_mem>>) src(%dma_wait3A_182 : memref<1015808x32xi32, #tpu.memory_space<hbm>>) dst(%dma_wait3A_178 : memref<104x32xi32, #tpu.memory_space<vmem>>)
        %add3A_183 = arith.constant 8 : i32
        %add3A_184 = arith.addi %add3A_164, %add3A_183 : i32
        %sub3A = arith.constant 1 : i32
        %sub3A_185 = arith.subi %add3A_184, %sub3A : i32
        %lt3A = arith.constant 64 : i32
        %lt3A_186 = arith.cmpi slt, %sub3A_185, %lt3A : i32
        %convert_element_type3A = arith.extui %lt3A_186 : i1 to i32
        %cond3A = arith.constant 0 : i32
        %cond3A_187 = arith.cmpi ne, %convert_element_type3A, %cond3A : i32
        scf.if %cond3A_187 {
          %add3A_691 = arith.constant 8 : i32
          %add3A_692 = arith.addi %add3A_164, %add3A_691 : i32
          %sub3A_693 = arith.constant 1 : i32
          %sub3A_694 = arith.subi %add3A_692, %sub3A_693 : i32
          %mul3A_695 = arith.constant 200 : i32
          %mul3A_696 = arith.muli %sub3A_694, %mul3A_695 : i32
          %multiple_of3A_697 = tpu.assume_multiple %mul3A_696, 8 : i32
          %dma_start3A_698 = arith.constant 0 : i32
          %dma_start3A_699 = arith.constant 0 : i32
          %dma_start3A_700 = tpu.memref_slice %arg13[%dma_start3A_698, %dma_start3A_699] : memref<200x32xi32, #tpu.memory_space<vmem>> -> memref<96x32xi32, #tpu.memory_space<vmem>>
          %dma_start3A_701 = tpu.memref_slice %arg5[%multiple_of3A_697] : memref<12800xi32, #tpu.memory_space<vmem>> -> memref<96xi32, #tpu.memory_space<vmem>>
          %dma_start3A_702 = arith.constant 0 : i32
          %dma_start3A_703 = arith.constant 0 : i32
          %dma_start3A_704 = tpu.memref_slice %arg3[%dma_start3A_702, %dma_start3A_703] : memref<1015808x32xi32, #tpu.memory_space<hbm>> -> memref<1015808x32xi32, #tpu.memory_space<hbm>>
          tpu.enqueue_indirect_dma source(%dma_start3A_704 : memref<1015808x32xi32, #tpu.memory_space<hbm>>) target(%dma_start3A_700 : memref<96x32xi32, #tpu.memory_space<vmem>>) offsets(%dma_start3A_701 : memref<96xi32, #tpu.memory_space<vmem>>) semaphore(%arg22 : memref<!tpu.dma_semaphore, #tpu.memory_space<semaphore_mem>>)
          %add3A_705 = arith.constant 96 : i32
          %add3A_706 = arith.addi %multiple_of3A_697, %add3A_705 : i32
          %dma_start3A_707 = arith.constant 96 : i32
          %dma_start3A_708 = arith.constant 0 : i32
          %dma_start3A_709 = tpu.memref_slice %arg13[%dma_start3A_707, %dma_start3A_708] : memref<200x32xi32, #tpu.memory_space<vmem>> -> memref<104x32xi32, #tpu.memory_space<vmem>>
          %dma_start3A_710 = tpu.memref_slice %arg5[%add3A_706] : memref<12800xi32, #tpu.memory_space<vmem>> -> memref<104xi32, #tpu.memory_space<vmem>>
          %dma_start3A_711 = arith.constant 0 : i32
          %dma_start3A_712 = arith.constant 0 : i32
          %dma_start3A_713 = tpu.memref_slice %arg3[%dma_start3A_711, %dma_start3A_712] : memref<1015808x32xi32, #tpu.memory_space<hbm>> -> memref<1015808x32xi32, #tpu.memory_space<hbm>>
          tpu.enqueue_indirect_dma source(%dma_start3A_713 : memref<1015808x32xi32, #tpu.memory_space<hbm>>) target(%dma_start3A_709 : memref<104x32xi32, #tpu.memory_space<vmem>>) offsets(%dma_start3A_710 : memref<104xi32, #tpu.memory_space<vmem>>) semaphore(%arg22 : memref<!tpu.dma_semaphore, #tpu.memory_space<semaphore_mem>>)
        } else {
        }
        %add3A_188 = arith.addi %mul3A_25, %add3A_164 : i32
        %broadcast_in_dim3A = arith.constant 0.000000e+00 : f32
        %broadcast_in_dim3A_189 = vector.broadcast %broadcast_in_dim3A : f32 to vector<16xf32>
        %broadcast_in_dim3A_190 = arith.constant 0.000000e+00 : f32
        %broadcast_in_dim3A_191 = vector.broadcast %broadcast_in_dim3A_190 : f32 to vector<16xf32>
        %broadcast_in_dim3A_192 = arith.constant 0.000000e+00 : f32
        %broadcast_in_dim3A_193 = vector.broadcast %broadcast_in_dim3A_192 : f32 to vector<16xf32>
        %broadcast_in_dim3A_194 = arith.constant 0.000000e+00 : f32
        %broadcast_in_dim3A_195 = vector.broadcast %broadcast_in_dim3A_194 : f32 to vector<16xf32>
        %scan3A_196 = arith.constant 0 : i32
        %scan3A_197 = arith.constant 200 : i32
        %scan3A_198 = arith.addi %scan3A_196, %scan3A_197 : i32
        %scan3A_199 = arith.constant 10 : i32
        %scan3A_200:4 = scf.for %scan3A_691 = %scan3A_196 to %scan3A_198 step %scan3A_199 iter_args(%scan3A_692 = %broadcast_in_dim3A_189, %scan3A_693 = %broadcast_in_dim3A_191, %scan3A_694 = %broadcast_in_dim3A_193, %scan3A_695 = %broadcast_in_dim3A_195) -> (vector<16xf32>, vector<16xf32>, vector<16xf32>, vector<16xf32>)  : i32 {
          %get3A = arith.index_cast %scan3A_691 : i32 to index
          %get3A_696 = arith.constant 0 : index
          %get3A_697 = tpu.vector_load %arg6[%get3A, %get3A_696] {strides = array<i32>} : memref<200x32xi32, #tpu.memory_space<vmem>>, vector<1x16xi32>,
          %get3A_698 = vector.shape_cast %get3A_697 : vector<1x16xi32> to vector<16xi32>
          %shift_left3A = arith.constant 16 : i32
          %shift_left3A_699 = vector.broadcast %shift_left3A : i32 to vector<16xi32>
          %shift_left3A_700 = arith.shli %get3A_698, %shift_left3A_699 : vector<16xi32>
          %bitcast_convert_type3A = tpu.bitcast %shift_left3A_700 : vector<16xi32> -> vector<16xf32>
          %add3A_701 = arith.addf %scan3A_692, %bitcast_convert_type3A : vector<16xf32>
          %and3A = vector.broadcast %scan3A : i32 to vector<16xi32>
          %and3A_702 = arith.andi %get3A_698, %and3A : vector<16xi32>
          %bitcast_convert_type3A_703 = tpu.bitcast %and3A_702 : vector<16xi32> -> vector<16xf32>
          %add3A_704 = arith.addf %scan3A_694, %bitcast_convert_type3A_703 : vector<16xf32>
          %get3A_705 = arith.index_cast %scan3A_691 : i32 to index
          %get3A_706 = arith.constant 16 : index
          %get3A_707 = tpu.vector_load %arg6[%get3A_705, %get3A_706] {strides = array<i32>} : memref<200x32xi32, #tpu.memory_space<vmem>>, vector<1x16xi32>,
          %get3A_708 = vector.shape_cast %get3A_707 : vector<1x16xi32> to vector<16xi32>
          %shift_left3A_709 = arith.constant 16 : i32
          %shift_left3A_710 = vector.broadcast %shift_left3A_709 : i32 to vector<16xi32>
          %shift_left3A_711 = arith.shli %get3A_708, %shift_left3A_710 : vector<16xi32>
          %bitcast_convert_type3A_712 = tpu.bitcast %shift_left3A_711 : vector<16xi32> -> vector<16xf32>
          %add3A_713 = arith.addf %scan3A_693, %bitcast_convert_type3A_712 : vector<16xf32>
          %and3A_714 = vector.broadcast %scan3A : i32 to vector<16xi32>
          %and3A_715 = arith.andi %get3A_708, %and3A_714 : vector<16xi32>
          %bitcast_convert_type3A_716 = tpu.bitcast %and3A_715 : vector<16xi32> -> vector<16xf32>
          %add3A_717 = arith.addf %scan3A_695, %bitcast_convert_type3A_716 : vector<16xf32>
          %scan3A_718 = arith.constant 1 : i32
          %scan3A_719 = arith.addi %scan3A_691, %scan3A_718 : i32
          %get3A_720 = arith.index_cast %scan3A_719 : i32 to index
          %get3A_721 = arith.constant 0 : index
          %get3A_722 = tpu.vector_load %arg6[%get3A_720, %get3A_721] {strides = array<i32>} : memref<200x32xi32, #tpu.memory_space<vmem>>, vector<1x16xi32>,
          %get3A_723 = vector.shape_cast %get3A_722 : vector<1x16xi32> to vector<16xi32>
          %shift_left3A_724 = arith.constant 16 : i32
          %shift_left3A_725 = vector.broadcast %shift_left3A_724 : i32 to vector<16xi32>
          %shift_left3A_726 = arith.shli %get3A_723, %shift_left3A_725 : vector<16xi32>
          %bitcast_convert_type3A_727 = tpu.bitcast %shift_left3A_726 : vector<16xi32> -> vector<16xf32>
          %add3A_728 = arith.addf %add3A_701, %bitcast_convert_type3A_727 : vector<16xf32>
          %and3A_729 = vector.broadcast %scan3A : i32 to vector<16xi32>
          %and3A_730 = arith.andi %get3A_723, %and3A_729 : vector<16xi32>
          %bitcast_convert_type3A_731 = tpu.bitcast %and3A_730 : vector<16xi32> -> vector<16xf32>
          %add3A_732 = arith.addf %add3A_704, %bitcast_convert_type3A_731 : vector<16xf32>
          %get3A_733 = arith.index_cast %scan3A_719 : i32 to index
          %get3A_734 = arith.constant 16 : index
          %get3A_735 = tpu.vector_load %arg6[%get3A_733, %get3A_734] {strides = array<i32>} : memref<200x32xi32, #tpu.memory_space<vmem>>, vector<1x16xi32>,
          %get3A_736 = vector.shape_cast %get3A_735 : vector<1x16xi32> to vector<16xi32>
          %shift_left3A_737 = arith.constant 16 : i32
          %shift_left3A_738 = vector.broadcast %shift_left3A_737 : i32 to vector<16xi32>
          %shift_left3A_739 = arith.shli %get3A_736, %shift_left3A_738 : vector<16xi32>
          %bitcast_convert_type3A_740 = tpu.bitcast %shift_left3A_739 : vector<16xi32> -> vector<16xf32>
          %add3A_741 = arith.addf %add3A_713, %bitcast_convert_type3A_740 : vector<16xf32>
          %and3A_742 = vector.broadcast %scan3A : i32 to vector<16xi32>
          %and3A_743 = arith.andi %get3A_736, %and3A_742 : vector<16xi32>
          %bitcast_convert_type3A_744 = tpu.bitcast %and3A_743 : vector<16xi32> -> vector<16xf32>
          %add3A_745 = arith.addf %add3A_717, %bitcast_convert_type3A_744 : vector<16xf32>
          %scan3A_746 = arith.constant 2 : i32
          %scan3A_747 = arith.addi %scan3A_691, %scan3A_746 : i32
          %get3A_748 = arith.index_cast %scan3A_747 : i32 to index
          %get3A_749 = arith.constant 0 : index
          %get3A_750 = tpu.vector_load %arg6[%get3A_748, %get3A_749] {strides = array<i32>} : memref<200x32xi32, #tpu.memory_space<vmem>>, vector<1x16xi32>,
          %get3A_751 = vector.shape_cast %get3A_750 : vector<1x16xi32> to vector<16xi32>
          %shift_left3A_752 = arith.constant 16 : i32
          %shift_left3A_753 = vector.broadcast %shift_left3A_752 : i32 to vector<16xi32>
          %shift_left3A_754 = arith.shli %get3A_751, %shift_left3A_753 : vector<16xi32>
          %bitcast_convert_type3A_755 = tpu.bitcast %shift_left3A_754 : vector<16xi32> -> vector<16xf32>
          %add3A_756 = arith.addf %add3A_728, %bitcast_convert_type3A_755 : vector<16xf32>
          %and3A_757 = vector.broadcast %scan3A : i32 to vector<16xi32>
          %and3A_758 = arith.andi %get3A_751, %and3A_757 : vector<16xi32>
          %bitcast_convert_type3A_759 = tpu.bitcast %and3A_758 : vector<16xi32> -> vector<16xf32>
          %add3A_760 = arith.addf %add3A_732, %bitcast_convert_type3A_759 : vector<16xf32>
          %get3A_761 = arith.index_cast %scan3A_747 : i32 to index
          %get3A_762 = arith.constant 16 : index
          %get3A_763 = tpu.vector_load %arg6[%get3A_761, %get3A_762] {strides = array<i32>} : memref<200x32xi32, #tpu.memory_space<vmem>>, vector<1x16xi32>,
          %get3A_764 = vector.shape_cast %get3A_763 : vector<1x16xi32> to vector<16xi32>
          %shift_left3A_765 = arith.constant 16 : i32
          %shift_left3A_766 = vector.broadcast %shift_left3A_765 : i32 to vector<16xi32>
          %shift_left3A_767 = arith.shli %get3A_764, %shift_left3A_766 : vector<16xi32>
          %bitcast_convert_type3A_768 = tpu.bitcast %shift_left3A_767 : vector<16xi32> -> vector<16xf32>
          %add3A_769 = arith.addf %add3A_741, %bitcast_convert_type3A_768 : vector<16xf32>
          %and3A_770 = vector.broadcast %scan3A : i32 to vector<16xi32>
          %and3A_771 = arith.andi %get3A_764, %and3A_770 : vector<16xi32>
          %bitcast_convert_type3A_772 = tpu.bitcast %and3A_771 : vector<16xi32> -> vector<16xf32>
          %add3A_773 = arith.addf %add3A_745, %bitcast_convert_type3A_772 : vector<16xf32>
          %scan3A_774 = arith.constant 3 : i32
          %scan3A_775 = arith.addi %scan3A_691, %scan3A_774 : i32
          %get3A_776 = arith.index_cast %scan3A_775 : i32 to index
          %get3A_777 = arith.constant 0 : index
          %get3A_778 = tpu.vector_load %arg6[%get3A_776, %get3A_777] {strides = array<i32>} : memref<200x32xi32, #tpu.memory_space<vmem>>, vector<1x16xi32>,
          %get3A_779 = vector.shape_cast %get3A_778 : vector<1x16xi32> to vector<16xi32>
          %shift_left3A_780 = arith.constant 16 : i32
          %shift_left3A_781 = vector.broadcast %shift_left3A_780 : i32 to vector<16xi32>
          %shift_left3A_782 = arith.shli %get3A_779, %shift_left3A_781 : vector<16xi32>
          %bitcast_convert_type3A_783 = tpu.bitcast %shift_left3A_782 : vector<16xi32> -> vector<16xf32>
          %add3A_784 = arith.addf %add3A_756, %bitcast_convert_type3A_783 : vector<16xf32>
          %and3A_785 = vector.broadcast %scan3A : i32 to vector<16xi32>
          %and3A_786 = arith.andi %get3A_779, %and3A_785 : vector<16xi32>
          %bitcast_convert_type3A_787 = tpu.bitcast %and3A_786 : vector<16xi32> -> vector<16xf32>
          %add3A_788 = arith.addf %add3A_760, %bitcast_convert_type3A_787 : vector<16xf32>
          %get3A_789 = arith.index_cast %scan3A_775 : i32 to index
          %get3A_790 = arith.constant 16 : index
          %get3A_791 = tpu.vector_load %arg6[%get3A_789, %get3A_790] {strides = array<i32>} : memref<200x32xi32, #tpu.memory_space<vmem>>, vector<1x16xi32>,
          %get3A_792 = vector.shape_cast %get3A_791 : vector<1x16xi32> to vector<16xi32>
          %shift_left3A_793 = arith.constant 16 : i32
          %shift_left3A_794 = vector.broadcast %shift_left3A_793 : i32 to vector<16xi32>
          %shift_left3A_795 = arith.shli %get3A_792, %shift_left3A_794 : vector<16xi32>
          %bitcast_convert_type3A_796 = tpu.bitcast %shift_left3A_795 : vector<16xi32> -> vector<16xf32>
          %add3A_797 = arith.addf %add3A_769, %bitcast_convert_type3A_796 : vector<16xf32>
          %and3A_798 = vector.broadcast %scan3A : i32 to vector<16xi32>
          %and3A_799 = arith.andi %get3A_792, %and3A_798 : vector<16xi32>
          %bitcast_convert_type3A_800 = tpu.bitcast %and3A_799 : vector<16xi32> -> vector<16xf32>
          %add3A_801 = arith.addf %add3A_773, %bitcast_convert_type3A_800 : vector<16xf32>
          %scan3A_802 = arith.constant 4 : i32
          %scan3A_803 = arith.addi %scan3A_691, %scan3A_802 : i32
          %get3A_804 = arith.index_cast %scan3A_803 : i32 to index
          %get3A_805 = arith.constant 0 : index
          %get3A_806 = tpu.vector_load %arg6[%get3A_804, %get3A_805] {strides = array<i32>} : memref<200x32xi32, #tpu.memory_space<vmem>>, vector<1x16xi32>,
          %get3A_807 = vector.shape_cast %get3A_806 : vector<1x16xi32> to vector<16xi32>
          %shift_left3A_808 = arith.constant 16 : i32
          %shift_left3A_809 = vector.broadcast %shift_left3A_808 : i32 to vector<16xi32>
          %shift_left3A_810 = arith.shli %get3A_807, %shift_left3A_809 : vector<16xi32>
          %bitcast_convert_type3A_811 = tpu.bitcast %shift_left3A_810 : vector<16xi32> -> vector<16xf32>
          %add3A_812 = arith.addf %add3A_784, %bitcast_convert_type3A_811 : vector<16xf32>
          %and3A_813 = vector.broadcast %scan3A : i32 to vector<16xi32>
          %and3A_814 = arith.andi %get3A_807, %and3A_813 : vector<16xi32>
          %bitcast_convert_type3A_815 = tpu.bitcast %and3A_814 : vector<16xi32> -> vector<16xf32>
          %add3A_816 = arith.addf %add3A_788, %bitcast_convert_type3A_815 : vector<16xf32>
          %get3A_817 = arith.index_cast %scan3A_803 : i32 to index
          %get3A_818 = arith.constant 16 : index
          %get3A_819 = tpu.vector_load %arg6[%get3A_817, %get3A_818] {strides = array<i32>} : memref<200x32xi32, #tpu.memory_space<vmem>>, vector<1x16xi32>,
          %get3A_820 = vector.shape_cast %get3A_819 : vector<1x16xi32> to vector<16xi32>
          %shift_left3A_821 = arith.constant 16 : i32
          %shift_left3A_822 = vector.broadcast %shift_left3A_821 : i32 to vector<16xi32>
          %shift_left3A_823 = arith.shli %get3A_820, %shift_left3A_822 : vector<16xi32>
          %bitcast_convert_type3A_824 = tpu.bitcast %shift_left3A_823 : vector<16xi32> -> vector<16xf32>
          %add3A_825 = arith.addf %add3A_797, %bitcast_convert_type3A_824 : vector<16xf32>
          %and3A_826 = vector.broadcast %scan3A : i32 to vector<16xi32>
          %and3A_827 = arith.andi %get3A_820, %and3A_826 : vector<16xi32>
          %bitcast_convert_type3A_828 = tpu.bitcast %and3A_827 : vector<16xi32> -> vector<16xf32>
          %add3A_829 = arith.addf %add3A_801, %bitcast_convert_type3A_828 : vector<16xf32>
          %scan3A_830 = arith.constant 5 : i32
          %scan3A_831 = arith.addi %scan3A_691, %scan3A_830 : i32
          %get3A_832 = arith.index_cast %scan3A_831 : i32 to index
          %get3A_833 = arith.constant 0 : index
          %get3A_834 = tpu.vector_load %arg6[%get3A_832, %get3A_833] {strides = array<i32>} : memref<200x32xi32, #tpu.memory_space<vmem>>, vector<1x16xi32>,
          %get3A_835 = vector.shape_cast %get3A_834 : vector<1x16xi32> to vector<16xi32>
          %shift_left3A_836 = arith.constant 16 : i32
          %shift_left3A_837 = vector.broadcast %shift_left3A_836 : i32 to vector<16xi32>
          %shift_left3A_838 = arith.shli %get3A_835, %shift_left3A_837 : vector<16xi32>
          %bitcast_convert_type3A_839 = tpu.bitcast %shift_left3A_838 : vector<16xi32> -> vector<16xf32>
          %add3A_840 = arith.addf %add3A_812, %bitcast_convert_type3A_839 : vector<16xf32>
          %and3A_841 = vector.broadcast %scan3A : i32 to vector<16xi32>
          %and3A_842 = arith.andi %get3A_835, %and3A_841 : vector<16xi32>
          %bitcast_convert_type3A_843 = tpu.bitcast %and3A_842 : vector<16xi32> -> vector<16xf32>
          %add3A_844 = arith.addf %add3A_816, %bitcast_convert_type3A_843 : vector<16xf32>
          %get3A_845 = arith.index_cast %scan3A_831 : i32 to index
          %get3A_846 = arith.constant 16 : index
          %get3A_847 = tpu.vector_load %arg6[%get3A_845, %get3A_846] {strides = array<i32>} : memref<200x32xi32, #tpu.memory_space<vmem>>, vector<1x16xi32>,
          %get3A_848 = vector.shape_cast %get3A_847 : vector<1x16xi32> to vector<16xi32>
          %shift_left3A_849 = arith.constant 16 : i32
          %shift_left3A_850 = vector.broadcast %shift_left3A_849 : i32 to vector<16xi32>
          %shift_left3A_851 = arith.shli %get3A_848, %shift_left3A_850 : vector<16xi32>
          %bitcast_convert_type3A_852 = tpu.bitcast %shift_left3A_851 : vector<16xi32> -> vector<16xf32>
          %add3A_853 = arith.addf %add3A_825, %bitcast_convert_type3A_852 : vector<16xf32>
          %and3A_854 = vector.broadcast %scan3A : i32 to vector<16xi32>
          %and3A_855 = arith.andi %get3A_848, %and3A_854 : vector<16xi32>
          %bitcast_convert_type3A_856 = tpu.bitcast %and3A_855 : vector<16xi32> -> vector<16xf32>
          %add3A_857 = arith.addf %add3A_829, %bitcast_convert_type3A_856 : vector<16xf32>
          %scan3A_858 = arith.constant 6 : i32
          %scan3A_859 = arith.addi %scan3A_691, %scan3A_858 : i32
          %get3A_860 = arith.index_cast %scan3A_859 : i32 to index
          %get3A_861 = arith.constant 0 : index
          %get3A_862 = tpu.vector_load %arg6[%get3A_860, %get3A_861] {strides = array<i32>} : memref<200x32xi32, #tpu.memory_space<vmem>>, vector<1x16xi32>,
          %get3A_863 = vector.shape_cast %get3A_862 : vector<1x16xi32> to vector<16xi32>
          %shift_left3A_864 = arith.constant 16 : i32
          %shift_left3A_865 = vector.broadcast %shift_left3A_864 : i32 to vector<16xi32>
          %shift_left3A_866 = arith.shli %get3A_863, %shift_left3A_865 : vector<16xi32>
          %bitcast_convert_type3A_867 = tpu.bitcast %shift_left3A_866 : vector<16xi32> -> vector<16xf32>
          %add3A_868 = arith.addf %add3A_840, %bitcast_convert_type3A_867 : vector<16xf32>
          %and3A_869 = vector.broadcast %scan3A : i32 to vector<16xi32>
          %and3A_870 = arith.andi %get3A_863, %and3A_869 : vector<16xi32>
          %bitcast_convert_type3A_871 = tpu.bitcast %and3A_870 : vector<16xi32> -> vector<16xf32>
          %add3A_872 = arith.addf %add3A_844, %bitcast_convert_type3A_871 : vector<16xf32>
          %get3A_873 = arith.index_cast %scan3A_859 : i32 to index
          %get3A_874 = arith.constant 16 : index
          %get3A_875 = tpu.vector_load %arg6[%get3A_873, %get3A_874] {strides = array<i32>} : memref<200x32xi32, #tpu.memory_space<vmem>>, vector<1x16xi32>,
          %get3A_876 = vector.shape_cast %get3A_875 : vector<1x16xi32> to vector<16xi32>
          %shift_left3A_877 = arith.constant 16 : i32
          %shift_left3A_878 = vector.broadcast %shift_left3A_877 : i32 to vector<16xi32>
          %shift_left3A_879 = arith.shli %get3A_876, %shift_left3A_878 : vector<16xi32>
          %bitcast_convert_type3A_880 = tpu.bitcast %shift_left3A_879 : vector<16xi32> -> vector<16xf32>
          %add3A_881 = arith.addf %add3A_853, %bitcast_convert_type3A_880 : vector<16xf32>
          %and3A_882 = vector.broadcast %scan3A : i32 to vector<16xi32>
          %and3A_883 = arith.andi %get3A_876, %and3A_882 : vector<16xi32>
          %bitcast_convert_type3A_884 = tpu.bitcast %and3A_883 : vector<16xi32> -> vector<16xf32>
          %add3A_885 = arith.addf %add3A_857, %bitcast_convert_type3A_884 : vector<16xf32>
          %scan3A_886 = arith.constant 7 : i32
          %scan3A_887 = arith.addi %scan3A_691, %scan3A_886 : i32
          %get3A_888 = arith.index_cast %scan3A_887 : i32 to index
          %get3A_889 = arith.constant 0 : index
          %get3A_890 = tpu.vector_load %arg6[%get3A_888, %get3A_889] {strides = array<i32>} : memref<200x32xi32, #tpu.memory_space<vmem>>, vector<1x16xi32>,
          %get3A_891 = vector.shape_cast %get3A_890 : vector<1x16xi32> to vector<16xi32>
          %shift_left3A_892 = arith.constant 16 : i32
          %shift_left3A_893 = vector.broadcast %shift_left3A_892 : i32 to vector<16xi32>
          %shift_left3A_894 = arith.shli %get3A_891, %shift_left3A_893 : vector<16xi32>
          %bitcast_convert_type3A_895 = tpu.bitcast %shift_left3A_894 : vector<16xi32> -> vector<16xf32>
          %add3A_896 = arith.addf %add3A_868, %bitcast_convert_type3A_895 : vector<16xf32>
          %and3A_897 = vector.broadcast %scan3A : i32 to vector<16xi32>
          %and3A_898 = arith.andi %get3A_891, %and3A_897 : vector<16xi32>
          %bitcast_convert_type3A_899 = tpu.bitcast %and3A_898 : vector<16xi32> -> vector<16xf32>
          %add3A_900 = arith.addf %add3A_872, %bitcast_convert_type3A_899 : vector<16xf32>
          %get3A_901 = arith.index_cast %scan3A_887 : i32 to index
          %get3A_902 = arith.constant 16 : index
          %get3A_903 = tpu.vector_load %arg6[%get3A_901, %get3A_902] {strides = array<i32>} : memref<200x32xi32, #tpu.memory_space<vmem>>, vector<1x16xi32>,
          %get3A_904 = vector.shape_cast %get3A_903 : vector<1x16xi32> to vector<16xi32>
          %shift_left3A_905 = arith.constant 16 : i32
          %shift_left3A_906 = vector.broadcast %shift_left3A_905 : i32 to vector<16xi32>
          %shift_left3A_907 = arith.shli %get3A_904, %shift_left3A_906 : vector<16xi32>
          %bitcast_convert_type3A_908 = tpu.bitcast %shift_left3A_907 : vector<16xi32> -> vector<16xf32>
          %add3A_909 = arith.addf %add3A_881, %bitcast_convert_type3A_908 : vector<16xf32>
          %and3A_910 = vector.broadcast %scan3A : i32 to vector<16xi32>
          %and3A_911 = arith.andi %get3A_904, %and3A_910 : vector<16xi32>
          %bitcast_convert_type3A_912 = tpu.bitcast %and3A_911 : vector<16xi32> -> vector<16xf32>
          %add3A_913 = arith.addf %add3A_885, %bitcast_convert_type3A_912 : vector<16xf32>
          %scan3A_914 = arith.constant 8 : i32
          %scan3A_915 = arith.addi %scan3A_691, %scan3A_914 : i32
          %get3A_916 = arith.index_cast %scan3A_915 : i32 to index
          %get3A_917 = arith.constant 0 : index
          %get3A_918 = tpu.vector_load %arg6[%get3A_916, %get3A_917] {strides = array<i32>} : memref<200x32xi32, #tpu.memory_space<vmem>>, vector<1x16xi32>,
          %get3A_919 = vector.shape_cast %get3A_918 : vector<1x16xi32> to vector<16xi32>
          %shift_left3A_920 = arith.constant 16 : i32
          %shift_left3A_921 = vector.broadcast %shift_left3A_920 : i32 to vector<16xi32>
          %shift_left3A_922 = arith.shli %get3A_919, %shift_left3A_921 : vector<16xi32>
          %bitcast_convert_type3A_923 = tpu.bitcast %shift_left3A_922 : vector<16xi32> -> vector<16xf32>
          %add3A_924 = arith.addf %add3A_896, %bitcast_convert_type3A_923 : vector<16xf32>
          %and3A_925 = vector.broadcast %scan3A : i32 to vector<16xi32>
          %and3A_926 = arith.andi %get3A_919, %and3A_925 : vector<16xi32>
          %bitcast_convert_type3A_927 = tpu.bitcast %and3A_926 : vector<16xi32> -> vector<16xf32>
          %add3A_928 = arith.addf %add3A_900, %bitcast_convert_type3A_927 : vector<16xf32>
          %get3A_929 = arith.index_cast %scan3A_915 : i32 to index
          %get3A_930 = arith.constant 16 : index
          %get3A_931 = tpu.vector_load %arg6[%get3A_929, %get3A_930] {strides = array<i32>} : memref<200x32xi32, #tpu.memory_space<vmem>>, vector<1x16xi32>,
          %get3A_932 = vector.shape_cast %get3A_931 : vector<1x16xi32> to vector<16xi32>
          %shift_left3A_933 = arith.constant 16 : i32
          %shift_left3A_934 = vector.broadcast %shift_left3A_933 : i32 to vector<16xi32>
          %shift_left3A_935 = arith.shli %get3A_932, %shift_left3A_934 : vector<16xi32>
          %bitcast_convert_type3A_936 = tpu.bitcast %shift_left3A_935 : vector<16xi32> -> vector<16xf32>
          %add3A_937 = arith.addf %add3A_909, %bitcast_convert_type3A_936 : vector<16xf32>
          %and3A_938 = vector.broadcast %scan3A : i32 to vector<16xi32>
          %and3A_939 = arith.andi %get3A_932, %and3A_938 : vector<16xi32>
          %bitcast_convert_type3A_940 = tpu.bitcast %and3A_939 : vector<16xi32> -> vector<16xf32>
          %add3A_941 = arith.addf %add3A_913, %bitcast_convert_type3A_940 : vector<16xf32>
          %scan3A_942 = arith.constant 9 : i32
          %scan3A_943 = arith.addi %scan3A_691, %scan3A_942 : i32
          %get3A_944 = arith.index_cast %scan3A_943 : i32 to index
          %get3A_945 = arith.constant 0 : index
          %get3A_946 = tpu.vector_load %arg6[%get3A_944, %get3A_945] {strides = array<i32>} : memref<200x32xi32, #tpu.memory_space<vmem>>, vector<1x16xi32>,
          %get3A_947 = vector.shape_cast %get3A_946 : vector<1x16xi32> to vector<16xi32>
          %shift_left3A_948 = arith.constant 16 : i32
          %shift_left3A_949 = vector.broadcast %shift_left3A_948 : i32 to vector<16xi32>
          %shift_left3A_950 = arith.shli %get3A_947, %shift_left3A_949 : vector<16xi32>
          %bitcast_convert_type3A_951 = tpu.bitcast %shift_left3A_950 : vector<16xi32> -> vector<16xf32>
          %add3A_952 = arith.addf %add3A_924, %bitcast_convert_type3A_951 : vector<16xf32>
          %and3A_953 = vector.broadcast %scan3A : i32 to vector<16xi32>
          %and3A_954 = arith.andi %get3A_947, %and3A_953 : vector<16xi32>
          %bitcast_convert_type3A_955 = tpu.bitcast %and3A_954 : vector<16xi32> -> vector<16xf32>
          %add3A_956 = arith.addf %add3A_928, %bitcast_convert_type3A_955 : vector<16xf32>
          %get3A_957 = arith.index_cast %scan3A_943 : i32 to index
          %get3A_958 = arith.constant 16 : index
          %get3A_959 = tpu.vector_load %arg6[%get3A_957, %get3A_958] {strides = array<i32>} : memref<200x32xi32, #tpu.memory_space<vmem>>, vector<1x16xi32>,
          %get3A_960 = vector.shape_cast %get3A_959 : vector<1x16xi32> to vector<16xi32>
          %shift_left3A_961 = arith.constant 16 : i32
          %shift_left3A_962 = vector.broadcast %shift_left3A_961 : i32 to vector<16xi32>
          %shift_left3A_963 = arith.shli %get3A_960, %shift_left3A_962 : vector<16xi32>
          %bitcast_convert_type3A_964 = tpu.bitcast %shift_left3A_963 : vector<16xi32> -> vector<16xf32>
          %add3A_965 = arith.addf %add3A_937, %bitcast_convert_type3A_964 : vector<16xf32>
          %and3A_966 = vector.broadcast %scan3A : i32 to vector<16xi32>
          %and3A_967 = arith.andi %get3A_960, %and3A_966 : vector<16xi32>
          %bitcast_convert_type3A_968 = tpu.bitcast %and3A_967 : vector<16xi32> -> vector<16xf32>
          %add3A_969 = arith.addf %add3A_941, %bitcast_convert_type3A_968 : vector<16xf32>
          scf.yield %add3A_952, %add3A_965, %add3A_956, %add3A_969 : vector<16xf32>, vector<16xf32>, vector<16xf32>, vector<16xf32>
        }
        %scan3A_201 = arith.constant 200 : i32
        %swap3A = arith.index_cast %add3A_188 : i32 to index
        %swap3A_202 = arith.constant 0 : index
        %swap3A_203 = tpu.vector_load %arg14[%swap3A, %swap3A_202] {strides = array<i32>} : memref<512x64xf32, #tpu.memory_space<vmem>>, vector<1x16xf32>,
        %swap3A_204 = vector.shape_cast %swap3A_203 : vector<1x16xf32> to vector<16xf32>
        %swap3A_205 = vector.shape_cast %scan3A_200#0 : vector<16xf32> to vector<1x16xf32>
        tpu.vector_store %arg14[%swap3A, %swap3A_202], %swap3A_205 {strides = array<i32>} : memref<512x64xf32, #tpu.memory_space<vmem>>, vector<1x16xf32>,
        %swap3A_206 = arith.index_cast %add3A_188 : i32 to index
        %swap3A_207 = arith.constant 16 : index
        %swap3A_208 = tpu.vector_load %arg14[%swap3A_206, %swap3A_207] {strides = array<i32>} : memref<512x64xf32, #tpu.memory_space<vmem>>, vector<1x16xf32>,
        %swap3A_209 = vector.shape_cast %swap3A_208 : vector<1x16xf32> to vector<16xf32>
        %swap3A_210 = vector.shape_cast %scan3A_200#1 : vector<16xf32> to vector<1x16xf32>
        tpu.vector_store %arg14[%swap3A_206, %swap3A_207], %swap3A_210 {strides = array<i32>} : memref<512x64xf32, #tpu.memory_space<vmem>>, vector<1x16xf32>,
        %swap3A_211 = arith.index_cast %add3A_188 : i32 to index
        %swap3A_212 = arith.constant 32 : index
        %swap3A_213 = tpu.vector_load %arg14[%swap3A_211, %swap3A_212] {strides = array<i32>} : memref<512x64xf32, #tpu.memory_space<vmem>>, vector<1x16xf32>,
        %swap3A_214 = vector.shape_cast %swap3A_213 : vector<1x16xf32> to vector<16xf32>
        %swap3A_215 = vector.shape_cast %scan3A_200#2 : vector<16xf32> to vector<1x16xf32>
        tpu.vector_store %arg14[%swap3A_211, %swap3A_212], %swap3A_215 {strides = array<i32>} : memref<512x64xf32, #tpu.memory_space<vmem>>, vector<1x16xf32>,
        %swap3A_216 = arith.index_cast %add3A_188 : i32 to index
        %swap3A_217 = arith.constant 48 : index
        %swap3A_218 = tpu.vector_load %arg14[%swap3A_216, %swap3A_217] {strides = array<i32>} : memref<512x64xf32, #tpu.memory_space<vmem>>, vector<1x16xf32>,
        %swap3A_219 = vector.shape_cast %swap3A_218 : vector<1x16xf32> to vector<16xf32>
        %swap3A_220 = vector.shape_cast %scan3A_200#3 : vector<16xf32> to vector<1x16xf32>
        tpu.vector_store %arg14[%swap3A_216, %swap3A_217], %swap3A_220 {strides = array<i32>} : memref<512x64xf32, #tpu.memory_space<vmem>>, vector<1x16xf32>,
        %mul3A_221 = arith.constant 8 : i32
        %mul3A_222 = arith.muli %scan3A_159, %mul3A_221 : i32
        %add3A_223 = arith.constant 1 : i32
        %add3A_224 = arith.addi %mul3A_222, %add3A_223 : i32
        %mul3A_225 = arith.constant 200 : i32
        %mul3A_226 = arith.muli %add3A_224, %mul3A_225 : i32
        %multiple_of3A_227 = tpu.assume_multiple %mul3A_226, 8 : i32
        %dma_wait3A_228 = arith.constant 0 : i32
        %dma_wait3A_229 = arith.constant 0 : i32
        %dma_wait3A_230 = tpu.memref_slice %arg7[%dma_wait3A_228, %dma_wait3A_229] : memref<200x32xi32, #tpu.memory_space<vmem>> -> memref<96x32xi32, #tpu.memory_space<vmem>>
        %dma_wait3A_231 = tpu.memref_slice %arg5[%multiple_of3A_227] : memref<12800xi32, #tpu.memory_space<vmem>> -> memref<96xi32, #tpu.memory_space<vmem>>
        %dma_wait3A_232 = arith.constant 0 : i32
        %dma_wait3A_233 = arith.constant 0 : i32
        %dma_wait3A_234 = tpu.memref_slice %arg3[%dma_wait3A_232, %dma_wait3A_233] : memref<1015808x32xi32, #tpu.memory_space<hbm>> -> memref<1015808x32xi32, #tpu.memory_space<hbm>>
        tpu.wait_indirect_dma semaphore(%arg16 : memref<!tpu.dma_semaphore, #tpu.memory_space<semaphore_mem>>) src(%dma_wait3A_234 : memref<1015808x32xi32, #tpu.memory_space<hbm>>) dst(%dma_wait3A_230 : memref<96x32xi32, #tpu.memory_space<vmem>>)
        %add3A_235 = arith.constant 96 : i32
        %add3A_236 = arith.addi %multiple_of3A_227, %add3A_235 : i32
        %dma_wait3A_237 = arith.constant 96 : i32
        %dma_wait3A_238 = arith.constant 0 : i32
        %dma_wait3A_239 = tpu.memref_slice %arg7[%dma_wait3A_237, %dma_wait3A_238] : memref<200x32xi32, #tpu.memory_space<vmem>> -> memref<104x32xi32, #tpu.memory_space<vmem>>
        %dma_wait3A_240 = tpu.memref_slice %arg5[%add3A_236] : memref<12800xi32, #tpu.memory_space<vmem>> -> memref<104xi32, #tpu.memory_space<vmem>>
        %dma_wait3A_241 = arith.constant 0 : i32
        %dma_wait3A_242 = arith.constant 0 : i32
        %dma_wait3A_243 = tpu.memref_slice %arg3[%dma_wait3A_241, %dma_wait3A_242] : memref<1015808x32xi32, #tpu.memory_space<hbm>> -> memref<1015808x32xi32, #tpu.memory_space<hbm>>
        tpu.wait_indirect_dma semaphore(%arg16 : memref<!tpu.dma_semaphore, #tpu.memory_space<semaphore_mem>>) src(%dma_wait3A_243 : memref<1015808x32xi32, #tpu.memory_space<hbm>>) dst(%dma_wait3A_239 : memref<104x32xi32, #tpu.memory_space<vmem>>)
        %add3A_244 = arith.constant 8 : i32
        %add3A_245 = arith.addi %add3A_224, %add3A_244 : i32
        %sub3A_246 = arith.constant 1 : i32
        %sub3A_247 = arith.subi %add3A_245, %sub3A_246 : i32
        %lt3A_248 = arith.constant 64 : i32
        %lt3A_249 = arith.cmpi slt, %sub3A_247, %lt3A_248 : i32
        %convert_element_type3A_250 = arith.extui %lt3A_249 : i1 to i32
        %cond3A_251 = arith.constant 0 : i32
        %cond3A_252 = arith.cmpi ne, %convert_element_type3A_250, %cond3A_251 : i32
        scf.if %cond3A_252 {
          %add3A_691 = arith.constant 8 : i32
          %add3A_692 = arith.addi %add3A_224, %add3A_691 : i32
          %sub3A_693 = arith.constant 1 : i32
          %sub3A_694 = arith.subi %add3A_692, %sub3A_693 : i32
          %mul3A_695 = arith.constant 200 : i32
          %mul3A_696 = arith.muli %sub3A_694, %mul3A_695 : i32
          %multiple_of3A_697 = tpu.assume_multiple %mul3A_696, 8 : i32
          %dma_start3A_698 = arith.constant 0 : i32
          %dma_start3A_699 = arith.constant 0 : i32
          %dma_start3A_700 = tpu.memref_slice %arg6[%dma_start3A_698, %dma_start3A_699] : memref<200x32xi32, #tpu.memory_space<vmem>> -> memref<96x32xi32, #tpu.memory_space<vmem>>
          %dma_start3A_701 = tpu.memref_slice %arg5[%multiple_of3A_697] : memref<12800xi32, #tpu.memory_space<vmem>> -> memref<96xi32, #tpu.memory_space<vmem>>
          %dma_start3A_702 = arith.constant 0 : i32
          %dma_start3A_703 = arith.constant 0 : i32
          %dma_start3A_704 = tpu.memref_slice %arg3[%dma_start3A_702, %dma_start3A_703] : memref<1015808x32xi32, #tpu.memory_space<hbm>> -> memref<1015808x32xi32, #tpu.memory_space<hbm>>
          tpu.enqueue_indirect_dma source(%dma_start3A_704 : memref<1015808x32xi32, #tpu.memory_space<hbm>>) target(%dma_start3A_700 : memref<96x32xi32, #tpu.memory_space<vmem>>) offsets(%dma_start3A_701 : memref<96xi32, #tpu.memory_space<vmem>>) semaphore(%arg15 : memref<!tpu.dma_semaphore, #tpu.memory_space<semaphore_mem>>)
          %add3A_705 = arith.constant 96 : i32
          %add3A_706 = arith.addi %multiple_of3A_697, %add3A_705 : i32
          %dma_start3A_707 = arith.constant 96 : i32
          %dma_start3A_708 = arith.constant 0 : i32
          %dma_start3A_709 = tpu.memref_slice %arg6[%dma_start3A_707, %dma_start3A_708] : memref<200x32xi32, #tpu.memory_space<vmem>> -> memref<104x32xi32, #tpu.memory_space<vmem>>
          %dma_start3A_710 = tpu.memref_slice %arg5[%add3A_706] : memref<12800xi32, #tpu.memory_space<vmem>> -> memref<104xi32, #tpu.memory_space<vmem>>
          %dma_start3A_711 = arith.constant 0 : i32
          %dma_start3A_712 = arith.constant 0 : i32
          %dma_start3A_713 = tpu.memref_slice %arg3[%dma_start3A_711, %dma_start3A_712] : memref<1015808x32xi32, #tpu.memory_space<hbm>> -> memref<1015808x32xi32, #tpu.memory_space<hbm>>
          tpu.enqueue_indirect_dma source(%dma_start3A_713 : memref<1015808x32xi32, #tpu.memory_space<hbm>>) target(%dma_start3A_709 : memref<104x32xi32, #tpu.memory_space<vmem>>) offsets(%dma_start3A_710 : memref<104xi32, #tpu.memory_space<vmem>>) semaphore(%arg15 : memref<!tpu.dma_semaphore, #tpu.memory_space<semaphore_mem>>)
        } else {
        }
        %add3A_253 = arith.addi %mul3A_25, %add3A_224 : i32
        %broadcast_in_dim3A_254 = arith.constant 0.000000e+00 : f32
        %broadcast_in_dim3A_255 = vector.broadcast %broadcast_in_dim3A_254 : f32 to vector<16xf32>
        %broadcast_in_dim3A_256 = arith.constant 0.000000e+00 : f32
        %broadcast_in_dim3A_257 = vector.broadcast %broadcast_in_dim3A_256 : f32 to vector<16xf32>
        %broadcast_in_dim3A_258 = arith.constant 0.000000e+00 : f32
        %broadcast_in_dim3A_259 = vector.broadcast %broadcast_in_dim3A_258 : f32 to vector<16xf32>
        %broadcast_in_dim3A_260 = arith.constant 0.000000e+00 : f32
        %broadcast_in_dim3A_261 = vector.broadcast %broadcast_in_dim3A_260 : f32 to vector<16xf32>
        %scan3A_262 = arith.constant 0 : i32
        %scan3A_263 = arith.constant 200 : i32
        %scan3A_264 = arith.addi %scan3A_262, %scan3A_263 : i32
        %scan3A_265 = arith.constant 10 : i32
        %scan3A_266:4 = scf.for %scan3A_691 = %scan3A_262 to %scan3A_264 step %scan3A_265 iter_args(%scan3A_692 = %broadcast_in_dim3A_255, %scan3A_693 = %broadcast_in_dim3A_257, %scan3A_694 = %broadcast_in_dim3A_259, %scan3A_695 = %broadcast_in_dim3A_261) -> (vector<16xf32>, vector<16xf32>, vector<16xf32>, vector<16xf32>)  : i32 {
          %get3A = arith.index_cast %scan3A_691 : i32 to index
          %get3A_696 = arith.constant 0 : index
          %get3A_697 = tpu.vector_load %arg7[%get3A, %get3A_696] {strides = array<i32>} : memref<200x32xi32, #tpu.memory_space<vmem>>, vector<1x16xi32>,
          %get3A_698 = vector.shape_cast %get3A_697 : vector<1x16xi32> to vector<16xi32>
          %shift_left3A = arith.constant 16 : i32
          %shift_left3A_699 = vector.broadcast %shift_left3A : i32 to vector<16xi32>
          %shift_left3A_700 = arith.shli %get3A_698, %shift_left3A_699 : vector<16xi32>
          %bitcast_convert_type3A = tpu.bitcast %shift_left3A_700 : vector<16xi32> -> vector<16xf32>
          %add3A_701 = arith.addf %scan3A_692, %bitcast_convert_type3A : vector<16xf32>
          %and3A = vector.broadcast %scan3A : i32 to vector<16xi32>
          %and3A_702 = arith.andi %get3A_698, %and3A : vector<16xi32>
          %bitcast_convert_type3A_703 = tpu.bitcast %and3A_702 : vector<16xi32> -> vector<16xf32>
          %add3A_704 = arith.addf %scan3A_694, %bitcast_convert_type3A_703 : vector<16xf32>
          %get3A_705 = arith.index_cast %scan3A_691 : i32 to index
          %get3A_706 = arith.constant 16 : index
          %get3A_707 = tpu.vector_load %arg7[%get3A_705, %get3A_706] {strides = array<i32>} : memref<200x32xi32, #tpu.memory_space<vmem>>, vector<1x16xi32>,
          %get3A_708 = vector.shape_cast %get3A_707 : vector<1x16xi32> to vector<16xi32>
          %shift_left3A_709 = arith.constant 16 : i32
          %shift_left3A_710 = vector.broadcast %shift_left3A_709 : i32 to vector<16xi32>
          %shift_left3A_711 = arith.shli %get3A_708, %shift_left3A_710 : vector<16xi32>
          %bitcast_convert_type3A_712 = tpu.bitcast %shift_left3A_711 : vector<16xi32> -> vector<16xf32>
          %add3A_713 = arith.addf %scan3A_693, %bitcast_convert_type3A_712 : vector<16xf32>
          %and3A_714 = vector.broadcast %scan3A : i32 to vector<16xi32>
          %and3A_715 = arith.andi %get3A_708, %and3A_714 : vector<16xi32>
          %bitcast_convert_type3A_716 = tpu.bitcast %and3A_715 : vector<16xi32> -> vector<16xf32>
          %add3A_717 = arith.addf %scan3A_695, %bitcast_convert_type3A_716 : vector<16xf32>
          %scan3A_718 = arith.constant 1 : i32
          %scan3A_719 = arith.addi %scan3A_691, %scan3A_718 : i32
          %get3A_720 = arith.index_cast %scan3A_719 : i32 to index
          %get3A_721 = arith.constant 0 : index
          %get3A_722 = tpu.vector_load %arg7[%get3A_720, %get3A_721] {strides = array<i32>} : memref<200x32xi32, #tpu.memory_space<vmem>>, vector<1x16xi32>,
          %get3A_723 = vector.shape_cast %get3A_722 : vector<1x16xi32> to vector<16xi32>
          %shift_left3A_724 = arith.constant 16 : i32
          %shift_left3A_725 = vector.broadcast %shift_left3A_724 : i32 to vector<16xi32>
          %shift_left3A_726 = arith.shli %get3A_723, %shift_left3A_725 : vector<16xi32>
          %bitcast_convert_type3A_727 = tpu.bitcast %shift_left3A_726 : vector<16xi32> -> vector<16xf32>
          %add3A_728 = arith.addf %add3A_701, %bitcast_convert_type3A_727 : vector<16xf32>
          %and3A_729 = vector.broadcast %scan3A : i32 to vector<16xi32>
          %and3A_730 = arith.andi %get3A_723, %and3A_729 : vector<16xi32>
          %bitcast_convert_type3A_731 = tpu.bitcast %and3A_730 : vector<16xi32> -> vector<16xf32>
          %add3A_732 = arith.addf %add3A_704, %bitcast_convert_type3A_731 : vector<16xf32>
          %get3A_733 = arith.index_cast %scan3A_719 : i32 to index
          %get3A_734 = arith.constant 16 : index
          %get3A_735 = tpu.vector_load %arg7[%get3A_733, %get3A_734] {strides = array<i32>} : memref<200x32xi32, #tpu.memory_space<vmem>>, vector<1x16xi32>,
          %get3A_736 = vector.shape_cast %get3A_735 : vector<1x16xi32> to vector<16xi32>
          %shift_left3A_737 = arith.constant 16 : i32
          %shift_left3A_738 = vector.broadcast %shift_left3A_737 : i32 to vector<16xi32>
          %shift_left3A_739 = arith.shli %get3A_736, %shift_left3A_738 : vector<16xi32>
          %bitcast_convert_type3A_740 = tpu.bitcast %shift_left3A_739 : vector<16xi32> -> vector<16xf32>
          %add3A_741 = arith.addf %add3A_713, %bitcast_convert_type3A_740 : vector<16xf32>
          %and3A_742 = vector.broadcast %scan3A : i32 to vector<16xi32>
          %and3A_743 = arith.andi %get3A_736, %and3A_742 : vector<16xi32>
          %bitcast_convert_type3A_744 = tpu.bitcast %and3A_743 : vector<16xi32> -> vector<16xf32>
          %add3A_745 = arith.addf %add3A_717, %bitcast_convert_type3A_744 : vector<16xf32>
          %scan3A_746 = arith.constant 2 : i32
          %scan3A_747 = arith.addi %scan3A_691, %scan3A_746 : i32
          %get3A_748 = arith.index_cast %scan3A_747 : i32 to index
          %get3A_749 = arith.constant 0 : index
          %get3A_750 = tpu.vector_load %arg7[%get3A_748, %get3A_749] {strides = array<i32>} : memref<200x32xi32, #tpu.memory_space<vmem>>, vector<1x16xi32>,
          %get3A_751 = vector.shape_cast %get3A_750 : vector<1x16xi32> to vector<16xi32>
          %shift_left3A_752 = arith.constant 16 : i32
          %shift_left3A_753 = vector.broadcast %shift_left3A_752 : i32 to vector<16xi32>
          %shift_left3A_754 = arith.shli %get3A_751, %shift_left3A_753 : vector<16xi32>
          %bitcast_convert_type3A_755 = tpu.bitcast %shift_left3A_754 : vector<16xi32> -> vector<16xf32>
          %add3A_756 = arith.addf %add3A_728, %bitcast_convert_type3A_755 : vector<16xf32>
          %and3A_757 = vector.broadcast %scan3A : i32 to vector<16xi32>
          %and3A_758 = arith.andi %get3A_751, %and3A_757 : vector<16xi32>
          %bitcast_convert_type3A_759 = tpu.bitcast %and3A_758 : vector<16xi32> -> vector<16xf32>
          %add3A_760 = arith.addf %add3A_732, %bitcast_convert_type3A_759 : vector<16xf32>
          %get3A_761 = arith.index_cast %scan3A_747 : i32 to index
          %get3A_762 = arith.constant 16 : index
          %get3A_763 = tpu.vector_load %arg7[%get3A_761, %get3A_762] {strides = array<i32>} : memref<200x32xi32, #tpu.memory_space<vmem>>, vector<1x16xi32>,
          %get3A_764 = vector.shape_cast %get3A_763 : vector<1x16xi32> to vector<16xi32>
          %shift_left3A_765 = arith.constant 16 : i32
          %shift_left3A_766 = vector.broadcast %shift_left3A_765 : i32 to vector<16xi32>
          %shift_left3A_767 = arith.shli %get3A_764, %shift_left3A_766 : vector<16xi32>
          %bitcast_convert_type3A_768 = tpu.bitcast %shift_left3A_767 : vector<16xi32> -> vector<16xf32>
          %add3A_769 = arith.addf %add3A_741, %bitcast_convert_type3A_768 : vector<16xf32>
          %and3A_770 = vector.broadcast %scan3A : i32 to vector<16xi32>
          %and3A_771 = arith.andi %get3A_764, %and3A_770 : vector<16xi32>
          %bitcast_convert_type3A_772 = tpu.bitcast %and3A_771 : vector<16xi32> -> vector<16xf32>
          %add3A_773 = arith.addf %add3A_745, %bitcast_convert_type3A_772 : vector<16xf32>
          %scan3A_774 = arith.constant 3 : i32
          %scan3A_775 = arith.addi %scan3A_691, %scan3A_774 : i32
          %get3A_776 = arith.index_cast %scan3A_775 : i32 to index
          %get3A_777 = arith.constant 0 : index
          %get3A_778 = tpu.vector_load %arg7[%get3A_776, %get3A_777] {strides = array<i32>} : memref<200x32xi32, #tpu.memory_space<vmem>>, vector<1x16xi32>,
          %get3A_779 = vector.shape_cast %get3A_778 : vector<1x16xi32> to vector<16xi32>
          %shift_left3A_780 = arith.constant 16 : i32
          %shift_left3A_781 = vector.broadcast %shift_left3A_780 : i32 to vector<16xi32>
          %shift_left3A_782 = arith.shli %get3A_779, %shift_left3A_781 : vector<16xi32>
          %bitcast_convert_type3A_783 = tpu.bitcast %shift_left3A_782 : vector<16xi32> -> vector<16xf32>
          %add3A_784 = arith.addf %add3A_756, %bitcast_convert_type3A_783 : vector<16xf32>
          %and3A_785 = vector.broadcast %scan3A : i32 to vector<16xi32>
          %and3A_786 = arith.andi %get3A_779, %and3A_785 : vector<16xi32>
          %bitcast_convert_type3A_787 = tpu.bitcast %and3A_786 : vector<16xi32> -> vector<16xf32>
          %add3A_788 = arith.addf %add3A_760, %bitcast_convert_type3A_787 : vector<16xf32>
          %get3A_789 = arith.index_cast %scan3A_775 : i32 to index
          %get3A_790 = arith.constant 16 : index
          %get3A_791 = tpu.vector_load %arg7[%get3A_789, %get3A_790] {strides = array<i32>} : memref<200x32xi32, #tpu.memory_space<vmem>>, vector<1x16xi32>,
          %get3A_792 = vector.shape_cast %get3A_791 : vector<1x16xi32> to vector<16xi32>
          %shift_left3A_793 = arith.constant 16 : i32
          %shift_left3A_794 = vector.broadcast %shift_left3A_793 : i32 to vector<16xi32>
          %shift_left3A_795 = arith.shli %get3A_792, %shift_left3A_794 : vector<16xi32>
          %bitcast_convert_type3A_796 = tpu.bitcast %shift_left3A_795 : vector<16xi32> -> vector<16xf32>
          %add3A_797 = arith.addf %add3A_769, %bitcast_convert_type3A_796 : vector<16xf32>
          %and3A_798 = vector.broadcast %scan3A : i32 to vector<16xi32>
          %and3A_799 = arith.andi %get3A_792, %and3A_798 : vector<16xi32>
          %bitcast_convert_type3A_800 = tpu.bitcast %and3A_799 : vector<16xi32> -> vector<16xf32>
          %add3A_801 = arith.addf %add3A_773, %bitcast_convert_type3A_800 : vector<16xf32>
          %scan3A_802 = arith.constant 4 : i32
          %scan3A_803 = arith.addi %scan3A_691, %scan3A_802 : i32
          %get3A_804 = arith.index_cast %scan3A_803 : i32 to index
          %get3A_805 = arith.constant 0 : index
          %get3A_806 = tpu.vector_load %arg7[%get3A_804, %get3A_805] {strides = array<i32>} : memref<200x32xi32, #tpu.memory_space<vmem>>, vector<1x16xi32>,
          %get3A_807 = vector.shape_cast %get3A_806 : vector<1x16xi32> to vector<16xi32>
          %shift_left3A_808 = arith.constant 16 : i32
          %shift_left3A_809 = vector.broadcast %shift_left3A_808 : i32 to vector<16xi32>
          %shift_left3A_810 = arith.shli %get3A_807, %shift_left3A_809 : vector<16xi32>
          %bitcast_convert_type3A_811 = tpu.bitcast %shift_left3A_810 : vector<16xi32> -> vector<16xf32>
          %add3A_812 = arith.addf %add3A_784, %bitcast_convert_type3A_811 : vector<16xf32>
          %and3A_813 = vector.broadcast %scan3A : i32 to vector<16xi32>
          %and3A_814 = arith.andi %get3A_807, %and3A_813 : vector<16xi32>
          %bitcast_convert_type3A_815 = tpu.bitcast %and3A_814 : vector<16xi32> -> vector<16xf32>
          %add3A_816 = arith.addf %add3A_788, %bitcast_convert_type3A_815 : vector<16xf32>
          %get3A_817 = arith.index_cast %scan3A_803 : i32 to index
          %get3A_818 = arith.constant 16 : index
          %get3A_819 = tpu.vector_load %arg7[%get3A_817, %get3A_818] {strides = array<i32>} : memref<200x32xi32, #tpu.memory_space<vmem>>, vector<1x16xi32>,
          %get3A_820 = vector.shape_cast %get3A_819 : vector<1x16xi32> to vector<16xi32>
          %shift_left3A_821 = arith.constant 16 : i32
          %shift_left3A_822 = vector.broadcast %shift_left3A_821 : i32 to vector<16xi32>
          %shift_left3A_823 = arith.shli %get3A_820, %shift_left3A_822 : vector<16xi32>
          %bitcast_convert_type3A_824 = tpu.bitcast %shift_left3A_823 : vector<16xi32> -> vector<16xf32>
          %add3A_825 = arith.addf %add3A_797, %bitcast_convert_type3A_824 : vector<16xf32>
          %and3A_826 = vector.broadcast %scan3A : i32 to vector<16xi32>
          %and3A_827 = arith.andi %get3A_820, %and3A_826 : vector<16xi32>
          %bitcast_convert_type3A_828 = tpu.bitcast %and3A_827 : vector<16xi32> -> vector<16xf32>
          %add3A_829 = arith.addf %add3A_801, %bitcast_convert_type3A_828 : vector<16xf32>
          %scan3A_830 = arith.constant 5 : i32
          %scan3A_831 = arith.addi %scan3A_691, %scan3A_830 : i32
          %get3A_832 = arith.index_cast %scan3A_831 : i32 to index
          %get3A_833 = arith.constant 0 : index
          %get3A_834 = tpu.vector_load %arg7[%get3A_832, %get3A_833] {strides = array<i32>} : memref<200x32xi32, #tpu.memory_space<vmem>>, vector<1x16xi32>,
          %get3A_835 = vector.shape_cast %get3A_834 : vector<1x16xi32> to vector<16xi32>
          %shift_left3A_836 = arith.constant 16 : i32
          %shift_left3A_837 = vector.broadcast %shift_left3A_836 : i32 to vector<16xi32>
          %shift_left3A_838 = arith.shli %get3A_835, %shift_left3A_837 : vector<16xi32>
          %bitcast_convert_type3A_839 = tpu.bitcast %shift_left3A_838 : vector<16xi32> -> vector<16xf32>
          %add3A_840 = arith.addf %add3A_812, %bitcast_convert_type3A_839 : vector<16xf32>
          %and3A_841 = vector.broadcast %scan3A : i32 to vector<16xi32>
          %and3A_842 = arith.andi %get3A_835, %and3A_841 : vector<16xi32>
          %bitcast_convert_type3A_843 = tpu.bitcast %and3A_842 : vector<16xi32> -> vector<16xf32>
          %add3A_844 = arith.addf %add3A_816, %bitcast_convert_type3A_843 : vector<16xf32>
          %get3A_845 = arith.index_cast %scan3A_831 : i32 to index
          %get3A_846 = arith.constant 16 : index
          %get3A_847 = tpu.vector_load %arg7[%get3A_845, %get3A_846] {strides = array<i32>} : memref<200x32xi32, #tpu.memory_space<vmem>>, vector<1x16xi32>,
          %get3A_848 = vector.shape_cast %get3A_847 : vector<1x16xi32> to vector<16xi32>
          %shift_left3A_849 = arith.constant 16 : i32
          %shift_left3A_850 = vector.broadcast %shift_left3A_849 : i32 to vector<16xi32>
          %shift_left3A_851 = arith.shli %get3A_848, %shift_left3A_850 : vector<16xi32>
          %bitcast_convert_type3A_852 = tpu.bitcast %shift_left3A_851 : vector<16xi32> -> vector<16xf32>
          %add3A_853 = arith.addf %add3A_825, %bitcast_convert_type3A_852 : vector<16xf32>
          %and3A_854 = vector.broadcast %scan3A : i32 to vector<16xi32>
          %and3A_855 = arith.andi %get3A_848, %and3A_854 : vector<16xi32>
          %bitcast_convert_type3A_856 = tpu.bitcast %and3A_855 : vector<16xi32> -> vector<16xf32>
          %add3A_857 = arith.addf %add3A_829, %bitcast_convert_type3A_856 : vector<16xf32>
          %scan3A_858 = arith.constant 6 : i32
          %scan3A_859 = arith.addi %scan3A_691, %scan3A_858 : i32
          %get3A_860 = arith.index_cast %scan3A_859 : i32 to index
          %get3A_861 = arith.constant 0 : index
          %get3A_862 = tpu.vector_load %arg7[%get3A_860, %get3A_861] {strides = array<i32>} : memref<200x32xi32, #tpu.memory_space<vmem>>, vector<1x16xi32>,
          %get3A_863 = vector.shape_cast %get3A_862 : vector<1x16xi32> to vector<16xi32>
          %shift_left3A_864 = arith.constant 16 : i32
          %shift_left3A_865 = vector.broadcast %shift_left3A_864 : i32 to vector<16xi32>
          %shift_left3A_866 = arith.shli %get3A_863, %shift_left3A_865 : vector<16xi32>
          %bitcast_convert_type3A_867 = tpu.bitcast %shift_left3A_866 : vector<16xi32> -> vector<16xf32>
          %add3A_868 = arith.addf %add3A_840, %bitcast_convert_type3A_867 : vector<16xf32>
          %and3A_869 = vector.broadcast %scan3A : i32 to vector<16xi32>
          %and3A_870 = arith.andi %get3A_863, %and3A_869 : vector<16xi32>
          %bitcast_convert_type3A_871 = tpu.bitcast %and3A_870 : vector<16xi32> -> vector<16xf32>
          %add3A_872 = arith.addf %add3A_844, %bitcast_convert_type3A_871 : vector<16xf32>
          %get3A_873 = arith.index_cast %scan3A_859 : i32 to index
          %get3A_874 = arith.constant 16 : index
          %get3A_875 = tpu.vector_load %arg7[%get3A_873, %get3A_874] {strides = array<i32>} : memref<200x32xi32, #tpu.memory_space<vmem>>, vector<1x16xi32>,
          %get3A_876 = vector.shape_cast %get3A_875 : vector<1x16xi32> to vector<16xi32>
          %shift_left3A_877 = arith.constant 16 : i32
          %shift_left3A_878 = vector.broadcast %shift_left3A_877 : i32 to vector<16xi32>
          %shift_left3A_879 = arith.shli %get3A_876, %shift_left3A_878 : vector<16xi32>
          %bitcast_convert_type3A_880 = tpu.bitcast %shift_left3A_879 : vector<16xi32> -> vector<16xf32>
          %add3A_881 = arith.addf %add3A_853, %bitcast_convert_type3A_880 : vector<16xf32>
          %and3A_882 = vector.broadcast %scan3A : i32 to vector<16xi32>
          %and3A_883 = arith.andi %get3A_876, %and3A_882 : vector<16xi32>
          %bitcast_convert_type3A_884 = tpu.bitcast %and3A_883 : vector<16xi32> -> vector<16xf32>
          %add3A_885 = arith.addf %add3A_857, %bitcast_convert_type3A_884 : vector<16xf32>
          %scan3A_886 = arith.constant 7 : i32
          %scan3A_887 = arith.addi %scan3A_691, %scan3A_886 : i32
          %get3A_888 = arith.index_cast %scan3A_887 : i32 to index
          %get3A_889 = arith.constant 0 : index
          %get3A_890 = tpu.vector_load %arg7[%get3A_888, %get3A_889] {strides = array<i32>} : memref<200x32xi32, #tpu.memory_space<vmem>>, vector<1x16xi32>,
          %get3A_891 = vector.shape_cast %get3A_890 : vector<1x16xi32> to vector<16xi32>
          %shift_left3A_892 = arith.constant 16 : i32
          %shift_left3A_893 = vector.broadcast %shift_left3A_892 : i32 to vector<16xi32>
          %shift_left3A_894 = arith.shli %get3A_891, %shift_left3A_893 : vector<16xi32>
          %bitcast_convert_type3A_895 = tpu.bitcast %shift_left3A_894 : vector<16xi32> -> vector<16xf32>
          %add3A_896 = arith.addf %add3A_868, %bitcast_convert_type3A_895 : vector<16xf32>
          %and3A_897 = vector.broadcast %scan3A : i32 to vector<16xi32>
          %and3A_898 = arith.andi %get3A_891, %and3A_897 : vector<16xi32>
          %bitcast_convert_type3A_899 = tpu.bitcast %and3A_898 : vector<16xi32> -> vector<16xf32>
          %add3A_900 = arith.addf %add3A_872, %bitcast_convert_type3A_899 : vector<16xf32>
          %get3A_901 = arith.index_cast %scan3A_887 : i32 to index
          %get3A_902 = arith.constant 16 : index
          %get3A_903 = tpu.vector_load %arg7[%get3A_901, %get3A_902] {strides = array<i32>} : memref<200x32xi32, #tpu.memory_space<vmem>>, vector<1x16xi32>,
          %get3A_904 = vector.shape_cast %get3A_903 : vector<1x16xi32> to vector<16xi32>
          %shift_left3A_905 = arith.constant 16 : i32
          %shift_left3A_906 = vector.broadcast %shift_left3A_905 : i32 to vector<16xi32>
          %shift_left3A_907 = arith.shli %get3A_904, %shift_left3A_906 : vector<16xi32>
          %bitcast_convert_type3A_908 = tpu.bitcast %shift_left3A_907 : vector<16xi32> -> vector<16xf32>
          %add3A_909 = arith.addf %add3A_881, %bitcast_convert_type3A_908 : vector<16xf32>
          %and3A_910 = vector.broadcast %scan3A : i32 to vector<16xi32>
          %and3A_911 = arith.andi %get3A_904, %and3A_910 : vector<16xi32>
          %bitcast_convert_type3A_912 = tpu.bitcast %and3A_911 : vector<16xi32> -> vector<16xf32>
          %add3A_913 = arith.addf %add3A_885, %bitcast_convert_type3A_912 : vector<16xf32>
          %scan3A_914 = arith.constant 8 : i32
          %scan3A_915 = arith.addi %scan3A_691, %scan3A_914 : i32
          %get3A_916 = arith.index_cast %scan3A_915 : i32 to index
          %get3A_917 = arith.constant 0 : index
          %get3A_918 = tpu.vector_load %arg7[%get3A_916, %get3A_917] {strides = array<i32>} : memref<200x32xi32, #tpu.memory_space<vmem>>, vector<1x16xi32>,
          %get3A_919 = vector.shape_cast %get3A_918 : vector<1x16xi32> to vector<16xi32>
          %shift_left3A_920 = arith.constant 16 : i32
          %shift_left3A_921 = vector.broadcast %shift_left3A_920 : i32 to vector<16xi32>
          %shift_left3A_922 = arith.shli %get3A_919, %shift_left3A_921 : vector<16xi32>
          %bitcast_convert_type3A_923 = tpu.bitcast %shift_left3A_922 : vector<16xi32> -> vector<16xf32>
          %add3A_924 = arith.addf %add3A_896, %bitcast_convert_type3A_923 : vector<16xf32>
          %and3A_925 = vector.broadcast %scan3A : i32 to vector<16xi32>
          %and3A_926 = arith.andi %get3A_919, %and3A_925 : vector<16xi32>
          %bitcast_convert_type3A_927 = tpu.bitcast %and3A_926 : vector<16xi32> -> vector<16xf32>
          %add3A_928 = arith.addf %add3A_900, %bitcast_convert_type3A_927 : vector<16xf32>
          %get3A_929 = arith.index_cast %scan3A_915 : i32 to index
          %get3A_930 = arith.constant 16 : index
          %get3A_931 = tpu.vector_load %arg7[%get3A_929, %get3A_930] {strides = array<i32>} : memref<200x32xi32, #tpu.memory_space<vmem>>, vector<1x16xi32>,
          %get3A_932 = vector.shape_cast %get3A_931 : vector<1x16xi32> to vector<16xi32>
          %shift_left3A_933 = arith.constant 16 : i32
          %shift_left3A_934 = vector.broadcast %shift_left3A_933 : i32 to vector<16xi32>
          %shift_left3A_935 = arith.shli %get3A_932, %shift_left3A_934 : vector<16xi32>
          %bitcast_convert_type3A_936 = tpu.bitcast %shift_left3A_935 : vector<16xi32> -> vector<16xf32>
          %add3A_937 = arith.addf %add3A_909, %bitcast_convert_type3A_936 : vector<16xf32>
          %and3A_938 = vector.broadcast %scan3A : i32 to vector<16xi32>
          %and3A_939 = arith.andi %get3A_932, %and3A_938 : vector<16xi32>
          %bitcast_convert_type3A_940 = tpu.bitcast %and3A_939 : vector<16xi32> -> vector<16xf32>
          %add3A_941 = arith.addf %add3A_913, %bitcast_convert_type3A_940 : vector<16xf32>
          %scan3A_942 = arith.constant 9 : i32
          %scan3A_943 = arith.addi %scan3A_691, %scan3A_942 : i32
          %get3A_944 = arith.index_cast %scan3A_943 : i32 to index
          %get3A_945 = arith.constant 0 : index
          %get3A_946 = tpu.vector_load %arg7[%get3A_944, %get3A_945] {strides = array<i32>} : memref<200x32xi32, #tpu.memory_space<vmem>>, vector<1x16xi32>,
          %get3A_947 = vector.shape_cast %get3A_946 : vector<1x16xi32> to vector<16xi32>
          %shift_left3A_948 = arith.constant 16 : i32
          %shift_left3A_949 = vector.broadcast %shift_left3A_948 : i32 to vector<16xi32>
          %shift_left3A_950 = arith.shli %get3A_947, %shift_left3A_949 : vector<16xi32>
          %bitcast_convert_type3A_951 = tpu.bitcast %shift_left3A_950 : vector<16xi32> -> vector<16xf32>
          %add3A_952 = arith.addf %add3A_924, %bitcast_convert_type3A_951 : vector<16xf32>
          %and3A_953 = vector.broadcast %scan3A : i32 to vector<16xi32>
          %and3A_954 = arith.andi %get3A_947, %and3A_953 : vector<16xi32>
          %bitcast_convert_type3A_955 = tpu.bitcast %and3A_954 : vector<16xi32> -> vector<16xf32>
          %add3A_956 = arith.addf %add3A_928, %bitcast_convert_type3A_955 : vector<16xf32>
          %get3A_957 = arith.index_cast %scan3A_943 : i32 to index
          %get3A_958 = arith.constant 16 : index
          %get3A_959 = tpu.vector_load %arg7[%get3A_957, %get3A_958] {strides = array<i32>} : memref<200x32xi32, #tpu.memory_space<vmem>>, vector<1x16xi32>,
          %get3A_960 = vector.shape_cast %get3A_959 : vector<1x16xi32> to vector<16xi32>
          %shift_left3A_961 = arith.constant 16 : i32
          %shift_left3A_962 = vector.broadcast %shift_left3A_961 : i32 to vector<16xi32>
          %shift_left3A_963 = arith.shli %get3A_960, %shift_left3A_962 : vector<16xi32>
          %bitcast_convert_type3A_964 = tpu.bitcast %shift_left3A_963 : vector<16xi32> -> vector<16xf32>
          %add3A_965 = arith.addf %add3A_937, %bitcast_convert_type3A_964 : vector<16xf32>
          %and3A_966 = vector.broadcast %scan3A : i32 to vector<16xi32>
          %and3A_967 = arith.andi %get3A_960, %and3A_966 : vector<16xi32>
          %bitcast_convert_type3A_968 = tpu.bitcast %and3A_967 : vector<16xi32> -> vector<16xf32>
          %add3A_969 = arith.addf %add3A_941, %bitcast_convert_type3A_968 : vector<16xf32>
          scf.yield %add3A_952, %add3A_965, %add3A_956, %add3A_969 : vector<16xf32>, vector<16xf32>, vector<16xf32>, vector<16xf32>
        }
        %scan3A_267 = arith.constant 200 : i32
        %swap3A_268 = arith.index_cast %add3A_253 : i32 to index
        %swap3A_269 = arith.constant 0 : index
        %swap3A_270 = tpu.vector_load %arg14[%swap3A_268, %swap3A_269] {strides = array<i32>} : memref<512x64xf32, #tpu.memory_space<vmem>>, vector<1x16xf32>,
        %swap3A_271 = vector.shape_cast %swap3A_270 : vector<1x16xf32> to vector<16xf32>
        %swap3A_272 = vector.shape_cast %scan3A_266#0 : vector<16xf32> to vector<1x16xf32>
        tpu.vector_store %arg14[%swap3A_268, %swap3A_269], %swap3A_272 {strides = array<i32>} : memref<512x64xf32, #tpu.memory_space<vmem>>, vector<1x16xf32>,
        %swap3A_273 = arith.index_cast %add3A_253 : i32 to index
        %swap3A_274 = arith.constant 16 : index
        %swap3A_275 = tpu.vector_load %arg14[%swap3A_273, %swap3A_274] {strides = array<i32>} : memref<512x64xf32, #tpu.memory_space<vmem>>, vector<1x16xf32>,
        %swap3A_276 = vector.shape_cast %swap3A_275 : vector<1x16xf32> to vector<16xf32>
        %swap3A_277 = vector.shape_cast %scan3A_266#1 : vector<16xf32> to vector<1x16xf32>
        tpu.vector_store %arg14[%swap3A_273, %swap3A_274], %swap3A_277 {strides = array<i32>} : memref<512x64xf32, #tpu.memory_space<vmem>>, vector<1x16xf32>,
        %swap3A_278 = arith.index_cast %add3A_253 : i32 to index
        %swap3A_279 = arith.constant 32 : index
        %swap3A_280 = tpu.vector_load %arg14[%swap3A_278, %swap3A_279] {strides = array<i32>} : memref<512x64xf32, #tpu.memory_space<vmem>>, vector<1x16xf32>,
        %swap3A_281 = vector.shape_cast %swap3A_280 : vector<1x16xf32> to vector<16xf32>
        %swap3A_282 = vector.shape_cast %scan3A_266#2 : vector<16xf32> to vector<1x16xf32>
        tpu.vector_store %arg14[%swap3A_278, %swap3A_279], %swap3A_282 {strides = array<i32>} : memref<512x64xf32, #tpu.memory_space<vmem>>, vector<1x16xf32>,
        %swap3A_283 = arith.index_cast %add3A_253 : i32 to index
        %swap3A_284 = arith.constant 48 : index
        %swap3A_285 = tpu.vector_load %arg14[%swap3A_283, %swap3A_284] {strides = array<i32>} : memref<512x64xf32, #tpu.memory_space<vmem>>, vector<1x16xf32>,
        %swap3A_286 = vector.shape_cast %swap3A_285 : vector<1x16xf32> to vector<16xf32>
        %swap3A_287 = vector.shape_cast %scan3A_266#3 : vector<16xf32> to vector<1x16xf32>
        tpu.vector_store %arg14[%swap3A_283, %swap3A_284], %swap3A_287 {strides = array<i32>} : memref<512x64xf32, #tpu.memory_space<vmem>>, vector<1x16xf32>,
        %mul3A_288 = arith.constant 8 : i32
        %mul3A_289 = arith.muli %scan3A_159, %mul3A_288 : i32
        %add3A_290 = arith.constant 2 : i32
        %add3A_291 = arith.addi %mul3A_289, %add3A_290 : i32
        %mul3A_292 = arith.constant 200 : i32
        %mul3A_293 = arith.muli %add3A_291, %mul3A_292 : i32
        %multiple_of3A_294 = tpu.assume_multiple %mul3A_293, 8 : i32
        %dma_wait3A_295 = arith.constant 0 : i32
        %dma_wait3A_296 = arith.constant 0 : i32
        %dma_wait3A_297 = tpu.memref_slice %arg8[%dma_wait3A_295, %dma_wait3A_296] : memref<200x32xi32, #tpu.memory_space<vmem>> -> memref<96x32xi32, #tpu.memory_space<vmem>>
        %dma_wait3A_298 = tpu.memref_slice %arg5[%multiple_of3A_294] : memref<12800xi32, #tpu.memory_space<vmem>> -> memref<96xi32, #tpu.memory_space<vmem>>
        %dma_wait3A_299 = arith.constant 0 : i32
        %dma_wait3A_300 = arith.constant 0 : i32
        %dma_wait3A_301 = tpu.memref_slice %arg3[%dma_wait3A_299, %dma_wait3A_300] : memref<1015808x32xi32, #tpu.memory_space<hbm>> -> memref<1015808x32xi32, #tpu.memory_space<hbm>>
        tpu.wait_indirect_dma semaphore(%arg17 : memref<!tpu.dma_semaphore, #tpu.memory_space<semaphore_mem>>) src(%dma_wait3A_301 : memref<1015808x32xi32, #tpu.memory_space<hbm>>) dst(%dma_wait3A_297 : memref<96x32xi32, #tpu.memory_space<vmem>>)
        %add3A_302 = arith.constant 96 : i32
        %add3A_303 = arith.addi %multiple_of3A_294, %add3A_302 : i32
        %dma_wait3A_304 = arith.constant 96 : i32
        %dma_wait3A_305 = arith.constant 0 : i32
        %dma_wait3A_306 = tpu.memref_slice %arg8[%dma_wait3A_304, %dma_wait3A_305] : memref<200x32xi32, #tpu.memory_space<vmem>> -> memref<104x32xi32, #tpu.memory_space<vmem>>
        %dma_wait3A_307 = tpu.memref_slice %arg5[%add3A_303] : memref<12800xi32, #tpu.memory_space<vmem>> -> memref<104xi32, #tpu.memory_space<vmem>>
        %dma_wait3A_308 = arith.constant 0 : i32
        %dma_wait3A_309 = arith.constant 0 : i32
        %dma_wait3A_310 = tpu.memref_slice %arg3[%dma_wait3A_308, %dma_wait3A_309] : memref<1015808x32xi32, #tpu.memory_space<hbm>> -> memref<1015808x32xi32, #tpu.memory_space<hbm>>
        tpu.wait_indirect_dma semaphore(%arg17 : memref<!tpu.dma_semaphore, #tpu.memory_space<semaphore_mem>>) src(%dma_wait3A_310 : memref<1015808x32xi32, #tpu.memory_space<hbm>>) dst(%dma_wait3A_306 : memref<104x32xi32, #tpu.memory_space<vmem>>)
        %add3A_311 = arith.constant 8 : i32
        %add3A_312 = arith.addi %add3A_291, %add3A_311 : i32
        %sub3A_313 = arith.constant 1 : i32
        %sub3A_314 = arith.subi %add3A_312, %sub3A_313 : i32
        %lt3A_315 = arith.constant 64 : i32
        %lt3A_316 = arith.cmpi slt, %sub3A_314, %lt3A_315 : i32
        %convert_element_type3A_317 = arith.extui %lt3A_316 : i1 to i32
        %cond3A_318 = arith.constant 0 : i32
        %cond3A_319 = arith.cmpi ne, %convert_element_type3A_317, %cond3A_318 : i32
        scf.if %cond3A_319 {
          %add3A_691 = arith.constant 8 : i32
          %add3A_692 = arith.addi %add3A_291, %add3A_691 : i32
          %sub3A_693 = arith.constant 1 : i32
          %sub3A_694 = arith.subi %add3A_692, %sub3A_693 : i32
          %mul3A_695 = arith.constant 200 : i32
          %mul3A_696 = arith.muli %sub3A_694, %mul3A_695 : i32
          %multiple_of3A_697 = tpu.assume_multiple %mul3A_696, 8 : i32
          %dma_start3A_698 = arith.constant 0 : i32
          %dma_start3A_699 = arith.constant 0 : i32
          %dma_start3A_700 = tpu.memref_slice %arg7[%dma_start3A_698, %dma_start3A_699] : memref<200x32xi32, #tpu.memory_space<vmem>> -> memref<96x32xi32, #tpu.memory_space<vmem>>
          %dma_start3A_701 = tpu.memref_slice %arg5[%multiple_of3A_697] : memref<12800xi32, #tpu.memory_space<vmem>> -> memref<96xi32, #tpu.memory_space<vmem>>
          %dma_start3A_702 = arith.constant 0 : i32
          %dma_start3A_703 = arith.constant 0 : i32
          %dma_start3A_704 = tpu.memref_slice %arg3[%dma_start3A_702, %dma_start3A_703] : memref<1015808x32xi32, #tpu.memory_space<hbm>> -> memref<1015808x32xi32, #tpu.memory_space<hbm>>
          tpu.enqueue_indirect_dma source(%dma_start3A_704 : memref<1015808x32xi32, #tpu.memory_space<hbm>>) target(%dma_start3A_700 : memref<96x32xi32, #tpu.memory_space<vmem>>) offsets(%dma_start3A_701 : memref<96xi32, #tpu.memory_space<vmem>>) semaphore(%arg16 : memref<!tpu.dma_semaphore, #tpu.memory_space<semaphore_mem>>)
          %add3A_705 = arith.constant 96 : i32
          %add3A_706 = arith.addi %multiple_of3A_697, %add3A_705 : i32
          %dma_start3A_707 = arith.constant 96 : i32
          %dma_start3A_708 = arith.constant 0 : i32
          %dma_start3A_709 = tpu.memref_slice %arg7[%dma_start3A_707, %dma_start3A_708] : memref<200x32xi32, #tpu.memory_space<vmem>> -> memref<104x32xi32, #tpu.memory_space<vmem>>
          %dma_start3A_710 = tpu.memref_slice %arg5[%add3A_706] : memref<12800xi32, #tpu.memory_space<vmem>> -> memref<104xi32, #tpu.memory_space<vmem>>
          %dma_start3A_711 = arith.constant 0 : i32
          %dma_start3A_712 = arith.constant 0 : i32
          %dma_start3A_713 = tpu.memref_slice %arg3[%dma_start3A_711, %dma_start3A_712] : memref<1015808x32xi32, #tpu.memory_space<hbm>> -> memref<1015808x32xi32, #tpu.memory_space<hbm>>
          tpu.enqueue_indirect_dma source(%dma_start3A_713 : memref<1015808x32xi32, #tpu.memory_space<hbm>>) target(%dma_start3A_709 : memref<104x32xi32, #tpu.memory_space<vmem>>) offsets(%dma_start3A_710 : memref<104xi32, #tpu.memory_space<vmem>>) semaphore(%arg16 : memref<!tpu.dma_semaphore, #tpu.memory_space<semaphore_mem>>)
        } else {
        }
        %add3A_320 = arith.addi %mul3A_25, %add3A_291 : i32
        %broadcast_in_dim3A_321 = arith.constant 0.000000e+00 : f32
        %broadcast_in_dim3A_322 = vector.broadcast %broadcast_in_dim3A_321 : f32 to vector<16xf32>
        %broadcast_in_dim3A_323 = arith.constant 0.000000e+00 : f32
        %broadcast_in_dim3A_324 = vector.broadcast %broadcast_in_dim3A_323 : f32 to vector<16xf32>
        %broadcast_in_dim3A_325 = arith.constant 0.000000e+00 : f32
        %broadcast_in_dim3A_326 = vector.broadcast %broadcast_in_dim3A_325 : f32 to vector<16xf32>
        %broadcast_in_dim3A_327 = arith.constant 0.000000e+00 : f32
        %broadcast_in_dim3A_328 = vector.broadcast %broadcast_in_dim3A_327 : f32 to vector<16xf32>
        %scan3A_329 = arith.constant 0 : i32
        %scan3A_330 = arith.constant 200 : i32
        %scan3A_331 = arith.addi %scan3A_329, %scan3A_330 : i32
        %scan3A_332 = arith.constant 10 : i32
        %scan3A_333:4 = scf.for %scan3A_691 = %scan3A_329 to %scan3A_331 step %scan3A_332 iter_args(%scan3A_692 = %broadcast_in_dim3A_322, %scan3A_693 = %broadcast_in_dim3A_324, %scan3A_694 = %broadcast_in_dim3A_326, %scan3A_695 = %broadcast_in_dim3A_328) -> (vector<16xf32>, vector<16xf32>, vector<16xf32>, vector<16xf32>)  : i32 {
          %get3A = arith.index_cast %scan3A_691 : i32 to index
          %get3A_696 = arith.constant 0 : index
          %get3A_697 = tpu.vector_load %arg8[%get3A, %get3A_696] {strides = array<i32>} : memref<200x32xi32, #tpu.memory_space<vmem>>, vector<1x16xi32>,
          %get3A_698 = vector.shape_cast %get3A_697 : vector<1x16xi32> to vector<16xi32>
          %shift_left3A = arith.constant 16 : i32
          %shift_left3A_699 = vector.broadcast %shift_left3A : i32 to vector<16xi32>
          %shift_left3A_700 = arith.shli %get3A_698, %shift_left3A_699 : vector<16xi32>
          %bitcast_convert_type3A = tpu.bitcast %shift_left3A_700 : vector<16xi32> -> vector<16xf32>
          %add3A_701 = arith.addf %scan3A_692, %bitcast_convert_type3A : vector<16xf32>
          %and3A = vector.broadcast %scan3A : i32 to vector<16xi32>
          %and3A_702 = arith.andi %get3A_698, %and3A : vector<16xi32>
          %bitcast_convert_type3A_703 = tpu.bitcast %and3A_702 : vector<16xi32> -> vector<16xf32>
          %add3A_704 = arith.addf %scan3A_694, %bitcast_convert_type3A_703 : vector<16xf32>
          %get3A_705 = arith.index_cast %scan3A_691 : i32 to index
          %get3A_706 = arith.constant 16 : index
          %get3A_707 = tpu.vector_load %arg8[%get3A_705, %get3A_706] {strides = array<i32>} : memref<200x32xi32, #tpu.memory_space<vmem>>, vector<1x16xi32>,
          %get3A_708 = vector.shape_cast %get3A_707 : vector<1x16xi32> to vector<16xi32>
          %shift_left3A_709 = arith.constant 16 : i32
          %shift_left3A_710 = vector.broadcast %shift_left3A_709 : i32 to vector<16xi32>
          %shift_left3A_711 = arith.shli %get3A_708, %shift_left3A_710 : vector<16xi32>
          %bitcast_convert_type3A_712 = tpu.bitcast %shift_left3A_711 : vector<16xi32> -> vector<16xf32>
          %add3A_713 = arith.addf %scan3A_693, %bitcast_convert_type3A_712 : vector<16xf32>
          %and3A_714 = vector.broadcast %scan3A : i32 to vector<16xi32>
          %and3A_715 = arith.andi %get3A_708, %and3A_714 : vector<16xi32>
          %bitcast_convert_type3A_716 = tpu.bitcast %and3A_715 : vector<16xi32> -> vector<16xf32>
          %add3A_717 = arith.addf %scan3A_695, %bitcast_convert_type3A_716 : vector<16xf32>
          %scan3A_718 = arith.constant 1 : i32
          %scan3A_719 = arith.addi %scan3A_691, %scan3A_718 : i32
          %get3A_720 = arith.index_cast %scan3A_719 : i32 to index
          %get3A_721 = arith.constant 0 : index
          %get3A_722 = tpu.vector_load %arg8[%get3A_720, %get3A_721] {strides = array<i32>} : memref<200x32xi32, #tpu.memory_space<vmem>>, vector<1x16xi32>,
          %get3A_723 = vector.shape_cast %get3A_722 : vector<1x16xi32> to vector<16xi32>
          %shift_left3A_724 = arith.constant 16 : i32
          %shift_left3A_725 = vector.broadcast %shift_left3A_724 : i32 to vector<16xi32>
          %shift_left3A_726 = arith.shli %get3A_723, %shift_left3A_725 : vector<16xi32>
          %bitcast_convert_type3A_727 = tpu.bitcast %shift_left3A_726 : vector<16xi32> -> vector<16xf32>
          %add3A_728 = arith.addf %add3A_701, %bitcast_convert_type3A_727 : vector<16xf32>
          %and3A_729 = vector.broadcast %scan3A : i32 to vector<16xi32>
          %and3A_730 = arith.andi %get3A_723, %and3A_729 : vector<16xi32>
          %bitcast_convert_type3A_731 = tpu.bitcast %and3A_730 : vector<16xi32> -> vector<16xf32>
          %add3A_732 = arith.addf %add3A_704, %bitcast_convert_type3A_731 : vector<16xf32>
          %get3A_733 = arith.index_cast %scan3A_719 : i32 to index
          %get3A_734 = arith.constant 16 : index
          %get3A_735 = tpu.vector_load %arg8[%get3A_733, %get3A_734] {strides = array<i32>} : memref<200x32xi32, #tpu.memory_space<vmem>>, vector<1x16xi32>,
          %get3A_736 = vector.shape_cast %get3A_735 : vector<1x16xi32> to vector<16xi32>
          %shift_left3A_737 = arith.constant 16 : i32
          %shift_left3A_738 = vector.broadcast %shift_left3A_737 : i32 to vector<16xi32>
          %shift_left3A_739 = arith.shli %get3A_736, %shift_left3A_738 : vector<16xi32>
          %bitcast_convert_type3A_740 = tpu.bitcast %shift_left3A_739 : vector<16xi32> -> vector<16xf32>
          %add3A_741 = arith.addf %add3A_713, %bitcast_convert_type3A_740 : vector<16xf32>
          %and3A_742 = vector.broadcast %scan3A : i32 to vector<16xi32>
          %and3A_743 = arith.andi %get3A_736, %and3A_742 : vector<16xi32>
          %bitcast_convert_type3A_744 = tpu.bitcast %and3A_743 : vector<16xi32> -> vector<16xf32>
          %add3A_745 = arith.addf %add3A_717, %bitcast_convert_type3A_744 : vector<16xf32>
          %scan3A_746 = arith.constant 2 : i32
          %scan3A_747 = arith.addi %scan3A_691, %scan3A_746 : i32
          %get3A_748 = arith.index_cast %scan3A_747 : i32 to index
          %get3A_749 = arith.constant 0 : index
          %get3A_750 = tpu.vector_load %arg8[%get3A_748, %get3A_749] {strides = array<i32>} : memref<200x32xi32, #tpu.memory_space<vmem>>, vector<1x16xi32>,
          %get3A_751 = vector.shape_cast %get3A_750 : vector<1x16xi32> to vector<16xi32>
          %shift_left3A_752 = arith.constant 16 : i32
          %shift_left3A_753 = vector.broadcast %shift_left3A_752 : i32 to vector<16xi32>
          %shift_left3A_754 = arith.shli %get3A_751, %shift_left3A_753 : vector<16xi32>
          %bitcast_convert_type3A_755 = tpu.bitcast %shift_left3A_754 : vector<16xi32> -> vector<16xf32>
          %add3A_756 = arith.addf %add3A_728, %bitcast_convert_type3A_755 : vector<16xf32>
          %and3A_757 = vector.broadcast %scan3A : i32 to vector<16xi32>
          %and3A_758 = arith.andi %get3A_751, %and3A_757 : vector<16xi32>
          %bitcast_convert_type3A_759 = tpu.bitcast %and3A_758 : vector<16xi32> -> vector<16xf32>
          %add3A_760 = arith.addf %add3A_732, %bitcast_convert_type3A_759 : vector<16xf32>
          %get3A_761 = arith.index_cast %scan3A_747 : i32 to index
          %get3A_762 = arith.constant 16 : index
          %get3A_763 = tpu.vector_load %arg8[%get3A_761, %get3A_762] {strides = array<i32>} : memref<200x32xi32, #tpu.memory_space<vmem>>, vector<1x16xi32>,
          %get3A_764 = vector.shape_cast %get3A_763 : vector<1x16xi32> to vector<16xi32>
          %shift_left3A_765 = arith.constant 16 : i32
          %shift_left3A_766 = vector.broadcast %shift_left3A_765 : i32 to vector<16xi32>
          %shift_left3A_767 = arith.shli %get3A_764, %shift_left3A_766 : vector<16xi32>
          %bitcast_convert_type3A_768 = tpu.bitcast %shift_left3A_767 : vector<16xi32> -> vector<16xf32>
          %add3A_769 = arith.addf %add3A_741, %bitcast_convert_type3A_768 : vector<16xf32>
          %and3A_770 = vector.broadcast %scan3A : i32 to vector<16xi32>
          %and3A_771 = arith.andi %get3A_764, %and3A_770 : vector<16xi32>
          %bitcast_convert_type3A_772 = tpu.bitcast %and3A_771 : vector<16xi32> -> vector<16xf32>
          %add3A_773 = arith.addf %add3A_745, %bitcast_convert_type3A_772 : vector<16xf32>
          %scan3A_774 = arith.constant 3 : i32
          %scan3A_775 = arith.addi %scan3A_691, %scan3A_774 : i32
          %get3A_776 = arith.index_cast %scan3A_775 : i32 to index
          %get3A_777 = arith.constant 0 : index
          %get3A_778 = tpu.vector_load %arg8[%get3A_776, %get3A_777] {strides = array<i32>} : memref<200x32xi32, #tpu.memory_space<vmem>>, vector<1x16xi32>,
          %get3A_779 = vector.shape_cast %get3A_778 : vector<1x16xi32> to vector<16xi32>
          %shift_left3A_780 = arith.constant 16 : i32
          %shift_left3A_781 = vector.broadcast %shift_left3A_780 : i32 to vector<16xi32>
          %shift_left3A_782 = arith.shli %get3A_779, %shift_left3A_781 : vector<16xi32>
          %bitcast_convert_type3A_783 = tpu.bitcast %shift_left3A_782 : vector<16xi32> -> vector<16xf32>
          %add3A_784 = arith.addf %add3A_756, %bitcast_convert_type3A_783 : vector<16xf32>
          %and3A_785 = vector.broadcast %scan3A : i32 to vector<16xi32>
          %and3A_786 = arith.andi %get3A_779, %and3A_785 : vector<16xi32>
          %bitcast_convert_type3A_787 = tpu.bitcast %and3A_786 : vector<16xi32> -> vector<16xf32>
          %add3A_788 = arith.addf %add3A_760, %bitcast_convert_type3A_787 : vector<16xf32>
          %get3A_789 = arith.index_cast %scan3A_775 : i32 to index
          %get3A_790 = arith.constant 16 : index
          %get3A_791 = tpu.vector_load %arg8[%get3A_789, %get3A_790] {strides = array<i32>} : memref<200x32xi32, #tpu.memory_space<vmem>>, vector<1x16xi32>,
          %get3A_792 = vector.shape_cast %get3A_791 : vector<1x16xi32> to vector<16xi32>
          %shift_left3A_793 = arith.constant 16 : i32
          %shift_left3A_794 = vector.broadcast %shift_left3A_793 : i32 to vector<16xi32>
          %shift_left3A_795 = arith.shli %get3A_792, %shift_left3A_794 : vector<16xi32>
          %bitcast_convert_type3A_796 = tpu.bitcast %shift_left3A_795 : vector<16xi32> -> vector<16xf32>
          %add3A_797 = arith.addf %add3A_769, %bitcast_convert_type3A_796 : vector<16xf32>
          %and3A_798 = vector.broadcast %scan3A : i32 to vector<16xi32>
          %and3A_799 = arith.andi %get3A_792, %and3A_798 : vector<16xi32>
          %bitcast_convert_type3A_800 = tpu.bitcast %and3A_799 : vector<16xi32> -> vector<16xf32>
          %add3A_801 = arith.addf %add3A_773, %bitcast_convert_type3A_800 : vector<16xf32>
          %scan3A_802 = arith.constant 4 : i32
          %scan3A_803 = arith.addi %scan3A_691, %scan3A_802 : i32
          %get3A_804 = arith.index_cast %scan3A_803 : i32 to index
          %get3A_805 = arith.constant 0 : index
          %get3A_806 = tpu.vector_load %arg8[%get3A_804, %get3A_805] {strides = array<i32>} : memref<200x32xi32, #tpu.memory_space<vmem>>, vector<1x16xi32>,
          %get3A_807 = vector.shape_cast %get3A_806 : vector<1x16xi32> to vector<16xi32>
          %shift_left3A_808 = arith.constant 16 : i32
          %shift_left3A_809 = vector.broadcast %shift_left3A_808 : i32 to vector<16xi32>
          %shift_left3A_810 = arith.shli %get3A_807, %shift_left3A_809 : vector<16xi32>
          %bitcast_convert_type3A_811 = tpu.bitcast %shift_left3A_810 : vector<16xi32> -> vector<16xf32>
          %add3A_812 = arith.addf %add3A_784, %bitcast_convert_type3A_811 : vector<16xf32>
          %and3A_813 = vector.broadcast %scan3A : i32 to vector<16xi32>
          %and3A_814 = arith.andi %get3A_807, %and3A_813 : vector<16xi32>
          %bitcast_convert_type3A_815 = tpu.bitcast %and3A_814 : vector<16xi32> -> vector<16xf32>
          %add3A_816 = arith.addf %add3A_788, %bitcast_convert_type3A_815 : vector<16xf32>
          %get3A_817 = arith.index_cast %scan3A_803 : i32 to index
          %get3A_818 = arith.constant 16 : index
          %get3A_819 = tpu.vector_load %arg8[%get3A_817, %get3A_818] {strides = array<i32>} : memref<200x32xi32, #tpu.memory_space<vmem>>, vector<1x16xi32>,
          %get3A_820 = vector.shape_cast %get3A_819 : vector<1x16xi32> to vector<16xi32>
          %shift_left3A_821 = arith.constant 16 : i32
          %shift_left3A_822 = vector.broadcast %shift_left3A_821 : i32 to vector<16xi32>
          %shift_left3A_823 = arith.shli %get3A_820, %shift_left3A_822 : vector<16xi32>
          %bitcast_convert_type3A_824 = tpu.bitcast %shift_left3A_823 : vector<16xi32> -> vector<16xf32>
          %add3A_825 = arith.addf %add3A_797, %bitcast_convert_type3A_824 : vector<16xf32>
          %and3A_826 = vector.broadcast %scan3A : i32 to vector<16xi32>
          %and3A_827 = arith.andi %get3A_820, %and3A_826 : vector<16xi32>
          %bitcast_convert_type3A_828 = tpu.bitcast %and3A_827 : vector<16xi32> -> vector<16xf32>
          %add3A_829 = arith.addf %add3A_801, %bitcast_convert_type3A_828 : vector<16xf32>
          %scan3A_830 = arith.constant 5 : i32
          %scan3A_831 = arith.addi %scan3A_691, %scan3A_830 : i32
          %get3A_832 = arith.index_cast %scan3A_831 : i32 to index
          %get3A_833 = arith.constant 0 : index
          %get3A_834 = tpu.vector_load %arg8[%get3A_832, %get3A_833] {strides = array<i32>} : memref<200x32xi32, #tpu.memory_space<vmem>>, vector<1x16xi32>,
          %get3A_835 = vector.shape_cast %get3A_834 : vector<1x16xi32> to vector<16xi32>
          %shift_left3A_836 = arith.constant 16 : i32
          %shift_left3A_837 = vector.broadcast %shift_left3A_836 : i32 to vector<16xi32>
          %shift_left3A_838 = arith.shli %get3A_835, %shift_left3A_837 : vector<16xi32>
          %bitcast_convert_type3A_839 = tpu.bitcast %shift_left3A_838 : vector<16xi32> -> vector<16xf32>
          %add3A_840 = arith.addf %add3A_812, %bitcast_convert_type3A_839 : vector<16xf32>
          %and3A_841 = vector.broadcast %scan3A : i32 to vector<16xi32>
          %and3A_842 = arith.andi %get3A_835, %and3A_841 : vector<16xi32>
          %bitcast_convert_type3A_843 = tpu.bitcast %and3A_842 : vector<16xi32> -> vector<16xf32>
          %add3A_844 = arith.addf %add3A_816, %bitcast_convert_type3A_843 : vector<16xf32>
          %get3A_845 = arith.index_cast %scan3A_831 : i32 to index
          %get3A_846 = arith.constant 16 : index
          %get3A_847 = tpu.vector_load %arg8[%get3A_845, %get3A_846] {strides = array<i32>} : memref<200x32xi32, #tpu.memory_space<vmem>>, vector<1x16xi32>,
          %get3A_848 = vector.shape_cast %get3A_847 : vector<1x16xi32> to vector<16xi32>
          %shift_left3A_849 = arith.constant 16 : i32
          %shift_left3A_850 = vector.broadcast %shift_left3A_849 : i32 to vector<16xi32>
          %shift_left3A_851 = arith.shli %get3A_848, %shift_left3A_850 : vector<16xi32>
          %bitcast_convert_type3A_852 = tpu.bitcast %shift_left3A_851 : vector<16xi32> -> vector<16xf32>
          %add3A_853 = arith.addf %add3A_825, %bitcast_convert_type3A_852 : vector<16xf32>
          %and3A_854 = vector.broadcast %scan3A : i32 to vector<16xi32>
          %and3A_855 = arith.andi %get3A_848, %and3A_854 : vector<16xi32>
          %bitcast_convert_type3A_856 = tpu.bitcast %and3A_855 : vector<16xi32> -> vector<16xf32>
          %add3A_857 = arith.addf %add3A_829, %bitcast_convert_type3A_856 : vector<16xf32>
          %scan3A_858 = arith.constant 6 : i32
          %scan3A_859 = arith.addi %scan3A_691, %scan3A_858 : i32
          %get3A_860 = arith.index_cast %scan3A_859 : i32 to index
          %get3A_861 = arith.constant 0 : index
          %get3A_862 = tpu.vector_load %arg8[%get3A_860, %get3A_861] {strides = array<i32>} : memref<200x32xi32, #tpu.memory_space<vmem>>, vector<1x16xi32>,
          %get3A_863 = vector.shape_cast %get3A_862 : vector<1x16xi32> to vector<16xi32>
          %shift_left3A_864 = arith.constant 16 : i32
          %shift_left3A_865 = vector.broadcast %shift_left3A_864 : i32 to vector<16xi32>
          %shift_left3A_866 = arith.shli %get3A_863, %shift_left3A_865 : vector<16xi32>
          %bitcast_convert_type3A_867 = tpu.bitcast %shift_left3A_866 : vector<16xi32> -> vector<16xf32>
          %add3A_868 = arith.addf %add3A_840, %bitcast_convert_type3A_867 : vector<16xf32>
          %and3A_869 = vector.broadcast %scan3A : i32 to vector<16xi32>
          %and3A_870 = arith.andi %get3A_863, %and3A_869 : vector<16xi32>
          %bitcast_convert_type3A_871 = tpu.bitcast %and3A_870 : vector<16xi32> -> vector<16xf32>
          %add3A_872 = arith.addf %add3A_844, %bitcast_convert_type3A_871 : vector<16xf32>
          %get3A_873 = arith.index_cast %scan3A_859 : i32 to index
          %get3A_874 = arith.constant 16 : index
          %get3A_875 = tpu.vector_load %arg8[%get3A_873, %get3A_874] {strides = array<i32>} : memref<200x32xi32, #tpu.memory_space<vmem>>, vector<1x16xi32>,
          %get3A_876 = vector.shape_cast %get3A_875 : vector<1x16xi32> to vector<16xi32>
          %shift_left3A_877 = arith.constant 16 : i32
          %shift_left3A_878 = vector.broadcast %shift_left3A_877 : i32 to vector<16xi32>
          %shift_left3A_879 = arith.shli %get3A_876, %shift_left3A_878 : vector<16xi32>
          %bitcast_convert_type3A_880 = tpu.bitcast %shift_left3A_879 : vector<16xi32> -> vector<16xf32>
          %add3A_881 = arith.addf %add3A_853, %bitcast_convert_type3A_880 : vector<16xf32>
          %and3A_882 = vector.broadcast %scan3A : i32 to vector<16xi32>
          %and3A_883 = arith.andi %get3A_876, %and3A_882 : vector<16xi32>
          %bitcast_convert_type3A_884 = tpu.bitcast %and3A_883 : vector<16xi32> -> vector<16xf32>
          %add3A_885 = arith.addf %add3A_857, %bitcast_convert_type3A_884 : vector<16xf32>
          %scan3A_886 = arith.constant 7 : i32
          %scan3A_887 = arith.addi %scan3A_691, %scan3A_886 : i32
          %get3A_888 = arith.index_cast %scan3A_887 : i32 to index
          %get3A_889 = arith.constant 0 : index
          %get3A_890 = tpu.vector_load %arg8[%get3A_888, %get3A_889] {strides = array<i32>} : memref<200x32xi32, #tpu.memory_space<vmem>>, vector<1x16xi32>,
          %get3A_891 = vector.shape_cast %get3A_890 : vector<1x16xi32> to vector<16xi32>
          %shift_left3A_892 = arith.constant 16 : i32
          %shift_left3A_893 = vector.broadcast %shift_left3A_892 : i32 to vector<16xi32>
          %shift_left3A_894 = arith.shli %get3A_891, %shift_left3A_893 : vector<16xi32>
          %bitcast_convert_type3A_895 = tpu.bitcast %shift_left3A_894 : vector<16xi32> -> vector<16xf32>
          %add3A_896 = arith.addf %add3A_868, %bitcast_convert_type3A_895 : vector<16xf32>
          %and3A_897 = vector.broadcast %scan3A : i32 to vector<16xi32>
          %and3A_898 = arith.andi %get3A_891, %and3A_897 : vector<16xi32>
          %bitcast_convert_type3A_899 = tpu.bitcast %and3A_898 : vector<16xi32> -> vector<16xf32>
          %add3A_900 = arith.addf %add3A_872, %bitcast_convert_type3A_899 : vector<16xf32>
          %get3A_901 = arith.index_cast %scan3A_887 : i32 to index
          %get3A_902 = arith.constant 16 : index
          %get3A_903 = tpu.vector_load %arg8[%get3A_901, %get3A_902] {strides = array<i32>} : memref<200x32xi32, #tpu.memory_space<vmem>>, vector<1x16xi32>,
          %get3A_904 = vector.shape_cast %get3A_903 : vector<1x16xi32> to vector<16xi32>
          %shift_left3A_905 = arith.constant 16 : i32
          %shift_left3A_906 = vector.broadcast %shift_left3A_905 : i32 to vector<16xi32>
          %shift_left3A_907 = arith.shli %get3A_904, %shift_left3A_906 : vector<16xi32>
          %bitcast_convert_type3A_908 = tpu.bitcast %shift_left3A_907 : vector<16xi32> -> vector<16xf32>
          %add3A_909 = arith.addf %add3A_881, %bitcast_convert_type3A_908 : vector<16xf32>
          %and3A_910 = vector.broadcast %scan3A : i32 to vector<16xi32>
          %and3A_911 = arith.andi %get3A_904, %and3A_910 : vector<16xi32>
          %bitcast_convert_type3A_912 = tpu.bitcast %and3A_911 : vector<16xi32> -> vector<16xf32>
          %add3A_913 = arith.addf %add3A_885, %bitcast_convert_type3A_912 : vector<16xf32>
          %scan3A_914 = arith.constant 8 : i32
          %scan3A_915 = arith.addi %scan3A_691, %scan3A_914 : i32
          %get3A_916 = arith.index_cast %scan3A_915 : i32 to index
          %get3A_917 = arith.constant 0 : index
          %get3A_918 = tpu.vector_load %arg8[%get3A_916, %get3A_917] {strides = array<i32>} : memref<200x32xi32, #tpu.memory_space<vmem>>, vector<1x16xi32>,
          %get3A_919 = vector.shape_cast %get3A_918 : vector<1x16xi32> to vector<16xi32>
          %shift_left3A_920 = arith.constant 16 : i32
          %shift_left3A_921 = vector.broadcast %shift_left3A_920 : i32 to vector<16xi32>
          %shift_left3A_922 = arith.shli %get3A_919, %shift_left3A_921 : vector<16xi32>
          %bitcast_convert_type3A_923 = tpu.bitcast %shift_left3A_922 : vector<16xi32> -> vector<16xf32>
          %add3A_924 = arith.addf %add3A_896, %bitcast_convert_type3A_923 : vector<16xf32>
          %and3A_925 = vector.broadcast %scan3A : i32 to vector<16xi32>
          %and3A_926 = arith.andi %get3A_919, %and3A_925 : vector<16xi32>
          %bitcast_convert_type3A_927 = tpu.bitcast %and3A_926 : vector<16xi32> -> vector<16xf32>
          %add3A_928 = arith.addf %add3A_900, %bitcast_convert_type3A_927 : vector<16xf32>
          %get3A_929 = arith.index_cast %scan3A_915 : i32 to index
          %get3A_930 = arith.constant 16 : index
          %get3A_931 = tpu.vector_load %arg8[%get3A_929, %get3A_930] {strides = array<i32>} : memref<200x32xi32, #tpu.memory_space<vmem>>, vector<1x16xi32>,
          %get3A_932 = vector.shape_cast %get3A_931 : vector<1x16xi32> to vector<16xi32>
          %shift_left3A_933 = arith.constant 16 : i32
          %shift_left3A_934 = vector.broadcast %shift_left3A_933 : i32 to vector<16xi32>
          %shift_left3A_935 = arith.shli %get3A_932, %shift_left3A_934 : vector<16xi32>
          %bitcast_convert_type3A_936 = tpu.bitcast %shift_left3A_935 : vector<16xi32> -> vector<16xf32>
          %add3A_937 = arith.addf %add3A_909, %bitcast_convert_type3A_936 : vector<16xf32>
          %and3A_938 = vector.broadcast %scan3A : i32 to vector<16xi32>
          %and3A_939 = arith.andi %get3A_932, %and3A_938 : vector<16xi32>
          %bitcast_convert_type3A_940 = tpu.bitcast %and3A_939 : vector<16xi32> -> vector<16xf32>
          %add3A_941 = arith.addf %add3A_913, %bitcast_convert_type3A_940 : vector<16xf32>
          %scan3A_942 = arith.constant 9 : i32
          %scan3A_943 = arith.addi %scan3A_691, %scan3A_942 : i32
          %get3A_944 = arith.index_cast %scan3A_943 : i32 to index
          %get3A_945 = arith.constant 0 : index
          %get3A_946 = tpu.vector_load %arg8[%get3A_944, %get3A_945] {strides = array<i32>} : memref<200x32xi32, #tpu.memory_space<vmem>>, vector<1x16xi32>,
          %get3A_947 = vector.shape_cast %get3A_946 : vector<1x16xi32> to vector<16xi32>
          %shift_left3A_948 = arith.constant 16 : i32
          %shift_left3A_949 = vector.broadcast %shift_left3A_948 : i32 to vector<16xi32>
          %shift_left3A_950 = arith.shli %get3A_947, %shift_left3A_949 : vector<16xi32>
          %bitcast_convert_type3A_951 = tpu.bitcast %shift_left3A_950 : vector<16xi32> -> vector<16xf32>
          %add3A_952 = arith.addf %add3A_924, %bitcast_convert_type3A_951 : vector<16xf32>
          %and3A_953 = vector.broadcast %scan3A : i32 to vector<16xi32>
          %and3A_954 = arith.andi %get3A_947, %and3A_953 : vector<16xi32>
          %bitcast_convert_type3A_955 = tpu.bitcast %and3A_954 : vector<16xi32> -> vector<16xf32>
          %add3A_956 = arith.addf %add3A_928, %bitcast_convert_type3A_955 : vector<16xf32>
          %get3A_957 = arith.index_cast %scan3A_943 : i32 to index
          %get3A_958 = arith.constant 16 : index
          %get3A_959 = tpu.vector_load %arg8[%get3A_957, %get3A_958] {strides = array<i32>} : memref<200x32xi32, #tpu.memory_space<vmem>>, vector<1x16xi32>,
          %get3A_960 = vector.shape_cast %get3A_959 : vector<1x16xi32> to vector<16xi32>
          %shift_left3A_961 = arith.constant 16 : i32
          %shift_left3A_962 = vector.broadcast %shift_left3A_961 : i32 to vector<16xi32>
          %shift_left3A_963 = arith.shli %get3A_960, %shift_left3A_962 : vector<16xi32>
          %bitcast_convert_type3A_964 = tpu.bitcast %shift_left3A_963 : vector<16xi32> -> vector<16xf32>
          %add3A_965 = arith.addf %add3A_937, %bitcast_convert_type3A_964 : vector<16xf32>
          %and3A_966 = vector.broadcast %scan3A : i32 to vector<16xi32>
          %and3A_967 = arith.andi %get3A_960, %and3A_966 : vector<16xi32>
          %bitcast_convert_type3A_968 = tpu.bitcast %and3A_967 : vector<16xi32> -> vector<16xf32>
          %add3A_969 = arith.addf %add3A_941, %bitcast_convert_type3A_968 : vector<16xf32>
          scf.yield %add3A_952, %add3A_965, %add3A_956, %add3A_969 : vector<16xf32>, vector<16xf32>, vector<16xf32>, vector<16xf32>
        }
        %scan3A_334 = arith.constant 200 : i32
        %swap3A_335 = arith.index_cast %add3A_320 : i32 to index
        %swap3A_336 = arith.constant 0 : index
        %swap3A_337 = tpu.vector_load %arg14[%swap3A_335, %swap3A_336] {strides = array<i32>} : memref<512x64xf32, #tpu.memory_space<vmem>>, vector<1x16xf32>,
        %swap3A_338 = vector.shape_cast %swap3A_337 : vector<1x16xf32> to vector<16xf32>
        %swap3A_339 = vector.shape_cast %scan3A_333#0 : vector<16xf32> to vector<1x16xf32>
        tpu.vector_store %arg14[%swap3A_335, %swap3A_336], %swap3A_339 {strides = array<i32>} : memref<512x64xf32, #tpu.memory_space<vmem>>, vector<1x16xf32>,
        %swap3A_340 = arith.index_cast %add3A_320 : i32 to index
        %swap3A_341 = arith.constant 16 : index
        %swap3A_342 = tpu.vector_load %arg14[%swap3A_340, %swap3A_341] {strides = array<i32>} : memref<512x64xf32, #tpu.memory_space<vmem>>, vector<1x16xf32>,
        %swap3A_343 = vector.shape_cast %swap3A_342 : vector<1x16xf32> to vector<16xf32>
        %swap3A_344 = vector.shape_cast %scan3A_333#1 : vector<16xf32> to vector<1x16xf32>
        tpu.vector_store %arg14[%swap3A_340, %swap3A_341], %swap3A_344 {strides = array<i32>} : memref<512x64xf32, #tpu.memory_space<vmem>>, vector<1x16xf32>,
        %swap3A_345 = arith.index_cast %add3A_320 : i32 to index
        %swap3A_346 = arith.constant 32 : index
        %swap3A_347 = tpu.vector_load %arg14[%swap3A_345, %swap3A_346] {strides = array<i32>} : memref<512x64xf32, #tpu.memory_space<vmem>>, vector<1x16xf32>,
        %swap3A_348 = vector.shape_cast %swap3A_347 : vector<1x16xf32> to vector<16xf32>
        %swap3A_349 = vector.shape_cast %scan3A_333#2 : vector<16xf32> to vector<1x16xf32>
        tpu.vector_store %arg14[%swap3A_345, %swap3A_346], %swap3A_349 {strides = array<i32>} : memref<512x64xf32, #tpu.memory_space<vmem>>, vector<1x16xf32>,
        %swap3A_350 = arith.index_cast %add3A_320 : i32 to index
        %swap3A_351 = arith.constant 48 : index
        %swap3A_352 = tpu.vector_load %arg14[%swap3A_350, %swap3A_351] {strides = array<i32>} : memref<512x64xf32, #tpu.memory_space<vmem>>, vector<1x16xf32>,
        %swap3A_353 = vector.shape_cast %swap3A_352 : vector<1x16xf32> to vector<16xf32>
        %swap3A_354 = vector.shape_cast %scan3A_333#3 : vector<16xf32> to vector<1x16xf32>
        tpu.vector_store %arg14[%swap3A_350, %swap3A_351], %swap3A_354 {strides = array<i32>} : memref<512x64xf32, #tpu.memory_space<vmem>>, vector<1x16xf32>,
        %mul3A_355 = arith.constant 8 : i32
        %mul3A_356 = arith.muli %scan3A_159, %mul3A_355 : i32
        %add3A_357 = arith.constant 3 : i32
        %add3A_358 = arith.addi %mul3A_356, %add3A_357 : i32
        %mul3A_359 = arith.constant 200 : i32
        %mul3A_360 = arith.muli %add3A_358, %mul3A_359 : i32
        %multiple_of3A_361 = tpu.assume_multiple %mul3A_360, 8 : i32
        %dma_wait3A_362 = arith.constant 0 : i32
        %dma_wait3A_363 = arith.constant 0 : i32
        %dma_wait3A_364 = tpu.memref_slice %arg9[%dma_wait3A_362, %dma_wait3A_363] : memref<200x32xi32, #tpu.memory_space<vmem>> -> memref<96x32xi32, #tpu.memory_space<vmem>>
        %dma_wait3A_365 = tpu.memref_slice %arg5[%multiple_of3A_361] : memref<12800xi32, #tpu.memory_space<vmem>> -> memref<96xi32, #tpu.memory_space<vmem>>
        %dma_wait3A_366 = arith.constant 0 : i32
        %dma_wait3A_367 = arith.constant 0 : i32
        %dma_wait3A_368 = tpu.memref_slice %arg3[%dma_wait3A_366, %dma_wait3A_367] : memref<1015808x32xi32, #tpu.memory_space<hbm>> -> memref<1015808x32xi32, #tpu.memory_space<hbm>>
        tpu.wait_indirect_dma semaphore(%arg18 : memref<!tpu.dma_semaphore, #tpu.memory_space<semaphore_mem>>) src(%dma_wait3A_368 : memref<1015808x32xi32, #tpu.memory_space<hbm>>) dst(%dma_wait3A_364 : memref<96x32xi32, #tpu.memory_space<vmem>>)
        %add3A_369 = arith.constant 96 : i32
        %add3A_370 = arith.addi %multiple_of3A_361, %add3A_369 : i32
        %dma_wait3A_371 = arith.constant 96 : i32
        %dma_wait3A_372 = arith.constant 0 : i32
        %dma_wait3A_373 = tpu.memref_slice %arg9[%dma_wait3A_371, %dma_wait3A_372] : memref<200x32xi32, #tpu.memory_space<vmem>> -> memref<104x32xi32, #tpu.memory_space<vmem>>
        %dma_wait3A_374 = tpu.memref_slice %arg5[%add3A_370] : memref<12800xi32, #tpu.memory_space<vmem>> -> memref<104xi32, #tpu.memory_space<vmem>>
        %dma_wait3A_375 = arith.constant 0 : i32
        %dma_wait3A_376 = arith.constant 0 : i32
        %dma_wait3A_377 = tpu.memref_slice %arg3[%dma_wait3A_375, %dma_wait3A_376] : memref<1015808x32xi32, #tpu.memory_space<hbm>> -> memref<1015808x32xi32, #tpu.memory_space<hbm>>
        tpu.wait_indirect_dma semaphore(%arg18 : memref<!tpu.dma_semaphore, #tpu.memory_space<semaphore_mem>>) src(%dma_wait3A_377 : memref<1015808x32xi32, #tpu.memory_space<hbm>>) dst(%dma_wait3A_373 : memref<104x32xi32, #tpu.memory_space<vmem>>)
        %add3A_378 = arith.constant 8 : i32
        %add3A_379 = arith.addi %add3A_358, %add3A_378 : i32
        %sub3A_380 = arith.constant 1 : i32
        %sub3A_381 = arith.subi %add3A_379, %sub3A_380 : i32
        %lt3A_382 = arith.constant 64 : i32
        %lt3A_383 = arith.cmpi slt, %sub3A_381, %lt3A_382 : i32
        %convert_element_type3A_384 = arith.extui %lt3A_383 : i1 to i32
        %cond3A_385 = arith.constant 0 : i32
        %cond3A_386 = arith.cmpi ne, %convert_element_type3A_384, %cond3A_385 : i32
        scf.if %cond3A_386 {
          %add3A_691 = arith.constant 8 : i32
          %add3A_692 = arith.addi %add3A_358, %add3A_691 : i32
          %sub3A_693 = arith.constant 1 : i32
          %sub3A_694 = arith.subi %add3A_692, %sub3A_693 : i32
          %mul3A_695 = arith.constant 200 : i32
          %mul3A_696 = arith.muli %sub3A_694, %mul3A_695 : i32
          %multiple_of3A_697 = tpu.assume_multiple %mul3A_696, 8 : i32
          %dma_start3A_698 = arith.constant 0 : i32
          %dma_start3A_699 = arith.constant 0 : i32
          %dma_start3A_700 = tpu.memref_slice %arg8[%dma_start3A_698, %dma_start3A_699] : memref<200x32xi32, #tpu.memory_space<vmem>> -> memref<96x32xi32, #tpu.memory_space<vmem>>
          %dma_start3A_701 = tpu.memref_slice %arg5[%multiple_of3A_697] : memref<12800xi32, #tpu.memory_space<vmem>> -> memref<96xi32, #tpu.memory_space<vmem>>
          %dma_start3A_702 = arith.constant 0 : i32
          %dma_start3A_703 = arith.constant 0 : i32
          %dma_start3A_704 = tpu.memref_slice %arg3[%dma_start3A_702, %dma_start3A_703] : memref<1015808x32xi32, #tpu.memory_space<hbm>> -> memref<1015808x32xi32, #tpu.memory_space<hbm>>
          tpu.enqueue_indirect_dma source(%dma_start3A_704 : memref<1015808x32xi32, #tpu.memory_space<hbm>>) target(%dma_start3A_700 : memref<96x32xi32, #tpu.memory_space<vmem>>) offsets(%dma_start3A_701 : memref<96xi32, #tpu.memory_space<vmem>>) semaphore(%arg17 : memref<!tpu.dma_semaphore, #tpu.memory_space<semaphore_mem>>)
          %add3A_705 = arith.constant 96 : i32
          %add3A_706 = arith.addi %multiple_of3A_697, %add3A_705 : i32
          %dma_start3A_707 = arith.constant 96 : i32
          %dma_start3A_708 = arith.constant 0 : i32
          %dma_start3A_709 = tpu.memref_slice %arg8[%dma_start3A_707, %dma_start3A_708] : memref<200x32xi32, #tpu.memory_space<vmem>> -> memref<104x32xi32, #tpu.memory_space<vmem>>
          %dma_start3A_710 = tpu.memref_slice %arg5[%add3A_706] : memref<12800xi32, #tpu.memory_space<vmem>> -> memref<104xi32, #tpu.memory_space<vmem>>
          %dma_start3A_711 = arith.constant 0 : i32
          %dma_start3A_712 = arith.constant 0 : i32
          %dma_start3A_713 = tpu.memref_slice %arg3[%dma_start3A_711, %dma_start3A_712] : memref<1015808x32xi32, #tpu.memory_space<hbm>> -> memref<1015808x32xi32, #tpu.memory_space<hbm>>
          tpu.enqueue_indirect_dma source(%dma_start3A_713 : memref<1015808x32xi32, #tpu.memory_space<hbm>>) target(%dma_start3A_709 : memref<104x32xi32, #tpu.memory_space<vmem>>) offsets(%dma_start3A_710 : memref<104xi32, #tpu.memory_space<vmem>>) semaphore(%arg17 : memref<!tpu.dma_semaphore, #tpu.memory_space<semaphore_mem>>)
        } else {
        }
        %add3A_387 = arith.addi %mul3A_25, %add3A_358 : i32
        %broadcast_in_dim3A_388 = arith.constant 0.000000e+00 : f32
        %broadcast_in_dim3A_389 = vector.broadcast %broadcast_in_dim3A_388 : f32 to vector<16xf32>
        %broadcast_in_dim3A_390 = arith.constant 0.000000e+00 : f32
        %broadcast_in_dim3A_391 = vector.broadcast %broadcast_in_dim3A_390 : f32 to vector<16xf32>
        %broadcast_in_dim3A_392 = arith.constant 0.000000e+00 : f32
        %broadcast_in_dim3A_393 = vector.broadcast %broadcast_in_dim3A_392 : f32 to vector<16xf32>
        %broadcast_in_dim3A_394 = arith.constant 0.000000e+00 : f32
        %broadcast_in_dim3A_395 = vector.broadcast %broadcast_in_dim3A_394 : f32 to vector<16xf32>
        %scan3A_396 = arith.constant 0 : i32
        %scan3A_397 = arith.constant 200 : i32
        %scan3A_398 = arith.addi %scan3A_396, %scan3A_397 : i32
        %scan3A_399 = arith.constant 10 : i32
        %scan3A_400:4 = scf.for %scan3A_691 = %scan3A_396 to %scan3A_398 step %scan3A_399 iter_args(%scan3A_692 = %broadcast_in_dim3A_389, %scan3A_693 = %broadcast_in_dim3A_391, %scan3A_694 = %broadcast_in_dim3A_393, %scan3A_695 = %broadcast_in_dim3A_395) -> (vector<16xf32>, vector<16xf32>, vector<16xf32>, vector<16xf32>)  : i32 {
          %get3A = arith.index_cast %scan3A_691 : i32 to index
          %get3A_696 = arith.constant 0 : index
          %get3A_697 = tpu.vector_load %arg9[%get3A, %get3A_696] {strides = array<i32>} : memref<200x32xi32, #tpu.memory_space<vmem>>, vector<1x16xi32>,
          %get3A_698 = vector.shape_cast %get3A_697 : vector<1x16xi32> to vector<16xi32>
          %shift_left3A = arith.constant 16 : i32
          %shift_left3A_699 = vector.broadcast %shift_left3A : i32 to vector<16xi32>
          %shift_left3A_700 = arith.shli %get3A_698, %shift_left3A_699 : vector<16xi32>
          %bitcast_convert_type3A = tpu.bitcast %shift_left3A_700 : vector<16xi32> -> vector<16xf32>
          %add3A_701 = arith.addf %scan3A_692, %bitcast_convert_type3A : vector<16xf32>
          %and3A = vector.broadcast %scan3A : i32 to vector<16xi32>
          %and3A_702 = arith.andi %get3A_698, %and3A : vector<16xi32>
          %bitcast_convert_type3A_703 = tpu.bitcast %and3A_702 : vector<16xi32> -> vector<16xf32>
          %add3A_704 = arith.addf %scan3A_694, %bitcast_convert_type3A_703 : vector<16xf32>
          %get3A_705 = arith.index_cast %scan3A_691 : i32 to index
          %get3A_706 = arith.constant 16 : index
          %get3A_707 = tpu.vector_load %arg9[%get3A_705, %get3A_706] {strides = array<i32>} : memref<200x32xi32, #tpu.memory_space<vmem>>, vector<1x16xi32>,
          %get3A_708 = vector.shape_cast %get3A_707 : vector<1x16xi32> to vector<16xi32>
          %shift_left3A_709 = arith.constant 16 : i32
          %shift_left3A_710 = vector.broadcast %shift_left3A_709 : i32 to vector<16xi32>
          %shift_left3A_711 = arith.shli %get3A_708, %shift_left3A_710 : vector<16xi32>
          %bitcast_convert_type3A_712 = tpu.bitcast %shift_left3A_711 : vector<16xi32> -> vector<16xf32>
          %add3A_713 = arith.addf %scan3A_693, %bitcast_convert_type3A_712 : vector<16xf32>
          %and3A_714 = vector.broadcast %scan3A : i32 to vector<16xi32>
          %and3A_715 = arith.andi %get3A_708, %and3A_714 : vector<16xi32>
          %bitcast_convert_type3A_716 = tpu.bitcast %and3A_715 : vector<16xi32> -> vector<16xf32>
          %add3A_717 = arith.addf %scan3A_695, %bitcast_convert_type3A_716 : vector<16xf32>
          %scan3A_718 = arith.constant 1 : i32
          %scan3A_719 = arith.addi %scan3A_691, %scan3A_718 : i32
          %get3A_720 = arith.index_cast %scan3A_719 : i32 to index
          %get3A_721 = arith.constant 0 : index
          %get3A_722 = tpu.vector_load %arg9[%get3A_720, %get3A_721] {strides = array<i32>} : memref<200x32xi32, #tpu.memory_space<vmem>>, vector<1x16xi32>,
          %get3A_723 = vector.shape_cast %get3A_722 : vector<1x16xi32> to vector<16xi32>
          %shift_left3A_724 = arith.constant 16 : i32
          %shift_left3A_725 = vector.broadcast %shift_left3A_724 : i32 to vector<16xi32>
          %shift_left3A_726 = arith.shli %get3A_723, %shift_left3A_725 : vector<16xi32>
          %bitcast_convert_type3A_727 = tpu.bitcast %shift_left3A_726 : vector<16xi32> -> vector<16xf32>
          %add3A_728 = arith.addf %add3A_701, %bitcast_convert_type3A_727 : vector<16xf32>
          %and3A_729 = vector.broadcast %scan3A : i32 to vector<16xi32>
          %and3A_730 = arith.andi %get3A_723, %and3A_729 : vector<16xi32>
          %bitcast_convert_type3A_731 = tpu.bitcast %and3A_730 : vector<16xi32> -> vector<16xf32>
          %add3A_732 = arith.addf %add3A_704, %bitcast_convert_type3A_731 : vector<16xf32>
          %get3A_733 = arith.index_cast %scan3A_719 : i32 to index
          %get3A_734 = arith.constant 16 : index
          %get3A_735 = tpu.vector_load %arg9[%get3A_733, %get3A_734] {strides = array<i32>} : memref<200x32xi32, #tpu.memory_space<vmem>>, vector<1x16xi32>,
          %get3A_736 = vector.shape_cast %get3A_735 : vector<1x16xi32> to vector<16xi32>
          %shift_left3A_737 = arith.constant 16 : i32
          %shift_left3A_738 = vector.broadcast %shift_left3A_737 : i32 to vector<16xi32>
          %shift_left3A_739 = arith.shli %get3A_736, %shift_left3A_738 : vector<16xi32>
          %bitcast_convert_type3A_740 = tpu.bitcast %shift_left3A_739 : vector<16xi32> -> vector<16xf32>
          %add3A_741 = arith.addf %add3A_713, %bitcast_convert_type3A_740 : vector<16xf32>
          %and3A_742 = vector.broadcast %scan3A : i32 to vector<16xi32>
          %and3A_743 = arith.andi %get3A_736, %and3A_742 : vector<16xi32>
          %bitcast_convert_type3A_744 = tpu.bitcast %and3A_743 : vector<16xi32> -> vector<16xf32>
          %add3A_745 = arith.addf %add3A_717, %bitcast_convert_type3A_744 : vector<16xf32>
          %scan3A_746 = arith.constant 2 : i32
          %scan3A_747 = arith.addi %scan3A_691, %scan3A_746 : i32
          %get3A_748 = arith.index_cast %scan3A_747 : i32 to index
          %get3A_749 = arith.constant 0 : index
          %get3A_750 = tpu.vector_load %arg9[%get3A_748, %get3A_749] {strides = array<i32>} : memref<200x32xi32, #tpu.memory_space<vmem>>, vector<1x16xi32>,
          %get3A_751 = vector.shape_cast %get3A_750 : vector<1x16xi32> to vector<16xi32>
          %shift_left3A_752 = arith.constant 16 : i32
          %shift_left3A_753 = vector.broadcast %shift_left3A_752 : i32 to vector<16xi32>
          %shift_left3A_754 = arith.shli %get3A_751, %shift_left3A_753 : vector<16xi32>
          %bitcast_convert_type3A_755 = tpu.bitcast %shift_left3A_754 : vector<16xi32> -> vector<16xf32>
          %add3A_756 = arith.addf %add3A_728, %bitcast_convert_type3A_755 : vector<16xf32>
          %and3A_757 = vector.broadcast %scan3A : i32 to vector<16xi32>
          %and3A_758 = arith.andi %get3A_751, %and3A_757 : vector<16xi32>
          %bitcast_convert_type3A_759 = tpu.bitcast %and3A_758 : vector<16xi32> -> vector<16xf32>
          %add3A_760 = arith.addf %add3A_732, %bitcast_convert_type3A_759 : vector<16xf32>
          %get3A_761 = arith.index_cast %scan3A_747 : i32 to index
          %get3A_762 = arith.constant 16 : index
          %get3A_763 = tpu.vector_load %arg9[%get3A_761, %get3A_762] {strides = array<i32>} : memref<200x32xi32, #tpu.memory_space<vmem>>, vector<1x16xi32>,
          %get3A_764 = vector.shape_cast %get3A_763 : vector<1x16xi32> to vector<16xi32>
          %shift_left3A_765 = arith.constant 16 : i32
          %shift_left3A_766 = vector.broadcast %shift_left3A_765 : i32 to vector<16xi32>
          %shift_left3A_767 = arith.shli %get3A_764, %shift_left3A_766 : vector<16xi32>
          %bitcast_convert_type3A_768 = tpu.bitcast %shift_left3A_767 : vector<16xi32> -> vector<16xf32>
          %add3A_769 = arith.addf %add3A_741, %bitcast_convert_type3A_768 : vector<16xf32>
          %and3A_770 = vector.broadcast %scan3A : i32 to vector<16xi32>
          %and3A_771 = arith.andi %get3A_764, %and3A_770 : vector<16xi32>
          %bitcast_convert_type3A_772 = tpu.bitcast %and3A_771 : vector<16xi32> -> vector<16xf32>
          %add3A_773 = arith.addf %add3A_745, %bitcast_convert_type3A_772 : vector<16xf32>
          %scan3A_774 = arith.constant 3 : i32
          %scan3A_775 = arith.addi %scan3A_691, %scan3A_774 : i32
          %get3A_776 = arith.index_cast %scan3A_775 : i32 to index
          %get3A_777 = arith.constant 0 : index
          %get3A_778 = tpu.vector_load %arg9[%get3A_776, %get3A_777] {strides = array<i32>} : memref<200x32xi32, #tpu.memory_space<vmem>>, vector<1x16xi32>,
          %get3A_779 = vector.shape_cast %get3A_778 : vector<1x16xi32> to vector<16xi32>
          %shift_left3A_780 = arith.constant 16 : i32
          %shift_left3A_781 = vector.broadcast %shift_left3A_780 : i32 to vector<16xi32>
          %shift_left3A_782 = arith.shli %get3A_779, %shift_left3A_781 : vector<16xi32>
          %bitcast_convert_type3A_783 = tpu.bitcast %shift_left3A_782 : vector<16xi32> -> vector<16xf32>
          %add3A_784 = arith.addf %add3A_756, %bitcast_convert_type3A_783 : vector<16xf32>
          %and3A_785 = vector.broadcast %scan3A : i32 to vector<16xi32>
          %and3A_786 = arith.andi %get3A_779, %and3A_785 : vector<16xi32>
          %bitcast_convert_type3A_787 = tpu.bitcast %and3A_786 : vector<16xi32> -> vector<16xf32>
          %add3A_788 = arith.addf %add3A_760, %bitcast_convert_type3A_787 : vector<16xf32>
          %get3A_789 = arith.index_cast %scan3A_775 : i32 to index
          %get3A_790 = arith.constant 16 : index
          %get3A_791 = tpu.vector_load %arg9[%get3A_789, %get3A_790] {strides = array<i32>} : memref<200x32xi32, #tpu.memory_space<vmem>>, vector<1x16xi32>,
          %get3A_792 = vector.shape_cast %get3A_791 : vector<1x16xi32> to vector<16xi32>
          %shift_left3A_793 = arith.constant 16 : i32
          %shift_left3A_794 = vector.broadcast %shift_left3A_793 : i32 to vector<16xi32>
          %shift_left3A_795 = arith.shli %get3A_792, %shift_left3A_794 : vector<16xi32>
          %bitcast_convert_type3A_796 = tpu.bitcast %shift_left3A_795 : vector<16xi32> -> vector<16xf32>
          %add3A_797 = arith.addf %add3A_769, %bitcast_convert_type3A_796 : vector<16xf32>
          %and3A_798 = vector.broadcast %scan3A : i32 to vector<16xi32>
          %and3A_799 = arith.andi %get3A_792, %and3A_798 : vector<16xi32>
          %bitcast_convert_type3A_800 = tpu.bitcast %and3A_799 : vector<16xi32> -> vector<16xf32>
          %add3A_801 = arith.addf %add3A_773, %bitcast_convert_type3A_800 : vector<16xf32>
          %scan3A_802 = arith.constant 4 : i32
          %scan3A_803 = arith.addi %scan3A_691, %scan3A_802 : i32
          %get3A_804 = arith.index_cast %scan3A_803 : i32 to index
          %get3A_805 = arith.constant 0 : index
          %get3A_806 = tpu.vector_load %arg9[%get3A_804, %get3A_805] {strides = array<i32>} : memref<200x32xi32, #tpu.memory_space<vmem>>, vector<1x16xi32>,
          %get3A_807 = vector.shape_cast %get3A_806 : vector<1x16xi32> to vector<16xi32>
          %shift_left3A_808 = arith.constant 16 : i32
          %shift_left3A_809 = vector.broadcast %shift_left3A_808 : i32 to vector<16xi32>
          %shift_left3A_810 = arith.shli %get3A_807, %shift_left3A_809 : vector<16xi32>
          %bitcast_convert_type3A_811 = tpu.bitcast %shift_left3A_810 : vector<16xi32> -> vector<16xf32>
          %add3A_812 = arith.addf %add3A_784, %bitcast_convert_type3A_811 : vector<16xf32>
          %and3A_813 = vector.broadcast %scan3A : i32 to vector<16xi32>
          %and3A_814 = arith.andi %get3A_807, %and3A_813 : vector<16xi32>
          %bitcast_convert_type3A_815 = tpu.bitcast %and3A_814 : vector<16xi32> -> vector<16xf32>
          %add3A_816 = arith.addf %add3A_788, %bitcast_convert_type3A_815 : vector<16xf32>
          %get3A_817 = arith.index_cast %scan3A_803 : i32 to index
          %get3A_818 = arith.constant 16 : index
          %get3A_819 = tpu.vector_load %arg9[%get3A_817, %get3A_818] {strides = array<i32>} : memref<200x32xi32, #tpu.memory_space<vmem>>, vector<1x16xi32>,
          %get3A_820 = vector.shape_cast %get3A_819 : vector<1x16xi32> to vector<16xi32>
          %shift_left3A_821 = arith.constant 16 : i32
          %shift_left3A_822 = vector.broadcast %shift_left3A_821 : i32 to vector<16xi32>
          %shift_left3A_823 = arith.shli %get3A_820, %shift_left3A_822 : vector<16xi32>
          %bitcast_convert_type3A_824 = tpu.bitcast %shift_left3A_823 : vector<16xi32> -> vector<16xf32>
          %add3A_825 = arith.addf %add3A_797, %bitcast_convert_type3A_824 : vector<16xf32>
          %and3A_826 = vector.broadcast %scan3A : i32 to vector<16xi32>
          %and3A_827 = arith.andi %get3A_820, %and3A_826 : vector<16xi32>
          %bitcast_convert_type3A_828 = tpu.bitcast %and3A_827 : vector<16xi32> -> vector<16xf32>
          %add3A_829 = arith.addf %add3A_801, %bitcast_convert_type3A_828 : vector<16xf32>
          %scan3A_830 = arith.constant 5 : i32
          %scan3A_831 = arith.addi %scan3A_691, %scan3A_830 : i32
          %get3A_832 = arith.index_cast %scan3A_831 : i32 to index
          %get3A_833 = arith.constant 0 : index
          %get3A_834 = tpu.vector_load %arg9[%get3A_832, %get3A_833] {strides = array<i32>} : memref<200x32xi32, #tpu.memory_space<vmem>>, vector<1x16xi32>,
          %get3A_835 = vector.shape_cast %get3A_834 : vector<1x16xi32> to vector<16xi32>
          %shift_left3A_836 = arith.constant 16 : i32
          %shift_left3A_837 = vector.broadcast %shift_left3A_836 : i32 to vector<16xi32>
          %shift_left3A_838 = arith.shli %get3A_835, %shift_left3A_837 : vector<16xi32>
          %bitcast_convert_type3A_839 = tpu.bitcast %shift_left3A_838 : vector<16xi32> -> vector<16xf32>
          %add3A_840 = arith.addf %add3A_812, %bitcast_convert_type3A_839 : vector<16xf32>
          %and3A_841 = vector.broadcast %scan3A : i32 to vector<16xi32>
          %and3A_842 = arith.andi %get3A_835, %and3A_841 : vector<16xi32>
          %bitcast_convert_type3A_843 = tpu.bitcast %and3A_842 : vector<16xi32> -> vector<16xf32>
          %add3A_844 = arith.addf %add3A_816, %bitcast_convert_type3A_843 : vector<16xf32>
          %get3A_845 = arith.index_cast %scan3A_831 : i32 to index
          %get3A_846 = arith.constant 16 : index
          %get3A_847 = tpu.vector_load %arg9[%get3A_845, %get3A_846] {strides = array<i32>} : memref<200x32xi32, #tpu.memory_space<vmem>>, vector<1x16xi32>,
          %get3A_848 = vector.shape_cast %get3A_847 : vector<1x16xi32> to vector<16xi32>
          %shift_left3A_849 = arith.constant 16 : i32
          %shift_left3A_850 = vector.broadcast %shift_left3A_849 : i32 to vector<16xi32>
          %shift_left3A_851 = arith.shli %get3A_848, %shift_left3A_850 : vector<16xi32>
          %bitcast_convert_type3A_852 = tpu.bitcast %shift_left3A_851 : vector<16xi32> -> vector<16xf32>
          %add3A_853 = arith.addf %add3A_825, %bitcast_convert_type3A_852 : vector<16xf32>
          %and3A_854 = vector.broadcast %scan3A : i32 to vector<16xi32>
          %and3A_855 = arith.andi %get3A_848, %and3A_854 : vector<16xi32>
          %bitcast_convert_type3A_856 = tpu.bitcast %and3A_855 : vector<16xi32> -> vector<16xf32>
          %add3A_857 = arith.addf %add3A_829, %bitcast_convert_type3A_856 : vector<16xf32>
          %scan3A_858 = arith.constant 6 : i32
          %scan3A_859 = arith.addi %scan3A_691, %scan3A_858 : i32
          %get3A_860 = arith.index_cast %scan3A_859 : i32 to index
          %get3A_861 = arith.constant 0 : index
          %get3A_862 = tpu.vector_load %arg9[%get3A_860, %get3A_861] {strides = array<i32>} : memref<200x32xi32, #tpu.memory_space<vmem>>, vector<1x16xi32>,
          %get3A_863 = vector.shape_cast %get3A_862 : vector<1x16xi32> to vector<16xi32>
          %shift_left3A_864 = arith.constant 16 : i32
          %shift_left3A_865 = vector.broadcast %shift_left3A_864 : i32 to vector<16xi32>
          %shift_left3A_866 = arith.shli %get3A_863, %shift_left3A_865 : vector<16xi32>
          %bitcast_convert_type3A_867 = tpu.bitcast %shift_left3A_866 : vector<16xi32> -> vector<16xf32>
          %add3A_868 = arith.addf %add3A_840, %bitcast_convert_type3A_867 : vector<16xf32>
          %and3A_869 = vector.broadcast %scan3A : i32 to vector<16xi32>
          %and3A_870 = arith.andi %get3A_863, %and3A_869 : vector<16xi32>
          %bitcast_convert_type3A_871 = tpu.bitcast %and3A_870 : vector<16xi32> -> vector<16xf32>
          %add3A_872 = arith.addf %add3A_844, %bitcast_convert_type3A_871 : vector<16xf32>
          %get3A_873 = arith.index_cast %scan3A_859 : i32 to index
          %get3A_874 = arith.constant 16 : index
          %get3A_875 = tpu.vector_load %arg9[%get3A_873, %get3A_874] {strides = array<i32>} : memref<200x32xi32, #tpu.memory_space<vmem>>, vector<1x16xi32>,
          %get3A_876 = vector.shape_cast %get3A_875 : vector<1x16xi32> to vector<16xi32>
          %shift_left3A_877 = arith.constant 16 : i32
          %shift_left3A_878 = vector.broadcast %shift_left3A_877 : i32 to vector<16xi32>
          %shift_left3A_879 = arith.shli %get3A_876, %shift_left3A_878 : vector<16xi32>
          %bitcast_convert_type3A_880 = tpu.bitcast %shift_left3A_879 : vector<16xi32> -> vector<16xf32>
          %add3A_881 = arith.addf %add3A_853, %bitcast_convert_type3A_880 : vector<16xf32>
          %and3A_882 = vector.broadcast %scan3A : i32 to vector<16xi32>
          %and3A_883 = arith.andi %get3A_876, %and3A_882 : vector<16xi32>
          %bitcast_convert_type3A_884 = tpu.bitcast %and3A_883 : vector<16xi32> -> vector<16xf32>
          %add3A_885 = arith.addf %add3A_857, %bitcast_convert_type3A_884 : vector<16xf32>
          %scan3A_886 = arith.constant 7 : i32
          %scan3A_887 = arith.addi %scan3A_691, %scan3A_886 : i32
          %get3A_888 = arith.index_cast %scan3A_887 : i32 to index
          %get3A_889 = arith.constant 0 : index
          %get3A_890 = tpu.vector_load %arg9[%get3A_888, %get3A_889] {strides = array<i32>} : memref<200x32xi32, #tpu.memory_space<vmem>>, vector<1x16xi32>,
          %get3A_891 = vector.shape_cast %get3A_890 : vector<1x16xi32> to vector<16xi32>
          %shift_left3A_892 = arith.constant 16 : i32
          %shift_left3A_893 = vector.broadcast %shift_left3A_892 : i32 to vector<16xi32>
          %shift_left3A_894 = arith.shli %get3A_891, %shift_left3A_893 : vector<16xi32>
          %bitcast_convert_type3A_895 = tpu.bitcast %shift_left3A_894 : vector<16xi32> -> vector<16xf32>
          %add3A_896 = arith.addf %add3A_868, %bitcast_convert_type3A_895 : vector<16xf32>
          %and3A_897 = vector.broadcast %scan3A : i32 to vector<16xi32>
          %and3A_898 = arith.andi %get3A_891, %and3A_897 : vector<16xi32>
          %bitcast_convert_type3A_899 = tpu.bitcast %and3A_898 : vector<16xi32> -> vector<16xf32>
          %add3A_900 = arith.addf %add3A_872, %bitcast_convert_type3A_899 : vector<16xf32>
          %get3A_901 = arith.index_cast %scan3A_887 : i32 to index
          %get3A_902 = arith.constant 16 : index
          %get3A_903 = tpu.vector_load %arg9[%get3A_901, %get3A_902] {strides = array<i32>} : memref<200x32xi32, #tpu.memory_space<vmem>>, vector<1x16xi32>,
          %get3A_904 = vector.shape_cast %get3A_903 : vector<1x16xi32> to vector<16xi32>
          %shift_left3A_905 = arith.constant 16 : i32
          %shift_left3A_906 = vector.broadcast %shift_left3A_905 : i32 to vector<16xi32>
          %shift_left3A_907 = arith.shli %get3A_904, %shift_left3A_906 : vector<16xi32>
          %bitcast_convert_type3A_908 = tpu.bitcast %shift_left3A_907 : vector<16xi32> -> vector<16xf32>
          %add3A_909 = arith.addf %add3A_881, %bitcast_convert_type3A_908 : vector<16xf32>
          %and3A_910 = vector.broadcast %scan3A : i32 to vector<16xi32>
          %and3A_911 = arith.andi %get3A_904, %and3A_910 : vector<16xi32>
          %bitcast_convert_type3A_912 = tpu.bitcast %and3A_911 : vector<16xi32> -> vector<16xf32>
          %add3A_913 = arith.addf %add3A_885, %bitcast_convert_type3A_912 : vector<16xf32>
          %scan3A_914 = arith.constant 8 : i32
          %scan3A_915 = arith.addi %scan3A_691, %scan3A_914 : i32
          %get3A_916 = arith.index_cast %scan3A_915 : i32 to index
          %get3A_917 = arith.constant 0 : index
          %get3A_918 = tpu.vector_load %arg9[%get3A_916, %get3A_917] {strides = array<i32>} : memref<200x32xi32, #tpu.memory_space<vmem>>, vector<1x16xi32>,
          %get3A_919 = vector.shape_cast %get3A_918 : vector<1x16xi32> to vector<16xi32>
          %shift_left3A_920 = arith.constant 16 : i32
          %shift_left3A_921 = vector.broadcast %shift_left3A_920 : i32 to vector<16xi32>
          %shift_left3A_922 = arith.shli %get3A_919, %shift_left3A_921 : vector<16xi32>
          %bitcast_convert_type3A_923 = tpu.bitcast %shift_left3A_922 : vector<16xi32> -> vector<16xf32>
          %add3A_924 = arith.addf %add3A_896, %bitcast_convert_type3A_923 : vector<16xf32>
          %and3A_925 = vector.broadcast %scan3A : i32 to vector<16xi32>
          %and3A_926 = arith.andi %get3A_919, %and3A_925 : vector<16xi32>
          %bitcast_convert_type3A_927 = tpu.bitcast %and3A_926 : vector<16xi32> -> vector<16xf32>
          %add3A_928 = arith.addf %add3A_900, %bitcast_convert_type3A_927 : vector<16xf32>
          %get3A_929 = arith.index_cast %scan3A_915 : i32 to index
          %get3A_930 = arith.constant 16 : index
          %get3A_931 = tpu.vector_load %arg9[%get3A_929, %get3A_930] {strides = array<i32>} : memref<200x32xi32, #tpu.memory_space<vmem>>, vector<1x16xi32>,
          %get3A_932 = vector.shape_cast %get3A_931 : vector<1x16xi32> to vector<16xi32>
          %shift_left3A_933 = arith.constant 16 : i32
          %shift_left3A_934 = vector.broadcast %shift_left3A_933 : i32 to vector<16xi32>
          %shift_left3A_935 = arith.shli %get3A_932, %shift_left3A_934 : vector<16xi32>
          %bitcast_convert_type3A_936 = tpu.bitcast %shift_left3A_935 : vector<16xi32> -> vector<16xf32>
          %add3A_937 = arith.addf %add3A_909, %bitcast_convert_type3A_936 : vector<16xf32>
          %and3A_938 = vector.broadcast %scan3A : i32 to vector<16xi32>
          %and3A_939 = arith.andi %get3A_932, %and3A_938 : vector<16xi32>
          %bitcast_convert_type3A_940 = tpu.bitcast %and3A_939 : vector<16xi32> -> vector<16xf32>
          %add3A_941 = arith.addf %add3A_913, %bitcast_convert_type3A_940 : vector<16xf32>
          %scan3A_942 = arith.constant 9 : i32
          %scan3A_943 = arith.addi %scan3A_691, %scan3A_942 : i32
          %get3A_944 = arith.index_cast %scan3A_943 : i32 to index
          %get3A_945 = arith.constant 0 : index
          %get3A_946 = tpu.vector_load %arg9[%get3A_944, %get3A_945] {strides = array<i32>} : memref<200x32xi32, #tpu.memory_space<vmem>>, vector<1x16xi32>,
          %get3A_947 = vector.shape_cast %get3A_946 : vector<1x16xi32> to vector<16xi32>
          %shift_left3A_948 = arith.constant 16 : i32
          %shift_left3A_949 = vector.broadcast %shift_left3A_948 : i32 to vector<16xi32>
          %shift_left3A_950 = arith.shli %get3A_947, %shift_left3A_949 : vector<16xi32>
          %bitcast_convert_type3A_951 = tpu.bitcast %shift_left3A_950 : vector<16xi32> -> vector<16xf32>
          %add3A_952 = arith.addf %add3A_924, %bitcast_convert_type3A_951 : vector<16xf32>
          %and3A_953 = vector.broadcast %scan3A : i32 to vector<16xi32>
          %and3A_954 = arith.andi %get3A_947, %and3A_953 : vector<16xi32>
          %bitcast_convert_type3A_955 = tpu.bitcast %and3A_954 : vector<16xi32> -> vector<16xf32>
          %add3A_956 = arith.addf %add3A_928, %bitcast_convert_type3A_955 : vector<16xf32>
          %get3A_957 = arith.index_cast %scan3A_943 : i32 to index
          %get3A_958 = arith.constant 16 : index
          %get3A_959 = tpu.vector_load %arg9[%get3A_957, %get3A_958] {strides = array<i32>} : memref<200x32xi32, #tpu.memory_space<vmem>>, vector<1x16xi32>,
          %get3A_960 = vector.shape_cast %get3A_959 : vector<1x16xi32> to vector<16xi32>
          %shift_left3A_961 = arith.constant 16 : i32
          %shift_left3A_962 = vector.broadcast %shift_left3A_961 : i32 to vector<16xi32>
          %shift_left3A_963 = arith.shli %get3A_960, %shift_left3A_962 : vector<16xi32>
          %bitcast_convert_type3A_964 = tpu.bitcast %shift_left3A_963 : vector<16xi32> -> vector<16xf32>
          %add3A_965 = arith.addf %add3A_937, %bitcast_convert_type3A_964 : vector<16xf32>
          %and3A_966 = vector.broadcast %scan3A : i32 to vector<16xi32>
          %and3A_967 = arith.andi %get3A_960, %and3A_966 : vector<16xi32>
          %bitcast_convert_type3A_968 = tpu.bitcast %and3A_967 : vector<16xi32> -> vector<16xf32>
          %add3A_969 = arith.addf %add3A_941, %bitcast_convert_type3A_968 : vector<16xf32>
          scf.yield %add3A_952, %add3A_965, %add3A_956, %add3A_969 : vector<16xf32>, vector<16xf32>, vector<16xf32>, vector<16xf32>
        }
        %scan3A_401 = arith.constant 200 : i32
        %swap3A_402 = arith.index_cast %add3A_387 : i32 to index
        %swap3A_403 = arith.constant 0 : index
        %swap3A_404 = tpu.vector_load %arg14[%swap3A_402, %swap3A_403] {strides = array<i32>} : memref<512x64xf32, #tpu.memory_space<vmem>>, vector<1x16xf32>,
        %swap3A_405 = vector.shape_cast %swap3A_404 : vector<1x16xf32> to vector<16xf32>
        %swap3A_406 = vector.shape_cast %scan3A_400#0 : vector<16xf32> to vector<1x16xf32>
        tpu.vector_store %arg14[%swap3A_402, %swap3A_403], %swap3A_406 {strides = array<i32>} : memref<512x64xf32, #tpu.memory_space<vmem>>, vector<1x16xf32>,
        %swap3A_407 = arith.index_cast %add3A_387 : i32 to index
        %swap3A_408 = arith.constant 16 : index
        %swap3A_409 = tpu.vector_load %arg14[%swap3A_407, %swap3A_408] {strides = array<i32>} : memref<512x64xf32, #tpu.memory_space<vmem>>, vector<1x16xf32>,
        %swap3A_410 = vector.shape_cast %swap3A_409 : vector<1x16xf32> to vector<16xf32>
        %swap3A_411 = vector.shape_cast %scan3A_400#1 : vector<16xf32> to vector<1x16xf32>
        tpu.vector_store %arg14[%swap3A_407, %swap3A_408], %swap3A_411 {strides = array<i32>} : memref<512x64xf32, #tpu.memory_space<vmem>>, vector<1x16xf32>,
        %swap3A_412 = arith.index_cast %add3A_387 : i32 to index
        %swap3A_413 = arith.constant 32 : index
        %swap3A_414 = tpu.vector_load %arg14[%swap3A_412, %swap3A_413] {strides = array<i32>} : memref<512x64xf32, #tpu.memory_space<vmem>>, vector<1x16xf32>,
        %swap3A_415 = vector.shape_cast %swap3A_414 : vector<1x16xf32> to vector<16xf32>
        %swap3A_416 = vector.shape_cast %scan3A_400#2 : vector<16xf32> to vector<1x16xf32>
        tpu.vector_store %arg14[%swap3A_412, %swap3A_413], %swap3A_416 {strides = array<i32>} : memref<512x64xf32, #tpu.memory_space<vmem>>, vector<1x16xf32>,
        %swap3A_417 = arith.index_cast %add3A_387 : i32 to index
        %swap3A_418 = arith.constant 48 : index
        %swap3A_419 = tpu.vector_load %arg14[%swap3A_417, %swap3A_418] {strides = array<i32>} : memref<512x64xf32, #tpu.memory_space<vmem>>, vector<1x16xf32>,
        %swap3A_420 = vector.shape_cast %swap3A_419 : vector<1x16xf32> to vector<16xf32>
        %swap3A_421 = vector.shape_cast %scan3A_400#3 : vector<16xf32> to vector<1x16xf32>
        tpu.vector_store %arg14[%swap3A_417, %swap3A_418], %swap3A_421 {strides = array<i32>} : memref<512x64xf32, #tpu.memory_space<vmem>>, vector<1x16xf32>,
        %mul3A_422 = arith.constant 8 : i32
        %mul3A_423 = arith.muli %scan3A_159, %mul3A_422 : i32
        %add3A_424 = arith.constant 4 : i32
        %add3A_425 = arith.addi %mul3A_423, %add3A_424 : i32
        %mul3A_426 = arith.constant 200 : i32
        %mul3A_427 = arith.muli %add3A_425, %mul3A_426 : i32
        %multiple_of3A_428 = tpu.assume_multiple %mul3A_427, 8 : i32
        %dma_wait3A_429 = arith.constant 0 : i32
        %dma_wait3A_430 = arith.constant 0 : i32
        %dma_wait3A_431 = tpu.memref_slice %arg10[%dma_wait3A_429, %dma_wait3A_430] : memref<200x32xi32, #tpu.memory_space<vmem>> -> memref<96x32xi32, #tpu.memory_space<vmem>>
        %dma_wait3A_432 = tpu.memref_slice %arg5[%multiple_of3A_428] : memref<12800xi32, #tpu.memory_space<vmem>> -> memref<96xi32, #tpu.memory_space<vmem>>
        %dma_wait3A_433 = arith.constant 0 : i32
        %dma_wait3A_434 = arith.constant 0 : i32
        %dma_wait3A_435 = tpu.memref_slice %arg3[%dma_wait3A_433, %dma_wait3A_434] : memref<1015808x32xi32, #tpu.memory_space<hbm>> -> memref<1015808x32xi32, #tpu.memory_space<hbm>>
        tpu.wait_indirect_dma semaphore(%arg19 : memref<!tpu.dma_semaphore, #tpu.memory_space<semaphore_mem>>) src(%dma_wait3A_435 : memref<1015808x32xi32, #tpu.memory_space<hbm>>) dst(%dma_wait3A_431 : memref<96x32xi32, #tpu.memory_space<vmem>>)
        %add3A_436 = arith.constant 96 : i32
        %add3A_437 = arith.addi %multiple_of3A_428, %add3A_436 : i32
        %dma_wait3A_438 = arith.constant 96 : i32
        %dma_wait3A_439 = arith.constant 0 : i32
        %dma_wait3A_440 = tpu.memref_slice %arg10[%dma_wait3A_438, %dma_wait3A_439] : memref<200x32xi32, #tpu.memory_space<vmem>> -> memref<104x32xi32, #tpu.memory_space<vmem>>
        %dma_wait3A_441 = tpu.memref_slice %arg5[%add3A_437] : memref<12800xi32, #tpu.memory_space<vmem>> -> memref<104xi32, #tpu.memory_space<vmem>>
        %dma_wait3A_442 = arith.constant 0 : i32
        %dma_wait3A_443 = arith.constant 0 : i32
        %dma_wait3A_444 = tpu.memref_slice %arg3[%dma_wait3A_442, %dma_wait3A_443] : memref<1015808x32xi32, #tpu.memory_space<hbm>> -> memref<1015808x32xi32, #tpu.memory_space<hbm>>
        tpu.wait_indirect_dma semaphore(%arg19 : memref<!tpu.dma_semaphore, #tpu.memory_space<semaphore_mem>>) src(%dma_wait3A_444 : memref<1015808x32xi32, #tpu.memory_space<hbm>>) dst(%dma_wait3A_440 : memref<104x32xi32, #tpu.memory_space<vmem>>)
        %add3A_445 = arith.constant 8 : i32
        %add3A_446 = arith.addi %add3A_425, %add3A_445 : i32
        %sub3A_447 = arith.constant 1 : i32
        %sub3A_448 = arith.subi %add3A_446, %sub3A_447 : i32
        %lt3A_449 = arith.constant 64 : i32
        %lt3A_450 = arith.cmpi slt, %sub3A_448, %lt3A_449 : i32
        %convert_element_type3A_451 = arith.extui %lt3A_450 : i1 to i32
        %cond3A_452 = arith.constant 0 : i32
        %cond3A_453 = arith.cmpi ne, %convert_element_type3A_451, %cond3A_452 : i32
        scf.if %cond3A_453 {
          %add3A_691 = arith.constant 8 : i32
          %add3A_692 = arith.addi %add3A_425, %add3A_691 : i32
          %sub3A_693 = arith.constant 1 : i32
          %sub3A_694 = arith.subi %add3A_692, %sub3A_693 : i32
          %mul3A_695 = arith.constant 200 : i32
          %mul3A_696 = arith.muli %sub3A_694, %mul3A_695 : i32
          %multiple_of3A_697 = tpu.assume_multiple %mul3A_696, 8 : i32
          %dma_start3A_698 = arith.constant 0 : i32
          %dma_start3A_699 = arith.constant 0 : i32
          %dma_start3A_700 = tpu.memref_slice %arg9[%dma_start3A_698, %dma_start3A_699] : memref<200x32xi32, #tpu.memory_space<vmem>> -> memref<96x32xi32, #tpu.memory_space<vmem>>
          %dma_start3A_701 = tpu.memref_slice %arg5[%multiple_of3A_697] : memref<12800xi32, #tpu.memory_space<vmem>> -> memref<96xi32, #tpu.memory_space<vmem>>
          %dma_start3A_702 = arith.constant 0 : i32
          %dma_start3A_703 = arith.constant 0 : i32
          %dma_start3A_704 = tpu.memref_slice %arg3[%dma_start3A_702, %dma_start3A_703] : memref<1015808x32xi32, #tpu.memory_space<hbm>> -> memref<1015808x32xi32, #tpu.memory_space<hbm>>
          tpu.enqueue_indirect_dma source(%dma_start3A_704 : memref<1015808x32xi32, #tpu.memory_space<hbm>>) target(%dma_start3A_700 : memref<96x32xi32, #tpu.memory_space<vmem>>) offsets(%dma_start3A_701 : memref<96xi32, #tpu.memory_space<vmem>>) semaphore(%arg18 : memref<!tpu.dma_semaphore, #tpu.memory_space<semaphore_mem>>)
          %add3A_705 = arith.constant 96 : i32
          %add3A_706 = arith.addi %multiple_of3A_697, %add3A_705 : i32
          %dma_start3A_707 = arith.constant 96 : i32
          %dma_start3A_708 = arith.constant 0 : i32
          %dma_start3A_709 = tpu.memref_slice %arg9[%dma_start3A_707, %dma_start3A_708] : memref<200x32xi32, #tpu.memory_space<vmem>> -> memref<104x32xi32, #tpu.memory_space<vmem>>
          %dma_start3A_710 = tpu.memref_slice %arg5[%add3A_706] : memref<12800xi32, #tpu.memory_space<vmem>> -> memref<104xi32, #tpu.memory_space<vmem>>
          %dma_start3A_711 = arith.constant 0 : i32
          %dma_start3A_712 = arith.constant 0 : i32
          %dma_start3A_713 = tpu.memref_slice %arg3[%dma_start3A_711, %dma_start3A_712] : memref<1015808x32xi32, #tpu.memory_space<hbm>> -> memref<1015808x32xi32, #tpu.memory_space<hbm>>
          tpu.enqueue_indirect_dma source(%dma_start3A_713 : memref<1015808x32xi32, #tpu.memory_space<hbm>>) target(%dma_start3A_709 : memref<104x32xi32, #tpu.memory_space<vmem>>) offsets(%dma_start3A_710 : memref<104xi32, #tpu.memory_space<vmem>>) semaphore(%arg18 : memref<!tpu.dma_semaphore, #tpu.memory_space<semaphore_mem>>)
        } else {
        }
        %add3A_454 = arith.addi %mul3A_25, %add3A_425 : i32
        %broadcast_in_dim3A_455 = arith.constant 0.000000e+00 : f32
        %broadcast_in_dim3A_456 = vector.broadcast %broadcast_in_dim3A_455 : f32 to vector<16xf32>
        %broadcast_in_dim3A_457 = arith.constant 0.000000e+00 : f32
        %broadcast_in_dim3A_458 = vector.broadcast %broadcast_in_dim3A_457 : f32 to vector<16xf32>
        %broadcast_in_dim3A_459 = arith.constant 0.000000e+00 : f32
        %broadcast_in_dim3A_460 = vector.broadcast %broadcast_in_dim3A_459 : f32 to vector<16xf32>
        %broadcast_in_dim3A_461 = arith.constant 0.000000e+00 : f32
        %broadcast_in_dim3A_462 = vector.broadcast %broadcast_in_dim3A_461 : f32 to vector<16xf32>
        %scan3A_463 = arith.constant 0 : i32
        %scan3A_464 = arith.constant 200 : i32
        %scan3A_465 = arith.addi %scan3A_463, %scan3A_464 : i32
        %scan3A_466 = arith.constant 10 : i32
        %scan3A_467:4 = scf.for %scan3A_691 = %scan3A_463 to %scan3A_465 step %scan3A_466 iter_args(%scan3A_692 = %broadcast_in_dim3A_456, %scan3A_693 = %broadcast_in_dim3A_458, %scan3A_694 = %broadcast_in_dim3A_460, %scan3A_695 = %broadcast_in_dim3A_462) -> (vector<16xf32>, vector<16xf32>, vector<16xf32>, vector<16xf32>)  : i32 {
          %get3A = arith.index_cast %scan3A_691 : i32 to index
          %get3A_696 = arith.constant 0 : index
          %get3A_697 = tpu.vector_load %arg10[%get3A, %get3A_696] {strides = array<i32>} : memref<200x32xi32, #tpu.memory_space<vmem>>, vector<1x16xi32>,
          %get3A_698 = vector.shape_cast %get3A_697 : vector<1x16xi32> to vector<16xi32>
          %shift_left3A = arith.constant 16 : i32
          %shift_left3A_699 = vector.broadcast %shift_left3A : i32 to vector<16xi32>
          %shift_left3A_700 = arith.shli %get3A_698, %shift_left3A_699 : vector<16xi32>
          %bitcast_convert_type3A = tpu.bitcast %shift_left3A_700 : vector<16xi32> -> vector<16xf32>
          %add3A_701 = arith.addf %scan3A_692, %bitcast_convert_type3A : vector<16xf32>
          %and3A = vector.broadcast %scan3A : i32 to vector<16xi32>
          %and3A_702 = arith.andi %get3A_698, %and3A : vector<16xi32>
          %bitcast_convert_type3A_703 = tpu.bitcast %and3A_702 : vector<16xi32> -> vector<16xf32>
          %add3A_704 = arith.addf %scan3A_694, %bitcast_convert_type3A_703 : vector<16xf32>
          %get3A_705 = arith.index_cast %scan3A_691 : i32 to index
          %get3A_706 = arith.constant 16 : index
          %get3A_707 = tpu.vector_load %arg10[%get3A_705, %get3A_706] {strides = array<i32>} : memref<200x32xi32, #tpu.memory_space<vmem>>, vector<1x16xi32>,
          %get3A_708 = vector.shape_cast %get3A_707 : vector<1x16xi32> to vector<16xi32>
          %shift_left3A_709 = arith.constant 16 : i32
          %shift_left3A_710 = vector.broadcast %shift_left3A_709 : i32 to vector<16xi32>
          %shift_left3A_711 = arith.shli %get3A_708, %shift_left3A_710 : vector<16xi32>
          %bitcast_convert_type3A_712 = tpu.bitcast %shift_left3A_711 : vector<16xi32> -> vector<16xf32>
          %add3A_713 = arith.addf %scan3A_693, %bitcast_convert_type3A_712 : vector<16xf32>
          %and3A_714 = vector.broadcast %scan3A : i32 to vector<16xi32>
          %and3A_715 = arith.andi %get3A_708, %and3A_714 : vector<16xi32>
          %bitcast_convert_type3A_716 = tpu.bitcast %and3A_715 : vector<16xi32> -> vector<16xf32>
          %add3A_717 = arith.addf %scan3A_695, %bitcast_convert_type3A_716 : vector<16xf32>
          %scan3A_718 = arith.constant 1 : i32
          %scan3A_719 = arith.addi %scan3A_691, %scan3A_718 : i32
          %get3A_720 = arith.index_cast %scan3A_719 : i32 to index
          %get3A_721 = arith.constant 0 : index
          %get3A_722 = tpu.vector_load %arg10[%get3A_720, %get3A_721] {strides = array<i32>} : memref<200x32xi32, #tpu.memory_space<vmem>>, vector<1x16xi32>,
          %get3A_723 = vector.shape_cast %get3A_722 : vector<1x16xi32> to vector<16xi32>
          %shift_left3A_724 = arith.constant 16 : i32
          %shift_left3A_725 = vector.broadcast %shift_left3A_724 : i32 to vector<16xi32>
          %shift_left3A_726 = arith.shli %get3A_723, %shift_left3A_725 : vector<16xi32>
          %bitcast_convert_type3A_727 = tpu.bitcast %shift_left3A_726 : vector<16xi32> -> vector<16xf32>
          %add3A_728 = arith.addf %add3A_701, %bitcast_convert_type3A_727 : vector<16xf32>
          %and3A_729 = vector.broadcast %scan3A : i32 to vector<16xi32>
          %and3A_730 = arith.andi %get3A_723, %and3A_729 : vector<16xi32>
          %bitcast_convert_type3A_731 = tpu.bitcast %and3A_730 : vector<16xi32> -> vector<16xf32>
          %add3A_732 = arith.addf %add3A_704, %bitcast_convert_type3A_731 : vector<16xf32>
          %get3A_733 = arith.index_cast %scan3A_719 : i32 to index
          %get3A_734 = arith.constant 16 : index
          %get3A_735 = tpu.vector_load %arg10[%get3A_733, %get3A_734] {strides = array<i32>} : memref<200x32xi32, #tpu.memory_space<vmem>>, vector<1x16xi32>,
          %get3A_736 = vector.shape_cast %get3A_735 : vector<1x16xi32> to vector<16xi32>
          %shift_left3A_737 = arith.constant 16 : i32
          %shift_left3A_738 = vector.broadcast %shift_left3A_737 : i32 to vector<16xi32>
          %shift_left3A_739 = arith.shli %get3A_736, %shift_left3A_738 : vector<16xi32>
          %bitcast_convert_type3A_740 = tpu.bitcast %shift_left3A_739 : vector<16xi32> -> vector<16xf32>
          %add3A_741 = arith.addf %add3A_713, %bitcast_convert_type3A_740 : vector<16xf32>
          %and3A_742 = vector.broadcast %scan3A : i32 to vector<16xi32>
          %and3A_743 = arith.andi %get3A_736, %and3A_742 : vector<16xi32>
          %bitcast_convert_type3A_744 = tpu.bitcast %and3A_743 : vector<16xi32> -> vector<16xf32>
          %add3A_745 = arith.addf %add3A_717, %bitcast_convert_type3A_744 : vector<16xf32>
          %scan3A_746 = arith.constant 2 : i32
          %scan3A_747 = arith.addi %scan3A_691, %scan3A_746 : i32
          %get3A_748 = arith.index_cast %scan3A_747 : i32 to index
          %get3A_749 = arith.constant 0 : index
          %get3A_750 = tpu.vector_load %arg10[%get3A_748, %get3A_749] {strides = array<i32>} : memref<200x32xi32, #tpu.memory_space<vmem>>, vector<1x16xi32>,
          %get3A_751 = vector.shape_cast %get3A_750 : vector<1x16xi32> to vector<16xi32>
          %shift_left3A_752 = arith.constant 16 : i32
          %shift_left3A_753 = vector.broadcast %shift_left3A_752 : i32 to vector<16xi32>
          %shift_left3A_754 = arith.shli %get3A_751, %shift_left3A_753 : vector<16xi32>
          %bitcast_convert_type3A_755 = tpu.bitcast %shift_left3A_754 : vector<16xi32> -> vector<16xf32>
          %add3A_756 = arith.addf %add3A_728, %bitcast_convert_type3A_755 : vector<16xf32>
          %and3A_757 = vector.broadcast %scan3A : i32 to vector<16xi32>
          %and3A_758 = arith.andi %get3A_751, %and3A_757 : vector<16xi32>
          %bitcast_convert_type3A_759 = tpu.bitcast %and3A_758 : vector<16xi32> -> vector<16xf32>
          %add3A_760 = arith.addf %add3A_732, %bitcast_convert_type3A_759 : vector<16xf32>
          %get3A_761 = arith.index_cast %scan3A_747 : i32 to index
          %get3A_762 = arith.constant 16 : index
          %get3A_763 = tpu.vector_load %arg10[%get3A_761, %get3A_762] {strides = array<i32>} : memref<200x32xi32, #tpu.memory_space<vmem>>, vector<1x16xi32>,
          %get3A_764 = vector.shape_cast %get3A_763 : vector<1x16xi32> to vector<16xi32>
          %shift_left3A_765 = arith.constant 16 : i32
          %shift_left3A_766 = vector.broadcast %shift_left3A_765 : i32 to vector<16xi32>
          %shift_left3A_767 = arith.shli %get3A_764, %shift_left3A_766 : vector<16xi32>
          %bitcast_convert_type3A_768 = tpu.bitcast %shift_left3A_767 : vector<16xi32> -> vector<16xf32>
          %add3A_769 = arith.addf %add3A_741, %bitcast_convert_type3A_768 : vector<16xf32>
          %and3A_770 = vector.broadcast %scan3A : i32 to vector<16xi32>
          %and3A_771 = arith.andi %get3A_764, %and3A_770 : vector<16xi32>
          %bitcast_convert_type3A_772 = tpu.bitcast %and3A_771 : vector<16xi32> -> vector<16xf32>
          %add3A_773 = arith.addf %add3A_745, %bitcast_convert_type3A_772 : vector<16xf32>
          %scan3A_774 = arith.constant 3 : i32
          %scan3A_775 = arith.addi %scan3A_691, %scan3A_774 : i32
          %get3A_776 = arith.index_cast %scan3A_775 : i32 to index
          %get3A_777 = arith.constant 0 : index
          %get3A_778 = tpu.vector_load %arg10[%get3A_776, %get3A_777] {strides = array<i32>} : memref<200x32xi32, #tpu.memory_space<vmem>>, vector<1x16xi32>,
          %get3A_779 = vector.shape_cast %get3A_778 : vector<1x16xi32> to vector<16xi32>
          %shift_left3A_780 = arith.constant 16 : i32
          %shift_left3A_781 = vector.broadcast %shift_left3A_780 : i32 to vector<16xi32>
          %shift_left3A_782 = arith.shli %get3A_779, %shift_left3A_781 : vector<16xi32>
          %bitcast_convert_type3A_783 = tpu.bitcast %shift_left3A_782 : vector<16xi32> -> vector<16xf32>
          %add3A_784 = arith.addf %add3A_756, %bitcast_convert_type3A_783 : vector<16xf32>
          %and3A_785 = vector.broadcast %scan3A : i32 to vector<16xi32>
          %and3A_786 = arith.andi %get3A_779, %and3A_785 : vector<16xi32>
          %bitcast_convert_type3A_787 = tpu.bitcast %and3A_786 : vector<16xi32> -> vector<16xf32>
          %add3A_788 = arith.addf %add3A_760, %bitcast_convert_type3A_787 : vector<16xf32>
          %get3A_789 = arith.index_cast %scan3A_775 : i32 to index
          %get3A_790 = arith.constant 16 : index
          %get3A_791 = tpu.vector_load %arg10[%get3A_789, %get3A_790] {strides = array<i32>} : memref<200x32xi32, #tpu.memory_space<vmem>>, vector<1x16xi32>,
          %get3A_792 = vector.shape_cast %get3A_791 : vector<1x16xi32> to vector<16xi32>
          %shift_left3A_793 = arith.constant 16 : i32
          %shift_left3A_794 = vector.broadcast %shift_left3A_793 : i32 to vector<16xi32>
          %shift_left3A_795 = arith.shli %get3A_792, %shift_left3A_794 : vector<16xi32>
          %bitcast_convert_type3A_796 = tpu.bitcast %shift_left3A_795 : vector<16xi32> -> vector<16xf32>
          %add3A_797 = arith.addf %add3A_769, %bitcast_convert_type3A_796 : vector<16xf32>
          %and3A_798 = vector.broadcast %scan3A : i32 to vector<16xi32>
          %and3A_799 = arith.andi %get3A_792, %and3A_798 : vector<16xi32>
          %bitcast_convert_type3A_800 = tpu.bitcast %and3A_799 : vector<16xi32> -> vector<16xf32>
          %add3A_801 = arith.addf %add3A_773, %bitcast_convert_type3A_800 : vector<16xf32>
          %scan3A_802 = arith.constant 4 : i32
          %scan3A_803 = arith.addi %scan3A_691, %scan3A_802 : i32
          %get3A_804 = arith.index_cast %scan3A_803 : i32 to index
          %get3A_805 = arith.constant 0 : index
          %get3A_806 = tpu.vector_load %arg10[%get3A_804, %get3A_805] {strides = array<i32>} : memref<200x32xi32, #tpu.memory_space<vmem>>, vector<1x16xi32>,
          %get3A_807 = vector.shape_cast %get3A_806 : vector<1x16xi32> to vector<16xi32>
          %shift_left3A_808 = arith.constant 16 : i32
          %shift_left3A_809 = vector.broadcast %shift_left3A_808 : i32 to vector<16xi32>
          %shift_left3A_810 = arith.shli %get3A_807, %shift_left3A_809 : vector<16xi32>
          %bitcast_convert_type3A_811 = tpu.bitcast %shift_left3A_810 : vector<16xi32> -> vector<16xf32>
          %add3A_812 = arith.addf %add3A_784, %bitcast_convert_type3A_811 : vector<16xf32>
          %and3A_813 = vector.broadcast %scan3A : i32 to vector<16xi32>
          %and3A_814 = arith.andi %get3A_807, %and3A_813 : vector<16xi32>
          %bitcast_convert_type3A_815 = tpu.bitcast %and3A_814 : vector<16xi32> -> vector<16xf32>
          %add3A_816 = arith.addf %add3A_788, %bitcast_convert_type3A_815 : vector<16xf32>
          %get3A_817 = arith.index_cast %scan3A_803 : i32 to index
          %get3A_818 = arith.constant 16 : index
          %get3A_819 = tpu.vector_load %arg10[%get3A_817, %get3A_818] {strides = array<i32>} : memref<200x32xi32, #tpu.memory_space<vmem>>, vector<1x16xi32>,
          %get3A_820 = vector.shape_cast %get3A_819 : vector<1x16xi32> to vector<16xi32>
          %shift_left3A_821 = arith.constant 16 : i32
          %shift_left3A_822 = vector.broadcast %shift_left3A_821 : i32 to vector<16xi32>
          %shift_left3A_823 = arith.shli %get3A_820, %shift_left3A_822 : vector<16xi32>
          %bitcast_convert_type3A_824 = tpu.bitcast %shift_left3A_823 : vector<16xi32> -> vector<16xf32>
          %add3A_825 = arith.addf %add3A_797, %bitcast_convert_type3A_824 : vector<16xf32>
          %and3A_826 = vector.broadcast %scan3A : i32 to vector<16xi32>
          %and3A_827 = arith.andi %get3A_820, %and3A_826 : vector<16xi32>
          %bitcast_convert_type3A_828 = tpu.bitcast %and3A_827 : vector<16xi32> -> vector<16xf32>
          %add3A_829 = arith.addf %add3A_801, %bitcast_convert_type3A_828 : vector<16xf32>
          %scan3A_830 = arith.constant 5 : i32
          %scan3A_831 = arith.addi %scan3A_691, %scan3A_830 : i32
          %get3A_832 = arith.index_cast %scan3A_831 : i32 to index
          %get3A_833 = arith.constant 0 : index
          %get3A_834 = tpu.vector_load %arg10[%get3A_832, %get3A_833] {strides = array<i32>} : memref<200x32xi32, #tpu.memory_space<vmem>>, vector<1x16xi32>,
          %get3A_835 = vector.shape_cast %get3A_834 : vector<1x16xi32> to vector<16xi32>
          %shift_left3A_836 = arith.constant 16 : i32
          %shift_left3A_837 = vector.broadcast %shift_left3A_836 : i32 to vector<16xi32>
          %shift_left3A_838 = arith.shli %get3A_835, %shift_left3A_837 : vector<16xi32>
          %bitcast_convert_type3A_839 = tpu.bitcast %shift_left3A_838 : vector<16xi32> -> vector<16xf32>
          %add3A_840 = arith.addf %add3A_812, %bitcast_convert_type3A_839 : vector<16xf32>
          %and3A_841 = vector.broadcast %scan3A : i32 to vector<16xi32>
          %and3A_842 = arith.andi %get3A_835, %and3A_841 : vector<16xi32>
          %bitcast_convert_type3A_843 = tpu.bitcast %and3A_842 : vector<16xi32> -> vector<16xf32>
          %add3A_844 = arith.addf %add3A_816, %bitcast_convert_type3A_843 : vector<16xf32>
          %get3A_845 = arith.index_cast %scan3A_831 : i32 to index
          %get3A_846 = arith.constant 16 : index
          %get3A_847 = tpu.vector_load %arg10[%get3A_845, %get3A_846] {strides = array<i32>} : memref<200x32xi32, #tpu.memory_space<vmem>>, vector<1x16xi32>,
          %get3A_848 = vector.shape_cast %get3A_847 : vector<1x16xi32> to vector<16xi32>
          %shift_left3A_849 = arith.constant 16 : i32
          %shift_left3A_850 = vector.broadcast %shift_left3A_849 : i32 to vector<16xi32>
          %shift_left3A_851 = arith.shli %get3A_848, %shift_left3A_850 : vector<16xi32>
          %bitcast_convert_type3A_852 = tpu.bitcast %shift_left3A_851 : vector<16xi32> -> vector<16xf32>
          %add3A_853 = arith.addf %add3A_825, %bitcast_convert_type3A_852 : vector<16xf32>
          %and3A_854 = vector.broadcast %scan3A : i32 to vector<16xi32>
          %and3A_855 = arith.andi %get3A_848, %and3A_854 : vector<16xi32>
          %bitcast_convert_type3A_856 = tpu.bitcast %and3A_855 : vector<16xi32> -> vector<16xf32>
          %add3A_857 = arith.addf %add3A_829, %bitcast_convert_type3A_856 : vector<16xf32>
          %scan3A_858 = arith.constant 6 : i32
          %scan3A_859 = arith.addi %scan3A_691, %scan3A_858 : i32
          %get3A_860 = arith.index_cast %scan3A_859 : i32 to index
          %get3A_861 = arith.constant 0 : index
          %get3A_862 = tpu.vector_load %arg10[%get3A_860, %get3A_861] {strides = array<i32>} : memref<200x32xi32, #tpu.memory_space<vmem>>, vector<1x16xi32>,
          %get3A_863 = vector.shape_cast %get3A_862 : vector<1x16xi32> to vector<16xi32>
          %shift_left3A_864 = arith.constant 16 : i32
          %shift_left3A_865 = vector.broadcast %shift_left3A_864 : i32 to vector<16xi32>
          %shift_left3A_866 = arith.shli %get3A_863, %shift_left3A_865 : vector<16xi32>
          %bitcast_convert_type3A_867 = tpu.bitcast %shift_left3A_866 : vector<16xi32> -> vector<16xf32>
          %add3A_868 = arith.addf %add3A_840, %bitcast_convert_type3A_867 : vector<16xf32>
          %and3A_869 = vector.broadcast %scan3A : i32 to vector<16xi32>
          %and3A_870 = arith.andi %get3A_863, %and3A_869 : vector<16xi32>
          %bitcast_convert_type3A_871 = tpu.bitcast %and3A_870 : vector<16xi32> -> vector<16xf32>
          %add3A_872 = arith.addf %add3A_844, %bitcast_convert_type3A_871 : vector<16xf32>
          %get3A_873 = arith.index_cast %scan3A_859 : i32 to index
          %get3A_874 = arith.constant 16 : index
          %get3A_875 = tpu.vector_load %arg10[%get3A_873, %get3A_874] {strides = array<i32>} : memref<200x32xi32, #tpu.memory_space<vmem>>, vector<1x16xi32>,
          %get3A_876 = vector.shape_cast %get3A_875 : vector<1x16xi32> to vector<16xi32>
          %shift_left3A_877 = arith.constant 16 : i32
          %shift_left3A_878 = vector.broadcast %shift_left3A_877 : i32 to vector<16xi32>
          %shift_left3A_879 = arith.shli %get3A_876, %shift_left3A_878 : vector<16xi32>
          %bitcast_convert_type3A_880 = tpu.bitcast %shift_left3A_879 : vector<16xi32> -> vector<16xf32>
          %add3A_881 = arith.addf %add3A_853, %bitcast_convert_type3A_880 : vector<16xf32>
          %and3A_882 = vector.broadcast %scan3A : i32 to vector<16xi32>
          %and3A_883 = arith.andi %get3A_876, %and3A_882 : vector<16xi32>
          %bitcast_convert_type3A_884 = tpu.bitcast %and3A_883 : vector<16xi32> -> vector<16xf32>
          %add3A_885 = arith.addf %add3A_857, %bitcast_convert_type3A_884 : vector<16xf32>
          %scan3A_886 = arith.constant 7 : i32
          %scan3A_887 = arith.addi %scan3A_691, %scan3A_886 : i32
          %get3A_888 = arith.index_cast %scan3A_887 : i32 to index
          %get3A_889 = arith.constant 0 : index
          %get3A_890 = tpu.vector_load %arg10[%get3A_888, %get3A_889] {strides = array<i32>} : memref<200x32xi32, #tpu.memory_space<vmem>>, vector<1x16xi32>,
          %get3A_891 = vector.shape_cast %get3A_890 : vector<1x16xi32> to vector<16xi32>
          %shift_left3A_892 = arith.constant 16 : i32
          %shift_left3A_893 = vector.broadcast %shift_left3A_892 : i32 to vector<16xi32>
          %shift_left3A_894 = arith.shli %get3A_891, %shift_left3A_893 : vector<16xi32>
          %bitcast_convert_type3A_895 = tpu.bitcast %shift_left3A_894 : vector<16xi32> -> vector<16xf32>
          %add3A_896 = arith.addf %add3A_868, %bitcast_convert_type3A_895 : vector<16xf32>
          %and3A_897 = vector.broadcast %scan3A : i32 to vector<16xi32>
          %and3A_898 = arith.andi %get3A_891, %and3A_897 : vector<16xi32>
          %bitcast_convert_type3A_899 = tpu.bitcast %and3A_898 : vector<16xi32> -> vector<16xf32>
          %add3A_900 = arith.addf %add3A_872, %bitcast_convert_type3A_899 : vector<16xf32>
          %get3A_901 = arith.index_cast %scan3A_887 : i32 to index
          %get3A_902 = arith.constant 16 : index
          %get3A_903 = tpu.vector_load %arg10[%get3A_901, %get3A_902] {strides = array<i32>} : memref<200x32xi32, #tpu.memory_space<vmem>>, vector<1x16xi32>,
          %get3A_904 = vector.shape_cast %get3A_903 : vector<1x16xi32> to vector<16xi32>
          %shift_left3A_905 = arith.constant 16 : i32
          %shift_left3A_906 = vector.broadcast %shift_left3A_905 : i32 to vector<16xi32>
          %shift_left3A_907 = arith.shli %get3A_904, %shift_left3A_906 : vector<16xi32>
          %bitcast_convert_type3A_908 = tpu.bitcast %shift_left3A_907 : vector<16xi32> -> vector<16xf32>
          %add3A_909 = arith.addf %add3A_881, %bitcast_convert_type3A_908 : vector<16xf32>
          %and3A_910 = vector.broadcast %scan3A : i32 to vector<16xi32>
          %and3A_911 = arith.andi %get3A_904, %and3A_910 : vector<16xi32>
          %bitcast_convert_type3A_912 = tpu.bitcast %and3A_911 : vector<16xi32> -> vector<16xf32>
          %add3A_913 = arith.addf %add3A_885, %bitcast_convert_type3A_912 : vector<16xf32>
          %scan3A_914 = arith.constant 8 : i32
          %scan3A_915 = arith.addi %scan3A_691, %scan3A_914 : i32
          %get3A_916 = arith.index_cast %scan3A_915 : i32 to index
          %get3A_917 = arith.constant 0 : index
          %get3A_918 = tpu.vector_load %arg10[%get3A_916, %get3A_917] {strides = array<i32>} : memref<200x32xi32, #tpu.memory_space<vmem>>, vector<1x16xi32>,
          %get3A_919 = vector.shape_cast %get3A_918 : vector<1x16xi32> to vector<16xi32>
          %shift_left3A_920 = arith.constant 16 : i32
          %shift_left3A_921 = vector.broadcast %shift_left3A_920 : i32 to vector<16xi32>
          %shift_left3A_922 = arith.shli %get3A_919, %shift_left3A_921 : vector<16xi32>
          %bitcast_convert_type3A_923 = tpu.bitcast %shift_left3A_922 : vector<16xi32> -> vector<16xf32>
          %add3A_924 = arith.addf %add3A_896, %bitcast_convert_type3A_923 : vector<16xf32>
          %and3A_925 = vector.broadcast %scan3A : i32 to vector<16xi32>
          %and3A_926 = arith.andi %get3A_919, %and3A_925 : vector<16xi32>
          %bitcast_convert_type3A_927 = tpu.bitcast %and3A_926 : vector<16xi32> -> vector<16xf32>
          %add3A_928 = arith.addf %add3A_900, %bitcast_convert_type3A_927 : vector<16xf32>
          %get3A_929 = arith.index_cast %scan3A_915 : i32 to index
          %get3A_930 = arith.constant 16 : index
          %get3A_931 = tpu.vector_load %arg10[%get3A_929, %get3A_930] {strides = array<i32>} : memref<200x32xi32, #tpu.memory_space<vmem>>, vector<1x16xi32>,
          %get3A_932 = vector.shape_cast %get3A_931 : vector<1x16xi32> to vector<16xi32>
          %shift_left3A_933 = arith.constant 16 : i32
          %shift_left3A_934 = vector.broadcast %shift_left3A_933 : i32 to vector<16xi32>
          %shift_left3A_935 = arith.shli %get3A_932, %shift_left3A_934 : vector<16xi32>
          %bitcast_convert_type3A_936 = tpu.bitcast %shift_left3A_935 : vector<16xi32> -> vector<16xf32>
          %add3A_937 = arith.addf %add3A_909, %bitcast_convert_type3A_936 : vector<16xf32>
          %and3A_938 = vector.broadcast %scan3A : i32 to vector<16xi32>
          %and3A_939 = arith.andi %get3A_932, %and3A_938 : vector<16xi32>
          %bitcast_convert_type3A_940 = tpu.bitcast %and3A_939 : vector<16xi32> -> vector<16xf32>
          %add3A_941 = arith.addf %add3A_913, %bitcast_convert_type3A_940 : vector<16xf32>
          %scan3A_942 = arith.constant 9 : i32
          %scan3A_943 = arith.addi %scan3A_691, %scan3A_942 : i32
          %get3A_944 = arith.index_cast %scan3A_943 : i32 to index
          %get3A_945 = arith.constant 0 : index
          %get3A_946 = tpu.vector_load %arg10[%get3A_944, %get3A_945] {strides = array<i32>} : memref<200x32xi32, #tpu.memory_space<vmem>>, vector<1x16xi32>,
          %get3A_947 = vector.shape_cast %get3A_946 : vector<1x16xi32> to vector<16xi32>
          %shift_left3A_948 = arith.constant 16 : i32
          %shift_left3A_949 = vector.broadcast %shift_left3A_948 : i32 to vector<16xi32>
          %shift_left3A_950 = arith.shli %get3A_947, %shift_left3A_949 : vector<16xi32>
          %bitcast_convert_type3A_951 = tpu.bitcast %shift_left3A_950 : vector<16xi32> -> vector<16xf32>
          %add3A_952 = arith.addf %add3A_924, %bitcast_convert_type3A_951 : vector<16xf32>
          %and3A_953 = vector.broadcast %scan3A : i32 to vector<16xi32>
          %and3A_954 = arith.andi %get3A_947, %and3A_953 : vector<16xi32>
          %bitcast_convert_type3A_955 = tpu.bitcast %and3A_954 : vector<16xi32> -> vector<16xf32>
          %add3A_956 = arith.addf %add3A_928, %bitcast_convert_type3A_955 : vector<16xf32>
          %get3A_957 = arith.index_cast %scan3A_943 : i32 to index
          %get3A_958 = arith.constant 16 : index
          %get3A_959 = tpu.vector_load %arg10[%get3A_957, %get3A_958] {strides = array<i32>} : memref<200x32xi32, #tpu.memory_space<vmem>>, vector<1x16xi32>,
          %get3A_960 = vector.shape_cast %get3A_959 : vector<1x16xi32> to vector<16xi32>
          %shift_left3A_961 = arith.constant 16 : i32
          %shift_left3A_962 = vector.broadcast %shift_left3A_961 : i32 to vector<16xi32>
          %shift_left3A_963 = arith.shli %get3A_960, %shift_left3A_962 : vector<16xi32>
          %bitcast_convert_type3A_964 = tpu.bitcast %shift_left3A_963 : vector<16xi32> -> vector<16xf32>
          %add3A_965 = arith.addf %add3A_937, %bitcast_convert_type3A_964 : vector<16xf32>
          %and3A_966 = vector.broadcast %scan3A : i32 to vector<16xi32>
          %and3A_967 = arith.andi %get3A_960, %and3A_966 : vector<16xi32>
          %bitcast_convert_type3A_968 = tpu.bitcast %and3A_967 : vector<16xi32> -> vector<16xf32>
          %add3A_969 = arith.addf %add3A_941, %bitcast_convert_type3A_968 : vector<16xf32>
          scf.yield %add3A_952, %add3A_965, %add3A_956, %add3A_969 : vector<16xf32>, vector<16xf32>, vector<16xf32>, vector<16xf32>
        }
        %scan3A_468 = arith.constant 200 : i32
        %swap3A_469 = arith.index_cast %add3A_454 : i32 to index
        %swap3A_470 = arith.constant 0 : index
        %swap3A_471 = tpu.vector_load %arg14[%swap3A_469, %swap3A_470] {strides = array<i32>} : memref<512x64xf32, #tpu.memory_space<vmem>>, vector<1x16xf32>,
        %swap3A_472 = vector.shape_cast %swap3A_471 : vector<1x16xf32> to vector<16xf32>
        %swap3A_473 = vector.shape_cast %scan3A_467#0 : vector<16xf32> to vector<1x16xf32>
        tpu.vector_store %arg14[%swap3A_469, %swap3A_470], %swap3A_473 {strides = array<i32>} : memref<512x64xf32, #tpu.memory_space<vmem>>, vector<1x16xf32>,
        %swap3A_474 = arith.index_cast %add3A_454 : i32 to index
        %swap3A_475 = arith.constant 16 : index
        %swap3A_476 = tpu.vector_load %arg14[%swap3A_474, %swap3A_475] {strides = array<i32>} : memref<512x64xf32, #tpu.memory_space<vmem>>, vector<1x16xf32>,
        %swap3A_477 = vector.shape_cast %swap3A_476 : vector<1x16xf32> to vector<16xf32>
        %swap3A_478 = vector.shape_cast %scan3A_467#1 : vector<16xf32> to vector<1x16xf32>
        tpu.vector_store %arg14[%swap3A_474, %swap3A_475], %swap3A_478 {strides = array<i32>} : memref<512x64xf32, #tpu.memory_space<vmem>>, vector<1x16xf32>,
        %swap3A_479 = arith.index_cast %add3A_454 : i32 to index
        %swap3A_480 = arith.constant 32 : index
        %swap3A_481 = tpu.vector_load %arg14[%swap3A_479, %swap3A_480] {strides = array<i32>} : memref<512x64xf32, #tpu.memory_space<vmem>>, vector<1x16xf32>,
        %swap3A_482 = vector.shape_cast %swap3A_481 : vector<1x16xf32> to vector<16xf32>
        %swap3A_483 = vector.shape_cast %scan3A_467#2 : vector<16xf32> to vector<1x16xf32>
        tpu.vector_store %arg14[%swap3A_479, %swap3A_480], %swap3A_483 {strides = array<i32>} : memref<512x64xf32, #tpu.memory_space<vmem>>, vector<1x16xf32>,
        %swap3A_484 = arith.index_cast %add3A_454 : i32 to index
        %swap3A_485 = arith.constant 48 : index
        %swap3A_486 = tpu.vector_load %arg14[%swap3A_484, %swap3A_485] {strides = array<i32>} : memref<512x64xf32, #tpu.memory_space<vmem>>, vector<1x16xf32>,
        %swap3A_487 = vector.shape_cast %swap3A_486 : vector<1x16xf32> to vector<16xf32>
        %swap3A_488 = vector.shape_cast %scan3A_467#3 : vector<16xf32> to vector<1x16xf32>
        tpu.vector_store %arg14[%swap3A_484, %swap3A_485], %swap3A_488 {strides = array<i32>} : memref<512x64xf32, #tpu.memory_space<vmem>>, vector<1x16xf32>,
        %mul3A_489 = arith.constant 8 : i32
        %mul3A_490 = arith.muli %scan3A_159, %mul3A_489 : i32
        %add3A_491 = arith.constant 5 : i32
        %add3A_492 = arith.addi %mul3A_490, %add3A_491 : i32
        %mul3A_493 = arith.constant 200 : i32
        %mul3A_494 = arith.muli %add3A_492, %mul3A_493 : i32
        %multiple_of3A_495 = tpu.assume_multiple %mul3A_494, 8 : i32
        %dma_wait3A_496 = arith.constant 0 : i32
        %dma_wait3A_497 = arith.constant 0 : i32
        %dma_wait3A_498 = tpu.memref_slice %arg11[%dma_wait3A_496, %dma_wait3A_497] : memref<200x32xi32, #tpu.memory_space<vmem>> -> memref<96x32xi32, #tpu.memory_space<vmem>>
        %dma_wait3A_499 = tpu.memref_slice %arg5[%multiple_of3A_495] : memref<12800xi32, #tpu.memory_space<vmem>> -> memref<96xi32, #tpu.memory_space<vmem>>
        %dma_wait3A_500 = arith.constant 0 : i32
        %dma_wait3A_501 = arith.constant 0 : i32
        %dma_wait3A_502 = tpu.memref_slice %arg3[%dma_wait3A_500, %dma_wait3A_501] : memref<1015808x32xi32, #tpu.memory_space<hbm>> -> memref<1015808x32xi32, #tpu.memory_space<hbm>>
        tpu.wait_indirect_dma semaphore(%arg20 : memref<!tpu.dma_semaphore, #tpu.memory_space<semaphore_mem>>) src(%dma_wait3A_502 : memref<1015808x32xi32, #tpu.memory_space<hbm>>) dst(%dma_wait3A_498 : memref<96x32xi32, #tpu.memory_space<vmem>>)
        %add3A_503 = arith.constant 96 : i32
        %add3A_504 = arith.addi %multiple_of3A_495, %add3A_503 : i32
        %dma_wait3A_505 = arith.constant 96 : i32
        %dma_wait3A_506 = arith.constant 0 : i32
        %dma_wait3A_507 = tpu.memref_slice %arg11[%dma_wait3A_505, %dma_wait3A_506] : memref<200x32xi32, #tpu.memory_space<vmem>> -> memref<104x32xi32, #tpu.memory_space<vmem>>
        %dma_wait3A_508 = tpu.memref_slice %arg5[%add3A_504] : memref<12800xi32, #tpu.memory_space<vmem>> -> memref<104xi32, #tpu.memory_space<vmem>>
        %dma_wait3A_509 = arith.constant 0 : i32
        %dma_wait3A_510 = arith.constant 0 : i32
        %dma_wait3A_511 = tpu.memref_slice %arg3[%dma_wait3A_509, %dma_wait3A_510] : memref<1015808x32xi32, #tpu.memory_space<hbm>> -> memref<1015808x32xi32, #tpu.memory_space<hbm>>
        tpu.wait_indirect_dma semaphore(%arg20 : memref<!tpu.dma_semaphore, #tpu.memory_space<semaphore_mem>>) src(%dma_wait3A_511 : memref<1015808x32xi32, #tpu.memory_space<hbm>>) dst(%dma_wait3A_507 : memref<104x32xi32, #tpu.memory_space<vmem>>)
        %add3A_512 = arith.constant 8 : i32
        %add3A_513 = arith.addi %add3A_492, %add3A_512 : i32
        %sub3A_514 = arith.constant 1 : i32
        %sub3A_515 = arith.subi %add3A_513, %sub3A_514 : i32
        %lt3A_516 = arith.constant 64 : i32
        %lt3A_517 = arith.cmpi slt, %sub3A_515, %lt3A_516 : i32
        %convert_element_type3A_518 = arith.extui %lt3A_517 : i1 to i32
        %cond3A_519 = arith.constant 0 : i32
        %cond3A_520 = arith.cmpi ne, %convert_element_type3A_518, %cond3A_519 : i32
        scf.if %cond3A_520 {
          %add3A_691 = arith.constant 8 : i32
          %add3A_692 = arith.addi %add3A_492, %add3A_691 : i32
          %sub3A_693 = arith.constant 1 : i32
          %sub3A_694 = arith.subi %add3A_692, %sub3A_693 : i32
          %mul3A_695 = arith.constant 200 : i32
          %mul3A_696 = arith.muli %sub3A_694, %mul3A_695 : i32
          %multiple_of3A_697 = tpu.assume_multiple %mul3A_696, 8 : i32
          %dma_start3A_698 = arith.constant 0 : i32
          %dma_start3A_699 = arith.constant 0 : i32
          %dma_start3A_700 = tpu.memref_slice %arg10[%dma_start3A_698, %dma_start3A_699] : memref<200x32xi32, #tpu.memory_space<vmem>> -> memref<96x32xi32, #tpu.memory_space<vmem>>
          %dma_start3A_701 = tpu.memref_slice %arg5[%multiple_of3A_697] : memref<12800xi32, #tpu.memory_space<vmem>> -> memref<96xi32, #tpu.memory_space<vmem>>
          %dma_start3A_702 = arith.constant 0 : i32
          %dma_start3A_703 = arith.constant 0 : i32
          %dma_start3A_704 = tpu.memref_slice %arg3[%dma_start3A_702, %dma_start3A_703] : memref<1015808x32xi32, #tpu.memory_space<hbm>> -> memref<1015808x32xi32, #tpu.memory_space<hbm>>
          tpu.enqueue_indirect_dma source(%dma_start3A_704 : memref<1015808x32xi32, #tpu.memory_space<hbm>>) target(%dma_start3A_700 : memref<96x32xi32, #tpu.memory_space<vmem>>) offsets(%dma_start3A_701 : memref<96xi32, #tpu.memory_space<vmem>>) semaphore(%arg19 : memref<!tpu.dma_semaphore, #tpu.memory_space<semaphore_mem>>)
          %add3A_705 = arith.constant 96 : i32
          %add3A_706 = arith.addi %multiple_of3A_697, %add3A_705 : i32
          %dma_start3A_707 = arith.constant 96 : i32
          %dma_start3A_708 = arith.constant 0 : i32
          %dma_start3A_709 = tpu.memref_slice %arg10[%dma_start3A_707, %dma_start3A_708] : memref<200x32xi32, #tpu.memory_space<vmem>> -> memref<104x32xi32, #tpu.memory_space<vmem>>
          %dma_start3A_710 = tpu.memref_slice %arg5[%add3A_706] : memref<12800xi32, #tpu.memory_space<vmem>> -> memref<104xi32, #tpu.memory_space<vmem>>
          %dma_start3A_711 = arith.constant 0 : i32
          %dma_start3A_712 = arith.constant 0 : i32
          %dma_start3A_713 = tpu.memref_slice %arg3[%dma_start3A_711, %dma_start3A_712] : memref<1015808x32xi32, #tpu.memory_space<hbm>> -> memref<1015808x32xi32, #tpu.memory_space<hbm>>
          tpu.enqueue_indirect_dma source(%dma_start3A_713 : memref<1015808x32xi32, #tpu.memory_space<hbm>>) target(%dma_start3A_709 : memref<104x32xi32, #tpu.memory_space<vmem>>) offsets(%dma_start3A_710 : memref<104xi32, #tpu.memory_space<vmem>>) semaphore(%arg19 : memref<!tpu.dma_semaphore, #tpu.memory_space<semaphore_mem>>)
        } else {
        }
        %add3A_521 = arith.addi %mul3A_25, %add3A_492 : i32
        %broadcast_in_dim3A_522 = arith.constant 0.000000e+00 : f32
        %broadcast_in_dim3A_523 = vector.broadcast %broadcast_in_dim3A_522 : f32 to vector<16xf32>
        %broadcast_in_dim3A_524 = arith.constant 0.000000e+00 : f32
        %broadcast_in_dim3A_525 = vector.broadcast %broadcast_in_dim3A_524 : f32 to vector<16xf32>
        %broadcast_in_dim3A_526 = arith.constant 0.000000e+00 : f32
        %broadcast_in_dim3A_527 = vector.broadcast %broadcast_in_dim3A_526 : f32 to vector<16xf32>
        %broadcast_in_dim3A_528 = arith.constant 0.000000e+00 : f32
        %broadcast_in_dim3A_529 = vector.broadcast %broadcast_in_dim3A_528 : f32 to vector<16xf32>
        %scan3A_530 = arith.constant 0 : i32
        %scan3A_531 = arith.constant 200 : i32
        %scan3A_532 = arith.addi %scan3A_530, %scan3A_531 : i32
        %scan3A_533 = arith.constant 10 : i32
        %scan3A_534:4 = scf.for %scan3A_691 = %scan3A_530 to %scan3A_532 step %scan3A_533 iter_args(%scan3A_692 = %broadcast_in_dim3A_523, %scan3A_693 = %broadcast_in_dim3A_525, %scan3A_694 = %broadcast_in_dim3A_527, %scan3A_695 = %broadcast_in_dim3A_529) -> (vector<16xf32>, vector<16xf32>, vector<16xf32>, vector<16xf32>)  : i32 {
          %get3A = arith.index_cast %scan3A_691 : i32 to index
          %get3A_696 = arith.constant 0 : index
          %get3A_697 = tpu.vector_load %arg11[%get3A, %get3A_696] {strides = array<i32>} : memref<200x32xi32, #tpu.memory_space<vmem>>, vector<1x16xi32>,
          %get3A_698 = vector.shape_cast %get3A_697 : vector<1x16xi32> to vector<16xi32>
          %shift_left3A = arith.constant 16 : i32
          %shift_left3A_699 = vector.broadcast %shift_left3A : i32 to vector<16xi32>
          %shift_left3A_700 = arith.shli %get3A_698, %shift_left3A_699 : vector<16xi32>
          %bitcast_convert_type3A = tpu.bitcast %shift_left3A_700 : vector<16xi32> -> vector<16xf32>
          %add3A_701 = arith.addf %scan3A_692, %bitcast_convert_type3A : vector<16xf32>
          %and3A = vector.broadcast %scan3A : i32 to vector<16xi32>
          %and3A_702 = arith.andi %get3A_698, %and3A : vector<16xi32>
          %bitcast_convert_type3A_703 = tpu.bitcast %and3A_702 : vector<16xi32> -> vector<16xf32>
          %add3A_704 = arith.addf %scan3A_694, %bitcast_convert_type3A_703 : vector<16xf32>
          %get3A_705 = arith.index_cast %scan3A_691 : i32 to index
          %get3A_706 = arith.constant 16 : index
          %get3A_707 = tpu.vector_load %arg11[%get3A_705, %get3A_706] {strides = array<i32>} : memref<200x32xi32, #tpu.memory_space<vmem>>, vector<1x16xi32>,
          %get3A_708 = vector.shape_cast %get3A_707 : vector<1x16xi32> to vector<16xi32>
          %shift_left3A_709 = arith.constant 16 : i32
          %shift_left3A_710 = vector.broadcast %shift_left3A_709 : i32 to vector<16xi32>
          %shift_left3A_711 = arith.shli %get3A_708, %shift_left3A_710 : vector<16xi32>
          %bitcast_convert_type3A_712 = tpu.bitcast %shift_left3A_711 : vector<16xi32> -> vector<16xf32>
          %add3A_713 = arith.addf %scan3A_693, %bitcast_convert_type3A_712 : vector<16xf32>
          %and3A_714 = vector.broadcast %scan3A : i32 to vector<16xi32>
          %and3A_715 = arith.andi %get3A_708, %and3A_714 : vector<16xi32>
          %bitcast_convert_type3A_716 = tpu.bitcast %and3A_715 : vector<16xi32> -> vector<16xf32>
          %add3A_717 = arith.addf %scan3A_695, %bitcast_convert_type3A_716 : vector<16xf32>
          %scan3A_718 = arith.constant 1 : i32
          %scan3A_719 = arith.addi %scan3A_691, %scan3A_718 : i32
          %get3A_720 = arith.index_cast %scan3A_719 : i32 to index
          %get3A_721 = arith.constant 0 : index
          %get3A_722 = tpu.vector_load %arg11[%get3A_720, %get3A_721] {strides = array<i32>} : memref<200x32xi32, #tpu.memory_space<vmem>>, vector<1x16xi32>,
          %get3A_723 = vector.shape_cast %get3A_722 : vector<1x16xi32> to vector<16xi32>
          %shift_left3A_724 = arith.constant 16 : i32
          %shift_left3A_725 = vector.broadcast %shift_left3A_724 : i32 to vector<16xi32>
          %shift_left3A_726 = arith.shli %get3A_723, %shift_left3A_725 : vector<16xi32>
          %bitcast_convert_type3A_727 = tpu.bitcast %shift_left3A_726 : vector<16xi32> -> vector<16xf32>
          %add3A_728 = arith.addf %add3A_701, %bitcast_convert_type3A_727 : vector<16xf32>
          %and3A_729 = vector.broadcast %scan3A : i32 to vector<16xi32>
          %and3A_730 = arith.andi %get3A_723, %and3A_729 : vector<16xi32>
          %bitcast_convert_type3A_731 = tpu.bitcast %and3A_730 : vector<16xi32> -> vector<16xf32>
          %add3A_732 = arith.addf %add3A_704, %bitcast_convert_type3A_731 : vector<16xf32>
          %get3A_733 = arith.index_cast %scan3A_719 : i32 to index
          %get3A_734 = arith.constant 16 : index
          %get3A_735 = tpu.vector_load %arg11[%get3A_733, %get3A_734] {strides = array<i32>} : memref<200x32xi32, #tpu.memory_space<vmem>>, vector<1x16xi32>,
          %get3A_736 = vector.shape_cast %get3A_735 : vector<1x16xi32> to vector<16xi32>
          %shift_left3A_737 = arith.constant 16 : i32
          %shift_left3A_738 = vector.broadcast %shift_left3A_737 : i32 to vector<16xi32>
          %shift_left3A_739 = arith.shli %get3A_736, %shift_left3A_738 : vector<16xi32>
          %bitcast_convert_type3A_740 = tpu.bitcast %shift_left3A_739 : vector<16xi32> -> vector<16xf32>
          %add3A_741 = arith.addf %add3A_713, %bitcast_convert_type3A_740 : vector<16xf32>
          %and3A_742 = vector.broadcast %scan3A : i32 to vector<16xi32>
          %and3A_743 = arith.andi %get3A_736, %and3A_742 : vector<16xi32>
          %bitcast_convert_type3A_744 = tpu.bitcast %and3A_743 : vector<16xi32> -> vector<16xf32>
          %add3A_745 = arith.addf %add3A_717, %bitcast_convert_type3A_744 : vector<16xf32>
          %scan3A_746 = arith.constant 2 : i32
          %scan3A_747 = arith.addi %scan3A_691, %scan3A_746 : i32
          %get3A_748 = arith.index_cast %scan3A_747 : i32 to index
          %get3A_749 = arith.constant 0 : index
          %get3A_750 = tpu.vector_load %arg11[%get3A_748, %get3A_749] {strides = array<i32>} : memref<200x32xi32, #tpu.memory_space<vmem>>, vector<1x16xi32>,
          %get3A_751 = vector.shape_cast %get3A_750 : vector<1x16xi32> to vector<16xi32>
          %shift_left3A_752 = arith.constant 16 : i32
          %shift_left3A_753 = vector.broadcast %shift_left3A_752 : i32 to vector<16xi32>
          %shift_left3A_754 = arith.shli %get3A_751, %shift_left3A_753 : vector<16xi32>
          %bitcast_convert_type3A_755 = tpu.bitcast %shift_left3A_754 : vector<16xi32> -> vector<16xf32>
          %add3A_756 = arith.addf %add3A_728, %bitcast_convert_type3A_755 : vector<16xf32>
          %and3A_757 = vector.broadcast %scan3A : i32 to vector<16xi32>
          %and3A_758 = arith.andi %get3A_751, %and3A_757 : vector<16xi32>
          %bitcast_convert_type3A_759 = tpu.bitcast %and3A_758 : vector<16xi32> -> vector<16xf32>
          %add3A_760 = arith.addf %add3A_732, %bitcast_convert_type3A_759 : vector<16xf32>
          %get3A_761 = arith.index_cast %scan3A_747 : i32 to index
          %get3A_762 = arith.constant 16 : index
          %get3A_763 = tpu.vector_load %arg11[%get3A_761, %get3A_762] {strides = array<i32>} : memref<200x32xi32, #tpu.memory_space<vmem>>, vector<1x16xi32>,
          %get3A_764 = vector.shape_cast %get3A_763 : vector<1x16xi32> to vector<16xi32>
          %shift_left3A_765 = arith.constant 16 : i32
          %shift_left3A_766 = vector.broadcast %shift_left3A_765 : i32 to vector<16xi32>
          %shift_left3A_767 = arith.shli %get3A_764, %shift_left3A_766 : vector<16xi32>
          %bitcast_convert_type3A_768 = tpu.bitcast %shift_left3A_767 : vector<16xi32> -> vector<16xf32>
          %add3A_769 = arith.addf %add3A_741, %bitcast_convert_type3A_768 : vector<16xf32>
          %and3A_770 = vector.broadcast %scan3A : i32 to vector<16xi32>
          %and3A_771 = arith.andi %get3A_764, %and3A_770 : vector<16xi32>
          %bitcast_convert_type3A_772 = tpu.bitcast %and3A_771 : vector<16xi32> -> vector<16xf32>
          %add3A_773 = arith.addf %add3A_745, %bitcast_convert_type3A_772 : vector<16xf32>
          %scan3A_774 = arith.constant 3 : i32
          %scan3A_775 = arith.addi %scan3A_691, %scan3A_774 : i32
          %get3A_776 = arith.index_cast %scan3A_775 : i32 to index
          %get3A_777 = arith.constant 0 : index
          %get3A_778 = tpu.vector_load %arg11[%get3A_776, %get3A_777] {strides = array<i32>} : memref<200x32xi32, #tpu.memory_space<vmem>>, vector<1x16xi32>,
          %get3A_779 = vector.shape_cast %get3A_778 : vector<1x16xi32> to vector<16xi32>
          %shift_left3A_780 = arith.constant 16 : i32
          %shift_left3A_781 = vector.broadcast %shift_left3A_780 : i32 to vector<16xi32>
          %shift_left3A_782 = arith.shli %get3A_779, %shift_left3A_781 : vector<16xi32>
          %bitcast_convert_type3A_783 = tpu.bitcast %shift_left3A_782 : vector<16xi32> -> vector<16xf32>
          %add3A_784 = arith.addf %add3A_756, %bitcast_convert_type3A_783 : vector<16xf32>
          %and3A_785 = vector.broadcast %scan3A : i32 to vector<16xi32>
          %and3A_786 = arith.andi %get3A_779, %and3A_785 : vector<16xi32>
          %bitcast_convert_type3A_787 = tpu.bitcast %and3A_786 : vector<16xi32> -> vector<16xf32>
          %add3A_788 = arith.addf %add3A_760, %bitcast_convert_type3A_787 : vector<16xf32>
          %get3A_789 = arith.index_cast %scan3A_775 : i32 to index
          %get3A_790 = arith.constant 16 : index
          %get3A_791 = tpu.vector_load %arg11[%get3A_789, %get3A_790] {strides = array<i32>} : memref<200x32xi32, #tpu.memory_space<vmem>>, vector<1x16xi32>,
          %get3A_792 = vector.shape_cast %get3A_791 : vector<1x16xi32> to vector<16xi32>
          %shift_left3A_793 = arith.constant 16 : i32
          %shift_left3A_794 = vector.broadcast %shift_left3A_793 : i32 to vector<16xi32>
          %shift_left3A_795 = arith.shli %get3A_792, %shift_left3A_794 : vector<16xi32>
          %bitcast_convert_type3A_796 = tpu.bitcast %shift_left3A_795 : vector<16xi32> -> vector<16xf32>
          %add3A_797 = arith.addf %add3A_769, %bitcast_convert_type3A_796 : vector<16xf32>
          %and3A_798 = vector.broadcast %scan3A : i32 to vector<16xi32>
          %and3A_799 = arith.andi %get3A_792, %and3A_798 : vector<16xi32>
          %bitcast_convert_type3A_800 = tpu.bitcast %and3A_799 : vector<16xi32> -> vector<16xf32>
          %add3A_801 = arith.addf %add3A_773, %bitcast_convert_type3A_800 : vector<16xf32>
          %scan3A_802 = arith.constant 4 : i32
          %scan3A_803 = arith.addi %scan3A_691, %scan3A_802 : i32
          %get3A_804 = arith.index_cast %scan3A_803 : i32 to index
          %get3A_805 = arith.constant 0 : index
          %get3A_806 = tpu.vector_load %arg11[%get3A_804, %get3A_805] {strides = array<i32>} : memref<200x32xi32, #tpu.memory_space<vmem>>, vector<1x16xi32>,
          %get3A_807 = vector.shape_cast %get3A_806 : vector<1x16xi32> to vector<16xi32>
          %shift_left3A_808 = arith.constant 16 : i32
          %shift_left3A_809 = vector.broadcast %shift_left3A_808 : i32 to vector<16xi32>
          %shift_left3A_810 = arith.shli %get3A_807, %shift_left3A_809 : vector<16xi32>
          %bitcast_convert_type3A_811 = tpu.bitcast %shift_left3A_810 : vector<16xi32> -> vector<16xf32>
          %add3A_812 = arith.addf %add3A_784, %bitcast_convert_type3A_811 : vector<16xf32>
          %and3A_813 = vector.broadcast %scan3A : i32 to vector<16xi32>
          %and3A_814 = arith.andi %get3A_807, %and3A_813 : vector<16xi32>
          %bitcast_convert_type3A_815 = tpu.bitcast %and3A_814 : vector<16xi32> -> vector<16xf32>
          %add3A_816 = arith.addf %add3A_788, %bitcast_convert_type3A_815 : vector<16xf32>
          %get3A_817 = arith.index_cast %scan3A_803 : i32 to index
          %get3A_818 = arith.constant 16 : index
          %get3A_819 = tpu.vector_load %arg11[%get3A_817, %get3A_818] {strides = array<i32>} : memref<200x32xi32, #tpu.memory_space<vmem>>, vector<1x16xi32>,
          %get3A_820 = vector.shape_cast %get3A_819 : vector<1x16xi32> to vector<16xi32>
          %shift_left3A_821 = arith.constant 16 : i32
          %shift_left3A_822 = vector.broadcast %shift_left3A_821 : i32 to vector<16xi32>
          %shift_left3A_823 = arith.shli %get3A_820, %shift_left3A_822 : vector<16xi32>
          %bitcast_convert_type3A_824 = tpu.bitcast %shift_left3A_823 : vector<16xi32> -> vector<16xf32>
          %add3A_825 = arith.addf %add3A_797, %bitcast_convert_type3A_824 : vector<16xf32>
          %and3A_826 = vector.broadcast %scan3A : i32 to vector<16xi32>
          %and3A_827 = arith.andi %get3A_820, %and3A_826 : vector<16xi32>
          %bitcast_convert_type3A_828 = tpu.bitcast %and3A_827 : vector<16xi32> -> vector<16xf32>
          %add3A_829 = arith.addf %add3A_801, %bitcast_convert_type3A_828 : vector<16xf32>
          %scan3A_830 = arith.constant 5 : i32
          %scan3A_831 = arith.addi %scan3A_691, %scan3A_830 : i32
          %get3A_832 = arith.index_cast %scan3A_831 : i32 to index
          %get3A_833 = arith.constant 0 : index
          %get3A_834 = tpu.vector_load %arg11[%get3A_832, %get3A_833] {strides = array<i32>} : memref<200x32xi32, #tpu.memory_space<vmem>>, vector<1x16xi32>,
          %get3A_835 = vector.shape_cast %get3A_834 : vector<1x16xi32> to vector<16xi32>
          %shift_left3A_836 = arith.constant 16 : i32
          %shift_left3A_837 = vector.broadcast %shift_left3A_836 : i32 to vector<16xi32>
          %shift_left3A_838 = arith.shli %get3A_835, %shift_left3A_837 : vector<16xi32>
          %bitcast_convert_type3A_839 = tpu.bitcast %shift_left3A_838 : vector<16xi32> -> vector<16xf32>
          %add3A_840 = arith.addf %add3A_812, %bitcast_convert_type3A_839 : vector<16xf32>
          %and3A_841 = vector.broadcast %scan3A : i32 to vector<16xi32>
          %and3A_842 = arith.andi %get3A_835, %and3A_841 : vector<16xi32>
          %bitcast_convert_type3A_843 = tpu.bitcast %and3A_842 : vector<16xi32> -> vector<16xf32>
          %add3A_844 = arith.addf %add3A_816, %bitcast_convert_type3A_843 : vector<16xf32>
          %get3A_845 = arith.index_cast %scan3A_831 : i32 to index
          %get3A_846 = arith.constant 16 : index
          %get3A_847 = tpu.vector_load %arg11[%get3A_845, %get3A_846] {strides = array<i32>} : memref<200x32xi32, #tpu.memory_space<vmem>>, vector<1x16xi32>,
          %get3A_848 = vector.shape_cast %get3A_847 : vector<1x16xi32> to vector<16xi32>
          %shift_left3A_849 = arith.constant 16 : i32
          %shift_left3A_850 = vector.broadcast %shift_left3A_849 : i32 to vector<16xi32>
          %shift_left3A_851 = arith.shli %get3A_848, %shift_left3A_850 : vector<16xi32>
          %bitcast_convert_type3A_852 = tpu.bitcast %shift_left3A_851 : vector<16xi32> -> vector<16xf32>
          %add3A_853 = arith.addf %add3A_825, %bitcast_convert_type3A_852 : vector<16xf32>
          %and3A_854 = vector.broadcast %scan3A : i32 to vector<16xi32>
          %and3A_855 = arith.andi %get3A_848, %and3A_854 : vector<16xi32>
          %bitcast_convert_type3A_856 = tpu.bitcast %and3A_855 : vector<16xi32> -> vector<16xf32>
          %add3A_857 = arith.addf %add3A_829, %bitcast_convert_type3A_856 : vector<16xf32>
          %scan3A_858 = arith.constant 6 : i32
          %scan3A_859 = arith.addi %scan3A_691, %scan3A_858 : i32
          %get3A_860 = arith.index_cast %scan3A_859 : i32 to index
          %get3A_861 = arith.constant 0 : index
          %get3A_862 = tpu.vector_load %arg11[%get3A_860, %get3A_861] {strides = array<i32>} : memref<200x32xi32, #tpu.memory_space<vmem>>, vector<1x16xi32>,
          %get3A_863 = vector.shape_cast %get3A_862 : vector<1x16xi32> to vector<16xi32>
          %shift_left3A_864 = arith.constant 16 : i32
          %shift_left3A_865 = vector.broadcast %shift_left3A_864 : i32 to vector<16xi32>
          %shift_left3A_866 = arith.shli %get3A_863, %shift_left3A_865 : vector<16xi32>
          %bitcast_convert_type3A_867 = tpu.bitcast %shift_left3A_866 : vector<16xi32> -> vector<16xf32>
          %add3A_868 = arith.addf %add3A_840, %bitcast_convert_type3A_867 : vector<16xf32>
          %and3A_869 = vector.broadcast %scan3A : i32 to vector<16xi32>
          %and3A_870 = arith.andi %get3A_863, %and3A_869 : vector<16xi32>
          %bitcast_convert_type3A_871 = tpu.bitcast %and3A_870 : vector<16xi32> -> vector<16xf32>
          %add3A_872 = arith.addf %add3A_844, %bitcast_convert_type3A_871 : vector<16xf32>
          %get3A_873 = arith.index_cast %scan3A_859 : i32 to index
          %get3A_874 = arith.constant 16 : index
          %get3A_875 = tpu.vector_load %arg11[%get3A_873, %get3A_874] {strides = array<i32>} : memref<200x32xi32, #tpu.memory_space<vmem>>, vector<1x16xi32>,
          %get3A_876 = vector.shape_cast %get3A_875 : vector<1x16xi32> to vector<16xi32>
          %shift_left3A_877 = arith.constant 16 : i32
          %shift_left3A_878 = vector.broadcast %shift_left3A_877 : i32 to vector<16xi32>
          %shift_left3A_879 = arith.shli %get3A_876, %shift_left3A_878 : vector<16xi32>
          %bitcast_convert_type3A_880 = tpu.bitcast %shift_left3A_879 : vector<16xi32> -> vector<16xf32>
          %add3A_881 = arith.addf %add3A_853, %bitcast_convert_type3A_880 : vector<16xf32>
          %and3A_882 = vector.broadcast %scan3A : i32 to vector<16xi32>
          %and3A_883 = arith.andi %get3A_876, %and3A_882 : vector<16xi32>
          %bitcast_convert_type3A_884 = tpu.bitcast %and3A_883 : vector<16xi32> -> vector<16xf32>
          %add3A_885 = arith.addf %add3A_857, %bitcast_convert_type3A_884 : vector<16xf32>
          %scan3A_886 = arith.constant 7 : i32
          %scan3A_887 = arith.addi %scan3A_691, %scan3A_886 : i32
          %get3A_888 = arith.index_cast %scan3A_887 : i32 to index
          %get3A_889 = arith.constant 0 : index
          %get3A_890 = tpu.vector_load %arg11[%get3A_888, %get3A_889] {strides = array<i32>} : memref<200x32xi32, #tpu.memory_space<vmem>>, vector<1x16xi32>,
          %get3A_891 = vector.shape_cast %get3A_890 : vector<1x16xi32> to vector<16xi32>
          %shift_left3A_892 = arith.constant 16 : i32
          %shift_left3A_893 = vector.broadcast %shift_left3A_892 : i32 to vector<16xi32>
          %shift_left3A_894 = arith.shli %get3A_891, %shift_left3A_893 : vector<16xi32>
          %bitcast_convert_type3A_895 = tpu.bitcast %shift_left3A_894 : vector<16xi32> -> vector<16xf32>
          %add3A_896 = arith.addf %add3A_868, %bitcast_convert_type3A_895 : vector<16xf32>
          %and3A_897 = vector.broadcast %scan3A : i32 to vector<16xi32>
          %and3A_898 = arith.andi %get3A_891, %and3A_897 : vector<16xi32>
          %bitcast_convert_type3A_899 = tpu.bitcast %and3A_898 : vector<16xi32> -> vector<16xf32>
          %add3A_900 = arith.addf %add3A_872, %bitcast_convert_type3A_899 : vector<16xf32>
          %get3A_901 = arith.index_cast %scan3A_887 : i32 to index
          %get3A_902 = arith.constant 16 : index
          %get3A_903 = tpu.vector_load %arg11[%get3A_901, %get3A_902] {strides = array<i32>} : memref<200x32xi32, #tpu.memory_space<vmem>>, vector<1x16xi32>,
          %get3A_904 = vector.shape_cast %get3A_903 : vector<1x16xi32> to vector<16xi32>
          %shift_left3A_905 = arith.constant 16 : i32
          %shift_left3A_906 = vector.broadcast %shift_left3A_905 : i32 to vector<16xi32>
          %shift_left3A_907 = arith.shli %get3A_904, %shift_left3A_906 : vector<16xi32>
          %bitcast_convert_type3A_908 = tpu.bitcast %shift_left3A_907 : vector<16xi32> -> vector<16xf32>
          %add3A_909 = arith.addf %add3A_881, %bitcast_convert_type3A_908 : vector<16xf32>
          %and3A_910 = vector.broadcast %scan3A : i32 to vector<16xi32>
          %and3A_911 = arith.andi %get3A_904, %and3A_910 : vector<16xi32>
          %bitcast_convert_type3A_912 = tpu.bitcast %and3A_911 : vector<16xi32> -> vector<16xf32>
          %add3A_913 = arith.addf %add3A_885, %bitcast_convert_type3A_912 : vector<16xf32>
          %scan3A_914 = arith.constant 8 : i32
          %scan3A_915 = arith.addi %scan3A_691, %scan3A_914 : i32
          %get3A_916 = arith.index_cast %scan3A_915 : i32 to index
          %get3A_917 = arith.constant 0 : index
          %get3A_918 = tpu.vector_load %arg11[%get3A_916, %get3A_917] {strides = array<i32>} : memref<200x32xi32, #tpu.memory_space<vmem>>, vector<1x16xi32>,
          %get3A_919 = vector.shape_cast %get3A_918 : vector<1x16xi32> to vector<16xi32>
          %shift_left3A_920 = arith.constant 16 : i32
          %shift_left3A_921 = vector.broadcast %shift_left3A_920 : i32 to vector<16xi32>
          %shift_left3A_922 = arith.shli %get3A_919, %shift_left3A_921 : vector<16xi32>
          %bitcast_convert_type3A_923 = tpu.bitcast %shift_left3A_922 : vector<16xi32> -> vector<16xf32>
          %add3A_924 = arith.addf %add3A_896, %bitcast_convert_type3A_923 : vector<16xf32>
          %and3A_925 = vector.broadcast %scan3A : i32 to vector<16xi32>
          %and3A_926 = arith.andi %get3A_919, %and3A_925 : vector<16xi32>
          %bitcast_convert_type3A_927 = tpu.bitcast %and3A_926 : vector<16xi32> -> vector<16xf32>
          %add3A_928 = arith.addf %add3A_900, %bitcast_convert_type3A_927 : vector<16xf32>
          %get3A_929 = arith.index_cast %scan3A_915 : i32 to index
          %get3A_930 = arith.constant 16 : index
          %get3A_931 = tpu.vector_load %arg11[%get3A_929, %get3A_930] {strides = array<i32>} : memref<200x32xi32, #tpu.memory_space<vmem>>, vector<1x16xi32>,
          %get3A_932 = vector.shape_cast %get3A_931 : vector<1x16xi32> to vector<16xi32>
          %shift_left3A_933 = arith.constant 16 : i32
          %shift_left3A_934 = vector.broadcast %shift_left3A_933 : i32 to vector<16xi32>
          %shift_left3A_935 = arith.shli %get3A_932, %shift_left3A_934 : vector<16xi32>
          %bitcast_convert_type3A_936 = tpu.bitcast %shift_left3A_935 : vector<16xi32> -> vector<16xf32>
          %add3A_937 = arith.addf %add3A_909, %bitcast_convert_type3A_936 : vector<16xf32>
          %and3A_938 = vector.broadcast %scan3A : i32 to vector<16xi32>
          %and3A_939 = arith.andi %get3A_932, %and3A_938 : vector<16xi32>
          %bitcast_convert_type3A_940 = tpu.bitcast %and3A_939 : vector<16xi32> -> vector<16xf32>
          %add3A_941 = arith.addf %add3A_913, %bitcast_convert_type3A_940 : vector<16xf32>
          %scan3A_942 = arith.constant 9 : i32
          %scan3A_943 = arith.addi %scan3A_691, %scan3A_942 : i32
          %get3A_944 = arith.index_cast %scan3A_943 : i32 to index
          %get3A_945 = arith.constant 0 : index
          %get3A_946 = tpu.vector_load %arg11[%get3A_944, %get3A_945] {strides = array<i32>} : memref<200x32xi32, #tpu.memory_space<vmem>>, vector<1x16xi32>,
          %get3A_947 = vector.shape_cast %get3A_946 : vector<1x16xi32> to vector<16xi32>
          %shift_left3A_948 = arith.constant 16 : i32
          %shift_left3A_949 = vector.broadcast %shift_left3A_948 : i32 to vector<16xi32>
          %shift_left3A_950 = arith.shli %get3A_947, %shift_left3A_949 : vector<16xi32>
          %bitcast_convert_type3A_951 = tpu.bitcast %shift_left3A_950 : vector<16xi32> -> vector<16xf32>
          %add3A_952 = arith.addf %add3A_924, %bitcast_convert_type3A_951 : vector<16xf32>
          %and3A_953 = vector.broadcast %scan3A : i32 to vector<16xi32>
          %and3A_954 = arith.andi %get3A_947, %and3A_953 : vector<16xi32>
          %bitcast_convert_type3A_955 = tpu.bitcast %and3A_954 : vector<16xi32> -> vector<16xf32>
          %add3A_956 = arith.addf %add3A_928, %bitcast_convert_type3A_955 : vector<16xf32>
          %get3A_957 = arith.index_cast %scan3A_943 : i32 to index
          %get3A_958 = arith.constant 16 : index
          %get3A_959 = tpu.vector_load %arg11[%get3A_957, %get3A_958] {strides = array<i32>} : memref<200x32xi32, #tpu.memory_space<vmem>>, vector<1x16xi32>,
          %get3A_960 = vector.shape_cast %get3A_959 : vector<1x16xi32> to vector<16xi32>
          %shift_left3A_961 = arith.constant 16 : i32
          %shift_left3A_962 = vector.broadcast %shift_left3A_961 : i32 to vector<16xi32>
          %shift_left3A_963 = arith.shli %get3A_960, %shift_left3A_962 : vector<16xi32>
          %bitcast_convert_type3A_964 = tpu.bitcast %shift_left3A_963 : vector<16xi32> -> vector<16xf32>
          %add3A_965 = arith.addf %add3A_937, %bitcast_convert_type3A_964 : vector<16xf32>
          %and3A_966 = vector.broadcast %scan3A : i32 to vector<16xi32>
          %and3A_967 = arith.andi %get3A_960, %and3A_966 : vector<16xi32>
          %bitcast_convert_type3A_968 = tpu.bitcast %and3A_967 : vector<16xi32> -> vector<16xf32>
          %add3A_969 = arith.addf %add3A_941, %bitcast_convert_type3A_968 : vector<16xf32>
          scf.yield %add3A_952, %add3A_965, %add3A_956, %add3A_969 : vector<16xf32>, vector<16xf32>, vector<16xf32>, vector<16xf32>
        }
        %scan3A_535 = arith.constant 200 : i32
        %swap3A_536 = arith.index_cast %add3A_521 : i32 to index
        %swap3A_537 = arith.constant 0 : index
        %swap3A_538 = tpu.vector_load %arg14[%swap3A_536, %swap3A_537] {strides = array<i32>} : memref<512x64xf32, #tpu.memory_space<vmem>>, vector<1x16xf32>,
        %swap3A_539 = vector.shape_cast %swap3A_538 : vector<1x16xf32> to vector<16xf32>
        %swap3A_540 = vector.shape_cast %scan3A_534#0 : vector<16xf32> to vector<1x16xf32>
        tpu.vector_store %arg14[%swap3A_536, %swap3A_537], %swap3A_540 {strides = array<i32>} : memref<512x64xf32, #tpu.memory_space<vmem>>, vector<1x16xf32>,
        %swap3A_541 = arith.index_cast %add3A_521 : i32 to index
        %swap3A_542 = arith.constant 16 : index
        %swap3A_543 = tpu.vector_load %arg14[%swap3A_541, %swap3A_542] {strides = array<i32>} : memref<512x64xf32, #tpu.memory_space<vmem>>, vector<1x16xf32>,
        %swap3A_544 = vector.shape_cast %swap3A_543 : vector<1x16xf32> to vector<16xf32>
        %swap3A_545 = vector.shape_cast %scan3A_534#1 : vector<16xf32> to vector<1x16xf32>
        tpu.vector_store %arg14[%swap3A_541, %swap3A_542], %swap3A_545 {strides = array<i32>} : memref<512x64xf32, #tpu.memory_space<vmem>>, vector<1x16xf32>,
        %swap3A_546 = arith.index_cast %add3A_521 : i32 to index
        %swap3A_547 = arith.constant 32 : index
        %swap3A_548 = tpu.vector_load %arg14[%swap3A_546, %swap3A_547] {strides = array<i32>} : memref<512x64xf32, #tpu.memory_space<vmem>>, vector<1x16xf32>,
        %swap3A_549 = vector.shape_cast %swap3A_548 : vector<1x16xf32> to vector<16xf32>
        %swap3A_550 = vector.shape_cast %scan3A_534#2 : vector<16xf32> to vector<1x16xf32>
        tpu.vector_store %arg14[%swap3A_546, %swap3A_547], %swap3A_550 {strides = array<i32>} : memref<512x64xf32, #tpu.memory_space<vmem>>, vector<1x16xf32>,
        %swap3A_551 = arith.index_cast %add3A_521 : i32 to index
        %swap3A_552 = arith.constant 48 : index
        %swap3A_553 = tpu.vector_load %arg14[%swap3A_551, %swap3A_552] {strides = array<i32>} : memref<512x64xf32, #tpu.memory_space<vmem>>, vector<1x16xf32>,
        %swap3A_554 = vector.shape_cast %swap3A_553 : vector<1x16xf32> to vector<16xf32>
        %swap3A_555 = vector.shape_cast %scan3A_534#3 : vector<16xf32> to vector<1x16xf32>
        tpu.vector_store %arg14[%swap3A_551, %swap3A_552], %swap3A_555 {strides = array<i32>} : memref<512x64xf32, #tpu.memory_space<vmem>>, vector<1x16xf32>,
        %mul3A_556 = arith.constant 8 : i32
        %mul3A_557 = arith.muli %scan3A_159, %mul3A_556 : i32
        %add3A_558 = arith.constant 6 : i32
        %add3A_559 = arith.addi %mul3A_557, %add3A_558 : i32
        %mul3A_560 = arith.constant 200 : i32
        %mul3A_561 = arith.muli %add3A_559, %mul3A_560 : i32
        %multiple_of3A_562 = tpu.assume_multiple %mul3A_561, 8 : i32
        %dma_wait3A_563 = arith.constant 0 : i32
        %dma_wait3A_564 = arith.constant 0 : i32
        %dma_wait3A_565 = tpu.memref_slice %arg12[%dma_wait3A_563, %dma_wait3A_564] : memref<200x32xi32, #tpu.memory_space<vmem>> -> memref<96x32xi32, #tpu.memory_space<vmem>>
        %dma_wait3A_566 = tpu.memref_slice %arg5[%multiple_of3A_562] : memref<12800xi32, #tpu.memory_space<vmem>> -> memref<96xi32, #tpu.memory_space<vmem>>
        %dma_wait3A_567 = arith.constant 0 : i32
        %dma_wait3A_568 = arith.constant 0 : i32
        %dma_wait3A_569 = tpu.memref_slice %arg3[%dma_wait3A_567, %dma_wait3A_568] : memref<1015808x32xi32, #tpu.memory_space<hbm>> -> memref<1015808x32xi32, #tpu.memory_space<hbm>>
        tpu.wait_indirect_dma semaphore(%arg21 : memref<!tpu.dma_semaphore, #tpu.memory_space<semaphore_mem>>) src(%dma_wait3A_569 : memref<1015808x32xi32, #tpu.memory_space<hbm>>) dst(%dma_wait3A_565 : memref<96x32xi32, #tpu.memory_space<vmem>>)
        %add3A_570 = arith.constant 96 : i32
        %add3A_571 = arith.addi %multiple_of3A_562, %add3A_570 : i32
        %dma_wait3A_572 = arith.constant 96 : i32
        %dma_wait3A_573 = arith.constant 0 : i32
        %dma_wait3A_574 = tpu.memref_slice %arg12[%dma_wait3A_572, %dma_wait3A_573] : memref<200x32xi32, #tpu.memory_space<vmem>> -> memref<104x32xi32, #tpu.memory_space<vmem>>
        %dma_wait3A_575 = tpu.memref_slice %arg5[%add3A_571] : memref<12800xi32, #tpu.memory_space<vmem>> -> memref<104xi32, #tpu.memory_space<vmem>>
        %dma_wait3A_576 = arith.constant 0 : i32
        %dma_wait3A_577 = arith.constant 0 : i32
        %dma_wait3A_578 = tpu.memref_slice %arg3[%dma_wait3A_576, %dma_wait3A_577] : memref<1015808x32xi32, #tpu.memory_space<hbm>> -> memref<1015808x32xi32, #tpu.memory_space<hbm>>
        tpu.wait_indirect_dma semaphore(%arg21 : memref<!tpu.dma_semaphore, #tpu.memory_space<semaphore_mem>>) src(%dma_wait3A_578 : memref<1015808x32xi32, #tpu.memory_space<hbm>>) dst(%dma_wait3A_574 : memref<104x32xi32, #tpu.memory_space<vmem>>)
        %add3A_579 = arith.constant 8 : i32
        %add3A_580 = arith.addi %add3A_559, %add3A_579 : i32
        %sub3A_581 = arith.constant 1 : i32
        %sub3A_582 = arith.subi %add3A_580, %sub3A_581 : i32
        %lt3A_583 = arith.constant 64 : i32
        %lt3A_584 = arith.cmpi slt, %sub3A_582, %lt3A_583 : i32
        %convert_element_type3A_585 = arith.extui %lt3A_584 : i1 to i32
        %cond3A_586 = arith.constant 0 : i32
        %cond3A_587 = arith.cmpi ne, %convert_element_type3A_585, %cond3A_586 : i32
        scf.if %cond3A_587 {
          %add3A_691 = arith.constant 8 : i32
          %add3A_692 = arith.addi %add3A_559, %add3A_691 : i32
          %sub3A_693 = arith.constant 1 : i32
          %sub3A_694 = arith.subi %add3A_692, %sub3A_693 : i32
          %mul3A_695 = arith.constant 200 : i32
          %mul3A_696 = arith.muli %sub3A_694, %mul3A_695 : i32
          %multiple_of3A_697 = tpu.assume_multiple %mul3A_696, 8 : i32
          %dma_start3A_698 = arith.constant 0 : i32
          %dma_start3A_699 = arith.constant 0 : i32
          %dma_start3A_700 = tpu.memref_slice %arg11[%dma_start3A_698, %dma_start3A_699] : memref<200x32xi32, #tpu.memory_space<vmem>> -> memref<96x32xi32, #tpu.memory_space<vmem>>
          %dma_start3A_701 = tpu.memref_slice %arg5[%multiple_of3A_697] : memref<12800xi32, #tpu.memory_space<vmem>> -> memref<96xi32, #tpu.memory_space<vmem>>
          %dma_start3A_702 = arith.constant 0 : i32
          %dma_start3A_703 = arith.constant 0 : i32
          %dma_start3A_704 = tpu.memref_slice %arg3[%dma_start3A_702, %dma_start3A_703] : memref<1015808x32xi32, #tpu.memory_space<hbm>> -> memref<1015808x32xi32, #tpu.memory_space<hbm>>
          tpu.enqueue_indirect_dma source(%dma_start3A_704 : memref<1015808x32xi32, #tpu.memory_space<hbm>>) target(%dma_start3A_700 : memref<96x32xi32, #tpu.memory_space<vmem>>) offsets(%dma_start3A_701 : memref<96xi32, #tpu.memory_space<vmem>>) semaphore(%arg20 : memref<!tpu.dma_semaphore, #tpu.memory_space<semaphore_mem>>)
          %add3A_705 = arith.constant 96 : i32
          %add3A_706 = arith.addi %multiple_of3A_697, %add3A_705 : i32
          %dma_start3A_707 = arith.constant 96 : i32
          %dma_start3A_708 = arith.constant 0 : i32
          %dma_start3A_709 = tpu.memref_slice %arg11[%dma_start3A_707, %dma_start3A_708] : memref<200x32xi32, #tpu.memory_space<vmem>> -> memref<104x32xi32, #tpu.memory_space<vmem>>
          %dma_start3A_710 = tpu.memref_slice %arg5[%add3A_706] : memref<12800xi32, #tpu.memory_space<vmem>> -> memref<104xi32, #tpu.memory_space<vmem>>
          %dma_start3A_711 = arith.constant 0 : i32
          %dma_start3A_712 = arith.constant 0 : i32
          %dma_start3A_713 = tpu.memref_slice %arg3[%dma_start3A_711, %dma_start3A_712] : memref<1015808x32xi32, #tpu.memory_space<hbm>> -> memref<1015808x32xi32, #tpu.memory_space<hbm>>
          tpu.enqueue_indirect_dma source(%dma_start3A_713 : memref<1015808x32xi32, #tpu.memory_space<hbm>>) target(%dma_start3A_709 : memref<104x32xi32, #tpu.memory_space<vmem>>) offsets(%dma_start3A_710 : memref<104xi32, #tpu.memory_space<vmem>>) semaphore(%arg20 : memref<!tpu.dma_semaphore, #tpu.memory_space<semaphore_mem>>)
        } else {
        }
        %add3A_588 = arith.addi %mul3A_25, %add3A_559 : i32
        %broadcast_in_dim3A_589 = arith.constant 0.000000e+00 : f32
        %broadcast_in_dim3A_590 = vector.broadcast %broadcast_in_dim3A_589 : f32 to vector<16xf32>
        %broadcast_in_dim3A_591 = arith.constant 0.000000e+00 : f32
        %broadcast_in_dim3A_592 = vector.broadcast %broadcast_in_dim3A_591 : f32 to vector<16xf32>
        %broadcast_in_dim3A_593 = arith.constant 0.000000e+00 : f32
        %broadcast_in_dim3A_594 = vector.broadcast %broadcast_in_dim3A_593 : f32 to vector<16xf32>
        %broadcast_in_dim3A_595 = arith.constant 0.000000e+00 : f32
        %broadcast_in_dim3A_596 = vector.broadcast %broadcast_in_dim3A_595 : f32 to vector<16xf32>
        %scan3A_597 = arith.constant 0 : i32
        %scan3A_598 = arith.constant 200 : i32
        %scan3A_599 = arith.addi %scan3A_597, %scan3A_598 : i32
        %scan3A_600 = arith.constant 10 : i32
        %scan3A_601:4 = scf.for %scan3A_691 = %scan3A_597 to %scan3A_599 step %scan3A_600 iter_args(%scan3A_692 = %broadcast_in_dim3A_590, %scan3A_693 = %broadcast_in_dim3A_592, %scan3A_694 = %broadcast_in_dim3A_594, %scan3A_695 = %broadcast_in_dim3A_596) -> (vector<16xf32>, vector<16xf32>, vector<16xf32>, vector<16xf32>)  : i32 {
          %get3A = arith.index_cast %scan3A_691 : i32 to index
          %get3A_696 = arith.constant 0 : index
          %get3A_697 = tpu.vector_load %arg12[%get3A, %get3A_696] {strides = array<i32>} : memref<200x32xi32, #tpu.memory_space<vmem>>, vector<1x16xi32>,
          %get3A_698 = vector.shape_cast %get3A_697 : vector<1x16xi32> to vector<16xi32>
          %shift_left3A = arith.constant 16 : i32
          %shift_left3A_699 = vector.broadcast %shift_left3A : i32 to vector<16xi32>
          %shift_left3A_700 = arith.shli %get3A_698, %shift_left3A_699 : vector<16xi32>
          %bitcast_convert_type3A = tpu.bitcast %shift_left3A_700 : vector<16xi32> -> vector<16xf32>
          %add3A_701 = arith.addf %scan3A_692, %bitcast_convert_type3A : vector<16xf32>
          %and3A = vector.broadcast %scan3A : i32 to vector<16xi32>
          %and3A_702 = arith.andi %get3A_698, %and3A : vector<16xi32>
          %bitcast_convert_type3A_703 = tpu.bitcast %and3A_702 : vector<16xi32> -> vector<16xf32>
          %add3A_704 = arith.addf %scan3A_694, %bitcast_convert_type3A_703 : vector<16xf32>
          %get3A_705 = arith.index_cast %scan3A_691 : i32 to index
          %get3A_706 = arith.constant 16 : index
          %get3A_707 = tpu.vector_load %arg12[%get3A_705, %get3A_706] {strides = array<i32>} : memref<200x32xi32, #tpu.memory_space<vmem>>, vector<1x16xi32>,
          %get3A_708 = vector.shape_cast %get3A_707 : vector<1x16xi32> to vector<16xi32>
          %shift_left3A_709 = arith.constant 16 : i32
          %shift_left3A_710 = vector.broadcast %shift_left3A_709 : i32 to vector<16xi32>
          %shift_left3A_711 = arith.shli %get3A_708, %shift_left3A_710 : vector<16xi32>
          %bitcast_convert_type3A_712 = tpu.bitcast %shift_left3A_711 : vector<16xi32> -> vector<16xf32>
          %add3A_713 = arith.addf %scan3A_693, %bitcast_convert_type3A_712 : vector<16xf32>
          %and3A_714 = vector.broadcast %scan3A : i32 to vector<16xi32>
          %and3A_715 = arith.andi %get3A_708, %and3A_714 : vector<16xi32>
          %bitcast_convert_type3A_716 = tpu.bitcast %and3A_715 : vector<16xi32> -> vector<16xf32>
          %add3A_717 = arith.addf %scan3A_695, %bitcast_convert_type3A_716 : vector<16xf32>
          %scan3A_718 = arith.constant 1 : i32
          %scan3A_719 = arith.addi %scan3A_691, %scan3A_718 : i32
          %get3A_720 = arith.index_cast %scan3A_719 : i32 to index
          %get3A_721 = arith.constant 0 : index
          %get3A_722 = tpu.vector_load %arg12[%get3A_720, %get3A_721] {strides = array<i32>} : memref<200x32xi32, #tpu.memory_space<vmem>>, vector<1x16xi32>,
          %get3A_723 = vector.shape_cast %get3A_722 : vector<1x16xi32> to vector<16xi32>
          %shift_left3A_724 = arith.constant 16 : i32
          %shift_left3A_725 = vector.broadcast %shift_left3A_724 : i32 to vector<16xi32>
          %shift_left3A_726 = arith.shli %get3A_723, %shift_left3A_725 : vector<16xi32>
          %bitcast_convert_type3A_727 = tpu.bitcast %shift_left3A_726 : vector<16xi32> -> vector<16xf32>
          %add3A_728 = arith.addf %add3A_701, %bitcast_convert_type3A_727 : vector<16xf32>
          %and3A_729 = vector.broadcast %scan3A : i32 to vector<16xi32>
          %and3A_730 = arith.andi %get3A_723, %and3A_729 : vector<16xi32>
          %bitcast_convert_type3A_731 = tpu.bitcast %and3A_730 : vector<16xi32> -> vector<16xf32>
          %add3A_732 = arith.addf %add3A_704, %bitcast_convert_type3A_731 : vector<16xf32>
          %get3A_733 = arith.index_cast %scan3A_719 : i32 to index
          %get3A_734 = arith.constant 16 : index
          %get3A_735 = tpu.vector_load %arg12[%get3A_733, %get3A_734] {strides = array<i32>} : memref<200x32xi32, #tpu.memory_space<vmem>>, vector<1x16xi32>,
          %get3A_736 = vector.shape_cast %get3A_735 : vector<1x16xi32> to vector<16xi32>
          %shift_left3A_737 = arith.constant 16 : i32
          %shift_left3A_738 = vector.broadcast %shift_left3A_737 : i32 to vector<16xi32>
          %shift_left3A_739 = arith.shli %get3A_736, %shift_left3A_738 : vector<16xi32>
          %bitcast_convert_type3A_740 = tpu.bitcast %shift_left3A_739 : vector<16xi32> -> vector<16xf32>
          %add3A_741 = arith.addf %add3A_713, %bitcast_convert_type3A_740 : vector<16xf32>
          %and3A_742 = vector.broadcast %scan3A : i32 to vector<16xi32>
          %and3A_743 = arith.andi %get3A_736, %and3A_742 : vector<16xi32>
          %bitcast_convert_type3A_744 = tpu.bitcast %and3A_743 : vector<16xi32> -> vector<16xf32>
          %add3A_745 = arith.addf %add3A_717, %bitcast_convert_type3A_744 : vector<16xf32>
          %scan3A_746 = arith.constant 2 : i32
          %scan3A_747 = arith.addi %scan3A_691, %scan3A_746 : i32
          %get3A_748 = arith.index_cast %scan3A_747 : i32 to index
          %get3A_749 = arith.constant 0 : index
          %get3A_750 = tpu.vector_load %arg12[%get3A_748, %get3A_749] {strides = array<i32>} : memref<200x32xi32, #tpu.memory_space<vmem>>, vector<1x16xi32>,
          %get3A_751 = vector.shape_cast %get3A_750 : vector<1x16xi32> to vector<16xi32>
          %shift_left3A_752 = arith.constant 16 : i32
          %shift_left3A_753 = vector.broadcast %shift_left3A_752 : i32 to vector<16xi32>
          %shift_left3A_754 = arith.shli %get3A_751, %shift_left3A_753 : vector<16xi32>
          %bitcast_convert_type3A_755 = tpu.bitcast %shift_left3A_754 : vector<16xi32> -> vector<16xf32>
          %add3A_756 = arith.addf %add3A_728, %bitcast_convert_type3A_755 : vector<16xf32>
          %and3A_757 = vector.broadcast %scan3A : i32 to vector<16xi32>
          %and3A_758 = arith.andi %get3A_751, %and3A_757 : vector<16xi32>
          %bitcast_convert_type3A_759 = tpu.bitcast %and3A_758 : vector<16xi32> -> vector<16xf32>
          %add3A_760 = arith.addf %add3A_732, %bitcast_convert_type3A_759 : vector<16xf32>
          %get3A_761 = arith.index_cast %scan3A_747 : i32 to index
          %get3A_762 = arith.constant 16 : index
          %get3A_763 = tpu.vector_load %arg12[%get3A_761, %get3A_762] {strides = array<i32>} : memref<200x32xi32, #tpu.memory_space<vmem>>, vector<1x16xi32>,
          %get3A_764 = vector.shape_cast %get3A_763 : vector<1x16xi32> to vector<16xi32>
          %shift_left3A_765 = arith.constant 16 : i32
          %shift_left3A_766 = vector.broadcast %shift_left3A_765 : i32 to vector<16xi32>
          %shift_left3A_767 = arith.shli %get3A_764, %shift_left3A_766 : vector<16xi32>
          %bitcast_convert_type3A_768 = tpu.bitcast %shift_left3A_767 : vector<16xi32> -> vector<16xf32>
          %add3A_769 = arith.addf %add3A_741, %bitcast_convert_type3A_768 : vector<16xf32>
          %and3A_770 = vector.broadcast %scan3A : i32 to vector<16xi32>
          %and3A_771 = arith.andi %get3A_764, %and3A_770 : vector<16xi32>
          %bitcast_convert_type3A_772 = tpu.bitcast %and3A_771 : vector<16xi32> -> vector<16xf32>
          %add3A_773 = arith.addf %add3A_745, %bitcast_convert_type3A_772 : vector<16xf32>
          %scan3A_774 = arith.constant 3 : i32
          %scan3A_775 = arith.addi %scan3A_691, %scan3A_774 : i32
          %get3A_776 = arith.index_cast %scan3A_775 : i32 to index
          %get3A_777 = arith.constant 0 : index
          %get3A_778 = tpu.vector_load %arg12[%get3A_776, %get3A_777] {strides = array<i32>} : memref<200x32xi32, #tpu.memory_space<vmem>>, vector<1x16xi32>,
          %get3A_779 = vector.shape_cast %get3A_778 : vector<1x16xi32> to vector<16xi32>
          %shift_left3A_780 = arith.constant 16 : i32
          %shift_left3A_781 = vector.broadcast %shift_left3A_780 : i32 to vector<16xi32>
          %shift_left3A_782 = arith.shli %get3A_779, %shift_left3A_781 : vector<16xi32>
          %bitcast_convert_type3A_783 = tpu.bitcast %shift_left3A_782 : vector<16xi32> -> vector<16xf32>
          %add3A_784 = arith.addf %add3A_756, %bitcast_convert_type3A_783 : vector<16xf32>
          %and3A_785 = vector.broadcast %scan3A : i32 to vector<16xi32>
          %and3A_786 = arith.andi %get3A_779, %and3A_785 : vector<16xi32>
          %bitcast_convert_type3A_787 = tpu.bitcast %and3A_786 : vector<16xi32> -> vector<16xf32>
          %add3A_788 = arith.addf %add3A_760, %bitcast_convert_type3A_787 : vector<16xf32>
          %get3A_789 = arith.index_cast %scan3A_775 : i32 to index
          %get3A_790 = arith.constant 16 : index
          %get3A_791 = tpu.vector_load %arg12[%get3A_789, %get3A_790] {strides = array<i32>} : memref<200x32xi32, #tpu.memory_space<vmem>>, vector<1x16xi32>,
          %get3A_792 = vector.shape_cast %get3A_791 : vector<1x16xi32> to vector<16xi32>
          %shift_left3A_793 = arith.constant 16 : i32
          %shift_left3A_794 = vector.broadcast %shift_left3A_793 : i32 to vector<16xi32>
          %shift_left3A_795 = arith.shli %get3A_792, %shift_left3A_794 : vector<16xi32>
          %bitcast_convert_type3A_796 = tpu.bitcast %shift_left3A_795 : vector<16xi32> -> vector<16xf32>
          %add3A_797 = arith.addf %add3A_769, %bitcast_convert_type3A_796 : vector<16xf32>
          %and3A_798 = vector.broadcast %scan3A : i32 to vector<16xi32>
          %and3A_799 = arith.andi %get3A_792, %and3A_798 : vector<16xi32>
          %bitcast_convert_type3A_800 = tpu.bitcast %and3A_799 : vector<16xi32> -> vector<16xf32>
          %add3A_801 = arith.addf %add3A_773, %bitcast_convert_type3A_800 : vector<16xf32>
          %scan3A_802 = arith.constant 4 : i32
          %scan3A_803 = arith.addi %scan3A_691, %scan3A_802 : i32
          %get3A_804 = arith.index_cast %scan3A_803 : i32 to index
          %get3A_805 = arith.constant 0 : index
          %get3A_806 = tpu.vector_load %arg12[%get3A_804, %get3A_805] {strides = array<i32>} : memref<200x32xi32, #tpu.memory_space<vmem>>, vector<1x16xi32>,
          %get3A_807 = vector.shape_cast %get3A_806 : vector<1x16xi32> to vector<16xi32>
          %shift_left3A_808 = arith.constant 16 : i32
          %shift_left3A_809 = vector.broadcast %shift_left3A_808 : i32 to vector<16xi32>
          %shift_left3A_810 = arith.shli %get3A_807, %shift_left3A_809 : vector<16xi32>
          %bitcast_convert_type3A_811 = tpu.bitcast %shift_left3A_810 : vector<16xi32> -> vector<16xf32>
          %add3A_812 = arith.addf %add3A_784, %bitcast_convert_type3A_811 : vector<16xf32>
          %and3A_813 = vector.broadcast %scan3A : i32 to vector<16xi32>
          %and3A_814 = arith.andi %get3A_807, %and3A_813 : vector<16xi32>
          %bitcast_convert_type3A_815 = tpu.bitcast %and3A_814 : vector<16xi32> -> vector<16xf32>
          %add3A_816 = arith.addf %add3A_788, %bitcast_convert_type3A_815 : vector<16xf32>
          %get3A_817 = arith.index_cast %scan3A_803 : i32 to index
          %get3A_818 = arith.constant 16 : index
          %get3A_819 = tpu.vector_load %arg12[%get3A_817, %get3A_818] {strides = array<i32>} : memref<200x32xi32, #tpu.memory_space<vmem>>, vector<1x16xi32>,
          %get3A_820 = vector.shape_cast %get3A_819 : vector<1x16xi32> to vector<16xi32>
          %shift_left3A_821 = arith.constant 16 : i32
          %shift_left3A_822 = vector.broadcast %shift_left3A_821 : i32 to vector<16xi32>
          %shift_left3A_823 = arith.shli %get3A_820, %shift_left3A_822 : vector<16xi32>
          %bitcast_convert_type3A_824 = tpu.bitcast %shift_left3A_823 : vector<16xi32> -> vector<16xf32>
          %add3A_825 = arith.addf %add3A_797, %bitcast_convert_type3A_824 : vector<16xf32>
          %and3A_826 = vector.broadcast %scan3A : i32 to vector<16xi32>
          %and3A_827 = arith.andi %get3A_820, %and3A_826 : vector<16xi32>
          %bitcast_convert_type3A_828 = tpu.bitcast %and3A_827 : vector<16xi32> -> vector<16xf32>
          %add3A_829 = arith.addf %add3A_801, %bitcast_convert_type3A_828 : vector<16xf32>
          %scan3A_830 = arith.constant 5 : i32
          %scan3A_831 = arith.addi %scan3A_691, %scan3A_830 : i32
          %get3A_832 = arith.index_cast %scan3A_831 : i32 to index
          %get3A_833 = arith.constant 0 : index
          %get3A_834 = tpu.vector_load %arg12[%get3A_832, %get3A_833] {strides = array<i32>} : memref<200x32xi32, #tpu.memory_space<vmem>>, vector<1x16xi32>,
          %get3A_835 = vector.shape_cast %get3A_834 : vector<1x16xi32> to vector<16xi32>
          %shift_left3A_836 = arith.constant 16 : i32
          %shift_left3A_837 = vector.broadcast %shift_left3A_836 : i32 to vector<16xi32>
          %shift_left3A_838 = arith.shli %get3A_835, %shift_left3A_837 : vector<16xi32>
          %bitcast_convert_type3A_839 = tpu.bitcast %shift_left3A_838 : vector<16xi32> -> vector<16xf32>
          %add3A_840 = arith.addf %add3A_812, %bitcast_convert_type3A_839 : vector<16xf32>
          %and3A_841 = vector.broadcast %scan3A : i32 to vector<16xi32>
          %and3A_842 = arith.andi %get3A_835, %and3A_841 : vector<16xi32>
          %bitcast_convert_type3A_843 = tpu.bitcast %and3A_842 : vector<16xi32> -> vector<16xf32>
          %add3A_844 = arith.addf %add3A_816, %bitcast_convert_type3A_843 : vector<16xf32>
          %get3A_845 = arith.index_cast %scan3A_831 : i32 to index
          %get3A_846 = arith.constant 16 : index
          %get3A_847 = tpu.vector_load %arg12[%get3A_845, %get3A_846] {strides = array<i32>} : memref<200x32xi32, #tpu.memory_space<vmem>>, vector<1x16xi32>,
          %get3A_848 = vector.shape_cast %get3A_847 : vector<1x16xi32> to vector<16xi32>
          %shift_left3A_849 = arith.constant 16 : i32
          %shift_left3A_850 = vector.broadcast %shift_left3A_849 : i32 to vector<16xi32>
          %shift_left3A_851 = arith.shli %get3A_848, %shift_left3A_850 : vector<16xi32>
          %bitcast_convert_type3A_852 = tpu.bitcast %shift_left3A_851 : vector<16xi32> -> vector<16xf32>
          %add3A_853 = arith.addf %add3A_825, %bitcast_convert_type3A_852 : vector<16xf32>
          %and3A_854 = vector.broadcast %scan3A : i32 to vector<16xi32>
          %and3A_855 = arith.andi %get3A_848, %and3A_854 : vector<16xi32>
          %bitcast_convert_type3A_856 = tpu.bitcast %and3A_855 : vector<16xi32> -> vector<16xf32>
          %add3A_857 = arith.addf %add3A_829, %bitcast_convert_type3A_856 : vector<16xf32>
          %scan3A_858 = arith.constant 6 : i32
          %scan3A_859 = arith.addi %scan3A_691, %scan3A_858 : i32
          %get3A_860 = arith.index_cast %scan3A_859 : i32 to index
          %get3A_861 = arith.constant 0 : index
          %get3A_862 = tpu.vector_load %arg12[%get3A_860, %get3A_861] {strides = array<i32>} : memref<200x32xi32, #tpu.memory_space<vmem>>, vector<1x16xi32>,
          %get3A_863 = vector.shape_cast %get3A_862 : vector<1x16xi32> to vector<16xi32>
          %shift_left3A_864 = arith.constant 16 : i32
          %shift_left3A_865 = vector.broadcast %shift_left3A_864 : i32 to vector<16xi32>
          %shift_left3A_866 = arith.shli %get3A_863, %shift_left3A_865 : vector<16xi32>
          %bitcast_convert_type3A_867 = tpu.bitcast %shift_left3A_866 : vector<16xi32> -> vector<16xf32>
          %add3A_868 = arith.addf %add3A_840, %bitcast_convert_type3A_867 : vector<16xf32>
          %and3A_869 = vector.broadcast %scan3A : i32 to vector<16xi32>
          %and3A_870 = arith.andi %get3A_863, %and3A_869 : vector<16xi32>
          %bitcast_convert_type3A_871 = tpu.bitcast %and3A_870 : vector<16xi32> -> vector<16xf32>
          %add3A_872 = arith.addf %add3A_844, %bitcast_convert_type3A_871 : vector<16xf32>
          %get3A_873 = arith.index_cast %scan3A_859 : i32 to index
          %get3A_874 = arith.constant 16 : index
          %get3A_875 = tpu.vector_load %arg12[%get3A_873, %get3A_874] {strides = array<i32>} : memref<200x32xi32, #tpu.memory_space<vmem>>, vector<1x16xi32>,
          %get3A_876 = vector.shape_cast %get3A_875 : vector<1x16xi32> to vector<16xi32>
          %shift_left3A_877 = arith.constant 16 : i32
          %shift_left3A_878 = vector.broadcast %shift_left3A_877 : i32 to vector<16xi32>
          %shift_left3A_879 = arith.shli %get3A_876, %shift_left3A_878 : vector<16xi32>
          %bitcast_convert_type3A_880 = tpu.bitcast %shift_left3A_879 : vector<16xi32> -> vector<16xf32>
          %add3A_881 = arith.addf %add3A_853, %bitcast_convert_type3A_880 : vector<16xf32>
          %and3A_882 = vector.broadcast %scan3A : i32 to vector<16xi32>
          %and3A_883 = arith.andi %get3A_876, %and3A_882 : vector<16xi32>
          %bitcast_convert_type3A_884 = tpu.bitcast %and3A_883 : vector<16xi32> -> vector<16xf32>
          %add3A_885 = arith.addf %add3A_857, %bitcast_convert_type3A_884 : vector<16xf32>
          %scan3A_886 = arith.constant 7 : i32
          %scan3A_887 = arith.addi %scan3A_691, %scan3A_886 : i32
          %get3A_888 = arith.index_cast %scan3A_887 : i32 to index
          %get3A_889 = arith.constant 0 : index
          %get3A_890 = tpu.vector_load %arg12[%get3A_888, %get3A_889] {strides = array<i32>} : memref<200x32xi32, #tpu.memory_space<vmem>>, vector<1x16xi32>,
          %get3A_891 = vector.shape_cast %get3A_890 : vector<1x16xi32> to vector<16xi32>
          %shift_left3A_892 = arith.constant 16 : i32
          %shift_left3A_893 = vector.broadcast %shift_left3A_892 : i32 to vector<16xi32>
          %shift_left3A_894 = arith.shli %get3A_891, %shift_left3A_893 : vector<16xi32>
          %bitcast_convert_type3A_895 = tpu.bitcast %shift_left3A_894 : vector<16xi32> -> vector<16xf32>
          %add3A_896 = arith.addf %add3A_868, %bitcast_convert_type3A_895 : vector<16xf32>
          %and3A_897 = vector.broadcast %scan3A : i32 to vector<16xi32>
          %and3A_898 = arith.andi %get3A_891, %and3A_897 : vector<16xi32>
          %bitcast_convert_type3A_899 = tpu.bitcast %and3A_898 : vector<16xi32> -> vector<16xf32>
          %add3A_900 = arith.addf %add3A_872, %bitcast_convert_type3A_899 : vector<16xf32>
          %get3A_901 = arith.index_cast %scan3A_887 : i32 to index
          %get3A_902 = arith.constant 16 : index
          %get3A_903 = tpu.vector_load %arg12[%get3A_901, %get3A_902] {strides = array<i32>} : memref<200x32xi32, #tpu.memory_space<vmem>>, vector<1x16xi32>,
          %get3A_904 = vector.shape_cast %get3A_903 : vector<1x16xi32> to vector<16xi32>
          %shift_left3A_905 = arith.constant 16 : i32
          %shift_left3A_906 = vector.broadcast %shift_left3A_905 : i32 to vector<16xi32>
          %shift_left3A_907 = arith.shli %get3A_904, %shift_left3A_906 : vector<16xi32>
          %bitcast_convert_type3A_908 = tpu.bitcast %shift_left3A_907 : vector<16xi32> -> vector<16xf32>
          %add3A_909 = arith.addf %add3A_881, %bitcast_convert_type3A_908 : vector<16xf32>
          %and3A_910 = vector.broadcast %scan3A : i32 to vector<16xi32>
          %and3A_911 = arith.andi %get3A_904, %and3A_910 : vector<16xi32>
          %bitcast_convert_type3A_912 = tpu.bitcast %and3A_911 : vector<16xi32> -> vector<16xf32>
          %add3A_913 = arith.addf %add3A_885, %bitcast_convert_type3A_912 : vector<16xf32>
          %scan3A_914 = arith.constant 8 : i32
          %scan3A_915 = arith.addi %scan3A_691, %scan3A_914 : i32
          %get3A_916 = arith.index_cast %scan3A_915 : i32 to index
          %get3A_917 = arith.constant 0 : index
          %get3A_918 = tpu.vector_load %arg12[%get3A_916, %get3A_917] {strides = array<i32>} : memref<200x32xi32, #tpu.memory_space<vmem>>, vector<1x16xi32>,
          %get3A_919 = vector.shape_cast %get3A_918 : vector<1x16xi32> to vector<16xi32>
          %shift_left3A_920 = arith.constant 16 : i32
          %shift_left3A_921 = vector.broadcast %shift_left3A_920 : i32 to vector<16xi32>
          %shift_left3A_922 = arith.shli %get3A_919, %shift_left3A_921 : vector<16xi32>
          %bitcast_convert_type3A_923 = tpu.bitcast %shift_left3A_922 : vector<16xi32> -> vector<16xf32>
          %add3A_924 = arith.addf %add3A_896, %bitcast_convert_type3A_923 : vector<16xf32>
          %and3A_925 = vector.broadcast %scan3A : i32 to vector<16xi32>
          %and3A_926 = arith.andi %get3A_919, %and3A_925 : vector<16xi32>
          %bitcast_convert_type3A_927 = tpu.bitcast %and3A_926 : vector<16xi32> -> vector<16xf32>
          %add3A_928 = arith.addf %add3A_900, %bitcast_convert_type3A_927 : vector<16xf32>
          %get3A_929 = arith.index_cast %scan3A_915 : i32 to index
          %get3A_930 = arith.constant 16 : index
          %get3A_931 = tpu.vector_load %arg12[%get3A_929, %get3A_930] {strides = array<i32>} : memref<200x32xi32, #tpu.memory_space<vmem>>, vector<1x16xi32>,
          %get3A_932 = vector.shape_cast %get3A_931 : vector<1x16xi32> to vector<16xi32>
          %shift_left3A_933 = arith.constant 16 : i32
          %shift_left3A_934 = vector.broadcast %shift_left3A_933 : i32 to vector<16xi32>
          %shift_left3A_935 = arith.shli %get3A_932, %shift_left3A_934 : vector<16xi32>
          %bitcast_convert_type3A_936 = tpu.bitcast %shift_left3A_935 : vector<16xi32> -> vector<16xf32>
          %add3A_937 = arith.addf %add3A_909, %bitcast_convert_type3A_936 : vector<16xf32>
          %and3A_938 = vector.broadcast %scan3A : i32 to vector<16xi32>
          %and3A_939 = arith.andi %get3A_932, %and3A_938 : vector<16xi32>
          %bitcast_convert_type3A_940 = tpu.bitcast %and3A_939 : vector<16xi32> -> vector<16xf32>
          %add3A_941 = arith.addf %add3A_913, %bitcast_convert_type3A_940 : vector<16xf32>
          %scan3A_942 = arith.constant 9 : i32
          %scan3A_943 = arith.addi %scan3A_691, %scan3A_942 : i32
          %get3A_944 = arith.index_cast %scan3A_943 : i32 to index
          %get3A_945 = arith.constant 0 : index
          %get3A_946 = tpu.vector_load %arg12[%get3A_944, %get3A_945] {strides = array<i32>} : memref<200x32xi32, #tpu.memory_space<vmem>>, vector<1x16xi32>,
          %get3A_947 = vector.shape_cast %get3A_946 : vector<1x16xi32> to vector<16xi32>
          %shift_left3A_948 = arith.constant 16 : i32
          %shift_left3A_949 = vector.broadcast %shift_left3A_948 : i32 to vector<16xi32>
          %shift_left3A_950 = arith.shli %get3A_947, %shift_left3A_949 : vector<16xi32>
          %bitcast_convert_type3A_951 = tpu.bitcast %shift_left3A_950 : vector<16xi32> -> vector<16xf32>
          %add3A_952 = arith.addf %add3A_924, %bitcast_convert_type3A_951 : vector<16xf32>
          %and3A_953 = vector.broadcast %scan3A : i32 to vector<16xi32>
          %and3A_954 = arith.andi %get3A_947, %and3A_953 : vector<16xi32>
          %bitcast_convert_type3A_955 = tpu.bitcast %and3A_954 : vector<16xi32> -> vector<16xf32>
          %add3A_956 = arith.addf %add3A_928, %bitcast_convert_type3A_955 : vector<16xf32>
          %get3A_957 = arith.index_cast %scan3A_943 : i32 to index
          %get3A_958 = arith.constant 16 : index
          %get3A_959 = tpu.vector_load %arg12[%get3A_957, %get3A_958] {strides = array<i32>} : memref<200x32xi32, #tpu.memory_space<vmem>>, vector<1x16xi32>,
          %get3A_960 = vector.shape_cast %get3A_959 : vector<1x16xi32> to vector<16xi32>
          %shift_left3A_961 = arith.constant 16 : i32
          %shift_left3A_962 = vector.broadcast %shift_left3A_961 : i32 to vector<16xi32>
          %shift_left3A_963 = arith.shli %get3A_960, %shift_left3A_962 : vector<16xi32>
          %bitcast_convert_type3A_964 = tpu.bitcast %shift_left3A_963 : vector<16xi32> -> vector<16xf32>
          %add3A_965 = arith.addf %add3A_937, %bitcast_convert_type3A_964 : vector<16xf32>
          %and3A_966 = vector.broadcast %scan3A : i32 to vector<16xi32>
          %and3A_967 = arith.andi %get3A_960, %and3A_966 : vector<16xi32>
          %bitcast_convert_type3A_968 = tpu.bitcast %and3A_967 : vector<16xi32> -> vector<16xf32>
          %add3A_969 = arith.addf %add3A_941, %bitcast_convert_type3A_968 : vector<16xf32>
          scf.yield %add3A_952, %add3A_965, %add3A_956, %add3A_969 : vector<16xf32>, vector<16xf32>, vector<16xf32>, vector<16xf32>
        }
        %scan3A_602 = arith.constant 200 : i32
        %swap3A_603 = arith.index_cast %add3A_588 : i32 to index
        %swap3A_604 = arith.constant 0 : index
        %swap3A_605 = tpu.vector_load %arg14[%swap3A_603, %swap3A_604] {strides = array<i32>} : memref<512x64xf32, #tpu.memory_space<vmem>>, vector<1x16xf32>,
        %swap3A_606 = vector.shape_cast %swap3A_605 : vector<1x16xf32> to vector<16xf32>
        %swap3A_607 = vector.shape_cast %scan3A_601#0 : vector<16xf32> to vector<1x16xf32>
        tpu.vector_store %arg14[%swap3A_603, %swap3A_604], %swap3A_607 {strides = array<i32>} : memref<512x64xf32, #tpu.memory_space<vmem>>, vector<1x16xf32>,
        %swap3A_608 = arith.index_cast %add3A_588 : i32 to index
        %swap3A_609 = arith.constant 16 : index
        %swap3A_610 = tpu.vector_load %arg14[%swap3A_608, %swap3A_609] {strides = array<i32>} : memref<512x64xf32, #tpu.memory_space<vmem>>, vector<1x16xf32>,
        %swap3A_611 = vector.shape_cast %swap3A_610 : vector<1x16xf32> to vector<16xf32>
        %swap3A_612 = vector.shape_cast %scan3A_601#1 : vector<16xf32> to vector<1x16xf32>
        tpu.vector_store %arg14[%swap3A_608, %swap3A_609], %swap3A_612 {strides = array<i32>} : memref<512x64xf32, #tpu.memory_space<vmem>>, vector<1x16xf32>,
        %swap3A_613 = arith.index_cast %add3A_588 : i32 to index
        %swap3A_614 = arith.constant 32 : index
        %swap3A_615 = tpu.vector_load %arg14[%swap3A_613, %swap3A_614] {strides = array<i32>} : memref<512x64xf32, #tpu.memory_space<vmem>>, vector<1x16xf32>,
        %swap3A_616 = vector.shape_cast %swap3A_615 : vector<1x16xf32> to vector<16xf32>
        %swap3A_617 = vector.shape_cast %scan3A_601#2 : vector<16xf32> to vector<1x16xf32>
        tpu.vector_store %arg14[%swap3A_613, %swap3A_614], %swap3A_617 {strides = array<i32>} : memref<512x64xf32, #tpu.memory_space<vmem>>, vector<1x16xf32>,
        %swap3A_618 = arith.index_cast %add3A_588 : i32 to index
        %swap3A_619 = arith.constant 48 : index
        %swap3A_620 = tpu.vector_load %arg14[%swap3A_618, %swap3A_619] {strides = array<i32>} : memref<512x64xf32, #tpu.memory_space<vmem>>, vector<1x16xf32>,
        %swap3A_621 = vector.shape_cast %swap3A_620 : vector<1x16xf32> to vector<16xf32>
        %swap3A_622 = vector.shape_cast %scan3A_601#3 : vector<16xf32> to vector<1x16xf32>
        tpu.vector_store %arg14[%swap3A_618, %swap3A_619], %swap3A_622 {strides = array<i32>} : memref<512x64xf32, #tpu.memory_space<vmem>>, vector<1x16xf32>,
        %mul3A_623 = arith.constant 8 : i32
        %mul3A_624 = arith.muli %scan3A_159, %mul3A_623 : i32
        %add3A_625 = arith.constant 7 : i32
        %add3A_626 = arith.addi %mul3A_624, %add3A_625 : i32
        %mul3A_627 = arith.constant 200 : i32
        %mul3A_628 = arith.muli %add3A_626, %mul3A_627 : i32
        %multiple_of3A_629 = tpu.assume_multiple %mul3A_628, 8 : i32
        %dma_wait3A_630 = arith.constant 0 : i32
        %dma_wait3A_631 = arith.constant 0 : i32
        %dma_wait3A_632 = tpu.memref_slice %arg13[%dma_wait3A_630, %dma_wait3A_631] : memref<200x32xi32, #tpu.memory_space<vmem>> -> memref<96x32xi32, #tpu.memory_space<vmem>>
        %dma_wait3A_633 = tpu.memref_slice %arg5[%multiple_of3A_629] : memref<12800xi32, #tpu.memory_space<vmem>> -> memref<96xi32, #tpu.memory_space<vmem>>
        %dma_wait3A_634 = arith.constant 0 : i32
        %dma_wait3A_635 = arith.constant 0 : i32
        %dma_wait3A_636 = tpu.memref_slice %arg3[%dma_wait3A_634, %dma_wait3A_635] : memref<1015808x32xi32, #tpu.memory_space<hbm>> -> memref<1015808x32xi32, #tpu.memory_space<hbm>>
        tpu.wait_indirect_dma semaphore(%arg22 : memref<!tpu.dma_semaphore, #tpu.memory_space<semaphore_mem>>) src(%dma_wait3A_636 : memref<1015808x32xi32, #tpu.memory_space<hbm>>) dst(%dma_wait3A_632 : memref<96x32xi32, #tpu.memory_space<vmem>>)
        %add3A_637 = arith.constant 96 : i32
        %add3A_638 = arith.addi %multiple_of3A_629, %add3A_637 : i32
        %dma_wait3A_639 = arith.constant 96 : i32
        %dma_wait3A_640 = arith.constant 0 : i32
        %dma_wait3A_641 = tpu.memref_slice %arg13[%dma_wait3A_639, %dma_wait3A_640] : memref<200x32xi32, #tpu.memory_space<vmem>> -> memref<104x32xi32, #tpu.memory_space<vmem>>
        %dma_wait3A_642 = tpu.memref_slice %arg5[%add3A_638] : memref<12800xi32, #tpu.memory_space<vmem>> -> memref<104xi32, #tpu.memory_space<vmem>>
        %dma_wait3A_643 = arith.constant 0 : i32
        %dma_wait3A_644 = arith.constant 0 : i32
        %dma_wait3A_645 = tpu.memref_slice %arg3[%dma_wait3A_643, %dma_wait3A_644] : memref<1015808x32xi32, #tpu.memory_space<hbm>> -> memref<1015808x32xi32, #tpu.memory_space<hbm>>
        tpu.wait_indirect_dma semaphore(%arg22 : memref<!tpu.dma_semaphore, #tpu.memory_space<semaphore_mem>>) src(%dma_wait3A_645 : memref<1015808x32xi32, #tpu.memory_space<hbm>>) dst(%dma_wait3A_641 : memref<104x32xi32, #tpu.memory_space<vmem>>)
        %add3A_646 = arith.constant 8 : i32
        %add3A_647 = arith.addi %add3A_626, %add3A_646 : i32
        %sub3A_648 = arith.constant 1 : i32
        %sub3A_649 = arith.subi %add3A_647, %sub3A_648 : i32
        %lt3A_650 = arith.constant 64 : i32
        %lt3A_651 = arith.cmpi slt, %sub3A_649, %lt3A_650 : i32
        %convert_element_type3A_652 = arith.extui %lt3A_651 : i1 to i32
        %cond3A_653 = arith.constant 0 : i32
        %cond3A_654 = arith.cmpi ne, %convert_element_type3A_652, %cond3A_653 : i32
        scf.if %cond3A_654 {
          %add3A_691 = arith.constant 8 : i32
          %add3A_692 = arith.addi %add3A_626, %add3A_691 : i32
          %sub3A_693 = arith.constant 1 : i32
          %sub3A_694 = arith.subi %add3A_692, %sub3A_693 : i32
          %mul3A_695 = arith.constant 200 : i32
          %mul3A_696 = arith.muli %sub3A_694, %mul3A_695 : i32
          %multiple_of3A_697 = tpu.assume_multiple %mul3A_696, 8 : i32
          %dma_start3A_698 = arith.constant 0 : i32
          %dma_start3A_699 = arith.constant 0 : i32
          %dma_start3A_700 = tpu.memref_slice %arg12[%dma_start3A_698, %dma_start3A_699] : memref<200x32xi32, #tpu.memory_space<vmem>> -> memref<96x32xi32, #tpu.memory_space<vmem>>
          %dma_start3A_701 = tpu.memref_slice %arg5[%multiple_of3A_697] : memref<12800xi32, #tpu.memory_space<vmem>> -> memref<96xi32, #tpu.memory_space<vmem>>
          %dma_start3A_702 = arith.constant 0 : i32
          %dma_start3A_703 = arith.constant 0 : i32
          %dma_start3A_704 = tpu.memref_slice %arg3[%dma_start3A_702, %dma_start3A_703] : memref<1015808x32xi32, #tpu.memory_space<hbm>> -> memref<1015808x32xi32, #tpu.memory_space<hbm>>
          tpu.enqueue_indirect_dma source(%dma_start3A_704 : memref<1015808x32xi32, #tpu.memory_space<hbm>>) target(%dma_start3A_700 : memref<96x32xi32, #tpu.memory_space<vmem>>) offsets(%dma_start3A_701 : memref<96xi32, #tpu.memory_space<vmem>>) semaphore(%arg21 : memref<!tpu.dma_semaphore, #tpu.memory_space<semaphore_mem>>)
          %add3A_705 = arith.constant 96 : i32
          %add3A_706 = arith.addi %multiple_of3A_697, %add3A_705 : i32
          %dma_start3A_707 = arith.constant 96 : i32
          %dma_start3A_708 = arith.constant 0 : i32
          %dma_start3A_709 = tpu.memref_slice %arg12[%dma_start3A_707, %dma_start3A_708] : memref<200x32xi32, #tpu.memory_space<vmem>> -> memref<104x32xi32, #tpu.memory_space<vmem>>
          %dma_start3A_710 = tpu.memref_slice %arg5[%add3A_706] : memref<12800xi32, #tpu.memory_space<vmem>> -> memref<104xi32, #tpu.memory_space<vmem>>
          %dma_start3A_711 = arith.constant 0 : i32
          %dma_start3A_712 = arith.constant 0 : i32
          %dma_start3A_713 = tpu.memref_slice %arg3[%dma_start3A_711, %dma_start3A_712] : memref<1015808x32xi32, #tpu.memory_space<hbm>> -> memref<1015808x32xi32, #tpu.memory_space<hbm>>
          tpu.enqueue_indirect_dma source(%dma_start3A_713 : memref<1015808x32xi32, #tpu.memory_space<hbm>>) target(%dma_start3A_709 : memref<104x32xi32, #tpu.memory_space<vmem>>) offsets(%dma_start3A_710 : memref<104xi32, #tpu.memory_space<vmem>>) semaphore(%arg21 : memref<!tpu.dma_semaphore, #tpu.memory_space<semaphore_mem>>)
        } else {
        }
        %add3A_655 = arith.addi %mul3A_25, %add3A_626 : i32
        %broadcast_in_dim3A_656 = arith.constant 0.000000e+00 : f32
        %broadcast_in_dim3A_657 = vector.broadcast %broadcast_in_dim3A_656 : f32 to vector<16xf32>
        %broadcast_in_dim3A_658 = arith.constant 0.000000e+00 : f32
        %broadcast_in_dim3A_659 = vector.broadcast %broadcast_in_dim3A_658 : f32 to vector<16xf32>
        %broadcast_in_dim3A_660 = arith.constant 0.000000e+00 : f32
        %broadcast_in_dim3A_661 = vector.broadcast %broadcast_in_dim3A_660 : f32 to vector<16xf32>
        %broadcast_in_dim3A_662 = arith.constant 0.000000e+00 : f32
        %broadcast_in_dim3A_663 = vector.broadcast %broadcast_in_dim3A_662 : f32 to vector<16xf32>
        %scan3A_664 = arith.constant 0 : i32
        %scan3A_665 = arith.constant 200 : i32
        %scan3A_666 = arith.addi %scan3A_664, %scan3A_665 : i32
        %scan3A_667 = arith.constant 10 : i32
        %scan3A_668:4 = scf.for %scan3A_691 = %scan3A_664 to %scan3A_666 step %scan3A_667 iter_args(%scan3A_692 = %broadcast_in_dim3A_657, %scan3A_693 = %broadcast_in_dim3A_659, %scan3A_694 = %broadcast_in_dim3A_661, %scan3A_695 = %broadcast_in_dim3A_663) -> (vector<16xf32>, vector<16xf32>, vector<16xf32>, vector<16xf32>)  : i32 {
          %get3A = arith.index_cast %scan3A_691 : i32 to index
          %get3A_696 = arith.constant 0 : index
          %get3A_697 = tpu.vector_load %arg13[%get3A, %get3A_696] {strides = array<i32>} : memref<200x32xi32, #tpu.memory_space<vmem>>, vector<1x16xi32>,
          %get3A_698 = vector.shape_cast %get3A_697 : vector<1x16xi32> to vector<16xi32>
          %shift_left3A = arith.constant 16 : i32
          %shift_left3A_699 = vector.broadcast %shift_left3A : i32 to vector<16xi32>
          %shift_left3A_700 = arith.shli %get3A_698, %shift_left3A_699 : vector<16xi32>
          %bitcast_convert_type3A = tpu.bitcast %shift_left3A_700 : vector<16xi32> -> vector<16xf32>
          %add3A_701 = arith.addf %scan3A_692, %bitcast_convert_type3A : vector<16xf32>
          %and3A = vector.broadcast %scan3A : i32 to vector<16xi32>
          %and3A_702 = arith.andi %get3A_698, %and3A : vector<16xi32>
          %bitcast_convert_type3A_703 = tpu.bitcast %and3A_702 : vector<16xi32> -> vector<16xf32>
          %add3A_704 = arith.addf %scan3A_694, %bitcast_convert_type3A_703 : vector<16xf32>
          %get3A_705 = arith.index_cast %scan3A_691 : i32 to index
          %get3A_706 = arith.constant 16 : index
          %get3A_707 = tpu.vector_load %arg13[%get3A_705, %get3A_706] {strides = array<i32>} : memref<200x32xi32, #tpu.memory_space<vmem>>, vector<1x16xi32>,
          %get3A_708 = vector.shape_cast %get3A_707 : vector<1x16xi32> to vector<16xi32>
          %shift_left3A_709 = arith.constant 16 : i32
          %shift_left3A_710 = vector.broadcast %shift_left3A_709 : i32 to vector<16xi32>
          %shift_left3A_711 = arith.shli %get3A_708, %shift_left3A_710 : vector<16xi32>
          %bitcast_convert_type3A_712 = tpu.bitcast %shift_left3A_711 : vector<16xi32> -> vector<16xf32>
          %add3A_713 = arith.addf %scan3A_693, %bitcast_convert_type3A_712 : vector<16xf32>
          %and3A_714 = vector.broadcast %scan3A : i32 to vector<16xi32>
          %and3A_715 = arith.andi %get3A_708, %and3A_714 : vector<16xi32>
          %bitcast_convert_type3A_716 = tpu.bitcast %and3A_715 : vector<16xi32> -> vector<16xf32>
          %add3A_717 = arith.addf %scan3A_695, %bitcast_convert_type3A_716 : vector<16xf32>
          %scan3A_718 = arith.constant 1 : i32
          %scan3A_719 = arith.addi %scan3A_691, %scan3A_718 : i32
          %get3A_720 = arith.index_cast %scan3A_719 : i32 to index
          %get3A_721 = arith.constant 0 : index
          %get3A_722 = tpu.vector_load %arg13[%get3A_720, %get3A_721] {strides = array<i32>} : memref<200x32xi32, #tpu.memory_space<vmem>>, vector<1x16xi32>,
          %get3A_723 = vector.shape_cast %get3A_722 : vector<1x16xi32> to vector<16xi32>
          %shift_left3A_724 = arith.constant 16 : i32
          %shift_left3A_725 = vector.broadcast %shift_left3A_724 : i32 to vector<16xi32>
          %shift_left3A_726 = arith.shli %get3A_723, %shift_left3A_725 : vector<16xi32>
          %bitcast_convert_type3A_727 = tpu.bitcast %shift_left3A_726 : vector<16xi32> -> vector<16xf32>
          %add3A_728 = arith.addf %add3A_701, %bitcast_convert_type3A_727 : vector<16xf32>
          %and3A_729 = vector.broadcast %scan3A : i32 to vector<16xi32>
          %and3A_730 = arith.andi %get3A_723, %and3A_729 : vector<16xi32>
          %bitcast_convert_type3A_731 = tpu.bitcast %and3A_730 : vector<16xi32> -> vector<16xf32>
          %add3A_732 = arith.addf %add3A_704, %bitcast_convert_type3A_731 : vector<16xf32>
          %get3A_733 = arith.index_cast %scan3A_719 : i32 to index
          %get3A_734 = arith.constant 16 : index
          %get3A_735 = tpu.vector_load %arg13[%get3A_733, %get3A_734] {strides = array<i32>} : memref<200x32xi32, #tpu.memory_space<vmem>>, vector<1x16xi32>,
          %get3A_736 = vector.shape_cast %get3A_735 : vector<1x16xi32> to vector<16xi32>
          %shift_left3A_737 = arith.constant 16 : i32
          %shift_left3A_738 = vector.broadcast %shift_left3A_737 : i32 to vector<16xi32>
          %shift_left3A_739 = arith.shli %get3A_736, %shift_left3A_738 : vector<16xi32>
          %bitcast_convert_type3A_740 = tpu.bitcast %shift_left3A_739 : vector<16xi32> -> vector<16xf32>
          %add3A_741 = arith.addf %add3A_713, %bitcast_convert_type3A_740 : vector<16xf32>
          %and3A_742 = vector.broadcast %scan3A : i32 to vector<16xi32>
          %and3A_743 = arith.andi %get3A_736, %and3A_742 : vector<16xi32>
          %bitcast_convert_type3A_744 = tpu.bitcast %and3A_743 : vector<16xi32> -> vector<16xf32>
          %add3A_745 = arith.addf %add3A_717, %bitcast_convert_type3A_744 : vector<16xf32>
          %scan3A_746 = arith.constant 2 : i32
          %scan3A_747 = arith.addi %scan3A_691, %scan3A_746 : i32
          %get3A_748 = arith.index_cast %scan3A_747 : i32 to index
          %get3A_749 = arith.constant 0 : index
          %get3A_750 = tpu.vector_load %arg13[%get3A_748, %get3A_749] {strides = array<i32>} : memref<200x32xi32, #tpu.memory_space<vmem>>, vector<1x16xi32>,
          %get3A_751 = vector.shape_cast %get3A_750 : vector<1x16xi32> to vector<16xi32>
          %shift_left3A_752 = arith.constant 16 : i32
          %shift_left3A_753 = vector.broadcast %shift_left3A_752 : i32 to vector<16xi32>
          %shift_left3A_754 = arith.shli %get3A_751, %shift_left3A_753 : vector<16xi32>
          %bitcast_convert_type3A_755 = tpu.bitcast %shift_left3A_754 : vector<16xi32> -> vector<16xf32>
          %add3A_756 = arith.addf %add3A_728, %bitcast_convert_type3A_755 : vector<16xf32>
          %and3A_757 = vector.broadcast %scan3A : i32 to vector<16xi32>
          %and3A_758 = arith.andi %get3A_751, %and3A_757 : vector<16xi32>
          %bitcast_convert_type3A_759 = tpu.bitcast %and3A_758 : vector<16xi32> -> vector<16xf32>
          %add3A_760 = arith.addf %add3A_732, %bitcast_convert_type3A_759 : vector<16xf32>
          %get3A_761 = arith.index_cast %scan3A_747 : i32 to index
          %get3A_762 = arith.constant 16 : index
          %get3A_763 = tpu.vector_load %arg13[%get3A_761, %get3A_762] {strides = array<i32>} : memref<200x32xi32, #tpu.memory_space<vmem>>, vector<1x16xi32>,
          %get3A_764 = vector.shape_cast %get3A_763 : vector<1x16xi32> to vector<16xi32>
          %shift_left3A_765 = arith.constant 16 : i32
          %shift_left3A_766 = vector.broadcast %shift_left3A_765 : i32 to vector<16xi32>
          %shift_left3A_767 = arith.shli %get3A_764, %shift_left3A_766 : vector<16xi32>
          %bitcast_convert_type3A_768 = tpu.bitcast %shift_left3A_767 : vector<16xi32> -> vector<16xf32>
          %add3A_769 = arith.addf %add3A_741, %bitcast_convert_type3A_768 : vector<16xf32>
          %and3A_770 = vector.broadcast %scan3A : i32 to vector<16xi32>
          %and3A_771 = arith.andi %get3A_764, %and3A_770 : vector<16xi32>
          %bitcast_convert_type3A_772 = tpu.bitcast %and3A_771 : vector<16xi32> -> vector<16xf32>
          %add3A_773 = arith.addf %add3A_745, %bitcast_convert_type3A_772 : vector<16xf32>
          %scan3A_774 = arith.constant 3 : i32
          %scan3A_775 = arith.addi %scan3A_691, %scan3A_774 : i32
          %get3A_776 = arith.index_cast %scan3A_775 : i32 to index
          %get3A_777 = arith.constant 0 : index
          %get3A_778 = tpu.vector_load %arg13[%get3A_776, %get3A_777] {strides = array<i32>} : memref<200x32xi32, #tpu.memory_space<vmem>>, vector<1x16xi32>,
          %get3A_779 = vector.shape_cast %get3A_778 : vector<1x16xi32> to vector<16xi32>
          %shift_left3A_780 = arith.constant 16 : i32
          %shift_left3A_781 = vector.broadcast %shift_left3A_780 : i32 to vector<16xi32>
          %shift_left3A_782 = arith.shli %get3A_779, %shift_left3A_781 : vector<16xi32>
          %bitcast_convert_type3A_783 = tpu.bitcast %shift_left3A_782 : vector<16xi32> -> vector<16xf32>
          %add3A_784 = arith.addf %add3A_756, %bitcast_convert_type3A_783 : vector<16xf32>
          %and3A_785 = vector.broadcast %scan3A : i32 to vector<16xi32>
          %and3A_786 = arith.andi %get3A_779, %and3A_785 : vector<16xi32>
          %bitcast_convert_type3A_787 = tpu.bitcast %and3A_786 : vector<16xi32> -> vector<16xf32>
          %add3A_788 = arith.addf %add3A_760, %bitcast_convert_type3A_787 : vector<16xf32>
          %get3A_789 = arith.index_cast %scan3A_775 : i32 to index
          %get3A_790 = arith.constant 16 : index
          %get3A_791 = tpu.vector_load %arg13[%get3A_789, %get3A_790] {strides = array<i32>} : memref<200x32xi32, #tpu.memory_space<vmem>>, vector<1x16xi32>,
          %get3A_792 = vector.shape_cast %get3A_791 : vector<1x16xi32> to vector<16xi32>
          %shift_left3A_793 = arith.constant 16 : i32
          %shift_left3A_794 = vector.broadcast %shift_left3A_793 : i32 to vector<16xi32>
          %shift_left3A_795 = arith.shli %get3A_792, %shift_left3A_794 : vector<16xi32>
          %bitcast_convert_type3A_796 = tpu.bitcast %shift_left3A_795 : vector<16xi32> -> vector<16xf32>
          %add3A_797 = arith.addf %add3A_769, %bitcast_convert_type3A_796 : vector<16xf32>
          %and3A_798 = vector.broadcast %scan3A : i32 to vector<16xi32>
          %and3A_799 = arith.andi %get3A_792, %and3A_798 : vector<16xi32>
          %bitcast_convert_type3A_800 = tpu.bitcast %and3A_799 : vector<16xi32> -> vector<16xf32>
          %add3A_801 = arith.addf %add3A_773, %bitcast_convert_type3A_800 : vector<16xf32>
          %scan3A_802 = arith.constant 4 : i32
          %scan3A_803 = arith.addi %scan3A_691, %scan3A_802 : i32
          %get3A_804 = arith.index_cast %scan3A_803 : i32 to index
          %get3A_805 = arith.constant 0 : index
          %get3A_806 = tpu.vector_load %arg13[%get3A_804, %get3A_805] {strides = array<i32>} : memref<200x32xi32, #tpu.memory_space<vmem>>, vector<1x16xi32>,
          %get3A_807 = vector.shape_cast %get3A_806 : vector<1x16xi32> to vector<16xi32>
          %shift_left3A_808 = arith.constant 16 : i32
          %shift_left3A_809 = vector.broadcast %shift_left3A_808 : i32 to vector<16xi32>
          %shift_left3A_810 = arith.shli %get3A_807, %shift_left3A_809 : vector<16xi32>
          %bitcast_convert_type3A_811 = tpu.bitcast %shift_left3A_810 : vector<16xi32> -> vector<16xf32>
          %add3A_812 = arith.addf %add3A_784, %bitcast_convert_type3A_811 : vector<16xf32>
          %and3A_813 = vector.broadcast %scan3A : i32 to vector<16xi32>
          %and3A_814 = arith.andi %get3A_807, %and3A_813 : vector<16xi32>
          %bitcast_convert_type3A_815 = tpu.bitcast %and3A_814 : vector<16xi32> -> vector<16xf32>
          %add3A_816 = arith.addf %add3A_788, %bitcast_convert_type3A_815 : vector<16xf32>
          %get3A_817 = arith.index_cast %scan3A_803 : i32 to index
          %get3A_818 = arith.constant 16 : index
          %get3A_819 = tpu.vector_load %arg13[%get3A_817, %get3A_818] {strides = array<i32>} : memref<200x32xi32, #tpu.memory_space<vmem>>, vector<1x16xi32>,
          %get3A_820 = vector.shape_cast %get3A_819 : vector<1x16xi32> to vector<16xi32>
          %shift_left3A_821 = arith.constant 16 : i32
          %shift_left3A_822 = vector.broadcast %shift_left3A_821 : i32 to vector<16xi32>
          %shift_left3A_823 = arith.shli %get3A_820, %shift_left3A_822 : vector<16xi32>
          %bitcast_convert_type3A_824 = tpu.bitcast %shift_left3A_823 : vector<16xi32> -> vector<16xf32>
          %add3A_825 = arith.addf %add3A_797, %bitcast_convert_type3A_824 : vector<16xf32>
          %and3A_826 = vector.broadcast %scan3A : i32 to vector<16xi32>
          %and3A_827 = arith.andi %get3A_820, %and3A_826 : vector<16xi32>
          %bitcast_convert_type3A_828 = tpu.bitcast %and3A_827 : vector<16xi32> -> vector<16xf32>
          %add3A_829 = arith.addf %add3A_801, %bitcast_convert_type3A_828 : vector<16xf32>
          %scan3A_830 = arith.constant 5 : i32
          %scan3A_831 = arith.addi %scan3A_691, %scan3A_830 : i32
          %get3A_832 = arith.index_cast %scan3A_831 : i32 to index
          %get3A_833 = arith.constant 0 : index
          %get3A_834 = tpu.vector_load %arg13[%get3A_832, %get3A_833] {strides = array<i32>} : memref<200x32xi32, #tpu.memory_space<vmem>>, vector<1x16xi32>,
          %get3A_835 = vector.shape_cast %get3A_834 : vector<1x16xi32> to vector<16xi32>
          %shift_left3A_836 = arith.constant 16 : i32
          %shift_left3A_837 = vector.broadcast %shift_left3A_836 : i32 to vector<16xi32>
          %shift_left3A_838 = arith.shli %get3A_835, %shift_left3A_837 : vector<16xi32>
          %bitcast_convert_type3A_839 = tpu.bitcast %shift_left3A_838 : vector<16xi32> -> vector<16xf32>
          %add3A_840 = arith.addf %add3A_812, %bitcast_convert_type3A_839 : vector<16xf32>
          %and3A_841 = vector.broadcast %scan3A : i32 to vector<16xi32>
          %and3A_842 = arith.andi %get3A_835, %and3A_841 : vector<16xi32>
          %bitcast_convert_type3A_843 = tpu.bitcast %and3A_842 : vector<16xi32> -> vector<16xf32>
          %add3A_844 = arith.addf %add3A_816, %bitcast_convert_type3A_843 : vector<16xf32>
          %get3A_845 = arith.index_cast %scan3A_831 : i32 to index
          %get3A_846 = arith.constant 16 : index
          %get3A_847 = tpu.vector_load %arg13[%get3A_845, %get3A_846] {strides = array<i32>} : memref<200x32xi32, #tpu.memory_space<vmem>>, vector<1x16xi32>,
          %get3A_848 = vector.shape_cast %get3A_847 : vector<1x16xi32> to vector<16xi32>
          %shift_left3A_849 = arith.constant 16 : i32
          %shift_left3A_850 = vector.broadcast %shift_left3A_849 : i32 to vector<16xi32>
          %shift_left3A_851 = arith.shli %get3A_848, %shift_left3A_850 : vector<16xi32>
          %bitcast_convert_type3A_852 = tpu.bitcast %shift_left3A_851 : vector<16xi32> -> vector<16xf32>
          %add3A_853 = arith.addf %add3A_825, %bitcast_convert_type3A_852 : vector<16xf32>
          %and3A_854 = vector.broadcast %scan3A : i32 to vector<16xi32>
          %and3A_855 = arith.andi %get3A_848, %and3A_854 : vector<16xi32>
          %bitcast_convert_type3A_856 = tpu.bitcast %and3A_855 : vector<16xi32> -> vector<16xf32>
          %add3A_857 = arith.addf %add3A_829, %bitcast_convert_type3A_856 : vector<16xf32>
          %scan3A_858 = arith.constant 6 : i32
          %scan3A_859 = arith.addi %scan3A_691, %scan3A_858 : i32
          %get3A_860 = arith.index_cast %scan3A_859 : i32 to index
          %get3A_861 = arith.constant 0 : index
          %get3A_862 = tpu.vector_load %arg13[%get3A_860, %get3A_861] {strides = array<i32>} : memref<200x32xi32, #tpu.memory_space<vmem>>, vector<1x16xi32>,
          %get3A_863 = vector.shape_cast %get3A_862 : vector<1x16xi32> to vector<16xi32>
          %shift_left3A_864 = arith.constant 16 : i32
          %shift_left3A_865 = vector.broadcast %shift_left3A_864 : i32 to vector<16xi32>
          %shift_left3A_866 = arith.shli %get3A_863, %shift_left3A_865 : vector<16xi32>
          %bitcast_convert_type3A_867 = tpu.bitcast %shift_left3A_866 : vector<16xi32> -> vector<16xf32>
          %add3A_868 = arith.addf %add3A_840, %bitcast_convert_type3A_867 : vector<16xf32>
          %and3A_869 = vector.broadcast %scan3A : i32 to vector<16xi32>
          %and3A_870 = arith.andi %get3A_863, %and3A_869 : vector<16xi32>
          %bitcast_convert_type3A_871 = tpu.bitcast %and3A_870 : vector<16xi32> -> vector<16xf32>
          %add3A_872 = arith.addf %add3A_844, %bitcast_convert_type3A_871 : vector<16xf32>
          %get3A_873 = arith.index_cast %scan3A_859 : i32 to index
          %get3A_874 = arith.constant 16 : index
          %get3A_875 = tpu.vector_load %arg13[%get3A_873, %get3A_874] {strides = array<i32>} : memref<200x32xi32, #tpu.memory_space<vmem>>, vector<1x16xi32>,
          %get3A_876 = vector.shape_cast %get3A_875 : vector<1x16xi32> to vector<16xi32>
          %shift_left3A_877 = arith.constant 16 : i32
          %shift_left3A_878 = vector.broadcast %shift_left3A_877 : i32 to vector<16xi32>
          %shift_left3A_879 = arith.shli %get3A_876, %shift_left3A_878 : vector<16xi32>
          %bitcast_convert_type3A_880 = tpu.bitcast %shift_left3A_879 : vector<16xi32> -> vector<16xf32>
          %add3A_881 = arith.addf %add3A_853, %bitcast_convert_type3A_880 : vector<16xf32>
          %and3A_882 = vector.broadcast %scan3A : i32 to vector<16xi32>
          %and3A_883 = arith.andi %get3A_876, %and3A_882 : vector<16xi32>
          %bitcast_convert_type3A_884 = tpu.bitcast %and3A_883 : vector<16xi32> -> vector<16xf32>
          %add3A_885 = arith.addf %add3A_857, %bitcast_convert_type3A_884 : vector<16xf32>
          %scan3A_886 = arith.constant 7 : i32
          %scan3A_887 = arith.addi %scan3A_691, %scan3A_886 : i32
          %get3A_888 = arith.index_cast %scan3A_887 : i32 to index
          %get3A_889 = arith.constant 0 : index
          %get3A_890 = tpu.vector_load %arg13[%get3A_888, %get3A_889] {strides = array<i32>} : memref<200x32xi32, #tpu.memory_space<vmem>>, vector<1x16xi32>,
          %get3A_891 = vector.shape_cast %get3A_890 : vector<1x16xi32> to vector<16xi32>
          %shift_left3A_892 = arith.constant 16 : i32
          %shift_left3A_893 = vector.broadcast %shift_left3A_892 : i32 to vector<16xi32>
          %shift_left3A_894 = arith.shli %get3A_891, %shift_left3A_893 : vector<16xi32>
          %bitcast_convert_type3A_895 = tpu.bitcast %shift_left3A_894 : vector<16xi32> -> vector<16xf32>
          %add3A_896 = arith.addf %add3A_868, %bitcast_convert_type3A_895 : vector<16xf32>
          %and3A_897 = vector.broadcast %scan3A : i32 to vector<16xi32>
          %and3A_898 = arith.andi %get3A_891, %and3A_897 : vector<16xi32>
          %bitcast_convert_type3A_899 = tpu.bitcast %and3A_898 : vector<16xi32> -> vector<16xf32>
          %add3A_900 = arith.addf %add3A_872, %bitcast_convert_type3A_899 : vector<16xf32>
          %get3A_901 = arith.index_cast %scan3A_887 : i32 to index
          %get3A_902 = arith.constant 16 : index
          %get3A_903 = tpu.vector_load %arg13[%get3A_901, %get3A_902] {strides = array<i32>} : memref<200x32xi32, #tpu.memory_space<vmem>>, vector<1x16xi32>,
          %get3A_904 = vector.shape_cast %get3A_903 : vector<1x16xi32> to vector<16xi32>
          %shift_left3A_905 = arith.constant 16 : i32
          %shift_left3A_906 = vector.broadcast %shift_left3A_905 : i32 to vector<16xi32>
          %shift_left3A_907 = arith.shli %get3A_904, %shift_left3A_906 : vector<16xi32>
          %bitcast_convert_type3A_908 = tpu.bitcast %shift_left3A_907 : vector<16xi32> -> vector<16xf32>
          %add3A_909 = arith.addf %add3A_881, %bitcast_convert_type3A_908 : vector<16xf32>
          %and3A_910 = vector.broadcast %scan3A : i32 to vector<16xi32>
          %and3A_911 = arith.andi %get3A_904, %and3A_910 : vector<16xi32>
          %bitcast_convert_type3A_912 = tpu.bitcast %and3A_911 : vector<16xi32> -> vector<16xf32>
          %add3A_913 = arith.addf %add3A_885, %bitcast_convert_type3A_912 : vector<16xf32>
          %scan3A_914 = arith.constant 8 : i32
          %scan3A_915 = arith.addi %scan3A_691, %scan3A_914 : i32
          %get3A_916 = arith.index_cast %scan3A_915 : i32 to index
          %get3A_917 = arith.constant 0 : index
          %get3A_918 = tpu.vector_load %arg13[%get3A_916, %get3A_917] {strides = array<i32>} : memref<200x32xi32, #tpu.memory_space<vmem>>, vector<1x16xi32>,
          %get3A_919 = vector.shape_cast %get3A_918 : vector<1x16xi32> to vector<16xi32>
          %shift_left3A_920 = arith.constant 16 : i32
          %shift_left3A_921 = vector.broadcast %shift_left3A_920 : i32 to vector<16xi32>
          %shift_left3A_922 = arith.shli %get3A_919, %shift_left3A_921 : vector<16xi32>
          %bitcast_convert_type3A_923 = tpu.bitcast %shift_left3A_922 : vector<16xi32> -> vector<16xf32>
          %add3A_924 = arith.addf %add3A_896, %bitcast_convert_type3A_923 : vector<16xf32>
          %and3A_925 = vector.broadcast %scan3A : i32 to vector<16xi32>
          %and3A_926 = arith.andi %get3A_919, %and3A_925 : vector<16xi32>
          %bitcast_convert_type3A_927 = tpu.bitcast %and3A_926 : vector<16xi32> -> vector<16xf32>
          %add3A_928 = arith.addf %add3A_900, %bitcast_convert_type3A_927 : vector<16xf32>
          %get3A_929 = arith.index_cast %scan3A_915 : i32 to index
          %get3A_930 = arith.constant 16 : index
          %get3A_931 = tpu.vector_load %arg13[%get3A_929, %get3A_930] {strides = array<i32>} : memref<200x32xi32, #tpu.memory_space<vmem>>, vector<1x16xi32>,
          %get3A_932 = vector.shape_cast %get3A_931 : vector<1x16xi32> to vector<16xi32>
          %shift_left3A_933 = arith.constant 16 : i32
          %shift_left3A_934 = vector.broadcast %shift_left3A_933 : i32 to vector<16xi32>
          %shift_left3A_935 = arith.shli %get3A_932, %shift_left3A_934 : vector<16xi32>
          %bitcast_convert_type3A_936 = tpu.bitcast %shift_left3A_935 : vector<16xi32> -> vector<16xf32>
          %add3A_937 = arith.addf %add3A_909, %bitcast_convert_type3A_936 : vector<16xf32>
          %and3A_938 = vector.broadcast %scan3A : i32 to vector<16xi32>
          %and3A_939 = arith.andi %get3A_932, %and3A_938 : vector<16xi32>
          %bitcast_convert_type3A_940 = tpu.bitcast %and3A_939 : vector<16xi32> -> vector<16xf32>
          %add3A_941 = arith.addf %add3A_913, %bitcast_convert_type3A_940 : vector<16xf32>
          %scan3A_942 = arith.constant 9 : i32
          %scan3A_943 = arith.addi %scan3A_691, %scan3A_942 : i32
          %get3A_944 = arith.index_cast %scan3A_943 : i32 to index
          %get3A_945 = arith.constant 0 : index
          %get3A_946 = tpu.vector_load %arg13[%get3A_944, %get3A_945] {strides = array<i32>} : memref<200x32xi32, #tpu.memory_space<vmem>>, vector<1x16xi32>,
          %get3A_947 = vector.shape_cast %get3A_946 : vector<1x16xi32> to vector<16xi32>
          %shift_left3A_948 = arith.constant 16 : i32
          %shift_left3A_949 = vector.broadcast %shift_left3A_948 : i32 to vector<16xi32>
          %shift_left3A_950 = arith.shli %get3A_947, %shift_left3A_949 : vector<16xi32>
          %bitcast_convert_type3A_951 = tpu.bitcast %shift_left3A_950 : vector<16xi32> -> vector<16xf32>
          %add3A_952 = arith.addf %add3A_924, %bitcast_convert_type3A_951 : vector<16xf32>
          %and3A_953 = vector.broadcast %scan3A : i32 to vector<16xi32>
          %and3A_954 = arith.andi %get3A_947, %and3A_953 : vector<16xi32>
          %bitcast_convert_type3A_955 = tpu.bitcast %and3A_954 : vector<16xi32> -> vector<16xf32>
          %add3A_956 = arith.addf %add3A_928, %bitcast_convert_type3A_955 : vector<16xf32>
          %get3A_957 = arith.index_cast %scan3A_943 : i32 to index
          %get3A_958 = arith.constant 16 : index
          %get3A_959 = tpu.vector_load %arg13[%get3A_957, %get3A_958] {strides = array<i32>} : memref<200x32xi32, #tpu.memory_space<vmem>>, vector<1x16xi32>,
          %get3A_960 = vector.shape_cast %get3A_959 : vector<1x16xi32> to vector<16xi32>
          %shift_left3A_961 = arith.constant 16 : i32
          %shift_left3A_962 = vector.broadcast %shift_left3A_961 : i32 to vector<16xi32>
          %shift_left3A_963 = arith.shli %get3A_960, %shift_left3A_962 : vector<16xi32>
          %bitcast_convert_type3A_964 = tpu.bitcast %shift_left3A_963 : vector<16xi32> -> vector<16xf32>
          %add3A_965 = arith.addf %add3A_937, %bitcast_convert_type3A_964 : vector<16xf32>
          %and3A_966 = vector.broadcast %scan3A : i32 to vector<16xi32>
          %and3A_967 = arith.andi %get3A_960, %and3A_966 : vector<16xi32>
          %bitcast_convert_type3A_968 = tpu.bitcast %and3A_967 : vector<16xi32> -> vector<16xf32>
          %add3A_969 = arith.addf %add3A_941, %bitcast_convert_type3A_968 : vector<16xf32>
          scf.yield %add3A_952, %add3A_965, %add3A_956, %add3A_969 : vector<16xf32>, vector<16xf32>, vector<16xf32>, vector<16xf32>
        }
        %scan3A_669 = arith.constant 200 : i32
        %swap3A_670 = arith.index_cast %add3A_655 : i32 to index
        %swap3A_671 = arith.constant 0 : index
        %swap3A_672 = tpu.vector_load %arg14[%swap3A_670, %swap3A_671] {strides = array<i32>} : memref<512x64xf32, #tpu.memory_space<vmem>>, vector<1x16xf32>,
        %swap3A_673 = vector.shape_cast %swap3A_672 : vector<1x16xf32> to vector<16xf32>
        %swap3A_674 = vector.shape_cast %scan3A_668#0 : vector<16xf32> to vector<1x16xf32>
        tpu.vector_store %arg14[%swap3A_670, %swap3A_671], %swap3A_674 {strides = array<i32>} : memref<512x64xf32, #tpu.memory_space<vmem>>, vector<1x16xf32>,
        %swap3A_675 = arith.index_cast %add3A_655 : i32 to index
        %swap3A_676 = arith.constant 16 : index
        %swap3A_677 = tpu.vector_load %arg14[%swap3A_675, %swap3A_676] {strides = array<i32>} : memref<512x64xf32, #tpu.memory_space<vmem>>, vector<1x16xf32>,
        %swap3A_678 = vector.shape_cast %swap3A_677 : vector<1x16xf32> to vector<16xf32>
        %swap3A_679 = vector.shape_cast %scan3A_668#1 : vector<16xf32> to vector<1x16xf32>
        tpu.vector_store %arg14[%swap3A_675, %swap3A_676], %swap3A_679 {strides = array<i32>} : memref<512x64xf32, #tpu.memory_space<vmem>>, vector<1x16xf32>,
        %swap3A_680 = arith.index_cast %add3A_655 : i32 to index
        %swap3A_681 = arith.constant 32 : index
        %swap3A_682 = tpu.vector_load %arg14[%swap3A_680, %swap3A_681] {strides = array<i32>} : memref<512x64xf32, #tpu.memory_space<vmem>>, vector<1x16xf32>,
        %swap3A_683 = vector.shape_cast %swap3A_682 : vector<1x16xf32> to vector<16xf32>
        %swap3A_684 = vector.shape_cast %scan3A_668#2 : vector<16xf32> to vector<1x16xf32>
        tpu.vector_store %arg14[%swap3A_680, %swap3A_681], %swap3A_684 {strides = array<i32>} : memref<512x64xf32, #tpu.memory_space<vmem>>, vector<1x16xf32>,
        %swap3A_685 = arith.index_cast %add3A_655 : i32 to index
        %swap3A_686 = arith.constant 48 : index
        %swap3A_687 = tpu.vector_load %arg14[%swap3A_685, %swap3A_686] {strides = array<i32>} : memref<512x64xf32, #tpu.memory_space<vmem>>, vector<1x16xf32>,
        %swap3A_688 = vector.shape_cast %swap3A_687 : vector<1x16xf32> to vector<16xf32>
        %swap3A_689 = vector.shape_cast %scan3A_668#3 : vector<16xf32> to vector<1x16xf32>
        tpu.vector_store %arg14[%swap3A_685, %swap3A_686], %swap3A_689 {strides = array<i32>} : memref<512x64xf32, #tpu.memory_space<vmem>>, vector<1x16xf32>,
        %scan3A_690 = arith.constant 0 : i32
        scf.yield %scan3A_690 : i32
      }
      %scan3A_157 = arith.constant 8 : i32
      %scan3A_158 = arith.constant 0 : i32
      scf.yield %scan3A_158 : i32
    }
    %scan3A_9 = arith.constant 8 : i32
    %mul3A_10 = arith.constant 512 : i32
    %mul3A_11 = arith.muli %add3A, %mul3A_10 : i32
    %multiple_of3A = tpu.assume_multiple %mul3A_11, 8 : i32
    "tpu.region"() ({
      %run_scoped3A = tpu.sem_alloc : memref<!tpu.dma_semaphore, #tpu.memory_space<semaphore_mem>>
      %dma_start3A = arith.constant 0 : i32
      %dma_start3A_12 = tpu.memref_slice %arg4[%multiple_of3A, %dma_start3A] : memref<16384x64xf32, #tpu.memory_space<hbm>> -> memref<512x64xf32, #tpu.memory_space<hbm>>
      %dma_start3A_13 = arith.constant 0 : i32
      %dma_start3A_14 = tpu.memref_slice %arg4[%multiple_of3A, %dma_start3A_13] : memref<16384x64xf32, #tpu.memory_space<hbm>> -> memref<512x64xf32, #tpu.memory_space<hbm>>
      tpu.enqueue_dma source(%arg14 : memref<512x64xf32, #tpu.memory_space<vmem>>) target(%dma_start3A_14 : memref<512x64xf32, #tpu.memory_space<hbm>>) target_semaphore(%run_scoped3A : memref<!tpu.dma_semaphore, #tpu.memory_space<semaphore_mem>>)
      %dma_wait3A = arith.constant 0 : i32
      %dma_wait3A_15 = tpu.memref_slice %arg4[%multiple_of3A, %dma_wait3A] : memref<16384x64xf32, #tpu.memory_space<hbm>> -> memref<512x64xf32, #tpu.memory_space<hbm>>
      %dma_wait3A_16 = arith.constant 0 : i32
      %dma_wait3A_17 = tpu.memref_slice %arg4[%multiple_of3A, %dma_wait3A_16] : memref<16384x64xf32, #tpu.memory_space<hbm>> -> memref<512x64xf32, #tpu.memory_space<hbm>>
      tpu.wait_dma2 semaphore(%run_scoped3A : memref<!tpu.dma_semaphore, #tpu.memory_space<semaphore_mem>>) src(%arg14 : memref<512x64xf32, #tpu.memory_space<vmem>>) dst(%dma_wait3A_17 : memref<512x64xf32, #tpu.memory_space<hbm>>)
      tpu.yield
    }) : () -> ()
    return
  }
}

module attributes {stable_mosaic.version = 14 : i64} {
  func.func @_prep_body(%arg0: i32, %arg1: memref<64x16384xf32, #tpu.memory_space<vmem>>, %arg2: memref<4096x128xi32, #tpu.memory_space<vmem>>) attributes {dimension_semantics = [#tpu.dimension_semantics<arbitrary>], iteration_bounds = array<i64: 62>, scalar_prefetch = 0 : i64, scratch_operands = 0 : i64, tpu.core_type = #tpu.core_type<tc>, window_params = [{transform_indices = @transform_0, window_bounds = array<i64: 64, 16384>}, {transform_indices = @transform_1, window_bounds = array<i64: 4096, 128>}]} {
    %get3A = arith.constant 0 : index
    %get3A_0 = arith.constant 0 : index
    %get3A_1 = vector.load %arg1[%get3A, %get3A_0] : memref<64x16384xf32, #tpu.memory_space<vmem>>, vector<64x16384xf32>
    %slice3A = vector.extract_strided_slice %get3A_1 {offsets = [0, 0], sizes = [32, 16384], strides = [1, 1]} : vector<64x16384xf32> to vector<32x16384xf32>
    %convert_element_type3A = arith.truncf %slice3A : vector<32x16384xf32> to vector<32x16384xbf16>
    %convert_element_type3A_2 = arith.extf %convert_element_type3A : vector<32x16384xbf16> to vector<32x16384xf32>
    %slice3A_3 = vector.extract_strided_slice %get3A_1 {offsets = [32, 0], sizes = [32, 16384], strides = [1, 1]} : vector<64x16384xf32> to vector<32x16384xf32>
    %convert_element_type3A_4 = arith.truncf %slice3A_3 : vector<32x16384xf32> to vector<32x16384xbf16>
    %convert_element_type3A_5 = arith.extf %convert_element_type3A_4 : vector<32x16384xbf16> to vector<32x16384xf32>
    %bitcast_convert_type3A = tpu.bitcast %convert_element_type3A_2 : vector<32x16384xf32> -> vector<32x16384xi32>
    %shift_right_logical3A = arith.constant 16 : i32
    %shift_right_logical3A_6 = vector.broadcast %shift_right_logical3A : i32 to vector<32x16384xi32>
    %shift_right_logical3A_7 = arith.shrui %bitcast_convert_type3A, %shift_right_logical3A_6 : vector<32x16384xi32>
    %bitcast_convert_type3A_8 = tpu.bitcast %convert_element_type3A_5 : vector<32x16384xf32> -> vector<32x16384xi32>
    %and3A = arith.constant -65536 : i32
    %and3A_9 = vector.broadcast %and3A : i32 to vector<32x16384xi32>
    %and3A_10 = arith.andi %bitcast_convert_type3A_8, %and3A_9 : vector<32x16384xi32>
    %or3A = arith.ori %shift_right_logical3A_7, %and3A_10 : vector<32x16384xi32>
    %transpose3A = tpu.transpose %or3A, [1, 0] : vector<32x16384xi32> -> vector<16384x32xi32>
    %slice3A_11 = vector.extract_strided_slice %transpose3A {offsets = [0, 0], sizes = [4096, 32], strides = [1, 1]} : vector<16384x32xi32> to vector<4096x32xi32>
    %slice3A_12 = vector.extract_strided_slice %transpose3A {offsets = [4096, 0], sizes = [4096, 32], strides = [1, 1]} : vector<16384x32xi32> to vector<4096x32xi32>
    %slice3A_13 = vector.extract_strided_slice %transpose3A {offsets = [8192, 0], sizes = [4096, 32], strides = [1, 1]} : vector<16384x32xi32> to vector<4096x32xi32>
    %slice3A_14 = vector.extract_strided_slice %transpose3A {offsets = [12288, 0], sizes = [4096, 32], strides = [1, 1]} : vector<16384x32xi32> to vector<4096x32xi32>
    %concatenate3A = tpu.concatenate %slice3A_11, %slice3A_12, %slice3A_13, %slice3A_14 in 1 : vector<4096x32xi32>, vector<4096x32xi32>, vector<4096x32xi32>, vector<4096x32xi32> -> vector<4096x128xi32>
    %swap3A = arith.constant 0 : index
    %swap3A_15 = arith.constant 0 : index
    %swap3A_16 = vector.load %arg2[%swap3A, %swap3A_15] : memref<4096x128xi32, #tpu.memory_space<vmem>>, vector<4096x128xi32>
    tpu.vector_store %arg2[%swap3A, %swap3A_15], %concatenate3A {strides = array<i32>} : memref<4096x128xi32, #tpu.memory_space<vmem>>, vector<4096x128xi32>,
    return
  }
  func.func @transform_0(%arg0: i32) -> (i32, i32) {
    %c0_i32 = arith.constant 0 : i32
    %c0_i32_0 = arith.constant 0 : i32
    return %c0_i32, %arg0 : i32, i32
  }
  func.func @transform_1(%arg0: i32) -> (i32, i32) {
    %c0_i32 = arith.constant 0 : i32
    %c0_i32_0 = arith.constant 0 : i32
    return %arg0, %c0_i32 : i32, i32
  }
}

module attributes {stable_mosaic.version = 14 : i64} {
  func.func @_mlp_body(%arg0: i32, %arg1: memref<2048x64xf32, #tpu.memory_space<vmem>>, %arg2: memref<64x64xf32, #tpu.memory_space<vmem>>, %arg3: memref<1x64xf32, #tpu.memory_space<vmem>>, %arg4: memref<64x64xf32, #tpu.memory_space<vmem>>, %arg5: memref<1x64xf32, #tpu.memory_space<vmem>>, %arg6: memref<2048x64xf32, #tpu.memory_space<vmem>>) attributes {dimension_semantics = [#tpu.dimension_semantics<arbitrary>], iteration_bounds = array<i64: 8>, scalar_prefetch = 0 : i64, scratch_operands = 0 : i64, tpu.core_type = #tpu.core_type<tc>, window_params = [{transform_indices = @transform_0, window_bounds = array<i64: 2048, 64>}, {pipeline_mode = #tpu.pipeline_mode<synchronous>, transform_indices = @transform_1, window_bounds = array<i64: 64, 64>}, {pipeline_mode = #tpu.pipeline_mode<synchronous>, transform_indices = @transform_2, window_bounds = array<i64: 1, 64>}, {pipeline_mode = #tpu.pipeline_mode<synchronous>, transform_indices = @transform_3, window_bounds = array<i64: 64, 64>}, {pipeline_mode = #tpu.pipeline_mode<synchronous>, transform_indices = @transform_4, window_bounds = array<i64: 1, 64>}, {transform_indices = @transform_5, window_bounds = array<i64: 2048, 64>}]} {
    %get3A = arith.constant 0 : index
    %get3A_0 = arith.constant 0 : index
    %get3A_1 = vector.load %arg1[%get3A, %get3A_0] : memref<2048x64xf32, #tpu.memory_space<vmem>>, vector<2048x64xf32>
    %get3A_2 = arith.constant 0 : index
    %get3A_3 = arith.constant 0 : index
    %get3A_4 = vector.load %arg2[%get3A_2, %get3A_3] : memref<64x64xf32, #tpu.memory_space<vmem>>, vector<64x64xf32>
    %dot_general3A = arith.constant dense<0.000000e+00> : vector<2048x64xf32>
    %dot_general3A_5 = tpu.matmul %get3A_1, %get3A_4, %dot_general3A {dimension_numbers = #tpu.dot_dimension_numbers<[1], [1], [0], [0], [0, 0, 1, 0], [], []>, transpose_lhs_hint = false} : vector<2048x64xf32>, vector<64x64xf32>, vector<2048x64xf32> -> vector<2048x64xf32>
    %mul3A = arith.constant 5.000000e-03 : f32
    %mul3A_6 = vector.broadcast %mul3A : f32 to vector<2048x64xf32>
    %mul3A_7 = arith.mulf %dot_general3A_5, %mul3A_6 : vector<2048x64xf32>
    %get3A_8 = arith.constant 0 : index
    %get3A_9 = arith.constant 0 : index
    %get3A_10 = vector.load %arg3[%get3A_8, %get3A_9] : memref<1x64xf32, #tpu.memory_space<vmem>>, vector<1x64xf32>
    %add3A = vector.broadcast %get3A_10 : vector<1x64xf32> to vector<2048x64xf32>
    %add3A_11 = arith.addf %mul3A_7, %add3A : vector<2048x64xf32>
    %max3A = arith.constant 0.000000e+00 : f32
    %max3A_12 = vector.broadcast %max3A : f32 to vector<2048x64xf32>
    %max3A_13 = arith.maximumf %add3A_11, %max3A_12 : vector<2048x64xf32>
    %get3A_14 = arith.constant 0 : index
    %get3A_15 = arith.constant 0 : index
    %get3A_16 = vector.load %arg4[%get3A_14, %get3A_15] : memref<64x64xf32, #tpu.memory_space<vmem>>, vector<64x64xf32>
    %dot_general3A_17 = arith.constant dense<0.000000e+00> : vector<2048x64xf32>
    %dot_general3A_18 = tpu.matmul %max3A_13, %get3A_16, %dot_general3A_17 {dimension_numbers = #tpu.dot_dimension_numbers<[1], [1], [0], [0], [0, 0, 1, 0], [], []>, transpose_lhs_hint = false} : vector<2048x64xf32>, vector<64x64xf32>, vector<2048x64xf32> -> vector<2048x64xf32>
    %get3A_19 = arith.constant 0 : index
    %get3A_20 = arith.constant 0 : index
    %get3A_21 = vector.load %arg5[%get3A_19, %get3A_20] : memref<1x64xf32, #tpu.memory_space<vmem>>, vector<1x64xf32>
    %add3A_22 = vector.broadcast %get3A_21 : vector<1x64xf32> to vector<2048x64xf32>
    %add3A_23 = arith.addf %dot_general3A_18, %add3A_22 : vector<2048x64xf32>
    %swap3A = arith.constant 0 : index
    %swap3A_24 = arith.constant 0 : index
    %swap3A_25 = vector.load %arg6[%swap3A, %swap3A_24] : memref<2048x64xf32, #tpu.memory_space<vmem>>, vector<2048x64xf32>
    tpu.vector_store %arg6[%swap3A, %swap3A_24], %add3A_23 {strides = array<i32>} : memref<2048x64xf32, #tpu.memory_space<vmem>>, vector<2048x64xf32>,
    return
  }
  func.func @transform_0(%arg0: i32) -> (i32, i32) {
    %c0_i32 = arith.constant 0 : i32
    %c0_i32_0 = arith.constant 0 : i32
    return %arg0, %c0_i32 : i32, i32
  }
  func.func @transform_1(%arg0: i32) -> (i32, i32) {
    %c0_i32 = arith.constant 0 : i32
    %c0_i32_0 = arith.constant 0 : i32
    %c0_i32_1 = arith.constant 0 : i32
    return %c0_i32, %c0_i32_0 : i32, i32
  }
  func.func @transform_2(%arg0: i32) -> (i32, i32) {
    %c0_i32 = arith.constant 0 : i32
    %c0_i32_0 = arith.constant 0 : i32
    %c0_i32_1 = arith.constant 0 : i32
    return %c0_i32, %c0_i32_0 : i32, i32
  }
  func.func @transform_3(%arg0: i32) -> (i32, i32) {
    %c0_i32 = arith.constant 0 : i32
    %c0_i32_0 = arith.constant 0 : i32
    %c0_i32_1 = arith.constant 0 : i32
    return %c0_i32, %c0_i32_0 : i32, i32
  }
  func.func @transform_4(%arg0: i32) -> (i32, i32) {
    %c0_i32 = arith.constant 0 : i32
    %c0_i32_0 = arith.constant 0 : i32
    %c0_i32_1 = arith.constant 0 : i32
    return %c0_i32, %c0_i32_0 : i32, i32
  }
  func.func @transform_5(%arg0: i32) -> (i32, i32) {
    %c0_i32 = arith.constant 0 : i32
    %c0_i32_0 = arith.constant 0 : i32
    return %arg0, %c0_i32 : i32, i32
  }
}

</mosaic_0001>

<sc_bundles>
// kernel: kernel.5.cloned.1.call-start
scs
__scs_entry_jumppad:
0x0: {  	(pc) =	sbr.rel $0x88, $3  }
0x1: {  	(tag) =	ssettag $0x0;
	lr =	simm.s32 $0x1  }
0x2: {  	[smem:$0x3F9B] =	sst lr;
	_ =	strace $0xD0000000  }
0x3: {  	_ = 	snop  }
0x4: {  	_ = 	snop  }
0x5: {  	_ = 	snop  }
0x6: {  	_ = 	snop  }
0x7: {  	_ = 	snop  }
__scs_overlays_trampoline_lowered:
0x8: {  	[smem:$0x3FAA] =	sst s0  }
0x9: {  	[smem:$0x3FAB] =	sst s1  }
0xa: {  	[smem:$0x3FAC] =	sst s2  }
0xb: {  	[smem:$0x3FAD] =	sst s3  }
0xc: {  	[smem:$0x3FAE] =	sst s4  }
0xd: {  	[smem:$0x3FAF] =	sst s5  }
0xe: {  	[smem:$0x3FB0] =	sst s6  }
0xf: {  	[smem:$0x3FB1] =	sst s7  }
0x10: {  	[smem:$0x3FB2] =	sst s8  }
0x11: {  	[smem:$0x3FB3] =	sst s9;
	s0 =	simm.s32 @!p0 $0x0  }
0x12: {  	s1 =	sld [smem:$0x3F99];
	s0 =	simm.s32 @p0 $0x1  }
0x13: {  	[smem:$0x3FB4] =	sst s0;
	s0 =	simm.s32 @!p1 $0x0  }
0x14: {  	s2 =	sld [smem:$0x3F98];
	s0 =	simm.s32 @p1 $0x1  }
0x15: {  	[smem:$0x3FB5] =	sst s0;
	s0 =	simm.s32 @!p2 $0x0  }
0x16: {  	s3 =	sld [smem:$0x3FDB];
	s0 =	simm.s32 @p2 $0x1  }
0x17: {  	s4 =	simm.s32 $0x1BF5;
	[smem:$0x3FB7] =	sst s0  }
0x18: {  	s0 =	sld [smem:$0x3F9A];
	_ =	swait.ge [sflag:s4], $0x0  }
0x19: {  	s7 =	sld [smem:$0x3F9B]  }
0x1a: {  	s8 =	sadd.s32 $0xFFFFE003, lr  }
0x1b: {  	s9 =	sadd.s32 $0xFFFFFEF7, lr;
	s5 =	simm.s32 $0xFFFFFFFF;
	p2 =	slt.u32 s8, $0xFFFFF086  }
0x1c: {  	p1 =	slt.u32 s9, $0xF7A;
	s5 =	simm.s32 @!p2 $0x0  }
0x1d: {  	s5 =	simm.s32 @p1 $0x1;
	p0 =	seq.s32 s7, s2  }
0x1e: {  	s7 =	smul.u32 @!p0 $0xF7A, s2;
	p2 =	seq.s32 @!p0 s5, $0x0  }
0x1f: {  	s9 =	smul.u32 $0xF7A, s1;
	s8 =	simm.s32 @!p0 $0x1BF5;
	p2 =	por !p2, p0  }
0x20: {  	[sflag:s8] =	ssyncset.s32 @!p0 $0xFFFFF086;
	s6 =	sadd.s32 @!p0 s3, s7;
	s7 =	simm.s32 @!p0 $0x108  }
0x21: {  	s3 =	sadd.s32 s3, s9;
	s6 =	sadd.s32 @!p0 $0x88, s6;
	s7 =	simm.s32 @p2 $0x1082  }
0x22: {  	[simem:s7], [sflag:s8] =	dma.local @!p0 [hbm:s6], $0xF7A  }
0x23: {  	s9 =	sor.u32 $0xD0000000, s2;
	s6 =	simm.s32 $0x108;
	_ =	swait.ge @!p0 [sflag:s8], $0x0  }
0x24: {  	s3 =	sadd.s32 $0x88, s3;
	s6 =	simm.s32 @!p1 $0x1082;
	[sflag:s4] =	ssyncset.s32 $0xFFFFF086  }
0x25: {  	[simem:s6], [sflag:s4] =	dma.local [hbm:s3], $0xF7A  }
0x26: {  	[smem:$0x3F9B] =	sst s1;
	(tag) =	ssettag s2;
	_ =	strace s9  }
0x27: {  	s1 =	sld [smem:$0x3FAB]  }
0x28: {  	s2 =	sld [smem:$0x3FAC]  }
0x29: {  	s4 =	sld [smem:$0x3FAE]  }
0x2a: {  	p0 =	seq.s32 s5, $0x0;
	s5 =	sld [smem:$0x3FAF]  }
0x2b: {  	s6 =	sld [smem:$0x3FB0]  }
0x2c: {  	s7 =	sld [smem:$0x3FB1]  }
0x2d: {  	s3 =	simm.s32 $0x108;
	s8 =	sld [smem:$0x3FB2]  }
0x2e: {  	s3 =	simm.s32 @!p0 $0x1082;
	s9 =	sld [smem:$0x3FB3]  }
0x2f: {  	lr =	sadd.s32 s0, s3;
	s0 =	sld [smem:$0x3FAA]  }
0x30: {  	s3 =	sld [smem:$0x3FAD]  }
0x31: {  	[smem:$0x3FB6] =	sst s10  }
0x32: {  	s10 =	sld [smem:$0x3FB4];
	_ =	sdelay $0x3  }
0x33: {  	p0 =	seq.s32 s10, $0x1;
	s10 =	sld [smem:$0x3FB6];
	_ =	sdelay $0x3  }
0x34: {  	[smem:$0x3FB6] =	sst s10  }
0x35: {  	s10 =	sld [smem:$0x3FB5];
	_ =	sdelay $0x3  }
0x36: {  	p1 =	seq.s32 s10, $0x1;
	s10 =	sld [smem:$0x3FB6];
	_ =	sdelay $0x3  }
0x37: {  	[smem:$0x3FB6] =	sst s10  }
0x38: {  	s10 =	sld [smem:$0x3FB7]  }
0x39: {  	_ = 	snop;
	(pc) =	sbr.ind lr, $3  }
0x3a: {  	_ = 	snop  }
0x3b: {  	_ = 	snop  }
0x3c: {  	p2 =	seq.s32 s10, $0x1;
	s10 =	sld [smem:$0x3FB6]  }
0x3d: {  	_ =	shalt  }
0x3e: {  	_ =	shalt  }
0x3f: {  	_ =	shalt  }
0x40: {  	_ =	shalt  }
0x41: {  	_ =	shalt  }
0x42: {  	_ =	shalt  }
0x43: {  	_ =	shalt  }
0x44: {  	_ =	shalt  }
0x45: {  	_ =	shalt  }
0x46: {  	_ =	shalt  }
0x47: {  	_ =	shalt  }
0x48: {  	_ =	shalt  }
0x49: {  	_ =	shalt  }
0x4a: {  	_ =	shalt  }
0x4b: {  	_ =	shalt  }
0x4c: {  	_ =	shalt  }
0x4d: {  	_ =	shalt  }
0x4e: {  	_ =	shalt  }
0x4f: {  	_ =	shalt  }
0x50: {  	_ =	shalt  }
0x51: {  	_ =	shalt  }
0x52: {  	_ =	shalt  }
0x53: {  	_ =	shalt  }
0x54: {  	_ =	shalt  }
0x55: {  	_ =	shalt  }
0x56: {  	_ =	shalt  }
0x57: {  	_ =	shalt  }
0x58: {  	_ =	shalt  }
0x59: {  	_ =	shalt  }
0x5a: {  	_ =	shalt  }
0x5b: {  	_ =	shalt  }
0x5c: {  	_ =	shalt  }
0x5d: {  	_ =	shalt  }
0x5e: {  	_ =	shalt  }
0x5f: {  	_ =	shalt  }
0x60: {  	_ =	shalt  }
0x61: {  	_ =	shalt  }
0x62: {  	_ =	shalt  }
0x63: {  	_ =	shalt  }
0x64: {  	_ =	shalt  }
0x65: {  	_ =	shalt  }
0x66: {  	_ =	shalt  }
0x67: {  	_ =	shalt  }
0x68: {  	_ =	shalt  }
0x69: {  	_ =	shalt  }
0x6a: {  	_ =	shalt  }
0x6b: {  	_ =	shalt  }
0x6c: {  	_ =	shalt  }
0x6d: {  	_ =	shalt  }
0x6e: {  	_ =	shalt  }
0x6f: {  	_ =	shalt  }
0x70: {  	_ =	shalt  }
0x71: {  	_ =	shalt  }
0x72: {  	_ =	shalt  }
0x73: {  	_ =	shalt  }
0x74: {  	_ =	shalt  }
0x75: {  	_ =	shalt  }
0x76: {  	_ =	shalt  }
0x77: {  	_ =	shalt  }
0x78: {  	_ =	shalt  }
0x79: {  	_ =	shalt  }
0x7a: {  	_ =	shalt  }
0x7b: {  	_ =	shalt  }
0x7c: {  	_ =	shalt  }
0x7d: {  	_ =	shalt  }
0x7e: {  	_ =	shalt  }
0x7f: {  	_ =	shalt  }
0x80: {  	_ =	shalt  }
0x81: {  	_ =	shalt  }
0x82: {  	_ =	shalt  }
0x83: {  	_ =	shalt  }
0x84: {  	_ =	shalt  }
0x85: {  	_ =	shalt  }
0x86: {  	_ =	shalt  }
0x87: {  	_ =	shalt  }
.Lfunc_end0:
.L_simem_size_0:
called_computation_lowered:
.L_overlay_start_0:
0x88: {  	s2 =	sld [smem:$0x3FD9]  }
0x89: {  	s3 =	sld [smem:$0x3FFE];
	_ =	sdelay $0x1  }
0x8a: {  	s1 =	srdreg.scid  }
0x8b: {  	s0 =	sand.u32 $0x1, s1  }
0x8c: {  	s17 =	sshll.u32 s0, $0xA;
	s2 =	sadd.s32 s3, s2  }
0x8d: {  	s2 =	sadd.s32 s2, s17  }
0x8e: {  	[smem:$0x3FC2] =	sst s2  }
0x8f: {  	_ = 	snop  }
0x90: {  	s2 =	sld [smem:$0x3FD0];
	(tm) =	ssettm $0x1  }
0x91: {  	s18 =	sld [smem:$0x3FFB];
	_ =	sdelay $0x3  }
0x92: {  	_ =	strace s18  }
0x93: {  	s3 =	sld [smem:$0x3FFC];
	_ =	sdelay $0x3  }
0x94: {  	_ =	strace s3  }
0x95: {  	s3 =	sld [smem:$0x3FFD];
	_ =	sdelay $0x3  }
0x96: {  	_ =	strace s3  }
0x97: {  	_ =	strace $0x8FFFFFFF  }
0x98: {  	s19 =	sld [smem:$0x3FDB];
	_ =	sdelay $0x1  }
0x99: {  	s4 =	simm.s32 $_scs_section_size  }
0x9a: {  	s5 =	simm.s32 $_size__tile_overlayer_lowered;
	s6 =	simm.s32 $_tile_overlayer_lowered  }
0x9b: {  	s22 =	simm.s32 $0x1BFF;
	s21 =	sshll.u32 s6, $0x1;
	s3 =	sadd.s32 s4, s19  }
0x9c: {  	s7 =	simm.s32 $0x0;
	s20 =	sshll.u32 s5, $0x1;
	s5 =	sadd.s32 s21, s3  }
0x9d: {  	[timem:s7], [sflag:s22] =	dma.local [hbm:s5], s20  }
0x9e: {  	_ =	swait.ge [sflag:s22], s20  }
0x9f: {  	s4 =	ssub.s32 $0x0, s20;
	[sflag:s22] =	ssyncset.done $0x0  }
0xa0: {  	[sflag:s22] =	ssyncadd.s32 s4;
	_ =	sdelay $0x1  }
0xa1: {  	s23 =	simm.s32 $0x1B8B  }
0xa2: {  	_ =	swait.ge [sflag:s23], $0x1  }
0xa3: {  	[sflag:s23] =	ssyncset.done $0x0  }
0xa4: {  	s25 =	simm.s32 $0x1B8E;
	s24 =	sld [smem:$0x3FFE];
	[sflag:s23] =	ssyncadd.s32 $0xFFFFFFFF  }
0xa5: {  	s26 =	simm.s32 $execute0_lowered;
	[smem:$0x3FD2] =	sst s25  }
0xa6: {  	s5 =	sshll.u32 s26, $0x1;
	_ =	strace $0x80000046;
	[dreg:$0x1] =	wrdreg $0xFFFFFFFF  }
0xa7: {  	s28 =	simm.s32 $_size_execute0_lowered;
	s3 =	sadd.s32 s3, s5;
	[dreg:$0x0] =	wrdreg $0x0  }
0xa8: {  	s5 =	sshll.u32 s28, $0x1;
	[dreg:$0x2] =	wrdreg s3  }
0xa9: {  	[dreg:$0x3] =	wrdreg s5  }
0xaa: {  	[dreg:$0x4] =	wrdreg $0xC0  }
0xab: {  	_ =	task [dreg:s7], $0x5FFFF  }
0xac: {  	[dreg:$0x1] =	wrdreg $0xFFFFFFFF  }
0xad: {  	[dreg:$0x0] =	wrdreg $0x60  }
0xae: {  	[dreg:$0x2] =	wrdreg s24  }
0xaf: {  	[dreg:$0x3] =	wrdreg s2  }
0xb0: {  	[dreg:$0x4] =	wrdreg $0x9  }
0xb1: {  	_ =	task.clear_ibuf [dreg:s7], $0x5FFFF;
	_ =	strace $0x90000046  }
0xb2: {  	s29 =	simm.s32 $0x9;
	_ =	strace $0x80000048  }
0xb3: {  	_ =	swait.ge [sflag:s29], $0x1  }
0xb4: {  	[sflag:s29] =	ssyncadd.s32 $0xFFFFFFFF  }
0xb5: {  	_ =	strace $0x90000048  }
0xb6: {  	_ =	sfence  }
0xb7: {  	s30 =	sld [smem:$0x0];
	_ =	sdelay $0x2  }
0xb8: {  	s31 =	sshll.u32 s1, $0xD;
	s1 =	sshrl.u32 s1, $0x2  }
0xb9: {  	s3 =	sand.u32 $0x4000, s31;
	s1 =	sadd.s32 s1, s30  }
0xba: {  	s0 =	sor.u32 s3, s0;
	s1 =	sshll.u32 s1, $0x11  }
0xbb: {  	s0 =	sor.u32 s1, s0  }
0xbc: {  	s0 =	sadd.s32 $0x8F2B, s0  }
0xbd: {  	[sflag:s0] =	ssyncadd.remote.s32 $0x1  }
0xbe: {  	_ =	sfence.sel $0xFFFF  }
0xbf: {  	[dreg:$0x0] =	wrdreg $0xFFFFFFFF;
	(pc) =	sbr.abs _section_cstart, $3  }
0xc0: {  	[dreg:$0x1] =	wrdreg $0xFFFFFFFF  }
0xc1: {  	_ =	task.clear_ibuf [dreg:s7], $0x2FFFF;
	_ =	strace $0x9FFFFFFF  }
0xc2: {  	(tm) =	ssettm $0x7FFFFFFF  }
0xc3: {  	_ =	shalt  }
tec
execute0_lowered:
.L_overlay_start_1:
0x0: {  	(tag) =	ssettag $0x1  }
0x1: {  	s0 =	rddreg [dreg:$0x0]  }
0x2: {  	s1 =	rddreg [dreg:$0x1];
	s2 =	simm.s32 $0x0  }
0x3: {  	s3 =	srdreg.scid;
	s5 =	stileid.u32;
	s8 =	simm.s32 $0x9  }
0x4: {  	s9 =	simm.s32 $0x60;
	s11 =	simm.s32 $0x68;
	s10 =	simm.s32 $0x510  }
0x5: {  	s12 =	simm.s32 $0xD400;
	s13 =	simm.s32 $0x1;
	s14 =	simm.s32 $0xE100  }
0x6: {  	s15 =	simm.s32 $0xED00;
	s16 =	simm.s32 $0x2;
	s17 =	simm.s32 $0x3  }
0x7: {  	s18 =	simm.s32 $0x4;
	s19 =	simm.s32 $0x5;
	s20 =	simm.s32 $0x6  }
0x8: {  	s21 =	simm.s32 $0x7;
	s22 =	simm.s32 $0x8;
	[smem:$0x7FF] =	sst s2  }
0x9: {  	s4 =	sand.u32 $0x1, s3;
	s5 =	sshll.u32 s5, $0x1;
	s3 =	sadd.s32 $0xC00, s0  }
0xa: {  	_ =	strace $0x80000047;
	s6 =	ssub.s32 $0x2, s4;
	s5 =	sor.u32 s4, s5  }
0xb: {  	s4 =	sadd.s32 $0x64C00, s0;
	s31 =	sshrl.u32 s6, $0x1;
	s7 =	sshll.u32 s5, $0xC  }
0xc: {  	s5 =	smul.u32 $0x19000, s5;
	s0 =	ssub.s32 s6, s31;
	s1 =	sadd.s32 s1, s7  }
0xd: {  	s6 =	simm.s32 $0x4B0;
	[dreg:$0x3] =	wrdreg s1;
	s0 =	smax.u32 s0, $0x1  }
0xe: {  	s7 =	simm.s32 $0xC800;
	s1 =	simm.s32 $0x0;
	[dreg:$0x4] =	wrdreg s0  }
.LBB2_1:
0xf: {  	[dreg:$0x5] =	wrdreg s1;
	s23 =	simm.s32 $0x0  }
.LBB2_2:
0x10: {  	s0 =	smul.u32 $0x3200, s23;
	_ =	sdelay $0x1  }
0x11: {  	s0 =	sadd.s32 s5, s0  }
0x12: {  	s0 =	sshrl.u32 s0, $0x3  }
0x13: {  	s0 =	sadd.s32 s3, s0  }
0x14: {  	[tilespmem:s2], [sflag:$0x9] =	stream.linear.gather [hbm4b:s0+s2], $0x3200, $0x38;
	[tilespmem:$0x17A00] =	vst v63  }
0x15: {  	_ =	swait.ge [sflag:s8], $0x3200  }
0x16: {  	[sflag:s8] =	ssyncset.done $0x0  }
0x17: {  	s24 =	simm.s32 $0x40;
	[sflag:s8] =	ssyncadd.s32 $0xFFFFCE00  }
0x18: {  	v0 =	vld [tilespmem:s24+$0xFFFFFFC0]  }
0x19: {  	v1 =	vld [tilespmem:s24+$0xFFFFFFD0]  }
0x1a: {  	v3 =	vld [tilespmem:s24+$0xFFFFFFE0]  }
0x1b: {  	v10 =	vld [tilespmem:s24+$0x10];
	_ =	sdelay $0x1  }
0x1c: {  	v4 =	vshll.u32 v0, $0x2;
	v5 =	vand.u32 $0xFFFFC000, v0  }
0x1d: {  	v2 =	vld [tilespmem:s24+$0xFFFFFFF0];
	v0 =	vshrl.u32 v0, $0xC;
	v6 =	vshll.u32 v1, $0x2;
	v8 =	vand.u32 $0xFFFFC000, v1  }
0x1e: {  	v1 =	vshrl.u32 v1, $0xC;
	v9 =	vshll.u32 v3, $0x2;
	v11 =	vand.u32 $0xFFFFC000, v3  }
0x1f: {  	v7 =	vld [tilespmem:s24+$0x0];
	v3 =	vshrl.u32 v3, $0xC;
	v12 =	vand.u32 $0xFFFFC000, v10;
	v4 =	vand.u32 $0x3FFC, v4  }
0x20: {  	v0 =	vand.u32 $0x3, v0;
	v6 =	vand.u32 $0x3FFC, v6;
	v1 =	vand.u32 $0x3, v1  }
0x21: {  	v9 =	vand.u32 $0x3FFC, v9;
	v3 =	vand.u32 $0x3, v3;
	v4 =	vor.u32 v5, v4  }
0x22: {  	v5 =	vshll.u32 v2, $0x2;
	v6 =	vor.u32 v8, v6;
	v8 =	vor.u32 v11, v9  }
0x23: {  	v9 =	vshll.u32 v10, $0x2;
	v10 =	vshrl.u32 v10, $0xC;
	v0 =	vor.u32 v0, v4;
	v4 =	vld [tilespmem:s24+$0x20]  }
0x24: {  	v11 =	vld [tilespmem:s24+$0x30];
	v1 =	vor.u32 v1, v6;
	v3 =	vor.u32 v3, v8;
	v6 =	vshll.u32 v7, $0x2  }
0x25: {  	v8 =	vand.u32 $0xFFFFC000, v7;
	v7 =	vshrl.u32 v7, $0xC;
	v9 =	vand.u32 $0x3FFC, v9  }
0x26: {  	v5 =	vand.u32 $0x3FFC, v5;
	v6 =	vand.u32 $0x3FFC, v6;
	v7 =	vand.u32 $0x3, v7  }
0x27: {  	[tilespmem:s24+$0xFFFFFFC0] =	vst v0;
	v0 =	vor.u32 v12, v9;
	v6 =	vor.u32 v8, v6;
	v8 =	vand.u32 $0x3, v10  }
0x28: {  	s25 =	simm.s32 $0xC0;
	[tilespmem:s24+$0xFFFFFFD0] =	vst v1;
	v6 =	vor.u32 v7, v6;
	v0 =	vor.u32 v8, v0;
	v9 =	vshll.u32 v4, $0x2  }
0x29: {  	v8 =	vand.u32 $0xFFFFC000, v11;
	v1 =	vand.u32 $0xFFFFC000, v4;
	v7 =	vand.u32 $0x3FFC, v9;
	v9 =	vld [tilespmem:s25+$0xFFFFFFC0]  }
0x2a: {  	v4 =	vshrl.u32 v4, $0xC;
	[tilespmem:s24+$0xFFFFFFE0] =	vst v3;
	v3 =	vor.u32 v1, v7;
	v7 =	vshll.u32 v11, $0x2  }
0x2b: {  	v4 =	vand.u32 $0x3, v4;
	v1 =	vld [tilespmem:s25+$0xFFFFFFF0];
	[tilespmem:s24+$0x0] =	vst v6;
	v6 =	vand.u32 $0x3FFC, v7;
	v7 =	vshrl.u32 v11, $0xC  }
0x2c: {  	[tilespmem:s24+$0x10] =	vst v0;
	v3 =	vor.u32 v4, v3;
	v0 =	vor.u32 v8, v6;
	v4 =	vand.u32 $0x3, v7;
	v6 =	vld [tilespmem:s25+$0xFFFFFFD0]  }
0x2d: {  	v7 =	vand.u32 $0xFFFFC000, v2;
	v8 =	vld [tilespmem:s25+$0xFFFFFFE0];
	v2 =	vshrl.u32 v2, $0xC;
	v4 =	vor.u32 v4, v0  }
0x2e: {  	v0 =	vor.u32 v7, v5;
	v2 =	vand.u32 $0x3, v2;
	v5 =	vshll.u32 v9, $0x2  }
0x2f: {  	[tilespmem:s24+$0x20] =	vst v3;
	v3 =	vand.u32 $0xFFFFC000, v9;
	v7 =	vshrl.u32 v9, $0xC;
	v5 =	vand.u32 $0x3FFC, v5  }
0x30: {  	[tilespmem:s24+$0x30] =	vst v4;
	v4 =	vor.u32 v3, v5;
	v5 =	vand.u32 $0x3, v7;
	v3 =	vshll.u32 v1, $0x2  }
0x31: {  	v10 =	vld [tilespmem:s25+$0x0];
	v7 =	vand.u32 $0xFFFFC000, v6;
	v9 =	vshll.u32 v6, $0x2;
	v6 =	vshrl.u32 v6, $0xC  }
0x32: {  	v62 =	vld [tilespmem:s25+$0x10];
	v11 =	vshll.u32 v8, $0x2;
	v13 =	vand.u32 $0xFFFFC000, v8;
	v8 =	vshrl.u32 v8, $0xC  }
0x33: {  	v9 =	vand.u32 $0x3FFC, v9;
	v6 =	vand.u32 $0x3, v6;
	v11 =	vand.u32 $0x3FFC, v11  }
0x34: {  	v8 =	vand.u32 $0x3, v8;
	v7 =	vor.u32 v7, v9;
	v9 =	vor.u32 v13, v11  }
0x35: {  	v5 =	vor.u32 v5, v4;
	v11 =	vor.u32 v6, v7;
	v4 =	vor.u32 v8, v9;
	v9 =	vld [tilespmem:s25+$0x20]  }
0x36: {  	v6 =	vand.u32 $0xFFFFC000, v10;
	v7 =	vshll.u32 v10, $0x2;
	v8 =	vshrl.u32 v10, $0xC  }
0x37: {  	[tilespmem:s25+$0xFFFFFFC0] =	vst v5;
	v5 =	vld [tilespmem:s25+$0x30];
	v10 =	vshll.u32 v62, $0x2;
	v63 =	vand.u32 $0xFFFFC000, v62;
	v12 =	vshrl.u32 v62, $0xC  }
0x38: {  	v7 =	vand.u32 $0x3FFC, v7;
	v8 =	vand.u32 $0x3, v8;
	v10 =	vand.u32 $0x3FFC, v10  }
0x39: {  	v12 =	vand.u32 $0x3, v12;
	v6 =	vor.u32 v6, v7;
	v10 =	vor.u32 v63, v10  }
0x3a: {  	v7 =	vor.u32 v8, v6;
	v6 =	vor.u32 v12, v10;
	v10 =	vshll.u32 v9, $0x2  }
0x3b: {  	s1 =	simm.s32 $0x140;
	s0 =	simm.s32 $0x8;
	[tilespmem:s25+$0xFFFFFFD0] =	vst v11;
	v8 =	vand.u32 $0xFFFFC000, v9;
	v9 =	vshrl.u32 v9, $0xC;
	v10 =	vand.u32 $0x3FFC, v10  }
.LBB2_3:
0x3c: {  	v11 =	vld [tilespmem:s1+$0xFFFFFFC0];
	[tilespmem:s25+$0xFFFFFFE0] =	vst v4;
	v4 =	vor.u32 v8, v10;
	v8 =	vand.u32 $0x3, v9;
	v9 =	vshll.u32 v5, $0x2  }
0x3d: {  	v10 =	vld [tilespmem:s1+$0xFFFFFFF0];
	[tilespmem:s25+$0x0] =	vst v7;
	v7 =	vand.u32 $0xFFFFC000, v5;
	v9 =	vand.u32 $0x3FFC, v9;
	v5 =	vshrl.u32 v5, $0xC  }
0x3e: {  	v4 =	vor.u32 v8, v4;
	[tilespmem:s25+$0x10] =	vst v6;
	v6 =	vor.u32 v7, v9;
	v5 =	vand.u32 $0x3, v5  }
0x3f: {  	v3 =	vand.u32 $0x3FFC, v3;
	v8 =	vand.u32 $0xFFFFC000, v1;
	v7 =	vld [tilespmem:s1+$0xFFFFFFD0];
	[tilespmem:s25+$0x20] =	vst v4;
	v4 =	vor.u32 v5, v6  }
0x40: {  	v9 =	vshrl.u32 v1, $0xC;
	v5 =	vld [tilespmem:s1+$0xFFFFFFE0];
	[tilespmem:s25+$0x30] =	vst v4;
	v4 =	vor.u32 v2, v0;
	v0 =	vor.u32 v8, v3  }
0x41: {  	v2 =	vand.u32 $0x3, v9;
	v3 =	vshll.u32 v11, $0x2;
	[tilespmem:s24+$0xFFFFFFF0] =	vst v4;
	s24 =	smov.u32 s25;
	s25 =	smov.u32 s1  }
0x42: {  	v4 =	vand.u32 $0xFFFFC000, v11;
	v6 =	vshrl.u32 v11, $0xC;
	v3 =	vand.u32 $0x3FFC, v3;
	v1 =	vmovc v10  }
0x43: {  	v6 =	vand.u32 $0x3, v6;
	v4 =	vor.u32 v4, v3;
	v3 =	vshll.u32 v1, $0x2  }
0x44: {  	v8 =	vand.u32 $0xFFFFC000, v7;
	v9 =	vshll.u32 v7, $0x2;
	v7 =	vshrl.u32 v7, $0xC;
	v10 =	vld [tilespmem:s1+$0x0]  }
0x45: {  	v9 =	vand.u32 $0x3FFC, v9;
	v7 =	vand.u32 $0x3, v7;
	v11 =	vshll.u32 v5, $0x2;
	v12 =	vld [tilespmem:s1+$0x10]  }
0x46: {  	v13 =	vand.u32 $0xFFFFC000, v5;
	v5 =	vshrl.u32 v5, $0xC;
	v11 =	vand.u32 $0x3FFC, v11  }
0x47: {  	v8 =	vor.u32 v8, v9;
	v5 =	vand.u32 $0x3, v5;
	v9 =	vor.u32 v13, v11  }
0x48: {  	s0 =	sadd.s32 $0x8, s0;
	v6 =	vor.u32 v6, v4;
	v8 =	vor.u32 v7, v8;
	v4 =	vor.u32 v5, v9;
	v9 =	vld [tilespmem:s1+$0x20]  }
0x49: {  	p0 =	slt.u32 s0, $0x318;
	v7 =	vand.u32 $0xFFFFC000, v10;
	v5 =	vshll.u32 v10, $0x2;
	v10 =	vshrl.u32 v10, $0xC  }
.Ltmp0:
0x4a: {  	v11 =	vand.u32 $0x3FFC, v5;
	v10 =	vand.u32 $0x3, v10;
	v13 =	vshll.u32 v12, $0x2;
	v5 =	vld [tilespmem:s1+$0x30];
	(pc) =	sbr.rel @p0 .LBB2_3-.Ltmp0, $4  }
0x4b: {  	v14 =	vand.u32 $0xFFFFC000, v12;
	v12 =	vshrl.u32 v12, $0xC;
	v13 =	vand.u32 $0x3FFC, v13  }
0x4c: {  	v7 =	vor.u32 v7, v11;
	v12 =	vand.u32 $0x3, v12;
	v11 =	vor.u32 v14, v13  }
0x4d: {  	v7 =	vor.u32 v10, v7;
	[tilespmem:s1+$0xFFFFFFC0] =	vst v6;
	v6 =	vor.u32 v12, v11;
	v10 =	vshll.u32 v9, $0x2  }
0x4e: {  	s1 =	sadd.s32 $0x80, s1;
	[tilespmem:s25+$0xFFFFFFD0] =	vst v8;
	v8 =	vand.u32 $0xFFFFC000, v9;
	v10 =	vand.u32 $0x3FFC, v10;
	v9 =	vshrl.u32 v9, $0xC  }
0x4f: {  	v8 =	vor.u32 v8, v10  }
0x50: {  	[tilespmem:s25+$0xFFFFFFE0] =	vst v4;
	v54 =	vand.u32 $0x3, v9;
	v55 =	vshll.u32 v5, $0x2;
	v56 =	vand.u32 $0xFFFFC000, v5  }
0x51: {  	[tilespmem:s25+$0x0] =	vst v7;
	v58 =	vshrl.u32 v5, $0xC;
	v60 =	vand.u32 $0xFFFFC000, v1;
	v3 =	vand.u32 $0x3FFC, v3  }
0x52: {  	[tilespmem:s25+$0x10] =	vst v6;
	v62 =	vshrl.u32 v1, $0xC;
	v57 =	vand.u32 $0x3FFC, v55;
	v4 =	vor.u32 v54, v8  }
0x53: {  	v0 =	vor.u32 v2, v0;
	v5 =	vand.u32 $0x3, v58;
	v59 =	vor.u32 v56, v57;
	[tilespmem:s25+$0x20] =	vst v4  }
0x54: {  	v3 =	vor.u32 v60, v3;
	v1 =	vand.u32 $0x3, v62;
	v61 =	vor.u32 v5, v59;
	[tilespmem:s24+$0xFFFFFFF0] =	vst v0  }
0x55: {  	v63 =	vor.u32 v1, v3;
	[tilespmem:s25+$0x30] =	vst v61  }
0x56: {  	s0 =	simm.s32 $0x3200;
	s24 =	simm.s32 $0x0;
	[tilespmem:s25+$0xFFFFFFF0] =	vst v63  }
0x57: {  	[tilespmem:s0], [sflag:$0x1] =	stream.indirect.gather [hbm4b:s4+s9], $0x20, s24, s9, $0xb8;
	[tilespmem:$0x17A00] =	vst v63  }
0x58: {  	s30 =	simm.s32 $0x3E00  }
0x59: {  	[tilespmem:s30], [sflag:$0x1] =	stream.indirect.gather [hbm4b:s4+s11], $0x20, s9, s11, $0xb8;
	[tilespmem:$0x17A00] =	vst v63  }
0x5a: {  	s31 =	simm.s32 $0xC8;
	s1 =	simm.s32 $0x4B00  }
0x5b: {  	[tilespmem:s1], [sflag:$0x2] =	stream.indirect.gather [hbm4b:s4+s9], $0x20, s31, s9, $0xb8;
	[tilespmem:$0x17A00] =	vst v63  }
0x5c: {  	s26 =	simm.s32 $0x5700;
	s25 =	simm.s32 $0x128  }
0x5d: {  	[tilespmem:s26], [sflag:$0x2] =	stream.indirect.gather [hbm4b:s4+s11], $0x20, s25, s11, $0xb8;
	[tilespmem:$0x17A00] =	vst v63  }
0x5e: {  	s28 =	simm.s32 $0x190;
	s29 =	simm.s32 $0x6400  }
0x5f: {  	[tilespmem:s29], [sflag:$0x3] =	stream.indirect.gather [hbm4b:s4+s9], $0x20, s28, s9, $0xb8;
	[tilespmem:$0x17A00] =	vst v63  }
0x60: {  	s30 =	simm.s32 $0x1F0;
	s31 =	simm.s32 $0x7000  }
0x61: {  	[tilespmem:s31], [sflag:$0x3] =	stream.indirect.gather [hbm4b:s4+s11], $0x20, s30, s11, $0xb8;
	[tilespmem:$0x17A00] =	vst v63  }
0x62: {  	s25 =	simm.s32 $0x258;
	s26 =	simm.s32 $0x7D00  }
0x63: {  	[tilespmem:s26], [sflag:$0x4] =	stream.indirect.gather [hbm4b:s4+s9], $0x20, s25, s9, $0xb8;
	[tilespmem:$0x17A00] =	vst v63  }
0x64: {  	s28 =	simm.s32 $0x2B8;
	s29 =	simm.s32 $0x8900  }
0x65: {  	[tilespmem:s29], [sflag:$0x4] =	stream.indirect.gather [hbm4b:s4+s11], $0x20, s28, s11, $0xb8;
	[tilespmem:$0x17A00] =	vst v63  }
0x66: {  	s30 =	simm.s32 $0x320;
	s31 =	simm.s32 $0x9600  }
0x67: {  	[tilespmem:s31], [sflag:$0x5] =	stream.indirect.gather [hbm4b:s4+s9], $0x20, s30, s9, $0xb8;
	[tilespmem:$0x17A00] =	vst v63  }
0x68: {  	s25 =	simm.s32 $0x380;
	s26 =	simm.s32 $0xA200  }
0x69: {  	[tilespmem:s26], [sflag:$0x5] =	stream.indirect.gather [hbm4b:s4+s11], $0x20, s25, s11, $0xb8;
	[tilespmem:$0x17A00] =	vst v63  }
0x6a: {  	s28 =	simm.s32 $0x3E8;
	s29 =	simm.s32 $0xAF00  }
0x6b: {  	[tilespmem:s29], [sflag:$0x6] =	stream.indirect.gather [hbm4b:s4+s9], $0x20, s28, s9, $0xb8;
	[tilespmem:$0x17A00] =	vst v63  }
0x6c: {  	s30 =	simm.s32 $0x448;
	s31 =	simm.s32 $0xBB00  }
0x6d: {  	[tilespmem:s31], [sflag:$0x6] =	stream.indirect.gather [hbm4b:s4+s11], $0x20, s30, s11, $0xb8;
	[tilespmem:$0x17A00] =	vst v63  }
0x6e: {  	_ = 	snop  }
0x6f: {  	[tilespmem:s7], [sflag:$0x7] =	stream.indirect.gather [hbm4b:s4+s9], $0x20, s6, s9, $0xb8;
	[tilespmem:$0x17A00] =	vst v63  }
0x70: {  	s25 =	sshll.u32 s23, $0x6  }
0x71: {  	[tilespmem:s12], [sflag:$0x7] =	stream.indirect.gather [hbm4b:s4+s11], $0x20, s10, s11, $0xb8;
	[tilespmem:$0x17A00] =	vst v63  }
.LBB2_5:
0x72: {  	_ =	swait.ge [sflag:s13], $0xC00  }
0x73: {  	[sflag:s13] =	ssyncset.done $0x0  }
0x74: {  	s26 =	sshllo.u32 s24, $0x3;
	[sflag:s13] =	ssyncadd.s32 $0xFFFFF400  }
0x75: {  	s0 =	smul.u32 $0x320, s26;
	_ =	swait.ge [sflag:s13], $0xD00  }
0x76: {  	[sflag:s13] =	ssyncset.done $0x0  }
0x77: {  	s0 =	sshra.s32 s0, $0x2;
	[sflag:s13] =	ssyncadd.s32 $0xFFFFF300  }
0x78: {  	[tilespmem:s14], [sflag:$0x8] =	stream.indirect.gather [hbm4b:s4+s9], $0x20, s0, s9, $0xb8;
	[tilespmem:$0x17A00] =	vst v63  }
0x79: {  	s28 =	simm.s32 $0x32A0;
	s0 =	sadd.s32 $0x60, s0  }
0x7a: {  	[tilespmem:s15], [sflag:$0x8] =	stream.indirect.gather [hbm4b:s4+s11], $0x20, s0, s11, $0xb8;
	[tilespmem:$0x17A00] =	vst v63  }
0x7b: {  	v0 =	vld [tilespmem:s28+$0x80]  }
0x7c: {  	v3 =	vld [tilespmem:s28+$0x60]  }
0x7d: {  	v5 =	vld [tilespmem:s28+$0x40]  }
0x7e: {  	v6 =	vld [tilespmem:s28+$0x20]  }
0x7f: {  	v9 =	vld [tilespmem:s28+$0x0]  }
0x80: {  	v10 =	vld [tilespmem:s28+$0xFFFFFFE0]  }
0x81: {  	v12 =	vld [tilespmem:s28+$0xFFFFFFA0]  }
0x82: {  	v14 =	vld [tilespmem:s28+$0xFFFFFF80]  }
0x83: {  	v13 =	vimm.f32 $0.0e+00;
	v15 =	vld [tilespmem:s28+$0xFFFFFF60]  }
0x84: {  	v16 =	vld [tilespmem:s28+$0xFFFFFF70];
	v2 =	vshll.u32 v3, $0x10;
	v1 =	vshll.u32 v0, $0x10;
	v0 =	vand.u32 $0xFFFF0000, v0  }
0x85: {  	v4 =	vshll.u32 v5, $0x10;
	v5 =	vand.u32 $0xFFFF0000, v5;
	v3 =	vand.u32 $0xFFFF0000, v3  }
0x86: {  	v17 =	vld [tilespmem:s28+$0xFFFFFF90];
	v8 =	vshll.u32 v9, $0x10;
	v7 =	vshll.u32 v6, $0x10;
	v6 =	vand.u32 $0xFFFF0000, v6  }
0x87: {  	v18 =	vshll.u32 v10, $0x10;
	v19 =	vand.u32 $0xFFFF0000, v10;
	v10 =	vshll.u32 v12, $0x10  }
0x88: {  	v22 =	vld [tilespmem:s28+$0xFFFFFFB0];
	v21 =	vshll.u32 v14, $0x10;
	v14 =	vand.u32 $0xFFFF0000, v14;
	v12 =	vand.u32 $0xFFFF0000, v12  }
0x89: {  	v23 =	vshll.u32 v15, $0x10;
	v15 =	vand.u32 $0xFFFF0000, v15;
	v24 =	vshll.u32 v16, $0x10  }
0x8a: {  	v11 =	vld [tilespmem:s28+$0xFFFFFFC0];
	v16 =	vand.u32 $0xFFFF0000, v16;
	v23 =	vadd.f32 v23, v13;
	v15 =	vadd.f32 v15, v13  }
0x8b: {  	v25 =	vld [tilespmem:s28+$0xFFFFFFD0];
	v24 =	vadd.f32 v24, v13;
	v13 =	vadd.f32 v16, v13;
	v16 =	vshll.u32 v17, $0x10  }
0x8c: {  	v21 =	vadd.f32 v21, v23;
	v14 =	vadd.f32 v14, v15;
	v15 =	vand.u32 $0xFFFF0000, v17  }
0x8d: {  	v63 =	vld [tilespmem:s28+$0xFFFFFFF0];
	v16 =	vadd.f32 v16, v24;
	v13 =	vadd.f32 v15, v13;
	v15 =	vshll.u32 v22, $0x10  }
0x8e: {  	v10 =	vadd.f32 v10, v21;
	v14 =	vadd.f32 v12, v14;
	v12 =	vand.u32 $0xFFFF0000, v22  }
0x8f: {  	v9 =	vand.u32 $0xFFFF0000, v9;
	v15 =	vadd.f32 v15, v16;
	v16 =	vadd.f32 v12, v13;
	v12 =	vld [tilespmem:s28+$0x10]  }
0x90: {  	v20 =	vshll.u32 v11, $0x10;
	v11 =	vand.u32 $0xFFFF0000, v11;
	v13 =	vshll.u32 v25, $0x10  }
0x91: {  	v20 =	vadd.f32 v20, v10;
	v11 =	vadd.f32 v11, v14;
	v14 =	vand.u32 $0xFFFF0000, v25;
	v10 =	vld [tilespmem:s28+$0x30]  }
0x92: {  	v17 =	vshll.u32 v63, $0x10;
	v13 =	vadd.f32 v13, v15;
	v14 =	vadd.f32 v14, v16  }
0x93: {  	s29 =	sshll.u32 s24, $0x3;
	s30 =	simm.s32 $0x0;
	s0 =	simm.s32 $0x33E0;
	v15 =	vadd.f32 v18, v20;
	v16 =	vadd.f32 v19, v11;
	v18 =	vand.u32 $0xFFFF0000, v63;
	v11 =	vld [tilespmem:s28+$0x50]  }
.LBB2_6:
0x94: {  	v19 =	vld [tilespmem:s0+$0x80];
	v13 =	vadd.f32 v17, v13;
	v14 =	vadd.f32 v18, v14;
	v17 =	vshll.u32 v12, $0x10  }
0x95: {  	v12 =	vand.u32 $0xFFFF0000, v12;
	v8 =	vadd.f32 v8, v15;
	v9 =	vadd.f32 v9, v16;
	v15 =	vld [tilespmem:s28+$0x70]  }
0x96: {  	v13 =	vadd.f32 v17, v13;
	v12 =	vadd.f32 v12, v14;
	v14 =	vshll.u32 v10, $0x10;
	v16 =	vld [tilespmem:s28+$0x90];
	s28 =	smov.u32 s0  }
0x97: {  	v17 =	vld [tilespmem:s0+$0x60];
	v7 =	vadd.f32 v7, v8;
	v6 =	vadd.f32 v6, v9;
	v8 =	vand.u32 $0xFFFF0000, v10  }
0x98: {  	v9 =	vld [tilespmem:s0+$0x40];
	v10 =	vadd.f32 v14, v13;
	v8 =	vadd.f32 v8, v12;
	v12 =	vshll.u32 v11, $0x10  }
0x99: {  	v13 =	vld [tilespmem:s0+$0x20];
	v4 =	vadd.f32 v4, v7;
	v5 =	vadd.f32 v5, v6;
	v6 =	vand.u32 $0xFFFF0000, v11  }
0x9a: {  	v11 =	vld [tilespmem:s0+$0x0];
	v7 =	vadd.f32 v12, v10;
	v6 =	vadd.f32 v6, v8;
	v8 =	vshll.u32 v15, $0x10  }
0x9b: {  	v10 =	vld [tilespmem:s0+$0xFFFFFFE0];
	v2 =	vadd.f32 v2, v4;
	v3 =	vadd.f32 v3, v5;
	v4 =	vand.u32 $0xFFFF0000, v15  }
0x9c: {  	v12 =	vld [tilespmem:s0+$0xFFFFFFC0];
	v5 =	vadd.f32 v8, v7;
	v4 =	vadd.f32 v4, v6;
	v6 =	vshll.u32 v16, $0x10  }
0x9d: {  	v14 =	vld [tilespmem:s0+$0xFFFFFFA0];
	v15 =	vadd.f32 v1, v2;
	v18 =	vadd.f32 v0, v3;
	v0 =	vand.u32 $0xFFFF0000, v16  }
0x9e: {  	v16 =	vld [tilespmem:s0+$0xFFFFFF80];
	v20 =	vadd.f32 v6, v5;
	v21 =	vadd.f32 v0, v4  }
0x9f: {  	v2 =	vshll.u32 v17, $0x10;
	v1 =	vshll.u32 v19, $0x10;
	v0 =	vand.u32 $0xFFFF0000, v19;
	v22 =	vld [tilespmem:s0+$0xFFFFFF60]  }
0xa0: {  	v3 =	vand.u32 $0xFFFF0000, v17;
	v4 =	vshll.u32 v9, $0x10;
	v5 =	vand.u32 $0xFFFF0000, v9;
	v19 =	vld [tilespmem:s0+$0xFFFFFF70]  }
0xa1: {  	s30 =	sadd.s32 $0xA, s30;
	v7 =	vshll.u32 v13, $0x10;
	v6 =	vand.u32 $0xFFFF0000, v13;
	v8 =	vshll.u32 v11, $0x10  }
0xa2: {  	p0 =	slt.u32 s30, $0xBE;
	v9 =	vand.u32 $0xFFFF0000, v11;
	v23 =	vshll.u32 v10, $0x10;
	v24 =	vand.u32 $0xFFFF0000, v10;
	v13 =	vld [tilespmem:s0+$0xFFFFFF90]  }
0xa3: {  	v11 =	vshll.u32 v12, $0x10;
	v17 =	vand.u32 $0xFFFF0000, v12;
	v10 =	vshll.u32 v14, $0x10  }
0xa4: {  	v14 =	vand.u32 $0xFFFF0000, v14;
	v12 =	vshll.u32 v16, $0x10;
	v16 =	vand.u32 $0xFFFF0000, v16;
	v25 =	vld [tilespmem:s0+$0xFFFFFFB0]  }
0xa5: {  	v26 =	vshll.u32 v22, $0x10;
	v22 =	vand.u32 $0xFFFF0000, v22;
	v27 =	vshll.u32 v19, $0x10  }
0xa6: {  	v15 =	vadd.f32 v26, v15;
	v18 =	vadd.f32 v22, v18;
	v19 =	vand.u32 $0xFFFF0000, v19;
	v22 =	vld [tilespmem:s0+$0xFFFFFFD0]  }
0xa7: {  	v20 =	vadd.f32 v27, v20;
	v19 =	vadd.f32 v19, v21;
	v21 =	vshll.u32 v13, $0x10  }
0xa8: {  	v12 =	vadd.f32 v12, v15;
	v15 =	vadd.f32 v16, v18;
	v13 =	vand.u32 $0xFFFF0000, v13;
	v18 =	vld [tilespmem:s0+$0xFFFFFFF0]  }
0xa9: {  	v16 =	vadd.f32 v21, v20;
	v13 =	vadd.f32 v13, v19;
	v19 =	vshll.u32 v25, $0x10  }
.Ltmp1:
0xaa: {  	v10 =	vadd.f32 v10, v12;
	v14 =	vadd.f32 v14, v15;
	v15 =	vand.u32 $0xFFFF0000, v25;
	v12 =	vld [tilespmem:s0+$0x10];
	(pc) =	sbr.rel @p0 .LBB2_6-.Ltmp1, $4  }
0xab: {  	v16 =	vadd.f32 v19, v16;
	v15 =	vadd.f32 v15, v13;
	v13 =	vshll.u32 v22, $0x10  }
0xac: {  	v11 =	vadd.f32 v11, v10;
	v19 =	vadd.f32 v17, v14;
	v14 =	vand.u32 $0xFFFF0000, v22;
	v10 =	vld [tilespmem:s0+$0x30]  }
0xad: {  	v13 =	vadd.f32 v13, v16;
	v14 =	vadd.f32 v14, v15;
	v17 =	vshll.u32 v18, $0x10  }
0xae: {  	s0 =	sadd.s32 $0x140, s0;
	v15 =	vadd.f32 v23, v11;
	v16 =	vadd.f32 v24, v19;
	v18 =	vand.u32 $0xFFFF0000, v18;
	v11 =	vld [tilespmem:s28+$0x50]  }
0xaf: {  	_ = 	snop  }
0xb0: {  	v13 =	vadd.f32 v17, v13;
	v8 =	vadd.f32 v8, v15  }
0xb1: {  	v14 =	vadd.f32 v18, v14;
	v17 =	vshll.u32 v12, $0x10;
	v9 =	vadd.f32 v9, v16  }
0xb2: {  	v12 =	vand.u32 $0xFFFF0000, v12;
	v15 =	vld [tilespmem:s28+$0x70];
	v13 =	vadd.f32 v17, v13;
	v7 =	vadd.f32 v7, v8  }
0xb3: {  	v12 =	vadd.f32 v12, v14;
	v14 =	vshll.u32 v10, $0x10;
	v6 =	vadd.f32 v6, v9  }
0xb4: {  	v8 =	vld [tilespmem:s28+$0x90];
	v9 =	vand.u32 $0xFFFF0000, v10;
	v10 =	vadd.f32 v14, v13;
	v4 =	vadd.f32 v4, v7  }
0xb5: {  	v9 =	vadd.f32 v9, v12;
	v12 =	vshll.u32 v11, $0x10;
	v5 =	vadd.f32 v5, v6  }
0xb6: {  	v6 =	vand.u32 $0xFFFF0000, v11;
	v7 =	vadd.f32 v12, v10;
	v2 =	vadd.f32 v2, v4  }
0xb7: {  	s0 =	sadd.s32 s25, s29;
	v6 =	vadd.f32 v6, v9;
	v9 =	vshll.u32 v15, $0x10;
	v3 =	vadd.f32 v3, v5  }
0xb8: {  	s0 =	sshll.u32 s0, $0x6;
	v5 =	vand.u32 $0xFFFF0000, v15;
	v4 =	vadd.f32 v9, v7;
	v1 =	vadd.f32 v1, v2  }
0xb9: {  	s0 =	sand.u32 $0x3FFFFFC0, s0;
	v7 =	vshll.u32 v8, $0x10;
	v2 =	vadd.f32 v5, v6;
	v0 =	vadd.f32 v0, v3  }
0xba: {  	v3 =	vand.u32 $0xFFFF0000, v8;
	v4 =	vadd.f32 v7, v4;
	[tilespmem:s0+$0xFA00] =	vst v1  }
0xbb: {  	v1 =	vadd.f32 v3, v2;
	[tilespmem:s0+$0xFA20] =	vst v0  }
0xbc: {  	[tilespmem:s0+$0xFA10] =	vst v4  }
0xbd: {  	[tilespmem:s0+$0xFA30] =	vst v1  }
0xbe: {  	_ =	swait.ge [sflag:s16], $0xC00  }
0xbf: {  	p0 =	seq.s32 s24, $0x7;
	[sflag:s16] =	ssyncset.done $0x0  }
0xc0: {  	s0 =	smul.u32 @!p0 $0x1900, s24;
	[sflag:s16] =	ssyncadd.s32 $0xFFFFF400  }
0xc1: {  	_ =	swait.ge [sflag:s16], $0xD00  }
0xc2: {  	s1 =	simm.s32 @!p0 $0x60;
	s28 =	sshra.s32 @!p0 s0, $0x2;
	[sflag:s16] =	ssyncset.done $0x0  }
0xc3: {  	s30 =	simm.s32 @!p0 $0x3200;
	s0 =	sadd.s32 @!p0 $0x640, s28;
	[sflag:s16] =	ssyncadd.s32 $0xFFFFF300  }
0xc4: {  	[tilespmem:s30], [sflag:$0x1] =	stream.indirect.gather @!p0 [hbm4b:s4+s1], $0x20, s0, s1, $0xb8;
	[tilespmem:$0x17A00] =	vst v63  }
0xc5: {  	s0 =	sadd.s32 @!p0 $0x6A0, s28;
	s1 =	simm.s32 @!p0 $0x68;
	s30 =	simm.s32 @!p0 $0x3E00  }
0xc6: {  	[tilespmem:s30], [sflag:$0x1] =	stream.indirect.gather @!p0 [hbm4b:s4+s1], $0x20, s0, s1, $0xb8;
	[tilespmem:$0x17A00] =	vst v63  }
0xc7: {  	s30 =	simm.s32 $0x4BA0  }
0xc8: {  	v0 =	vld [tilespmem:s30+$0x80]  }
0xc9: {  	v3 =	vld [tilespmem:s30+$0x60]  }
0xca: {  	v5 =	vld [tilespmem:s30+$0x40]  }
0xcb: {  	v6 =	vld [tilespmem:s30+$0x20]  }
0xcc: {  	v9 =	vld [tilespmem:s30+$0x0]  }
0xcd: {  	v10 =	vld [tilespmem:s30+$0xFFFFFFE0]  }
0xce: {  	v12 =	vld [tilespmem:s30+$0xFFFFFFA0]  }
0xcf: {  	v14 =	vld [tilespmem:s30+$0xFFFFFF80]  }
0xd0: {  	v13 =	vimm.f32 $0.0e+00;
	v15 =	vld [tilespmem:s30+$0xFFFFFF60]  }
0xd1: {  	v16 =	vld [tilespmem:s30+$0xFFFFFF70];
	v2 =	vshll.u32 v3, $0x10;
	v1 =	vshll.u32 v0, $0x10;
	v0 =	vand.u32 $0xFFFF0000, v0  }
0xd2: {  	v4 =	vshll.u32 v5, $0x10;
	v5 =	vand.u32 $0xFFFF0000, v5;
	v3 =	vand.u32 $0xFFFF0000, v3  }
0xd3: {  	v17 =	vld [tilespmem:s30+$0xFFFFFF90];
	v8 =	vshll.u32 v9, $0x10;
	v7 =	vshll.u32 v6, $0x10;
	v6 =	vand.u32 $0xFFFF0000, v6  }
0xd4: {  	v18 =	vshll.u32 v10, $0x10;
	v19 =	vand.u32 $0xFFFF0000, v10;
	v10 =	vshll.u32 v12, $0x10  }
0xd5: {  	v22 =	vld [tilespmem:s30+$0xFFFFFFB0];
	v21 =	vshll.u32 v14, $0x10;
	v14 =	vand.u32 $0xFFFF0000, v14;
	v12 =	vand.u32 $0xFFFF0000, v12  }
0xd6: {  	v23 =	vshll.u32 v15, $0x10;
	v15 =	vand.u32 $0xFFFF0000, v15;
	v24 =	vshll.u32 v16, $0x10  }
0xd7: {  	v11 =	vld [tilespmem:s30+$0xFFFFFFC0];
	v16 =	vand.u32 $0xFFFF0000, v16;
	v23 =	vadd.f32 v23, v13;
	v15 =	vadd.f32 v15, v13  }
0xd8: {  	v25 =	vld [tilespmem:s30+$0xFFFFFFD0];
	v24 =	vadd.f32 v24, v13;
	v13 =	vadd.f32 v16, v13;
	v16 =	vshll.u32 v17, $0x10  }
0xd9: {  	v21 =	vadd.f32 v21, v23;
	v14 =	vadd.f32 v14, v15;
	v15 =	vand.u32 $0xFFFF0000, v17  }
0xda: {  	v63 =	vld [tilespmem:s30+$0xFFFFFFF0];
	v16 =	vadd.f32 v16, v24;
	v13 =	vadd.f32 v15, v13;
	v15 =	vshll.u32 v22, $0x10  }
0xdb: {  	v10 =	vadd.f32 v10, v21;
	v14 =	vadd.f32 v12, v14;
	v12 =	vand.u32 $0xFFFF0000, v22  }
0xdc: {  	v9 =	vand.u32 $0xFFFF0000, v9;
	v15 =	vadd.f32 v15, v16;
	v16 =	vadd.f32 v12, v13;
	v12 =	vld [tilespmem:s30+$0x10]  }
0xdd: {  	v20 =	vshll.u32 v11, $0x10;
	v11 =	vand.u32 $0xFFFF0000, v11;
	v13 =	vshll.u32 v25, $0x10  }
0xde: {  	v20 =	vadd.f32 v20, v10;
	v11 =	vadd.f32 v11, v14;
	v14 =	vand.u32 $0xFFFF0000, v25;
	v10 =	vld [tilespmem:s30+$0x30]  }
0xdf: {  	v17 =	vshll.u32 v63, $0x10;
	v13 =	vadd.f32 v13, v15;
	v14 =	vadd.f32 v14, v16  }
0xe0: {  	s31 =	sor.u32 $0x1, s29;
	s0 =	simm.s32 $0x0;
	s1 =	simm.s32 $0x4CE0;
	v15 =	vadd.f32 v18, v20;
	v16 =	vadd.f32 v19, v11;
	v18 =	vand.u32 $0xFFFF0000, v63;
	v11 =	vld [tilespmem:s30+$0x50]  }
.LBB2_8:
0xe1: {  	v19 =	vld [tilespmem:s1+$0x80];
	v13 =	vadd.f32 v17, v13;
	v14 =	vadd.f32 v18, v14;
	v17 =	vshll.u32 v12, $0x10  }
0xe2: {  	v12 =	vand.u32 $0xFFFF0000, v12;
	v8 =	vadd.f32 v8, v15;
	v9 =	vadd.f32 v9, v16;
	v15 =	vld [tilespmem:s30+$0x70]  }
0xe3: {  	v13 =	vadd.f32 v17, v13;
	v12 =	vadd.f32 v12, v14;
	v14 =	vshll.u32 v10, $0x10;
	v16 =	vld [tilespmem:s30+$0x90];
	s30 =	smov.u32 s1  }
0xe4: {  	v17 =	vld [tilespmem:s1+$0x60];
	v7 =	vadd.f32 v7, v8;
	v6 =	vadd.f32 v6, v9;
	v8 =	vand.u32 $0xFFFF0000, v10  }
0xe5: {  	v9 =	vld [tilespmem:s1+$0x40];
	v10 =	vadd.f32 v14, v13;
	v8 =	vadd.f32 v8, v12;
	v12 =	vshll.u32 v11, $0x10  }
0xe6: {  	v13 =	vld [tilespmem:s1+$0x20];
	v4 =	vadd.f32 v4, v7;
	v5 =	vadd.f32 v5, v6;
	v6 =	vand.u32 $0xFFFF0000, v11  }
0xe7: {  	v11 =	vld [tilespmem:s1+$0x0];
	v7 =	vadd.f32 v12, v10;
	v6 =	vadd.f32 v6, v8;
	v8 =	vshll.u32 v15, $0x10  }
0xe8: {  	v10 =	vld [tilespmem:s1+$0xFFFFFFE0];
	v2 =	vadd.f32 v2, v4;
	v3 =	vadd.f32 v3, v5;
	v4 =	vand.u32 $0xFFFF0000, v15  }
0xe9: {  	v12 =	vld [tilespmem:s1+$0xFFFFFFC0];
	v5 =	vadd.f32 v8, v7;
	v4 =	vadd.f32 v4, v6;
	v6 =	vshll.u32 v16, $0x10  }
0xea: {  	v14 =	vld [tilespmem:s1+$0xFFFFFFA0];
	v15 =	vadd.f32 v1, v2;
	v18 =	vadd.f32 v0, v3;
	v0 =	vand.u32 $0xFFFF0000, v16  }
0xeb: {  	v16 =	vld [tilespmem:s1+$0xFFFFFF80];
	v20 =	vadd.f32 v6, v5;
	v21 =	vadd.f32 v0, v4  }
0xec: {  	v2 =	vshll.u32 v17, $0x10;
	v1 =	vshll.u32 v19, $0x10;
	v0 =	vand.u32 $0xFFFF0000, v19;
	v22 =	vld [tilespmem:s1+$0xFFFFFF60]  }
0xed: {  	v3 =	vand.u32 $0xFFFF0000, v17;
	v4 =	vshll.u32 v9, $0x10;
	v5 =	vand.u32 $0xFFFF0000, v9;
	v19 =	vld [tilespmem:s1+$0xFFFFFF70]  }
0xee: {  	s0 =	sadd.s32 $0xA, s0;
	v7 =	vshll.u32 v13, $0x10;
	v6 =	vand.u32 $0xFFFF0000, v13;
	v8 =	vshll.u32 v11, $0x10  }
0xef: {  	p1 =	slt.u32 s0, $0xBE;
	v9 =	vand.u32 $0xFFFF0000, v11;
	v23 =	vshll.u32 v10, $0x10;
	v24 =	vand.u32 $0xFFFF0000, v10;
	v13 =	vld [tilespmem:s1+$0xFFFFFF90]  }
0xf0: {  	v11 =	vshll.u32 v12, $0x10;
	v17 =	vand.u32 $0xFFFF0000, v12;
	v10 =	vshll.u32 v14, $0x10  }
0xf1: {  	v14 =	vand.u32 $0xFFFF0000, v14;
	v12 =	vshll.u32 v16, $0x10;
	v16 =	vand.u32 $0xFFFF0000, v16;
	v25 =	vld [tilespmem:s1+$0xFFFFFFB0]  }
0xf2: {  	v26 =	vshll.u32 v22, $0x10;
	v22 =	vand.u32 $0xFFFF0000, v22;
	v27 =	vshll.u32 v19, $0x10  }
0xf3: {  	v15 =	vadd.f32 v26, v15;
	v18 =	vadd.f32 v22, v18;
	v19 =	vand.u32 $0xFFFF0000, v19;
	v22 =	vld [tilespmem:s1+$0xFFFFFFD0]  }
0xf4: {  	v20 =	vadd.f32 v27, v20;
	v19 =	vadd.f32 v19, v21;
	v21 =	vshll.u32 v13, $0x10  }
0xf5: {  	v12 =	vadd.f32 v12, v15;
	v15 =	vadd.f32 v16, v18;
	v13 =	vand.u32 $0xFFFF0000, v13;
	v18 =	vld [tilespmem:s1+$0xFFFFFFF0]  }
0xf6: {  	v16 =	vadd.f32 v21, v20;
	v13 =	vadd.f32 v13, v19;
	v19 =	vshll.u32 v25, $0x10  }
.Ltmp2:
0xf7: {  	v10 =	vadd.f32 v10, v12;
	v14 =	vadd.f32 v14, v15;
	v15 =	vand.u32 $0xFFFF0000, v25;
	v12 =	vld [tilespmem:s1+$0x10];
	(pc) =	sbr.rel @p1 .LBB2_8-.Ltmp2, $4  }
0xf8: {  	v16 =	vadd.f32 v19, v16;
	v15 =	vadd.f32 v15, v13;
	v13 =	vshll.u32 v22, $0x10  }
0xf9: {  	v11 =	vadd.f32 v11, v10;
	v19 =	vadd.f32 v17, v14;
	v14 =	vand.u32 $0xFFFF0000, v22;
	v10 =	vld [tilespmem:s1+$0x30]  }
0xfa: {  	v13 =	vadd.f32 v13, v16;
	v14 =	vadd.f32 v14, v15;
	v17 =	vshll.u32 v18, $0x10  }
0xfb: {  	s1 =	sadd.s32 $0x140, s1;
	v15 =	vadd.f32 v23, v11;
	v16 =	vadd.f32 v24, v19;
	v18 =	vand.u32 $0xFFFF0000, v18;
	v11 =	vld [tilespmem:s30+$0x50]  }
0xfc: {  	_ = 	snop  }
0xfd: {  	v13 =	vadd.f32 v17, v13;
	v8 =	vadd.f32 v8, v15  }
0xfe: {  	v14 =	vadd.f32 v18, v14;
	v17 =	vshll.u32 v12, $0x10;
	v9 =	vadd.f32 v9, v16  }
0xff: {  	v12 =	vand.u32 $0xFFFF0000, v12;
	v15 =	vld [tilespmem:s30+$0x70];
	v13 =	vadd.f32 v17, v13;
	v7 =	vadd.f32 v7, v8  }
0x100: {  	v12 =	vadd.f32 v12, v14;
	v14 =	vshll.u32 v10, $0x10;
	v6 =	vadd.f32 v6, v9  }
0x101: {  	v8 =	vld [tilespmem:s30+$0x90];
	v9 =	vand.u32 $0xFFFF0000, v10;
	v10 =	vadd.f32 v14, v13;
	v4 =	vadd.f32 v4, v7  }
0x102: {  	v9 =	vadd.f32 v9, v12;
	v12 =	vshll.u32 v11, $0x10;
	v5 =	vadd.f32 v5, v6  }
0x103: {  	v6 =	vand.u32 $0xFFFF0000, v11;
	v7 =	vadd.f32 v12, v10;
	v2 =	vadd.f32 v2, v4  }
0x104: {  	s0 =	sadd.s32 s25, s31;
	v6 =	vadd.f32 v6, v9;
	v9 =	vshll.u32 v15, $0x10;
	v3 =	vadd.f32 v3, v5  }
0x105: {  	s0 =	sshll.u32 s0, $0x6;
	v5 =	vand.u32 $0xFFFF0000, v15;
	v4 =	vadd.f32 v9, v7;
	v1 =	vadd.f32 v1, v2  }
0x106: {  	s0 =	sand.u32 $0x3FFFFFC0, s0;
	v7 =	vshll.u32 v8, $0x10;
	v2 =	vadd.f32 v5, v6;
	v0 =	vadd.f32 v0, v3  }
0x107: {  	v3 =	vand.u32 $0xFFFF0000, v8;
	v4 =	vadd.f32 v7, v4;
	[tilespmem:s0+$0xFA00] =	vst v1  }
0x108: {  	v1 =	vadd.f32 v3, v2;
	[tilespmem:s0+$0xFA20] =	vst v0  }
0x109: {  	[tilespmem:s0+$0xFA10] =	vst v4  }
0x10a: {  	[tilespmem:s0+$0xFA30] =	vst v1  }
0x10b: {  	_ =	swait.ge [sflag:s17], $0xC00  }
0x10c: {  	[sflag:s17] =	ssyncset.done $0x0  }
0x10d: {  	[sflag:s17] =	ssyncadd.s32 $0xFFFFF400  }
0x10e: {  	_ =	swait.ge [sflag:s17], $0xD00  }
0x10f: {  	s1 =	simm.s32 @!p0 $0x60;
	[sflag:s17] =	ssyncset.done $0x0  }
0x110: {  	s30 =	simm.s32 @!p0 $0x4B00;
	s0 =	sadd.s32 @!p0 $0x708, s28;
	[sflag:s17] =	ssyncadd.s32 $0xFFFFF300  }
0x111: {  	[tilespmem:s30], [sflag:$0x2] =	stream.indirect.gather @!p0 [hbm4b:s4+s1], $0x20, s0, s1, $0xb8;
	[tilespmem:$0x17A00] =	vst v63  }
0x112: {  	s0 =	sadd.s32 @!p0 $0x768, s28;
	s1 =	simm.s32 @!p0 $0x68;
	s30 =	simm.s32 @!p0 $0x5700  }
0x113: {  	[tilespmem:s30], [sflag:$0x2] =	stream.indirect.gather @!p0 [hbm4b:s4+s1], $0x20, s0, s1, $0xb8;
	[tilespmem:$0x17A00] =	vst v63  }
0x114: {  	s30 =	simm.s32 $0x64A0  }
0x115: {  	v0 =	vld [tilespmem:s30+$0x80]  }
0x116: {  	v3 =	vld [tilespmem:s30+$0x60]  }
0x117: {  	v5 =	vld [tilespmem:s30+$0x40]  }
0x118: {  	v6 =	vld [tilespmem:s30+$0x20]  }
0x119: {  	v9 =	vld [tilespmem:s30+$0x0]  }
0x11a: {  	v10 =	vld [tilespmem:s30+$0xFFFFFFE0]  }
0x11b: {  	v12 =	vld [tilespmem:s30+$0xFFFFFFA0]  }
0x11c: {  	v14 =	vld [tilespmem:s30+$0xFFFFFF80]  }
0x11d: {  	v13 =	vimm.f32 $0.0e+00;
	v15 =	vld [tilespmem:s30+$0xFFFFFF60]  }
0x11e: {  	v16 =	vld [tilespmem:s30+$0xFFFFFF70];
	v2 =	vshll.u32 v3, $0x10;
	v1 =	vshll.u32 v0, $0x10;
	v0 =	vand.u32 $0xFFFF0000, v0  }
0x11f: {  	v4 =	vshll.u32 v5, $0x10;
	v5 =	vand.u32 $0xFFFF0000, v5;
	v3 =	vand.u32 $0xFFFF0000, v3  }
0x120: {  	v17 =	vld [tilespmem:s30+$0xFFFFFF90];
	v8 =	vshll.u32 v9, $0x10;
	v7 =	vshll.u32 v6, $0x10;
	v6 =	vand.u32 $0xFFFF0000, v6  }
0x121: {  	v18 =	vshll.u32 v10, $0x10;
	v19 =	vand.u32 $0xFFFF0000, v10;
	v10 =	vshll.u32 v12, $0x10  }
0x122: {  	v22 =	vld [tilespmem:s30+$0xFFFFFFB0];
	v21 =	vshll.u32 v14, $0x10;
	v14 =	vand.u32 $0xFFFF0000, v14;
	v12 =	vand.u32 $0xFFFF0000, v12  }
0x123: {  	v23 =	vshll.u32 v15, $0x10;
	v15 =	vand.u32 $0xFFFF0000, v15;
	v24 =	vshll.u32 v16, $0x10  }
0x124: {  	v11 =	vld [tilespmem:s30+$0xFFFFFFC0];
	v16 =	vand.u32 $0xFFFF0000, v16;
	v23 =	vadd.f32 v23, v13;
	v15 =	vadd.f32 v15, v13  }
0x125: {  	v25 =	vld [tilespmem:s30+$0xFFFFFFD0];
	v24 =	vadd.f32 v24, v13;
	v13 =	vadd.f32 v16, v13;
	v16 =	vshll.u32 v17, $0x10  }
0x126: {  	v21 =	vadd.f32 v21, v23;
	v14 =	vadd.f32 v14, v15;
	v15 =	vand.u32 $0xFFFF0000, v17  }
0x127: {  	v63 =	vld [tilespmem:s30+$0xFFFFFFF0];
	v16 =	vadd.f32 v16, v24;
	v13 =	vadd.f32 v15, v13;
	v15 =	vshll.u32 v22, $0x10  }
0x128: {  	v10 =	vadd.f32 v10, v21;
	v14 =	vadd.f32 v12, v14;
	v12 =	vand.u32 $0xFFFF0000, v22  }
0x129: {  	v9 =	vand.u32 $0xFFFF0000, v9;
	v15 =	vadd.f32 v15, v16;
	v16 =	vadd.f32 v12, v13;
	v12 =	vld [tilespmem:s30+$0x10]  }
0x12a: {  	v20 =	vshll.u32 v11, $0x10;
	v11 =	vand.u32 $0xFFFF0000, v11;
	v13 =	vshll.u32 v25, $0x10  }
0x12b: {  	v20 =	vadd.f32 v20, v10;
	v11 =	vadd.f32 v11, v14;
	v14 =	vand.u32 $0xFFFF0000, v25;
	v10 =	vld [tilespmem:s30+$0x30]  }
0x12c: {  	v17 =	vshll.u32 v63, $0x10;
	v13 =	vadd.f32 v13, v15;
	v14 =	vadd.f32 v14, v16  }
0x12d: {  	s31 =	sor.u32 $0x2, s29;
	s0 =	simm.s32 $0x0;
	s1 =	simm.s32 $0x65E0;
	v15 =	vadd.f32 v18, v20;
	v16 =	vadd.f32 v19, v11;
	v18 =	vand.u32 $0xFFFF0000, v63;
	v11 =	vld [tilespmem:s30+$0x50]  }
.LBB2_10:
0x12e: {  	v19 =	vld [tilespmem:s1+$0x80];
	v13 =	vadd.f32 v17, v13;
	v14 =	vadd.f32 v18, v14;
	v17 =	vshll.u32 v12, $0x10  }
0x12f: {  	v12 =	vand.u32 $0xFFFF0000, v12;
	v8 =	vadd.f32 v8, v15;
	v9 =	vadd.f32 v9, v16;
	v15 =	vld [tilespmem:s30+$0x70]  }
0x130: {  	v13 =	vadd.f32 v17, v13;
	v12 =	vadd.f32 v12, v14;
	v14 =	vshll.u32 v10, $0x10;
	v16 =	vld [tilespmem:s30+$0x90];
	s30 =	smov.u32 s1  }
0x131: {  	v17 =	vld [tilespmem:s1+$0x60];
	v7 =	vadd.f32 v7, v8;
	v6 =	vadd.f32 v6, v9;
	v8 =	vand.u32 $0xFFFF0000, v10  }
0x132: {  	v9 =	vld [tilespmem:s1+$0x40];
	v10 =	vadd.f32 v14, v13;
	v8 =	vadd.f32 v8, v12;
	v12 =	vshll.u32 v11, $0x10  }
0x133: {  	v13 =	vld [tilespmem:s1+$0x20];
	v4 =	vadd.f32 v4, v7;
	v5 =	vadd.f32 v5, v6;
	v6 =	vand.u32 $0xFFFF0000, v11  }
0x134: {  	v11 =	vld [tilespmem:s1+$0x0];
	v7 =	vadd.f32 v12, v10;
	v6 =	vadd.f32 v6, v8;
	v8 =	vshll.u32 v15, $0x10  }
0x135: {  	v10 =	vld [tilespmem:s1+$0xFFFFFFE0];
	v2 =	vadd.f32 v2, v4;
	v3 =	vadd.f32 v3, v5;
	v4 =	vand.u32 $0xFFFF0000, v15  }
0x136: {  	v12 =	vld [tilespmem:s1+$0xFFFFFFC0];
	v5 =	vadd.f32 v8, v7;
	v4 =	vadd.f32 v4, v6;
	v6 =	vshll.u32 v16, $0x10  }
0x137: {  	v14 =	vld [tilespmem:s1+$0xFFFFFFA0];
	v15 =	vadd.f32 v1, v2;
	v18 =	vadd.f32 v0, v3;
	v0 =	vand.u32 $0xFFFF0000, v16  }
0x138: {  	v16 =	vld [tilespmem:s1+$0xFFFFFF80];
	v20 =	vadd.f32 v6, v5;
	v21 =	vadd.f32 v0, v4  }
0x139: {  	v2 =	vshll.u32 v17, $0x10;
	v1 =	vshll.u32 v19, $0x10;
	v0 =	vand.u32 $0xFFFF0000, v19;
	v22 =	vld [tilespmem:s1+$0xFFFFFF60]  }
0x13a: {  	v3 =	vand.u32 $0xFFFF0000, v17;
	v4 =	vshll.u32 v9, $0x10;
	v5 =	vand.u32 $0xFFFF0000, v9;
	v19 =	vld [tilespmem:s1+$0xFFFFFF70]  }
0x13b: {  	s0 =	sadd.s32 $0xA, s0;
	v7 =	vshll.u32 v13, $0x10;
	v6 =	vand.u32 $0xFFFF0000, v13;
	v8 =	vshll.u32 v11, $0x10  }
0x13c: {  	p1 =	slt.u32 s0, $0xBE;
	v9 =	vand.u32 $0xFFFF0000, v11;
	v23 =	vshll.u32 v10, $0x10;
	v24 =	vand.u32 $0xFFFF0000, v10;
	v13 =	vld [tilespmem:s1+$0xFFFFFF90]  }
0x13d: {  	v11 =	vshll.u32 v12, $0x10;
	v17 =	vand.u32 $0xFFFF0000, v12;
	v10 =	vshll.u32 v14, $0x10  }
0x13e: {  	v14 =	vand.u32 $0xFFFF0000, v14;
	v12 =	vshll.u32 v16, $0x10;
	v16 =	vand.u32 $0xFFFF0000, v16;
	v25 =	vld [tilespmem:s1+$0xFFFFFFB0]  }
0x13f: {  	v26 =	vshll.u32 v22, $0x10;
	v22 =	vand.u32 $0xFFFF0000, v22;
	v27 =	vshll.u32 v19, $0x10  }
0x140: {  	v15 =	vadd.f32 v26, v15;
	v18 =	vadd.f32 v22, v18;
	v19 =	vand.u32 $0xFFFF0000, v19;
	v22 =	vld [tilespmem:s1+$0xFFFFFFD0]  }
0x141: {  	v20 =	vadd.f32 v27, v20;
	v19 =	vadd.f32 v19, v21;
	v21 =	vshll.u32 v13, $0x10  }
0x142: {  	v12 =	vadd.f32 v12, v15;
	v15 =	vadd.f32 v16, v18;
	v13 =	vand.u32 $0xFFFF0000, v13;
	v18 =	vld [tilespmem:s1+$0xFFFFFFF0]  }
0x143: {  	v16 =	vadd.f32 v21, v20;
	v13 =	vadd.f32 v13, v19;
	v19 =	vshll.u32 v25, $0x10  }
.Ltmp3:
0x144: {  	v10 =	vadd.f32 v10, v12;
	v14 =	vadd.f32 v14, v15;
	v15 =	vand.u32 $0xFFFF0000, v25;
	v12 =	vld [tilespmem:s1+$0x10];
	(pc) =	sbr.rel @p1 .LBB2_10-.Ltmp3, $4  }
0x145: {  	v16 =	vadd.f32 v19, v16;
	v15 =	vadd.f32 v15, v13;
	v13 =	vshll.u32 v22, $0x10  }
0x146: {  	v11 =	vadd.f32 v11, v10;
	v19 =	vadd.f32 v17, v14;
	v14 =	vand.u32 $0xFFFF0000, v22;
	v10 =	vld [tilespmem:s1+$0x30]  }
0x147: {  	v13 =	vadd.f32 v13, v16;
	v14 =	vadd.f32 v14, v15;
	v17 =	vshll.u32 v18, $0x10  }
0x148: {  	s1 =	sadd.s32 $0x140, s1;
	v15 =	vadd.f32 v23, v11;
	v16 =	vadd.f32 v24, v19;
	v18 =	vand.u32 $0xFFFF0000, v18;
	v11 =	vld [tilespmem:s30+$0x50]  }
0x149: {  	_ = 	snop  }
0x14a: {  	v13 =	vadd.f32 v17, v13;
	v8 =	vadd.f32 v8, v15  }
0x14b: {  	v14 =	vadd.f32 v18, v14;
	v17 =	vshll.u32 v12, $0x10;
	v9 =	vadd.f32 v9, v16  }
0x14c: {  	v12 =	vand.u32 $0xFFFF0000, v12;
	v15 =	vld [tilespmem:s30+$0x70];
	v13 =	vadd.f32 v17, v13;
	v7 =	vadd.f32 v7, v8  }
0x14d: {  	v12 =	vadd.f32 v12, v14;
	v14 =	vshll.u32 v10, $0x10;
	v6 =	vadd.f32 v6, v9  }
0x14e: {  	v8 =	vld [tilespmem:s30+$0x90];
	v9 =	vand.u32 $0xFFFF0000, v10;
	v10 =	vadd.f32 v14, v13;
	v4 =	vadd.f32 v4, v7  }
0x14f: {  	v9 =	vadd.f32 v9, v12;
	v12 =	vshll.u32 v11, $0x10;
	v5 =	vadd.f32 v5, v6  }
0x150: {  	v6 =	vand.u32 $0xFFFF0000, v11;
	v7 =	vadd.f32 v12, v10;
	v2 =	vadd.f32 v2, v4  }
0x151: {  	s0 =	sadd.s32 s25, s31;
	v6 =	vadd.f32 v6, v9;
	v9 =	vshll.u32 v15, $0x10;
	v3 =	vadd.f32 v3, v5  }
0x152: {  	s0 =	sshll.u32 s0, $0x6;
	v5 =	vand.u32 $0xFFFF0000, v15;
	v4 =	vadd.f32 v9, v7;
	v1 =	vadd.f32 v1, v2  }
0x153: {  	s0 =	sand.u32 $0x3FFFFFC0, s0;
	v7 =	vshll.u32 v8, $0x10;
	v2 =	vadd.f32 v5, v6;
	v0 =	vadd.f32 v0, v3  }
0x154: {  	v3 =	vand.u32 $0xFFFF0000, v8;
	v4 =	vadd.f32 v7, v4;
	[tilespmem:s0+$0xFA00] =	vst v1  }
0x155: {  	v1 =	vadd.f32 v3, v2;
	[tilespmem:s0+$0xFA20] =	vst v0  }
0x156: {  	[tilespmem:s0+$0xFA10] =	vst v4  }
0x157: {  	[tilespmem:s0+$0xFA30] =	vst v1  }
0x158: {  	_ =	swait.ge [sflag:s18], $0xC00  }
0x159: {  	[sflag:s18] =	ssyncset.done $0x0  }
0x15a: {  	[sflag:s18] =	ssyncadd.s32 $0xFFFFF400  }
0x15b: {  	_ =	swait.ge [sflag:s18], $0xD00  }
0x15c: {  	s1 =	simm.s32 @!p0 $0x60;
	[sflag:s18] =	ssyncset.done $0x0  }
0x15d: {  	s30 =	simm.s32 @!p0 $0x6400;
	s0 =	sadd.s32 @!p0 $0x7D0, s28;
	[sflag:s18] =	ssyncadd.s32 $0xFFFFF300  }
0x15e: {  	[tilespmem:s30], [sflag:$0x3] =	stream.indirect.gather @!p0 [hbm4b:s4+s1], $0x20, s0, s1, $0xb8;
	[tilespmem:$0x17A00] =	vst v63  }
0x15f: {  	s0 =	sadd.s32 @!p0 $0x830, s28;
	s1 =	simm.s32 @!p0 $0x68;
	s30 =	simm.s32 @!p0 $0x7000  }
0x160: {  	[tilespmem:s30], [sflag:$0x3] =	stream.indirect.gather @!p0 [hbm4b:s4+s1], $0x20, s0, s1, $0xb8;
	[tilespmem:$0x17A00] =	vst v63  }
0x161: {  	s30 =	simm.s32 $0x7DA0  }
0x162: {  	v0 =	vld [tilespmem:s30+$0x80]  }
0x163: {  	v3 =	vld [tilespmem:s30+$0x60]  }
0x164: {  	v5 =	vld [tilespmem:s30+$0x40]  }
0x165: {  	v6 =	vld [tilespmem:s30+$0x20]  }
0x166: {  	v9 =	vld [tilespmem:s30+$0x0]  }
0x167: {  	v10 =	vld [tilespmem:s30+$0xFFFFFFE0]  }
0x168: {  	v12 =	vld [tilespmem:s30+$0xFFFFFFA0]  }
0x169: {  	v14 =	vld [tilespmem:s30+$0xFFFFFF80]  }
0x16a: {  	v13 =	vimm.f32 $0.0e+00;
	v15 =	vld [tilespmem:s30+$0xFFFFFF60]  }
0x16b: {  	v16 =	vld [tilespmem:s30+$0xFFFFFF70];
	v2 =	vshll.u32 v3, $0x10;
	v1 =	vshll.u32 v0, $0x10;
	v0 =	vand.u32 $0xFFFF0000, v0  }
0x16c: {  	v4 =	vshll.u32 v5, $0x10;
	v5 =	vand.u32 $0xFFFF0000, v5;
	v3 =	vand.u32 $0xFFFF0000, v3  }
0x16d: {  	v17 =	vld [tilespmem:s30+$0xFFFFFF90];
	v8 =	vshll.u32 v9, $0x10;
	v7 =	vshll.u32 v6, $0x10;
	v6 =	vand.u32 $0xFFFF0000, v6  }
0x16e: {  	v18 =	vshll.u32 v10, $0x10;
	v19 =	vand.u32 $0xFFFF0000, v10;
	v10 =	vshll.u32 v12, $0x10  }
0x16f: {  	v22 =	vld [tilespmem:s30+$0xFFFFFFB0];
	v21 =	vshll.u32 v14, $0x10;
	v14 =	vand.u32 $0xFFFF0000, v14;
	v12 =	vand.u32 $0xFFFF0000, v12  }
0x170: {  	v23 =	vshll.u32 v15, $0x10;
	v15 =	vand.u32 $0xFFFF0000, v15;
	v24 =	vshll.u32 v16, $0x10  }
0x171: {  	v11 =	vld [tilespmem:s30+$0xFFFFFFC0];
	v16 =	vand.u32 $0xFFFF0000, v16;
	v23 =	vadd.f32 v23, v13;
	v15 =	vadd.f32 v15, v13  }
0x172: {  	v25 =	vld [tilespmem:s30+$0xFFFFFFD0];
	v24 =	vadd.f32 v24, v13;
	v13 =	vadd.f32 v16, v13;
	v16 =	vshll.u32 v17, $0x10  }
0x173: {  	v21 =	vadd.f32 v21, v23;
	v14 =	vadd.f32 v14, v15;
	v15 =	vand.u32 $0xFFFF0000, v17  }
0x174: {  	v63 =	vld [tilespmem:s30+$0xFFFFFFF0];
	v16 =	vadd.f32 v16, v24;
	v13 =	vadd.f32 v15, v13;
	v15 =	vshll.u32 v22, $0x10  }
0x175: {  	v10 =	vadd.f32 v10, v21;
	v14 =	vadd.f32 v12, v14;
	v12 =	vand.u32 $0xFFFF0000, v22  }
0x176: {  	v9 =	vand.u32 $0xFFFF0000, v9;
	v15 =	vadd.f32 v15, v16;
	v16 =	vadd.f32 v12, v13;
	v12 =	vld [tilespmem:s30+$0x10]  }
0x177: {  	v20 =	vshll.u32 v11, $0x10;
	v11 =	vand.u32 $0xFFFF0000, v11;
	v13 =	vshll.u32 v25, $0x10  }
0x178: {  	v20 =	vadd.f32 v20, v10;
	v11 =	vadd.f32 v11, v14;
	v14 =	vand.u32 $0xFFFF0000, v25;
	v10 =	vld [tilespmem:s30+$0x30]  }
0x179: {  	v17 =	vshll.u32 v63, $0x10;
	v13 =	vadd.f32 v13, v15;
	v14 =	vadd.f32 v14, v16  }
0x17a: {  	s31 =	sor.u32 $0x3, s29;
	s0 =	simm.s32 $0x0;
	s1 =	simm.s32 $0x7EE0;
	v15 =	vadd.f32 v18, v20;
	v16 =	vadd.f32 v19, v11;
	v18 =	vand.u32 $0xFFFF0000, v63;
	v11 =	vld [tilespmem:s30+$0x50]  }
.LBB2_12:
0x17b: {  	v19 =	vld [tilespmem:s1+$0x80];
	v13 =	vadd.f32 v17, v13;
	v14 =	vadd.f32 v18, v14;
	v17 =	vshll.u32 v12, $0x10  }
0x17c: {  	v12 =	vand.u32 $0xFFFF0000, v12;
	v8 =	vadd.f32 v8, v15;
	v9 =	vadd.f32 v9, v16;
	v15 =	vld [tilespmem:s30+$0x70]  }
0x17d: {  	v13 =	vadd.f32 v17, v13;
	v12 =	vadd.f32 v12, v14;
	v14 =	vshll.u32 v10, $0x10;
	v16 =	vld [tilespmem:s30+$0x90];
	s30 =	smov.u32 s1  }
0x17e: {  	v17 =	vld [tilespmem:s1+$0x60];
	v7 =	vadd.f32 v7, v8;
	v6 =	vadd.f32 v6, v9;
	v8 =	vand.u32 $0xFFFF0000, v10  }
0x17f: {  	v9 =	vld [tilespmem:s1+$0x40];
	v10 =	vadd.f32 v14, v13;
	v8 =	vadd.f32 v8, v12;
	v12 =	vshll.u32 v11, $0x10  }
0x180: {  	v13 =	vld [tilespmem:s1+$0x20];
	v4 =	vadd.f32 v4, v7;
	v5 =	vadd.f32 v5, v6;
	v6 =	vand.u32 $0xFFFF0000, v11  }
0x181: {  	v11 =	vld [tilespmem:s1+$0x0];
	v7 =	vadd.f32 v12, v10;
	v6 =	vadd.f32 v6, v8;
	v8 =	vshll.u32 v15, $0x10  }
0x182: {  	v10 =	vld [tilespmem:s1+$0xFFFFFFE0];
	v2 =	vadd.f32 v2, v4;
	v3 =	vadd.f32 v3, v5;
	v4 =	vand.u32 $0xFFFF0000, v15  }
0x183: {  	v12 =	vld [tilespmem:s1+$0xFFFFFFC0];
	v5 =	vadd.f32 v8, v7;
	v4 =	vadd.f32 v4, v6;
	v6 =	vshll.u32 v16, $0x10  }
0x184: {  	v14 =	vld [tilespmem:s1+$0xFFFFFFA0];
	v15 =	vadd.f32 v1, v2;
	v18 =	vadd.f32 v0, v3;
	v0 =	vand.u32 $0xFFFF0000, v16  }
0x185: {  	v16 =	vld [tilespmem:s1+$0xFFFFFF80];
	v20 =	vadd.f32 v6, v5;
	v21 =	vadd.f32 v0, v4  }
0x186: {  	v2 =	vshll.u32 v17, $0x10;
	v1 =	vshll.u32 v19, $0x10;
	v0 =	vand.u32 $0xFFFF0000, v19;
	v22 =	vld [tilespmem:s1+$0xFFFFFF60]  }
0x187: {  	v3 =	vand.u32 $0xFFFF0000, v17;
	v4 =	vshll.u32 v9, $0x10;
	v5 =	vand.u32 $0xFFFF0000, v9;
	v19 =	vld [tilespmem:s1+$0xFFFFFF70]  }
0x188: {  	s0 =	sadd.s32 $0xA, s0;
	v7 =	vshll.u32 v13, $0x10;
	v6 =	vand.u32 $0xFFFF0000, v13;
	v8 =	vshll.u32 v11, $0x10  }
0x189: {  	p1 =	slt.u32 s0, $0xBE;
	v9 =	vand.u32 $0xFFFF0000, v11;
	v23 =	vshll.u32 v10, $0x10;
	v24 =	vand.u32 $0xFFFF0000, v10;
	v13 =	vld [tilespmem:s1+$0xFFFFFF90]  }
0x18a: {  	v11 =	vshll.u32 v12, $0x10;
	v17 =	vand.u32 $0xFFFF0000, v12;
	v10 =	vshll.u32 v14, $0x10  }
0x18b: {  	v14 =	vand.u32 $0xFFFF0000, v14;
	v12 =	vshll.u32 v16, $0x10;
	v16 =	vand.u32 $0xFFFF0000, v16;
	v25 =	vld [tilespmem:s1+$0xFFFFFFB0]  }
0x18c: {  	v26 =	vshll.u32 v22, $0x10;
	v22 =	vand.u32 $0xFFFF0000, v22;
	v27 =	vshll.u32 v19, $0x10  }
0x18d: {  	v15 =	vadd.f32 v26, v15;
	v18 =	vadd.f32 v22, v18;
	v19 =	vand.u32 $0xFFFF0000, v19;
	v22 =	vld [tilespmem:s1+$0xFFFFFFD0]  }
0x18e: {  	v20 =	vadd.f32 v27, v20;
	v19 =	vadd.f32 v19, v21;
	v21 =	vshll.u32 v13, $0x10  }
0x18f: {  	v12 =	vadd.f32 v12, v15;
	v15 =	vadd.f32 v16, v18;
	v13 =	vand.u32 $0xFFFF0000, v13;
	v18 =	vld [tilespmem:s1+$0xFFFFFFF0]  }
0x190: {  	v16 =	vadd.f32 v21, v20;
	v13 =	vadd.f32 v13, v19;
	v19 =	vshll.u32 v25, $0x10  }
.Ltmp4:
0x191: {  	v10 =	vadd.f32 v10, v12;
	v14 =	vadd.f32 v14, v15;
	v15 =	vand.u32 $0xFFFF0000, v25;
	v12 =	vld [tilespmem:s1+$0x10];
	(pc) =	sbr.rel @p1 .LBB2_12-.Ltmp4, $4  }
0x192: {  	v16 =	vadd.f32 v19, v16;
	v15 =	vadd.f32 v15, v13;
	v13 =	vshll.u32 v22, $0x10  }
0x193: {  	v11 =	vadd.f32 v11, v10;
	v19 =	vadd.f32 v17, v14;
	v14 =	vand.u32 $0xFFFF0000, v22;
	v10 =	vld [tilespmem:s1+$0x30]  }
0x194: {  	v13 =	vadd.f32 v13, v16;
	v14 =	vadd.f32 v14, v15;
	v17 =	vshll.u32 v18, $0x10  }
0x195: {  	s1 =	sadd.s32 $0x140, s1;
	v15 =	vadd.f32 v23, v11;
	v16 =	vadd.f32 v24, v19;
	v18 =	vand.u32 $0xFFFF0000, v18;
	v11 =	vld [tilespmem:s30+$0x50]  }
0x196: {  	_ = 	snop  }
0x197: {  	v13 =	vadd.f32 v17, v13;
	v8 =	vadd.f32 v8, v15  }
0x198: {  	v14 =	vadd.f32 v18, v14;
	v17 =	vshll.u32 v12, $0x10;
	v9 =	vadd.f32 v9, v16  }
0x199: {  	v12 =	vand.u32 $0xFFFF0000, v12;
	v15 =	vld [tilespmem:s30+$0x70];
	v13 =	vadd.f32 v17, v13;
	v7 =	vadd.f32 v7, v8  }
0x19a: {  	v12 =	vadd.f32 v12, v14;
	v14 =	vshll.u32 v10, $0x10;
	v6 =	vadd.f32 v6, v9  }
0x19b: {  	v8 =	vld [tilespmem:s30+$0x90];
	v9 =	vand.u32 $0xFFFF0000, v10;
	v10 =	vadd.f32 v14, v13;
	v4 =	vadd.f32 v4, v7  }
0x19c: {  	v9 =	vadd.f32 v9, v12;
	v12 =	vshll.u32 v11, $0x10;
	v5 =	vadd.f32 v5, v6  }
0x19d: {  	v6 =	vand.u32 $0xFFFF0000, v11;
	v7 =	vadd.f32 v12, v10;
	v2 =	vadd.f32 v2, v4  }
0x19e: {  	s0 =	sadd.s32 s25, s31;
	v6 =	vadd.f32 v6, v9;
	v9 =	vshll.u32 v15, $0x10;
	v3 =	vadd.f32 v3, v5  }
0x19f: {  	s0 =	sshll.u32 s0, $0x6;
	v5 =	vand.u32 $0xFFFF0000, v15;
	v4 =	vadd.f32 v9, v7;
	v1 =	vadd.f32 v1, v2  }
0x1a0: {  	s0 =	sand.u32 $0x3FFFFFC0, s0;
	v7 =	vshll.u32 v8, $0x10;
	v2 =	vadd.f32 v5, v6;
	v0 =	vadd.f32 v0, v3  }
0x1a1: {  	v3 =	vand.u32 $0xFFFF0000, v8;
	v4 =	vadd.f32 v7, v4;
	[tilespmem:s0+$0xFA00] =	vst v1  }
0x1a2: {  	v1 =	vadd.f32 v3, v2;
	[tilespmem:s0+$0xFA20] =	vst v0  }
0x1a3: {  	[tilespmem:s0+$0xFA10] =	vst v4  }
0x1a4: {  	[tilespmem:s0+$0xFA30] =	vst v1  }
0x1a5: {  	_ =	swait.ge [sflag:s19], $0xC00  }
0x1a6: {  	[sflag:s19] =	ssyncset.done $0x0  }
0x1a7: {  	[sflag:s19] =	ssyncadd.s32 $0xFFFFF400  }
0x1a8: {  	_ =	swait.ge [sflag:s19], $0xD00  }
0x1a9: {  	s1 =	simm.s32 @!p0 $0x60;
	[sflag:s19] =	ssyncset.done $0x0  }
0x1aa: {  	s30 =	simm.s32 @!p0 $0x7D00;
	s0 =	sadd.s32 @!p0 $0x898, s28;
	[sflag:s19] =	ssyncadd.s32 $0xFFFFF300  }
0x1ab: {  	[tilespmem:s30], [sflag:$0x4] =	stream.indirect.gather @!p0 [hbm4b:s4+s1], $0x20, s0, s1, $0xb8;
	[tilespmem:$0x17A00] =	vst v63  }
0x1ac: {  	s0 =	sadd.s32 @!p0 $0x8F8, s28;
	s1 =	simm.s32 @!p0 $0x68;
	s30 =	simm.s32 @!p0 $0x8900  }
0x1ad: {  	[tilespmem:s30], [sflag:$0x4] =	stream.indirect.gather @!p0 [hbm4b:s4+s1], $0x20, s0, s1, $0xb8;
	[tilespmem:$0x17A00] =	vst v63  }
0x1ae: {  	s30 =	simm.s32 $0x96A0  }
0x1af: {  	v0 =	vld [tilespmem:s30+$0x80]  }
0x1b0: {  	v3 =	vld [tilespmem:s30+$0x60]  }
0x1b1: {  	v5 =	vld [tilespmem:s30+$0x40]  }
0x1b2: {  	v6 =	vld [tilespmem:s30+$0x20]  }
0x1b3: {  	v9 =	vld [tilespmem:s30+$0x0]  }
0x1b4: {  	v10 =	vld [tilespmem:s30+$0xFFFFFFE0]  }
0x1b5: {  	v12 =	vld [tilespmem:s30+$0xFFFFFFA0]  }
0x1b6: {  	v14 =	vld [tilespmem:s30+$0xFFFFFF80]  }
0x1b7: {  	v13 =	vimm.f32 $0.0e+00;
	v15 =	vld [tilespmem:s30+$0xFFFFFF60]  }
0x1b8: {  	v16 =	vld [tilespmem:s30+$0xFFFFFF70];
	v2 =	vshll.u32 v3, $0x10;
	v1 =	vshll.u32 v0, $0x10;
	v0 =	vand.u32 $0xFFFF0000, v0  }
0x1b9: {  	v4 =	vshll.u32 v5, $0x10;
	v5 =	vand.u32 $0xFFFF0000, v5;
	v3 =	vand.u32 $0xFFFF0000, v3  }
0x1ba: {  	v17 =	vld [tilespmem:s30+$0xFFFFFF90];
	v8 =	vshll.u32 v9, $0x10;
	v7 =	vshll.u32 v6, $0x10;
	v6 =	vand.u32 $0xFFFF0000, v6  }
0x1bb: {  	v18 =	vshll.u32 v10, $0x10;
	v19 =	vand.u32 $0xFFFF0000, v10;
	v10 =	vshll.u32 v12, $0x10  }
0x1bc: {  	v22 =	vld [tilespmem:s30+$0xFFFFFFB0];
	v21 =	vshll.u32 v14, $0x10;
	v14 =	vand.u32 $0xFFFF0000, v14;
	v12 =	vand.u32 $0xFFFF0000, v12  }
0x1bd: {  	v23 =	vshll.u32 v15, $0x10;
	v15 =	vand.u32 $0xFFFF0000, v15;
	v24 =	vshll.u32 v16, $0x10  }
0x1be: {  	v11 =	vld [tilespmem:s30+$0xFFFFFFC0];
	v16 =	vand.u32 $0xFFFF0000, v16;
	v23 =	vadd.f32 v23, v13;
	v15 =	vadd.f32 v15, v13  }
0x1bf: {  	v25 =	vld [tilespmem:s30+$0xFFFFFFD0];
	v24 =	vadd.f32 v24, v13;
	v13 =	vadd.f32 v16, v13;
	v16 =	vshll.u32 v17, $0x10  }
0x1c0: {  	v21 =	vadd.f32 v21, v23;
	v14 =	vadd.f32 v14, v15;
	v15 =	vand.u32 $0xFFFF0000, v17  }
0x1c1: {  	v63 =	vld [tilespmem:s30+$0xFFFFFFF0];
	v16 =	vadd.f32 v16, v24;
	v13 =	vadd.f32 v15, v13;
	v15 =	vshll.u32 v22, $0x10  }
0x1c2: {  	v10 =	vadd.f32 v10, v21;
	v14 =	vadd.f32 v12, v14;
	v12 =	vand.u32 $0xFFFF0000, v22  }
0x1c3: {  	v9 =	vand.u32 $0xFFFF0000, v9;
	v15 =	vadd.f32 v15, v16;
	v16 =	vadd.f32 v12, v13;
	v12 =	vld [tilespmem:s30+$0x10]  }
0x1c4: {  	v20 =	vshll.u32 v11, $0x10;
	v11 =	vand.u32 $0xFFFF0000, v11;
	v13 =	vshll.u32 v25, $0x10  }
0x1c5: {  	v20 =	vadd.f32 v20, v10;
	v11 =	vadd.f32 v11, v14;
	v14 =	vand.u32 $0xFFFF0000, v25;
	v10 =	vld [tilespmem:s30+$0x30]  }
0x1c6: {  	v17 =	vshll.u32 v63, $0x10;
	v13 =	vadd.f32 v13, v15;
	v14 =	vadd.f32 v14, v16  }
0x1c7: {  	s31 =	sor.u32 $0x4, s29;
	s0 =	simm.s32 $0x0;
	s1 =	simm.s32 $0x97E0;
	v15 =	vadd.f32 v18, v20;
	v16 =	vadd.f32 v19, v11;
	v18 =	vand.u32 $0xFFFF0000, v63;
	v11 =	vld [tilespmem:s30+$0x50]  }
.LBB2_14:
0x1c8: {  	v19 =	vld [tilespmem:s1+$0x80];
	v13 =	vadd.f32 v17, v13;
	v14 =	vadd.f32 v18, v14;
	v17 =	vshll.u32 v12, $0x10  }
0x1c9: {  	v12 =	vand.u32 $0xFFFF0000, v12;
	v8 =	vadd.f32 v8, v15;
	v9 =	vadd.f32 v9, v16;
	v15 =	vld [tilespmem:s30+$0x70]  }
0x1ca: {  	v13 =	vadd.f32 v17, v13;
	v12 =	vadd.f32 v12, v14;
	v14 =	vshll.u32 v10, $0x10;
	v16 =	vld [tilespmem:s30+$0x90];
	s30 =	smov.u32 s1  }
0x1cb: {  	v17 =	vld [tilespmem:s1+$0x60];
	v7 =	vadd.f32 v7, v8;
	v6 =	vadd.f32 v6, v9;
	v8 =	vand.u32 $0xFFFF0000, v10  }
0x1cc: {  	v9 =	vld [tilespmem:s1+$0x40];
	v10 =	vadd.f32 v14, v13;
	v8 =	vadd.f32 v8, v12;
	v12 =	vshll.u32 v11, $0x10  }
0x1cd: {  	v13 =	vld [tilespmem:s1+$0x20];
	v4 =	vadd.f32 v4, v7;
	v5 =	vadd.f32 v5, v6;
	v6 =	vand.u32 $0xFFFF0000, v11  }
0x1ce: {  	v11 =	vld [tilespmem:s1+$0x0];
	v7 =	vadd.f32 v12, v10;
	v6 =	vadd.f32 v6, v8;
	v8 =	vshll.u32 v15, $0x10  }
0x1cf: {  	v10 =	vld [tilespmem:s1+$0xFFFFFFE0];
	v2 =	vadd.f32 v2, v4;
	v3 =	vadd.f32 v3, v5;
	v4 =	vand.u32 $0xFFFF0000, v15  }
0x1d0: {  	v12 =	vld [tilespmem:s1+$0xFFFFFFC0];
	v5 =	vadd.f32 v8, v7;
	v4 =	vadd.f32 v4, v6;
	v6 =	vshll.u32 v16, $0x10  }
0x1d1: {  	v14 =	vld [tilespmem:s1+$0xFFFFFFA0];
	v15 =	vadd.f32 v1, v2;
	v18 =	vadd.f32 v0, v3;
	v0 =	vand.u32 $0xFFFF0000, v16  }
0x1d2: {  	v16 =	vld [tilespmem:s1+$0xFFFFFF80];
	v20 =	vadd.f32 v6, v5;
	v21 =	vadd.f32 v0, v4  }
0x1d3: {  	v2 =	vshll.u32 v17, $0x10;
	v1 =	vshll.u32 v19, $0x10;
	v0 =	vand.u32 $0xFFFF0000, v19;
	v22 =	vld [tilespmem:s1+$0xFFFFFF60]  }
0x1d4: {  	v3 =	vand.u32 $0xFFFF0000, v17;
	v4 =	vshll.u32 v9, $0x10;
	v5 =	vand.u32 $0xFFFF0000, v9;
	v19 =	vld [tilespmem:s1+$0xFFFFFF70]  }
0x1d5: {  	s0 =	sadd.s32 $0xA, s0;
	v7 =	vshll.u32 v13, $0x10;
	v6 =	vand.u32 $0xFFFF0000, v13;
	v8 =	vshll.u32 v11, $0x10  }
0x1d6: {  	p1 =	slt.u32 s0, $0xBE;
	v9 =	vand.u32 $0xFFFF0000, v11;
	v23 =	vshll.u32 v10, $0x10;
	v24 =	vand.u32 $0xFFFF0000, v10;
	v13 =	vld [tilespmem:s1+$0xFFFFFF90]  }
0x1d7: {  	v11 =	vshll.u32 v12, $0x10;
	v17 =	vand.u32 $0xFFFF0000, v12;
	v10 =	vshll.u32 v14, $0x10  }
0x1d8: {  	v14 =	vand.u32 $0xFFFF0000, v14;
	v12 =	vshll.u32 v16, $0x10;
	v16 =	vand.u32 $0xFFFF0000, v16;
	v25 =	vld [tilespmem:s1+$0xFFFFFFB0]  }
0x1d9: {  	v26 =	vshll.u32 v22, $0x10;
	v22 =	vand.u32 $0xFFFF0000, v22;
	v27 =	vshll.u32 v19, $0x10  }
0x1da: {  	v15 =	vadd.f32 v26, v15;
	v18 =	vadd.f32 v22, v18;
	v19 =	vand.u32 $0xFFFF0000, v19;
	v22 =	vld [tilespmem:s1+$0xFFFFFFD0]  }
0x1db: {  	v20 =	vadd.f32 v27, v20;
	v19 =	vadd.f32 v19, v21;
	v21 =	vshll.u32 v13, $0x10  }
0x1dc: {  	v12 =	vadd.f32 v12, v15;
	v15 =	vadd.f32 v16, v18;
	v13 =	vand.u32 $0xFFFF0000, v13;
	v18 =	vld [tilespmem:s1+$0xFFFFFFF0]  }
0x1dd: {  	v16 =	vadd.f32 v21, v20;
	v13 =	vadd.f32 v13, v19;
	v19 =	vshll.u32 v25, $0x10  }
.Ltmp5:
0x1de: {  	v10 =	vadd.f32 v10, v12;
	v14 =	vadd.f32 v14, v15;
	v15 =	vand.u32 $0xFFFF0000, v25;
	v12 =	vld [tilespmem:s1+$0x10];
	(pc) =	sbr.rel @p1 .LBB2_14-.Ltmp5, $4  }
0x1df: {  	v16 =	vadd.f32 v19, v16;
	v15 =	vadd.f32 v15, v13;
	v13 =	vshll.u32 v22, $0x10  }
0x1e0: {  	v11 =	vadd.f32 v11, v10;
	v19 =	vadd.f32 v17, v14;
	v14 =	vand.u32 $0xFFFF0000, v22;
	v10 =	vld [tilespmem:s1+$0x30]  }
0x1e1: {  	v13 =	vadd.f32 v13, v16;
	v14 =	vadd.f32 v14, v15;
	v17 =	vshll.u32 v18, $0x10  }
0x1e2: {  	s1 =	sadd.s32 $0x140, s1;
	v15 =	vadd.f32 v23, v11;
	v16 =	vadd.f32 v24, v19;
	v18 =	vand.u32 $0xFFFF0000, v18;
	v11 =	vld [tilespmem:s30+$0x50]  }
0x1e3: {  	_ = 	snop  }
0x1e4: {  	v13 =	vadd.f32 v17, v13;
	v8 =	vadd.f32 v8, v15  }
0x1e5: {  	v14 =	vadd.f32 v18, v14;
	v17 =	vshll.u32 v12, $0x10;
	v9 =	vadd.f32 v9, v16  }
0x1e6: {  	v12 =	vand.u32 $0xFFFF0000, v12;
	v15 =	vld [tilespmem:s30+$0x70];
	v13 =	vadd.f32 v17, v13;
	v7 =	vadd.f32 v7, v8  }
0x1e7: {  	v12 =	vadd.f32 v12, v14;
	v14 =	vshll.u32 v10, $0x10;
	v6 =	vadd.f32 v6, v9  }
0x1e8: {  	v8 =	vld [tilespmem:s30+$0x90];
	v9 =	vand.u32 $0xFFFF0000, v10;
	v10 =	vadd.f32 v14, v13;
	v4 =	vadd.f32 v4, v7  }
0x1e9: {  	v9 =	vadd.f32 v9, v12;
	v12 =	vshll.u32 v11, $0x10;
	v5 =	vadd.f32 v5, v6  }
0x1ea: {  	v6 =	vand.u32 $0xFFFF0000, v11;
	v7 =	vadd.f32 v12, v10;
	v2 =	vadd.f32 v2, v4  }
0x1eb: {  	s0 =	sadd.s32 s25, s31;
	v6 =	vadd.f32 v6, v9;
	v9 =	vshll.u32 v15, $0x10;
	v3 =	vadd.f32 v3, v5  }
0x1ec: {  	s0 =	sshll.u32 s0, $0x6;
	v5 =	vand.u32 $0xFFFF0000, v15;
	v4 =	vadd.f32 v9, v7;
	v1 =	vadd.f32 v1, v2  }
0x1ed: {  	s0 =	sand.u32 $0x3FFFFFC0, s0;
	v7 =	vshll.u32 v8, $0x10;
	v2 =	vadd.f32 v5, v6;
	v0 =	vadd.f32 v0, v3  }
0x1ee: {  	v3 =	vand.u32 $0xFFFF0000, v8;
	v4 =	vadd.f32 v7, v4;
	[tilespmem:s0+$0xFA00] =	vst v1  }
0x1ef: {  	v1 =	vadd.f32 v3, v2;
	[tilespmem:s0+$0xFA20] =	vst v0  }
0x1f0: {  	[tilespmem:s0+$0xFA10] =	vst v4  }
0x1f1: {  	[tilespmem:s0+$0xFA30] =	vst v1  }
0x1f2: {  	_ =	swait.ge [sflag:s20], $0xC00  }
0x1f3: {  	[sflag:s20] =	ssyncset.done $0x0  }
0x1f4: {  	[sflag:s20] =	ssyncadd.s32 $0xFFFFF400  }
0x1f5: {  	_ =	swait.ge [sflag:s20], $0xD00  }
0x1f6: {  	s1 =	simm.s32 @!p0 $0x60;
	[sflag:s20] =	ssyncset.done $0x0  }
0x1f7: {  	s30 =	simm.s32 @!p0 $0x9600;
	s0 =	sadd.s32 @!p0 $0x960, s28;
	[sflag:s20] =	ssyncadd.s32 $0xFFFFF300  }
0x1f8: {  	[tilespmem:s30], [sflag:$0x5] =	stream.indirect.gather @!p0 [hbm4b:s4+s1], $0x20, s0, s1, $0xb8;
	[tilespmem:$0x17A00] =	vst v63  }
0x1f9: {  	s0 =	sadd.s32 @!p0 $0x9C0, s28;
	s1 =	simm.s32 @!p0 $0x68;
	s30 =	simm.s32 @!p0 $0xA200  }
0x1fa: {  	[tilespmem:s30], [sflag:$0x5] =	stream.indirect.gather @!p0 [hbm4b:s4+s1], $0x20, s0, s1, $0xb8;
	[tilespmem:$0x17A00] =	vst v63  }
0x1fb: {  	s30 =	simm.s32 $0xAFA0  }
0x1fc: {  	v0 =	vld [tilespmem:s30+$0x80]  }
0x1fd: {  	v3 =	vld [tilespmem:s30+$0x60]  }
0x1fe: {  	v5 =	vld [tilespmem:s30+$0x40]  }
0x1ff: {  	v6 =	vld [tilespmem:s30+$0x20]  }
0x200: {  	v9 =	vld [tilespmem:s30+$0x0]  }
0x201: {  	v10 =	vld [tilespmem:s30+$0xFFFFFFE0]  }
0x202: {  	v12 =	vld [tilespmem:s30+$0xFFFFFFA0]  }
0x203: {  	v14 =	vld [tilespmem:s30+$0xFFFFFF80]  }
0x204: {  	v13 =	vimm.f32 $0.0e+00;
	v15 =	vld [tilespmem:s30+$0xFFFFFF60]  }
0x205: {  	v16 =	vld [tilespmem:s30+$0xFFFFFF70];
	v2 =	vshll.u32 v3, $0x10;
	v1 =	vshll.u32 v0, $0x10;
	v0 =	vand.u32 $0xFFFF0000, v0  }
0x206: {  	v4 =	vshll.u32 v5, $0x10;
	v5 =	vand.u32 $0xFFFF0000, v5;
	v3 =	vand.u32 $0xFFFF0000, v3  }
0x207: {  	v17 =	vld [tilespmem:s30+$0xFFFFFF90];
	v8 =	vshll.u32 v9, $0x10;
	v7 =	vshll.u32 v6, $0x10;
	v6 =	vand.u32 $0xFFFF0000, v6  }
0x208: {  	v18 =	vshll.u32 v10, $0x10;
	v19 =	vand.u32 $0xFFFF0000, v10;
	v10 =	vshll.u32 v12, $0x10  }
0x209: {  	v22 =	vld [tilespmem:s30+$0xFFFFFFB0];
	v21 =	vshll.u32 v14, $0x10;
	v14 =	vand.u32 $0xFFFF0000, v14;
	v12 =	vand.u32 $0xFFFF0000, v12  }
0x20a: {  	v23 =	vshll.u32 v15, $0x10;
	v15 =	vand.u32 $0xFFFF0000, v15;
	v24 =	vshll.u32 v16, $0x10  }
0x20b: {  	v11 =	vld [tilespmem:s30+$0xFFFFFFC0];
	v16 =	vand.u32 $0xFFFF0000, v16;
	v23 =	vadd.f32 v23, v13;
	v15 =	vadd.f32 v15, v13  }
0x20c: {  	v25 =	vld [tilespmem:s30+$0xFFFFFFD0];
	v24 =	vadd.f32 v24, v13;
	v13 =	vadd.f32 v16, v13;
	v16 =	vshll.u32 v17, $0x10  }
0x20d: {  	v21 =	vadd.f32 v21, v23;
	v14 =	vadd.f32 v14, v15;
	v15 =	vand.u32 $0xFFFF0000, v17  }
0x20e: {  	v63 =	vld [tilespmem:s30+$0xFFFFFFF0];
	v16 =	vadd.f32 v16, v24;
	v13 =	vadd.f32 v15, v13;
	v15 =	vshll.u32 v22, $0x10  }
0x20f: {  	v10 =	vadd.f32 v10, v21;
	v14 =	vadd.f32 v12, v14;
	v12 =	vand.u32 $0xFFFF0000, v22  }
0x210: {  	v9 =	vand.u32 $0xFFFF0000, v9;
	v15 =	vadd.f32 v15, v16;
	v16 =	vadd.f32 v12, v13;
	v12 =	vld [tilespmem:s30+$0x10]  }
0x211: {  	v20 =	vshll.u32 v11, $0x10;
	v11 =	vand.u32 $0xFFFF0000, v11;
	v13 =	vshll.u32 v25, $0x10  }
0x212: {  	v20 =	vadd.f32 v20, v10;
	v11 =	vadd.f32 v11, v14;
	v14 =	vand.u32 $0xFFFF0000, v25;
	v10 =	vld [tilespmem:s30+$0x30]  }
0x213: {  	v17 =	vshll.u32 v63, $0x10;
	v13 =	vadd.f32 v13, v15;
	v14 =	vadd.f32 v14, v16  }
0x214: {  	s31 =	sor.u32 $0x5, s29;
	s0 =	simm.s32 $0x0;
	s1 =	simm.s32 $0xB0E0;
	v15 =	vadd.f32 v18, v20;
	v16 =	vadd.f32 v19, v11;
	v18 =	vand.u32 $0xFFFF0000, v63;
	v11 =	vld [tilespmem:s30+$0x50]  }
.LBB2_16:
0x215: {  	v19 =	vld [tilespmem:s1+$0x80];
	v13 =	vadd.f32 v17, v13;
	v14 =	vadd.f32 v18, v14;
	v17 =	vshll.u32 v12, $0x10  }
0x216: {  	v12 =	vand.u32 $0xFFFF0000, v12;
	v8 =	vadd.f32 v8, v15;
	v9 =	vadd.f32 v9, v16;
	v15 =	vld [tilespmem:s30+$0x70]  }
0x217: {  	v13 =	vadd.f32 v17, v13;
	v12 =	vadd.f32 v12, v14;
	v14 =	vshll.u32 v10, $0x10;
	v16 =	vld [tilespmem:s30+$0x90];
	s30 =	smov.u32 s1  }
0x218: {  	v17 =	vld [tilespmem:s1+$0x60];
	v7 =	vadd.f32 v7, v8;
	v6 =	vadd.f32 v6, v9;
	v8 =	vand.u32 $0xFFFF0000, v10  }
0x219: {  	v9 =	vld [tilespmem:s1+$0x40];
	v10 =	vadd.f32 v14, v13;
	v8 =	vadd.f32 v8, v12;
	v12 =	vshll.u32 v11, $0x10  }
0x21a: {  	v13 =	vld [tilespmem:s1+$0x20];
	v4 =	vadd.f32 v4, v7;
	v5 =	vadd.f32 v5, v6;
	v6 =	vand.u32 $0xFFFF0000, v11  }
0x21b: {  	v11 =	vld [tilespmem:s1+$0x0];
	v7 =	vadd.f32 v12, v10;
	v6 =	vadd.f32 v6, v8;
	v8 =	vshll.u32 v15, $0x10  }
0x21c: {  	v10 =	vld [tilespmem:s1+$0xFFFFFFE0];
	v2 =	vadd.f32 v2, v4;
	v3 =	vadd.f32 v3, v5;
	v4 =	vand.u32 $0xFFFF0000, v15  }
0x21d: {  	v12 =	vld [tilespmem:s1+$0xFFFFFFC0];
	v5 =	vadd.f32 v8, v7;
	v4 =	vadd.f32 v4, v6;
	v6 =	vshll.u32 v16, $0x10  }
0x21e: {  	v14 =	vld [tilespmem:s1+$0xFFFFFFA0];
	v15 =	vadd.f32 v1, v2;
	v18 =	vadd.f32 v0, v3;
	v0 =	vand.u32 $0xFFFF0000, v16  }
0x21f: {  	v16 =	vld [tilespmem:s1+$0xFFFFFF80];
	v20 =	vadd.f32 v6, v5;
	v21 =	vadd.f32 v0, v4  }
0x220: {  	v2 =	vshll.u32 v17, $0x10;
	v1 =	vshll.u32 v19, $0x10;
	v0 =	vand.u32 $0xFFFF0000, v19;
	v22 =	vld [tilespmem:s1+$0xFFFFFF60]  }
0x221: {  	v3 =	vand.u32 $0xFFFF0000, v17;
	v4 =	vshll.u32 v9, $0x10;
	v5 =	vand.u32 $0xFFFF0000, v9;
	v19 =	vld [tilespmem:s1+$0xFFFFFF70]  }
0x222: {  	s0 =	sadd.s32 $0xA, s0;
	v7 =	vshll.u32 v13, $0x10;
	v6 =	vand.u32 $0xFFFF0000, v13;
	v8 =	vshll.u32 v11, $0x10  }
0x223: {  	p1 =	slt.u32 s0, $0xBE;
	v9 =	vand.u32 $0xFFFF0000, v11;
	v23 =	vshll.u32 v10, $0x10;
	v24 =	vand.u32 $0xFFFF0000, v10;
	v13 =	vld [tilespmem:s1+$0xFFFFFF90]  }
0x224: {  	v11 =	vshll.u32 v12, $0x10;
	v17 =	vand.u32 $0xFFFF0000, v12;
	v10 =	vshll.u32 v14, $0x10  }
0x225: {  	v14 =	vand.u32 $0xFFFF0000, v14;
	v12 =	vshll.u32 v16, $0x10;
	v16 =	vand.u32 $0xFFFF0000, v16;
	v25 =	vld [tilespmem:s1+$0xFFFFFFB0]  }
0x226: {  	v26 =	vshll.u32 v22, $0x10;
	v22 =	vand.u32 $0xFFFF0000, v22;
	v27 =	vshll.u32 v19, $0x10  }
0x227: {  	v15 =	vadd.f32 v26, v15;
	v18 =	vadd.f32 v22, v18;
	v19 =	vand.u32 $0xFFFF0000, v19;
	v22 =	vld [tilespmem:s1+$0xFFFFFFD0]  }
0x228: {  	v20 =	vadd.f32 v27, v20;
	v19 =	vadd.f32 v19, v21;
	v21 =	vshll.u32 v13, $0x10  }
0x229: {  	v12 =	vadd.f32 v12, v15;
	v15 =	vadd.f32 v16, v18;
	v13 =	vand.u32 $0xFFFF0000, v13;
	v18 =	vld [tilespmem:s1+$0xFFFFFFF0]  }
0x22a: {  	v16 =	vadd.f32 v21, v20;
	v13 =	vadd.f32 v13, v19;
	v19 =	vshll.u32 v25, $0x10  }
.Ltmp6:
0x22b: {  	v10 =	vadd.f32 v10, v12;
	v14 =	vadd.f32 v14, v15;
	v15 =	vand.u32 $0xFFFF0000, v25;
	v12 =	vld [tilespmem:s1+$0x10];
	(pc) =	sbr.rel @p1 .LBB2_16-.Ltmp6, $4  }
0x22c: {  	v16 =	vadd.f32 v19, v16;
	v15 =	vadd.f32 v15, v13;
	v13 =	vshll.u32 v22, $0x10  }
0x22d: {  	v11 =	vadd.f32 v11, v10;
	v19 =	vadd.f32 v17, v14;
	v14 =	vand.u32 $0xFFFF0000, v22;
	v10 =	vld [tilespmem:s1+$0x30]  }
0x22e: {  	v13 =	vadd.f32 v13, v16;
	v14 =	vadd.f32 v14, v15;
	v17 =	vshll.u32 v18, $0x10  }
0x22f: {  	s1 =	sadd.s32 $0x140, s1;
	v15 =	vadd.f32 v23, v11;
	v16 =	vadd.f32 v24, v19;
	v18 =	vand.u32 $0xFFFF0000, v18;
	v11 =	vld [tilespmem:s30+$0x50]  }
0x230: {  	_ = 	snop  }
0x231: {  	v13 =	vadd.f32 v17, v13;
	v8 =	vadd.f32 v8, v15  }
0x232: {  	v14 =	vadd.f32 v18, v14;
	v17 =	vshll.u32 v12, $0x10;
	v9 =	vadd.f32 v9, v16  }
0x233: {  	v12 =	vand.u32 $0xFFFF0000, v12;
	v15 =	vld [tilespmem:s30+$0x70];
	v13 =	vadd.f32 v17, v13;
	v7 =	vadd.f32 v7, v8  }
0x234: {  	v12 =	vadd.f32 v12, v14;
	v14 =	vshll.u32 v10, $0x10;
	v6 =	vadd.f32 v6, v9  }
0x235: {  	v8 =	vld [tilespmem:s30+$0x90];
	v9 =	vand.u32 $0xFFFF0000, v10;
	v10 =	vadd.f32 v14, v13;
	v4 =	vadd.f32 v4, v7  }
0x236: {  	v9 =	vadd.f32 v9, v12;
	v12 =	vshll.u32 v11, $0x10;
	v5 =	vadd.f32 v5, v6  }
0x237: {  	v6 =	vand.u32 $0xFFFF0000, v11;
	v7 =	vadd.f32 v12, v10;
	v2 =	vadd.f32 v2, v4  }
0x238: {  	s0 =	sadd.s32 s25, s31;
	v6 =	vadd.f32 v6, v9;
	v9 =	vshll.u32 v15, $0x10;
	v3 =	vadd.f32 v3, v5  }
0x239: {  	s0 =	sshll.u32 s0, $0x6;
	v5 =	vand.u32 $0xFFFF0000, v15;
	v4 =	vadd.f32 v9, v7;
	v1 =	vadd.f32 v1, v2  }
0x23a: {  	s0 =	sand.u32 $0x3FFFFFC0, s0;
	v7 =	vshll.u32 v8, $0x10;
	v2 =	vadd.f32 v5, v6;
	v0 =	vadd.f32 v0, v3  }
0x23b: {  	v3 =	vand.u32 $0xFFFF0000, v8;
	v4 =	vadd.f32 v7, v4;
	[tilespmem:s0+$0xFA00] =	vst v1  }
0x23c: {  	v1 =	vadd.f32 v3, v2;
	[tilespmem:s0+$0xFA20] =	vst v0  }
0x23d: {  	[tilespmem:s0+$0xFA10] =	vst v4  }
0x23e: {  	[tilespmem:s0+$0xFA30] =	vst v1  }
0x23f: {  	_ =	swait.ge [sflag:s21], $0xC00  }
0x240: {  	[sflag:s21] =	ssyncset.done $0x0  }
0x241: {  	[sflag:s21] =	ssyncadd.s32 $0xFFFFF400  }
0x242: {  	_ =	swait.ge [sflag:s21], $0xD00  }
0x243: {  	s1 =	simm.s32 @!p0 $0x60;
	[sflag:s21] =	ssyncset.done $0x0  }
0x244: {  	s30 =	simm.s32 @!p0 $0xAF00;
	s0 =	sadd.s32 @!p0 $0xA28, s28;
	[sflag:s21] =	ssyncadd.s32 $0xFFFFF300  }
0x245: {  	[tilespmem:s30], [sflag:$0x6] =	stream.indirect.gather @!p0 [hbm4b:s4+s1], $0x20, s0, s1, $0xb8;
	[tilespmem:$0x17A00] =	vst v63  }
0x246: {  	s0 =	sadd.s32 @!p0 $0xA88, s28;
	s1 =	simm.s32 @!p0 $0x68;
	s30 =	simm.s32 @!p0 $0xBB00  }
0x247: {  	[tilespmem:s30], [sflag:$0x6] =	stream.indirect.gather @!p0 [hbm4b:s4+s1], $0x20, s0, s1, $0xb8;
	[tilespmem:$0x17A00] =	vst v63  }
0x248: {  	s30 =	simm.s32 $0xC8A0  }
0x249: {  	v0 =	vld [tilespmem:s30+$0x80]  }
0x24a: {  	v3 =	vld [tilespmem:s30+$0x60]  }
0x24b: {  	v5 =	vld [tilespmem:s30+$0x40]  }
0x24c: {  	v6 =	vld [tilespmem:s30+$0x20]  }
0x24d: {  	v9 =	vld [tilespmem:s30+$0x0]  }
0x24e: {  	v10 =	vld [tilespmem:s30+$0xFFFFFFE0]  }
0x24f: {  	v12 =	vld [tilespmem:s30+$0xFFFFFFA0]  }
0x250: {  	v14 =	vld [tilespmem:s30+$0xFFFFFF80]  }
0x251: {  	v13 =	vimm.f32 $0.0e+00;
	v15 =	vld [tilespmem:s30+$0xFFFFFF60]  }
0x252: {  	v16 =	vld [tilespmem:s30+$0xFFFFFF70];
	v2 =	vshll.u32 v3, $0x10;
	v1 =	vshll.u32 v0, $0x10;
	v0 =	vand.u32 $0xFFFF0000, v0  }
0x253: {  	v4 =	vshll.u32 v5, $0x10;
	v5 =	vand.u32 $0xFFFF0000, v5;
	v3 =	vand.u32 $0xFFFF0000, v3  }
0x254: {  	v17 =	vld [tilespmem:s30+$0xFFFFFF90];
	v8 =	vshll.u32 v9, $0x10;
	v7 =	vshll.u32 v6, $0x10;
	v6 =	vand.u32 $0xFFFF0000, v6  }
0x255: {  	v18 =	vshll.u32 v10, $0x10;
	v19 =	vand.u32 $0xFFFF0000, v10;
	v10 =	vshll.u32 v12, $0x10  }
0x256: {  	v22 =	vld [tilespmem:s30+$0xFFFFFFB0];
	v21 =	vshll.u32 v14, $0x10;
	v14 =	vand.u32 $0xFFFF0000, v14;
	v12 =	vand.u32 $0xFFFF0000, v12  }
0x257: {  	v23 =	vshll.u32 v15, $0x10;
	v15 =	vand.u32 $0xFFFF0000, v15;
	v24 =	vshll.u32 v16, $0x10  }
0x258: {  	v11 =	vld [tilespmem:s30+$0xFFFFFFC0];
	v16 =	vand.u32 $0xFFFF0000, v16;
	v23 =	vadd.f32 v23, v13;
	v15 =	vadd.f32 v15, v13  }
0x259: {  	v25 =	vld [tilespmem:s30+$0xFFFFFFD0];
	v24 =	vadd.f32 v24, v13;
	v13 =	vadd.f32 v16, v13;
	v16 =	vshll.u32 v17, $0x10  }
0x25a: {  	v21 =	vadd.f32 v21, v23;
	v14 =	vadd.f32 v14, v15;
	v15 =	vand.u32 $0xFFFF0000, v17  }
0x25b: {  	v63 =	vld [tilespmem:s30+$0xFFFFFFF0];
	v16 =	vadd.f32 v16, v24;
	v13 =	vadd.f32 v15, v13;
	v15 =	vshll.u32 v22, $0x10  }
0x25c: {  	v10 =	vadd.f32 v10, v21;
	v14 =	vadd.f32 v12, v14;
	v12 =	vand.u32 $0xFFFF0000, v22  }
0x25d: {  	v9 =	vand.u32 $0xFFFF0000, v9;
	v15 =	vadd.f32 v15, v16;
	v16 =	vadd.f32 v12, v13;
	v12 =	vld [tilespmem:s30+$0x10]  }
0x25e: {  	v20 =	vshll.u32 v11, $0x10;
	v11 =	vand.u32 $0xFFFF0000, v11;
	v13 =	vshll.u32 v25, $0x10  }
0x25f: {  	v20 =	vadd.f32 v20, v10;
	v11 =	vadd.f32 v11, v14;
	v14 =	vand.u32 $0xFFFF0000, v25;
	v10 =	vld [tilespmem:s30+$0x30]  }
0x260: {  	v17 =	vshll.u32 v63, $0x10;
	v13 =	vadd.f32 v13, v15;
	v14 =	vadd.f32 v14, v16  }
0x261: {  	s29 =	sor.u32 $0x6, s29;
	s0 =	simm.s32 $0x0;
	s1 =	simm.s32 $0xC9E0;
	v15 =	vadd.f32 v18, v20;
	v16 =	vadd.f32 v19, v11;
	v18 =	vand.u32 $0xFFFF0000, v63;
	v11 =	vld [tilespmem:s30+$0x50]  }
.LBB2_18:
0x262: {  	v19 =	vld [tilespmem:s1+$0x80];
	v13 =	vadd.f32 v17, v13;
	v14 =	vadd.f32 v18, v14;
	v17 =	vshll.u32 v12, $0x10  }
0x263: {  	v12 =	vand.u32 $0xFFFF0000, v12;
	v8 =	vadd.f32 v8, v15;
	v9 =	vadd.f32 v9, v16;
	v15 =	vld [tilespmem:s30+$0x70]  }
0x264: {  	v13 =	vadd.f32 v17, v13;
	v12 =	vadd.f32 v12, v14;
	v14 =	vshll.u32 v10, $0x10;
	v16 =	vld [tilespmem:s30+$0x90];
	s30 =	smov.u32 s1  }
0x265: {  	v17 =	vld [tilespmem:s1+$0x60];
	v7 =	vadd.f32 v7, v8;
	v6 =	vadd.f32 v6, v9;
	v8 =	vand.u32 $0xFFFF0000, v10  }
0x266: {  	v9 =	vld [tilespmem:s1+$0x40];
	v10 =	vadd.f32 v14, v13;
	v8 =	vadd.f32 v8, v12;
	v12 =	vshll.u32 v11, $0x10  }
0x267: {  	v13 =	vld [tilespmem:s1+$0x20];
	v4 =	vadd.f32 v4, v7;
	v5 =	vadd.f32 v5, v6;
	v6 =	vand.u32 $0xFFFF0000, v11  }
0x268: {  	v11 =	vld [tilespmem:s1+$0x0];
	v7 =	vadd.f32 v12, v10;
	v6 =	vadd.f32 v6, v8;
	v8 =	vshll.u32 v15, $0x10  }
0x269: {  	v10 =	vld [tilespmem:s1+$0xFFFFFFE0];
	v2 =	vadd.f32 v2, v4;
	v3 =	vadd.f32 v3, v5;
	v4 =	vand.u32 $0xFFFF0000, v15  }
0x26a: {  	v12 =	vld [tilespmem:s1+$0xFFFFFFC0];
	v5 =	vadd.f32 v8, v7;
	v4 =	vadd.f32 v4, v6;
	v6 =	vshll.u32 v16, $0x10  }
0x26b: {  	v14 =	vld [tilespmem:s1+$0xFFFFFFA0];
	v15 =	vadd.f32 v1, v2;
	v18 =	vadd.f32 v0, v3;
	v0 =	vand.u32 $0xFFFF0000, v16  }
0x26c: {  	v16 =	vld [tilespmem:s1+$0xFFFFFF80];
	v20 =	vadd.f32 v6, v5;
	v21 =	vadd.f32 v0, v4  }
0x26d: {  	v2 =	vshll.u32 v17, $0x10;
	v1 =	vshll.u32 v19, $0x10;
	v0 =	vand.u32 $0xFFFF0000, v19;
	v22 =	vld [tilespmem:s1+$0xFFFFFF60]  }
0x26e: {  	v3 =	vand.u32 $0xFFFF0000, v17;
	v4 =	vshll.u32 v9, $0x10;
	v5 =	vand.u32 $0xFFFF0000, v9;
	v19 =	vld [tilespmem:s1+$0xFFFFFF70]  }
0x26f: {  	s0 =	sadd.s32 $0xA, s0;
	v7 =	vshll.u32 v13, $0x10;
	v6 =	vand.u32 $0xFFFF0000, v13;
	v8 =	vshll.u32 v11, $0x10  }
0x270: {  	p1 =	slt.u32 s0, $0xBE;
	v9 =	vand.u32 $0xFFFF0000, v11;
	v23 =	vshll.u32 v10, $0x10;
	v24 =	vand.u32 $0xFFFF0000, v10;
	v13 =	vld [tilespmem:s1+$0xFFFFFF90]  }
0x271: {  	v11 =	vshll.u32 v12, $0x10;
	v17 =	vand.u32 $0xFFFF0000, v12;
	v10 =	vshll.u32 v14, $0x10  }
0x272: {  	v14 =	vand.u32 $0xFFFF0000, v14;
	v12 =	vshll.u32 v16, $0x10;
	v16 =	vand.u32 $0xFFFF0000, v16;
	v25 =	vld [tilespmem:s1+$0xFFFFFFB0]  }
0x273: {  	v26 =	vshll.u32 v22, $0x10;
	v22 =	vand.u32 $0xFFFF0000, v22;
	v27 =	vshll.u32 v19, $0x10  }
0x274: {  	v15 =	vadd.f32 v26, v15;
	v18 =	vadd.f32 v22, v18;
	v19 =	vand.u32 $0xFFFF0000, v19;
	v22 =	vld [tilespmem:s1+$0xFFFFFFD0]  }
0x275: {  	v20 =	vadd.f32 v27, v20;
	v19 =	vadd.f32 v19, v21;
	v21 =	vshll.u32 v13, $0x10  }
0x276: {  	v12 =	vadd.f32 v12, v15;
	v15 =	vadd.f32 v16, v18;
	v13 =	vand.u32 $0xFFFF0000, v13;
	v18 =	vld [tilespmem:s1+$0xFFFFFFF0]  }
0x277: {  	v16 =	vadd.f32 v21, v20;
	v13 =	vadd.f32 v13, v19;
	v19 =	vshll.u32 v25, $0x10  }
.Ltmp7:
0x278: {  	v10 =	vadd.f32 v10, v12;
	v14 =	vadd.f32 v14, v15;
	v15 =	vand.u32 $0xFFFF0000, v25;
	v12 =	vld [tilespmem:s1+$0x10];
	(pc) =	sbr.rel @p1 .LBB2_18-.Ltmp7, $4  }
0x279: {  	v16 =	vadd.f32 v19, v16;
	v15 =	vadd.f32 v15, v13;
	v13 =	vshll.u32 v22, $0x10  }
0x27a: {  	v11 =	vadd.f32 v11, v10;
	v19 =	vadd.f32 v17, v14;
	v14 =	vand.u32 $0xFFFF0000, v22;
	v10 =	vld [tilespmem:s1+$0x30]  }
0x27b: {  	v13 =	vadd.f32 v13, v16;
	v14 =	vadd.f32 v14, v15;
	v17 =	vshll.u32 v18, $0x10  }
0x27c: {  	s1 =	sadd.s32 $0x140, s1;
	v15 =	vadd.f32 v23, v11;
	v16 =	vadd.f32 v24, v19;
	v18 =	vand.u32 $0xFFFF0000, v18;
	v11 =	vld [tilespmem:s30+$0x50]  }
0x27d: {  	_ = 	snop  }
0x27e: {  	v13 =	vadd.f32 v17, v13;
	v8 =	vadd.f32 v8, v15  }
0x27f: {  	v14 =	vadd.f32 v18, v14;
	v17 =	vshll.u32 v12, $0x10;
	v9 =	vadd.f32 v9, v16  }
0x280: {  	v12 =	vand.u32 $0xFFFF0000, v12;
	v15 =	vld [tilespmem:s30+$0x70];
	v13 =	vadd.f32 v17, v13;
	v7 =	vadd.f32 v7, v8  }
0x281: {  	v12 =	vadd.f32 v12, v14;
	v14 =	vshll.u32 v10, $0x10;
	v6 =	vadd.f32 v6, v9  }
0x282: {  	v8 =	vld [tilespmem:s30+$0x90];
	v9 =	vand.u32 $0xFFFF0000, v10;
	v10 =	vadd.f32 v14, v13;
	v4 =	vadd.f32 v4, v7  }
0x283: {  	v9 =	vadd.f32 v9, v12;
	v12 =	vshll.u32 v11, $0x10;
	v5 =	vadd.f32 v5, v6  }
0x284: {  	v6 =	vand.u32 $0xFFFF0000, v11;
	v7 =	vadd.f32 v12, v10;
	v2 =	vadd.f32 v2, v4  }
0x285: {  	s0 =	sadd.s32 s25, s29;
	v6 =	vadd.f32 v6, v9;
	v9 =	vshll.u32 v15, $0x10;
	v3 =	vadd.f32 v3, v5  }
0x286: {  	s0 =	sshll.u32 s0, $0x6;
	v5 =	vand.u32 $0xFFFF0000, v15;
	v4 =	vadd.f32 v9, v7;
	v1 =	vadd.f32 v1, v2  }
0x287: {  	s0 =	sand.u32 $0x3FFFFFC0, s0;
	v7 =	vshll.u32 v8, $0x10;
	v2 =	vadd.f32 v5, v6;
	v0 =	vadd.f32 v0, v3  }
0x288: {  	v3 =	vand.u32 $0xFFFF0000, v8;
	v4 =	vadd.f32 v7, v4;
	[tilespmem:s0+$0xFA00] =	vst v1  }
0x289: {  	v1 =	vadd.f32 v3, v2;
	[tilespmem:s0+$0xFA20] =	vst v0  }
0x28a: {  	[tilespmem:s0+$0xFA10] =	vst v4  }
0x28b: {  	[tilespmem:s0+$0xFA30] =	vst v1  }
0x28c: {  	_ =	swait.ge [sflag:s22], $0xC00  }
0x28d: {  	[sflag:s22] =	ssyncset.done $0x0  }
0x28e: {  	[sflag:s22] =	ssyncadd.s32 $0xFFFFF400  }
0x28f: {  	_ =	swait.ge [sflag:s22], $0xD00  }
0x290: {  	s1 =	simm.s32 @!p0 $0x60;
	[sflag:s22] =	ssyncset.done $0x0  }
0x291: {  	s29 =	simm.s32 @!p0 $0xC800;
	s0 =	sadd.s32 @!p0 $0xAF0, s28;
	[sflag:s22] =	ssyncadd.s32 $0xFFFFF300  }
0x292: {  	[tilespmem:s29], [sflag:$0x7] =	stream.indirect.gather @!p0 [hbm4b:s4+s1], $0x20, s0, s1, $0xb8;
	[tilespmem:$0x17A00] =	vst v63  }
0x293: {  	s0 =	sadd.s32 @!p0 $0xB50, s28;
	s1 =	simm.s32 @!p0 $0x68;
	s28 =	simm.s32 @!p0 $0xD400  }
0x294: {  	[tilespmem:s28], [sflag:$0x7] =	stream.indirect.gather @!p0 [hbm4b:s4+s1], $0x20, s0, s1, $0xb8;
	[tilespmem:$0x17A00] =	vst v63  }
0x295: {  	s28 =	simm.s32 $0xE1A0  }
0x296: {  	v0 =	vld [tilespmem:s28+$0x80]  }
0x297: {  	v3 =	vld [tilespmem:s28+$0x60]  }
0x298: {  	v5 =	vld [tilespmem:s28+$0x40]  }
0x299: {  	v6 =	vld [tilespmem:s28+$0x20]  }
0x29a: {  	v9 =	vld [tilespmem:s28+$0x0]  }
0x29b: {  	v10 =	vld [tilespmem:s28+$0xFFFFFFE0]  }
0x29c: {  	v12 =	vld [tilespmem:s28+$0xFFFFFFA0]  }
0x29d: {  	v14 =	vld [tilespmem:s28+$0xFFFFFF80]  }
0x29e: {  	v13 =	vimm.f32 $0.0e+00;
	v15 =	vld [tilespmem:s28+$0xFFFFFF60]  }
0x29f: {  	v16 =	vld [tilespmem:s28+$0xFFFFFF70];
	v2 =	vshll.u32 v3, $0x10;
	v1 =	vshll.u32 v0, $0x10;
	v0 =	vand.u32 $0xFFFF0000, v0  }
0x2a0: {  	v4 =	vshll.u32 v5, $0x10;
	v5 =	vand.u32 $0xFFFF0000, v5;
	v3 =	vand.u32 $0xFFFF0000, v3  }
0x2a1: {  	v17 =	vld [tilespmem:s28+$0xFFFFFF90];
	v8 =	vshll.u32 v9, $0x10;
	v7 =	vshll.u32 v6, $0x10;
	v6 =	vand.u32 $0xFFFF0000, v6  }
0x2a2: {  	v18 =	vshll.u32 v10, $0x10;
	v19 =	vand.u32 $0xFFFF0000, v10;
	v10 =	vshll.u32 v12, $0x10  }
0x2a3: {  	v22 =	vld [tilespmem:s28+$0xFFFFFFB0];
	v21 =	vshll.u32 v14, $0x10;
	v14 =	vand.u32 $0xFFFF0000, v14;
	v12 =	vand.u32 $0xFFFF0000, v12  }
0x2a4: {  	v23 =	vshll.u32 v15, $0x10;
	v15 =	vand.u32 $0xFFFF0000, v15;
	v24 =	vshll.u32 v16, $0x10  }
0x2a5: {  	v11 =	vld [tilespmem:s28+$0xFFFFFFC0];
	v16 =	vand.u32 $0xFFFF0000, v16;
	v23 =	vadd.f32 v23, v13;
	v15 =	vadd.f32 v15, v13  }
0x2a6: {  	v25 =	vld [tilespmem:s28+$0xFFFFFFD0];
	v24 =	vadd.f32 v24, v13;
	v13 =	vadd.f32 v16, v13;
	v16 =	vshll.u32 v17, $0x10  }
0x2a7: {  	v21 =	vadd.f32 v21, v23;
	v14 =	vadd.f32 v14, v15;
	v15 =	vand.u32 $0xFFFF0000, v17  }
0x2a8: {  	v63 =	vld [tilespmem:s28+$0xFFFFFFF0];
	v16 =	vadd.f32 v16, v24;
	v13 =	vadd.f32 v15, v13;
	v15 =	vshll.u32 v22, $0x10  }
0x2a9: {  	v10 =	vadd.f32 v10, v21;
	v14 =	vadd.f32 v12, v14;
	v12 =	vand.u32 $0xFFFF0000, v22  }
0x2aa: {  	v9 =	vand.u32 $0xFFFF0000, v9;
	v15 =	vadd.f32 v15, v16;
	v16 =	vadd.f32 v12, v13;
	v12 =	vld [tilespmem:s28+$0x10]  }
0x2ab: {  	v20 =	vshll.u32 v11, $0x10;
	v11 =	vand.u32 $0xFFFF0000, v11;
	v13 =	vshll.u32 v25, $0x10  }
0x2ac: {  	v20 =	vadd.f32 v20, v10;
	v11 =	vadd.f32 v11, v14;
	v14 =	vand.u32 $0xFFFF0000, v25;
	v10 =	vld [tilespmem:s28+$0x30]  }
0x2ad: {  	v17 =	vshll.u32 v63, $0x10;
	v13 =	vadd.f32 v13, v15;
	v14 =	vadd.f32 v14, v16  }
0x2ae: {  	s0 =	simm.s32 $0x0;
	s1 =	simm.s32 $0xE2E0;
	v15 =	vadd.f32 v18, v20;
	v16 =	vadd.f32 v19, v11;
	v18 =	vand.u32 $0xFFFF0000, v63;
	v11 =	vld [tilespmem:s28+$0x50]  }
.LBB2_20:
0x2af: {  	v19 =	vld [tilespmem:s1+$0x80];
	v13 =	vadd.f32 v17, v13;
	v14 =	vadd.f32 v18, v14;
	v17 =	vshll.u32 v12, $0x10  }
0x2b0: {  	v12 =	vand.u32 $0xFFFF0000, v12;
	v8 =	vadd.f32 v8, v15;
	v9 =	vadd.f32 v9, v16;
	v15 =	vld [tilespmem:s28+$0x70]  }
0x2b1: {  	v13 =	vadd.f32 v17, v13;
	v12 =	vadd.f32 v12, v14;
	v14 =	vshll.u32 v10, $0x10;
	v16 =	vld [tilespmem:s28+$0x90];
	s28 =	smov.u32 s1  }
0x2b2: {  	v17 =	vld [tilespmem:s1+$0x60];
	v7 =	vadd.f32 v7, v8;
	v6 =	vadd.f32 v6, v9;
	v8 =	vand.u32 $0xFFFF0000, v10  }
0x2b3: {  	v9 =	vld [tilespmem:s1+$0x40];
	v10 =	vadd.f32 v14, v13;
	v8 =	vadd.f32 v8, v12;
	v12 =	vshll.u32 v11, $0x10  }
0x2b4: {  	v13 =	vld [tilespmem:s1+$0x20];
	v4 =	vadd.f32 v4, v7;
	v5 =	vadd.f32 v5, v6;
	v6 =	vand.u32 $0xFFFF0000, v11  }
0x2b5: {  	v11 =	vld [tilespmem:s1+$0x0];
	v7 =	vadd.f32 v12, v10;
	v6 =	vadd.f32 v6, v8;
	v8 =	vshll.u32 v15, $0x10  }
0x2b6: {  	v10 =	vld [tilespmem:s1+$0xFFFFFFE0];
	v2 =	vadd.f32 v2, v4;
	v3 =	vadd.f32 v3, v5;
	v4 =	vand.u32 $0xFFFF0000, v15  }
0x2b7: {  	v12 =	vld [tilespmem:s1+$0xFFFFFFC0];
	v5 =	vadd.f32 v8, v7;
	v4 =	vadd.f32 v4, v6;
	v6 =	vshll.u32 v16, $0x10  }
0x2b8: {  	v14 =	vld [tilespmem:s1+$0xFFFFFFA0];
	v15 =	vadd.f32 v1, v2;
	v18 =	vadd.f32 v0, v3;
	v0 =	vand.u32 $0xFFFF0000, v16  }
0x2b9: {  	v16 =	vld [tilespmem:s1+$0xFFFFFF80];
	v20 =	vadd.f32 v6, v5;
	v21 =	vadd.f32 v0, v4  }
0x2ba: {  	v2 =	vshll.u32 v17, $0x10;
	v1 =	vshll.u32 v19, $0x10;
	v0 =	vand.u32 $0xFFFF0000, v19;
	v22 =	vld [tilespmem:s1+$0xFFFFFF60]  }
0x2bb: {  	v3 =	vand.u32 $0xFFFF0000, v17;
	v4 =	vshll.u32 v9, $0x10;
	v5 =	vand.u32 $0xFFFF0000, v9;
	v19 =	vld [tilespmem:s1+$0xFFFFFF70]  }
0x2bc: {  	s0 =	sadd.s32 $0xA, s0;
	v7 =	vshll.u32 v13, $0x10;
	v6 =	vand.u32 $0xFFFF0000, v13;
	v8 =	vshll.u32 v11, $0x10  }
0x2bd: {  	p0 =	slt.u32 s0, $0xBE;
	v9 =	vand.u32 $0xFFFF0000, v11;
	v23 =	vshll.u32 v10, $0x10;
	v24 =	vand.u32 $0xFFFF0000, v10;
	v13 =	vld [tilespmem:s1+$0xFFFFFF90]  }
0x2be: {  	v11 =	vshll.u32 v12, $0x10;
	v17 =	vand.u32 $0xFFFF0000, v12;
	v10 =	vshll.u32 v14, $0x10  }
0x2bf: {  	v14 =	vand.u32 $0xFFFF0000, v14;
	v12 =	vshll.u32 v16, $0x10;
	v16 =	vand.u32 $0xFFFF0000, v16;
	v25 =	vld [tilespmem:s1+$0xFFFFFFB0]  }
0x2c0: {  	v26 =	vshll.u32 v22, $0x10;
	v22 =	vand.u32 $0xFFFF0000, v22;
	v27 =	vshll.u32 v19, $0x10  }
0x2c1: {  	v15 =	vadd.f32 v26, v15;
	v18 =	vadd.f32 v22, v18;
	v19 =	vand.u32 $0xFFFF0000, v19;
	v22 =	vld [tilespmem:s1+$0xFFFFFFD0]  }
0x2c2: {  	v20 =	vadd.f32 v27, v20;
	v19 =	vadd.f32 v19, v21;
	v21 =	vshll.u32 v13, $0x10  }
0x2c3: {  	v12 =	vadd.f32 v12, v15;
	v15 =	vadd.f32 v16, v18;
	v13 =	vand.u32 $0xFFFF0000, v13;
	v18 =	vld [tilespmem:s1+$0xFFFFFFF0]  }
0x2c4: {  	v16 =	vadd.f32 v21, v20;
	v13 =	vadd.f32 v13, v19;
	v19 =	vshll.u32 v25, $0x10  }
.Ltmp8:
0x2c5: {  	v10 =	vadd.f32 v10, v12;
	v14 =	vadd.f32 v14, v15;
	v15 =	vand.u32 $0xFFFF0000, v25;
	v12 =	vld [tilespmem:s1+$0x10];
	(pc) =	sbr.rel @p0 .LBB2_20-.Ltmp8, $4  }
0x2c6: {  	v16 =	vadd.f32 v19, v16;
	v15 =	vadd.f32 v15, v13;
	v13 =	vshll.u32 v22, $0x10  }
0x2c7: {  	v11 =	vadd.f32 v11, v10;
	v19 =	vadd.f32 v17, v14;
	v14 =	vand.u32 $0xFFFF0000, v22;
	v10 =	vld [tilespmem:s1+$0x30]  }
0x2c8: {  	v13 =	vadd.f32 v13, v16;
	v14 =	vadd.f32 v14, v15;
	v17 =	vshll.u32 v18, $0x10  }
0x2c9: {  	s1 =	sadd.s32 $0x140, s1;
	v15 =	vadd.f32 v23, v11;
	v16 =	vadd.f32 v24, v19;
	v18 =	vand.u32 $0xFFFF0000, v18;
	v11 =	vld [tilespmem:s28+$0x50]  }
0x2ca: {  	_ = 	snop  }
0x2cb: {  	v13 =	vadd.f32 v17, v13;
	v8 =	vadd.f32 v8, v15  }
0x2cc: {  	v14 =	vadd.f32 v18, v14;
	v47 =	vshll.u32 v12, $0x10;
	v9 =	vadd.f32 v9, v16  }
0x2cd: {  	v48 =	vand.u32 $0xFFFF0000, v12;
	v49 =	vld [tilespmem:s28+$0x70];
	v13 =	vadd.f32 v47, v13;
	v7 =	vadd.f32 v7, v8  }
0x2ce: {  	v12 =	vadd.f32 v48, v14;
	v50 =	vshll.u32 v10, $0x10;
	v6 =	vadd.f32 v6, v9  }
0x2cf: {  	v51 =	vld [tilespmem:s28+$0x90];
	v52 =	vand.u32 $0xFFFF0000, v10;
	v53 =	vadd.f32 v50, v13;
	v4 =	vadd.f32 v4, v7  }
0x2d0: {  	v9 =	vadd.f32 v52, v12;
	v54 =	vshll.u32 v11, $0x10;
	v5 =	vadd.f32 v5, v6  }
0x2d1: {  	v55 =	vand.u32 $0xFFFF0000, v11;
	v56 =	vadd.f32 v54, v53;
	v2 =	vadd.f32 v2, v4  }
0x2d2: {  	s0 =	sadd.s32 s25, s26;
	s24 =	sadd.s32 $0x1, s24;
	v57 =	vshll.u32 v49, $0x10;
	v6 =	vadd.f32 v55, v9;
	v3 =	vadd.f32 v3, v5  }
0x2d3: {  	s0 =	sshll.u32 s0, $0x6;
	p0 =	sne.s32 s24, $0x8;
	v59 =	vand.u32 $0xFFFF0000, v49;
	v58 =	vadd.f32 v57, v56;
	v1 =	vadd.f32 v1, v2  }
.Ltmp9:
0x2d4: {  	s0 =	sand.u32 $0x3FFFFFC0, s0;
	v60 =	vshll.u32 v51, $0x10;
	v61 =	vadd.f32 v59, v6;
	v0 =	vadd.f32 v0, v3;
	(pc) =	sbr.rel @p0 .LBB2_5-.Ltmp9, $4  }
0x2d5: {  	v62 =	vand.u32 $0xFFFF0000, v51;
	v4 =	vadd.f32 v60, v58;
	[tilespmem:s0+$0xFA00] =	vst v1  }
0x2d6: {  	v63 =	vadd.f32 v62, v61;
	[tilespmem:s0+$0xFA20] =	vst v0  }
0x2d7: {  	[tilespmem:s0+$0xFA10] =	vst v4  }
0x2d8: {  	[tilespmem:s0+$0xFA30] =	vst v63  }
0x2d9: {  	s23 =	sadd.s32 $0x1, s23  }
0x2da: {  	p0 =	sne.s32 s23, $0x8  }
.Ltmp10:
0x2db: {  	_ = 	snop;
	(pc) =	sbr.rel @p0 .LBB2_2-.Ltmp10, $1  }
0x2dc: {  	_ =	sdelay $0x3  }
0x2dd: {  	s0 =	rddreg [dreg:$0x3];
	s1 =	simm.s32 $0xFA00  }
0x2de: {  	[hbm4b:s0+s2] =	stream.linear.scatter [tilespmem:s1], [sflag:$0x9], $0x8000, $0x38;
	[tilespmem:$0x17A00] =	vst v63  }
0x2df: {  	_ =	swait.ge [sflag:s8], $0x8000  }
0x2e0: {  	s30 =	rddreg [dreg:$0x5]  }
0x2e1: {  	s31 =	rddreg [dreg:$0x4];
	s1 =	sadd.s32 $0x1, s30  }
0x2e2: {  	p0 =	sne.s32 s1, s31  }
.Ltmp11:
0x2e3: {  	_ = 	snop;
	(pc) =	sbr.rel @p0 .LBB2_1-.Ltmp11, $3  }
0x2e4: {  	_ =	sdelay $0x1  }
0x2e5: {  	[sflag:s8] =	ssyncset.done $0x0  }
0x2e6: {  	[sflag:s8] =	ssyncadd.s32 $0xFFFF8000  }
0x2e7: {  	_ =	sfence.sel $0x180000  }
0x2e8: {  	[bflag:$0x0] =	sbarrier.arrive $0xFFFF  }
0x2e9: {  	_ =	strace $0x90000047  }
0x2ea: {  	s0 =	stileid.u32;
	[bflag:$0x2] =	sbarrier.arrive $0xFFFF  }
0x2eb: {  	p0 =	sne.s32 s0, $0x0;
	s0 =	rddreg [dreg:$0x2]  }
0x2ec: {  	s0 =	sadd.s32 @!p0 $0x100000, s0  }
0x2ed: {  	[sflag:s0] =	ssyncadd.tile.s32 @!p0 $0x1;
	_ =	shalt  }
.Lfunc_end2:
_tile_overlayer_lowered:
.L_overlay_start_2:
0x2ee: {  	(tag) =	ssettag $0x2  }
0x2ef: {  	s0 =	rddreg [dreg:$0x0];
	s2 =	stileid.u32  }
0x2f0: {  	s1 =	rddreg [dreg:$0x1];
	p0 =	sne.s32 s2, $0x0  }
0x2f1: {  	s3 =	rddreg [dreg:$0x2];
	[bflag:$0x3] =	sbarrier.arrive $0xFFFF;
	s2 =	simm.s32 @!p0 $0x1C09  }
0x2f2: {  	[timem:s3], [sflag:s2] =	dma.local @!p0 [hbm:s0], s1  }
0x2f3: {  	s0 =	simm.s32 @!p0 $0x9  }
0x2f4: {  	_ =	swait.ge @!p0 [sflag:s0], s1  }
0x2f5: {  	s1 =	ssub.s32 @!p0 $0x0, s1;
	[sflag:s0] =	ssyncset.done @!p0 $0x0  }
0x2f6: {  	[sflag:s0] =	ssyncadd.s32 @!p0 s1  }
0x2f7: {  	[bflag:$0x3] =	sbarrier.arrive $0xFFFF  }
0x2f8: {  	_ =	shalt  }

</sc_bundles>
